<compile_context>
chip_gen: v7x
topology: tpu7x:2x2x1
jax: 0.10.2.dev20260603
libtpu: 0.0.44.dev20260713+nightly
codegen_flags: <defaults>
</compile_context>

<pallas_src>
import functools

import jax
import jax.numpy as jnp
import numpy as np
from jax import lax
from jax.experimental import pallas as pl
from jax.experimental.pallas import tpu as pltpu
from jax.experimental.pallas import tpu_sc as plsc

F = 26
V = 3846
S = 99996
D = 16
B = 4096
NT = 32
RPT = B // NT
G = 32
NP = 4
FC = 26
NBUF = 4


def _sc_ffm(t0, t1, t2, t3, xoffT):
    mesh = plsc.VectorSubcoreMesh(core_axis_name="c", subcore_axis_name="s")

    @functools.partial(
        pl.kernel,
        out_type=jax.ShapeDtypeStruct((B * D,), jnp.float32),
        mesh=mesh,
        scratch_types=[
            pltpu.VMEM((G, RPT), jnp.int32),
            pltpu.VMEM((G,), jnp.int32),
            pltpu.VMEM((NP, G, 128), jnp.float32),
            pltpu.VMEM((RPT * D,), jnp.float32),
            pltpu.SemaphoreType.DMA,
        ],
        compiler_params=pltpu.CompilerParams(
            use_tc_tiling_on_sc=False, needs_layout_passes=False),
    )
    def kern(t0_hbm, t1_hbm, t2_hbm, t3_hbm, xo_hbm, z_hbm,
             xoff_v, idx_v, gbuf, zloc, sem):
        wid = lax.axis_index("s") * 2 + lax.axis_index("c")
        base = wid * RPT
        pltpu.sync_copy(xo_hbm.at[:, pl.ds(base, RPT)], xoff_v)
        tabs = (t0_hbm, t1_hbm, t2_hbm, t3_hbm)

        lanes = lax.iota(jnp.int32, 16)

        @pl.loop(0, RPT)
        def _(r):
            rv = jnp.full((16,), r, jnp.int32)
            xv0 = plsc.load_gather(xoff_v, [lanes, rv])
            xv1 = plsc.load_gather(xoff_v, [lanes + D, rv])
            idx_v[pl.ds(0, D)] = xv0
            idx_v[pl.ds(D, D)] = jnp.minimum(xv1, S - 1)
            copies = [
                pltpu.async_copy(tabs[p].at[idx_v], gbuf.at[p], sem)
                for p in range(NP)
            ]
            for cp in copies:
                cp.wait()

            acc = gbuf[FC // 8, 0, pl.ds((FC % 8) * D, D)]
            for f in range(1, F):
                acc = acc + gbuf[FC // 8, f, pl.ds((FC % 8) * D, D)]
            for i in range(F - 1):
                for j in range(i + 1, F):
                    va = gbuf[j // 8, i, pl.ds((j % 8) * D, D)]
                    vb = gbuf[i // 8, j, pl.ds((i % 8) * D, D)]
                    acc = acc + va * vb
            zloc[pl.ds(r * D, D)] = acc

        pltpu.sync_copy(zloc, z_hbm.at[pl.ds(base * D, RPT * D)])

    return kern(t0, t1, t2, t3, xoffT)


def _tc_finish(z2d, bias):
    def body(z_ref, b_ref, o_ref):
        o_ref[...] = jax.nn.sigmoid(jnp.sum(z_ref[...], axis=1) + b_ref[0])

    return pl.pallas_call(
        body,
        out_shape=jax.ShapeDtypeStruct((B,), jnp.float32),
    )(z2d, bias)


@jax.jit
def kernel(x, fc_weight, bias, ffm_tables):
    offsets = np.arange(F, dtype=np.int32) * V
    x_off = x.astype(jnp.int32) + jnp.asarray(offsets)[None, :]
    xoffT = jnp.concatenate(
        [x_off.T, jnp.full((G - F, B), S, jnp.int32)], axis=0)

    packs = []
    for i in range(3):
        packs.append(
            ffm_tables[8 * i:8 * i + 8].transpose(1, 0, 2).reshape(S, 128))
    fc16 = jnp.concatenate([fc_weight, jnp.zeros((S, D - 1), jnp.float32)], 1)
    last = jnp.concatenate([ffm_tables[24:26], fc16[None]], axis=0)
    t3 = jnp.pad(last.transpose(1, 0, 2).reshape(S, 48), ((0, 0), (0, 80)))
    packs.append(t3)

    z = _sc_ffm(*packs, xoffT)
    return _tc_finish(z.reshape(B, D), bias)

# --- scband reference (transcript-rebuilt; emitter-appended) ---
"""Pipeline reference for scband-field-aware-factorization-machine-model-40295383171101 (READ-ONLY COPY).

The authoritative reference and input builder live on the scoring server;
editing this copy changes nothing except your own understanding.
"""

import jax, jax.numpy as jnp
import numpy as np

FIELD_DIMS = [3846] * 26
NUM_FIELDS = len(FIELD_DIMS)
SUM_DIMS = sum(FIELD_DIMS)
EMBED_DIM = 16
BATCH = 4096
OFFSETS = np.array((0, *np.cumsum(FIELD_DIMS)[:-1]), dtype=np.int32)


def setup_inputs(seed: int = 0) -> dict:
    key = jax.random.key(seed)
    k1, k2, k3 = jax.random.split(key, 3)
    x = jax.random.randint(k1, (BATCH, NUM_FIELDS), 0, 3846)
    # linear embedding (FeaturesLinear.fc) and bias
    fc_weight = jax.random.normal(k2, (SUM_DIMS, 1), dtype=jnp.float32) * 0.01
    bias = jnp.zeros((1,), dtype=jnp.float32)
    # FFM tables: one embedding table per field, xavier_uniform init
    limit = float(np.sqrt(6.0 / (SUM_DIMS + EMBED_DIM)))
    ffm_tables = jax.random.uniform(k3, (NUM_FIELDS, SUM_DIMS, EMBED_DIM), dtype=jnp.float32, minval=-limit, maxval=limit)
    return {"x": x, "fc_weight": fc_weight, "bias": bias, "ffm_tables": ffm_tables}


def reference(x, fc_weight, bias, ffm_tables):
    offsets = jnp.asarray(OFFSETS)
    x_off = x + offsets[None, :]  # [B, F]
    # FeaturesLinear: sum over fields of fc embedding + bias
    linear = jnp.sum(jnp.take(fc_weight, x_off, axis=0), axis=1) + bias  # [B, 1]
    # FFM: gather every field's table at all field indices
    xs = ffm_tables[:, x_off]  # [F, B, F, D]
    ix = []
    for i in range(NUM_FIELDS - 1):
        for j in range(i + 1, NUM_FIELDS):
            ix.append(xs[j][:, i] * xs[i][:, j])  # [B, D]
    ix = jnp.stack(ix, axis=1)  # [B, P, D]
    ffm_term = jnp.sum(jnp.sum(ix, axis=1), axis=1, keepdims=True)  # [B, 1]
    out = jax.nn.sigmoid(jnp.squeeze(linear + ffm_term, axis=1))  # [B]
    return out

if __name__ == "__main__":
    import jax
    _d = setup_inputs()
    print(jax.jit(kernel)(*tuple(_d.values())))

</pallas_src>

<mosaic_0001>
#map = affine_map<(d0, d1) -> (0, 0)>
#map1 = affine_map<(d0, d1) -> (0)>
module attributes {stable_mosaic.version = 14 : i64} {
  func.func @kern(%arg0: i32, %arg1: i32, %arg2: memref<99996x128xf32, #tpu.memory_space<hbm>>, %arg3: memref<99996x128xf32, #tpu.memory_space<hbm>>, %arg4: memref<99996x128xf32, #tpu.memory_space<hbm>>, %arg5: memref<99996x128xf32, #tpu.memory_space<hbm>>, %arg6: memref<32x4096xi32, #tpu.memory_space<hbm>>, %arg7: memref<65536xf32, #tpu.memory_space<hbm>>, %arg8: memref<32x128xi32, #tpu.memory_space<vmem>>, %arg9: memref<32xi32, #tpu.memory_space<vmem>>, %arg10: memref<4x32x128xf32, #tpu.memory_space<vmem>>, %arg11: memref<2048xf32, #tpu.memory_space<vmem>>, %arg12: memref<!tpu.dma_semaphore, #tpu.memory_space<semaphore_mem>>) attributes {dimension_semantics = [#tpu.dimension_semantics<core_parallel>, #tpu.dimension_semantics<subcore_parallel>], iteration_bounds = array<i64: 2, 16>, scalar_prefetch = 0 : i64, scratch_operands = 5 : i64, tpu.core_type = #tpu.core_type<sc_vector_subcore>, window_params = [{transform_indices = #map}, {transform_indices = #map}, {transform_indices = #map}, {transform_indices = #map}, {transform_indices = #map}, {transform_indices = #map1}]} {
    %mul3A = arith.constant 2 : i32
    %mul3A_0 = arith.muli %arg1, %mul3A : i32
    %add3A = arith.addi %mul3A_0, %arg0 : i32
    %mul3A_1 = arith.constant 128 : i32
    %mul3A_2 = arith.muli %add3A, %mul3A_1 : i32
    "tpu.region"() ({
      %run_scoped3A = tpu.sem_alloc : memref<!tpu.dma_semaphore, #tpu.memory_space<semaphore_mem>>
      %dma_start3A = arith.constant 0 : i32
      %dma_start3A_9 = tpu.memref_slice %arg6[%dma_start3A, %mul3A_2] : memref<32x4096xi32, #tpu.memory_space<hbm>> -> memref<32x128xi32, #tpu.memory_space<hbm>>
      %dma_start3A_10 = arith.constant 0 : i32
      %dma_start3A_11 = tpu.memref_slice %arg6[%dma_start3A_10, %mul3A_2] : memref<32x4096xi32, #tpu.memory_space<hbm>> -> memref<32x128xi32, #tpu.memory_space<hbm>>
      tpu.enqueue_dma source(%dma_start3A_11 : memref<32x128xi32, #tpu.memory_space<hbm>>) target(%arg8 : memref<32x128xi32, #tpu.memory_space<vmem>>) target_semaphore(%run_scoped3A : memref<!tpu.dma_semaphore, #tpu.memory_space<semaphore_mem>>)
      %dma_wait3A = arith.constant 0 : i32
      %dma_wait3A_12 = tpu.memref_slice %arg6[%dma_wait3A, %mul3A_2] : memref<32x4096xi32, #tpu.memory_space<hbm>> -> memref<32x128xi32, #tpu.memory_space<hbm>>
      %dma_wait3A_13 = arith.constant 0 : i32
      %dma_wait3A_14 = tpu.memref_slice %arg6[%dma_wait3A_13, %mul3A_2] : memref<32x4096xi32, #tpu.memory_space<hbm>> -> memref<32x128xi32, #tpu.memory_space<hbm>>
      tpu.wait_dma2 semaphore(%run_scoped3A : memref<!tpu.dma_semaphore, #tpu.memory_space<semaphore_mem>>) src(%dma_wait3A_14 : memref<32x128xi32, #tpu.memory_space<hbm>>) dst(%arg8 : memref<32x128xi32, #tpu.memory_space<vmem>>)
      tpu.yield
    }) : () -> ()
    %iota3A = tpu.iota {dimensions = array<i32: 0>} : vector<16xi32>
    %scan3A = arith.constant 0 : i32
    %scan3A_3 = arith.constant 128 : i32
    %scan3A_4 = arith.addi %scan3A, %scan3A_3 : i32
    %scan3A_5 = arith.constant 1 : i32
    scf.for %scan3A_9 = %scan3A to %scan3A_4 step %scan3A_5  : i32 {
      %mul3A_10 = arith.constant 1 : i32
      %mul3A_11 = arith.muli %scan3A_9, %mul3A_10 : i32
      %add3A_12 = arith.constant 0 : i32
      %add3A_13 = arith.addi %add3A_12, %mul3A_11 : i32
      %broadcast_in_dim3A = vector.broadcast %add3A_13 : i32 to vector<16xi32>
      %gather3A = tpu.vector_load_idx %arg8[%iota3A, %broadcast_in_dim3A] : memref<32x128xi32, #tpu.memory_space<vmem>>[vector<16xi32>, vector<16xi32>], vector<16xi32>,
      %add3A_14 = arith.constant 16 : i32
      %add3A_15 = vector.broadcast %add3A_14 : i32 to vector<16xi32>
      %add3A_16 = arith.addi %iota3A, %add3A_15 : vector<16xi32>
      %gather3A_17 = tpu.vector_load_idx %arg8[%add3A_16, %broadcast_in_dim3A] : memref<32x128xi32, #tpu.memory_space<vmem>>[vector<16xi32>, vector<16xi32>], vector<16xi32>,
      %swap3A = arith.constant 0 : index
      %swap3A_18 = tpu.vector_load %arg9[%swap3A] {strides = array<i32>} : memref<32xi32, #tpu.memory_space<vmem>>, vector<16xi32>,
      tpu.vector_store %arg9[%swap3A], %gather3A {strides = array<i32>} : memref<32xi32, #tpu.memory_space<vmem>>, vector<16xi32>,
      %min3A = arith.constant 99995 : i32
      %min3A_19 = vector.broadcast %min3A : i32 to vector<16xi32>
      %min3A_20 = arith.minsi %gather3A_17, %min3A_19 : vector<16xi32>
      %swap3A_21 = arith.constant 16 : index
      %swap3A_22 = tpu.vector_load %arg9[%swap3A_21] {strides = array<i32>} : memref<32xi32, #tpu.memory_space<vmem>>, vector<16xi32>,
      tpu.vector_store %arg9[%swap3A_21], %min3A_20 {strides = array<i32>} : memref<32xi32, #tpu.memory_space<vmem>>, vector<16xi32>,
      %dma_start3A = arith.constant 0 : i32
      %dma_start3A_23 = arith.constant 0 : i32
      %dma_start3A_24 = arith.constant 0 : i32
      %dma_start3A_25 = tpu.memref_slice %arg10[%dma_start3A, %dma_start3A_23, %dma_start3A_24] : memref<4x32x128xf32, #tpu.memory_space<vmem>> -> memref<1x32x128xf32, #tpu.memory_space<vmem>>
      %dma_start3A_26 = tpu.memref_squeeze %dma_start3A_25 : memref<1x32x128xf32, #tpu.memory_space<vmem>> -> memref<32x128xf32, #tpu.memory_space<vmem>>
      %dma_start3A_27 = arith.constant 0 : i32
      %dma_start3A_28 = arith.constant 0 : i32
      %dma_start3A_29 = tpu.memref_slice %arg2[%dma_start3A_27, %dma_start3A_28] : memref<99996x128xf32, #tpu.memory_space<hbm>> -> memref<99996x128xf32, #tpu.memory_space<hbm>>
      tpu.enqueue_indirect_dma source(%dma_start3A_29 : memref<99996x128xf32, #tpu.memory_space<hbm>>) target(%dma_start3A_26 : memref<32x128xf32, #tpu.memory_space<vmem>>) offsets(%arg9 : memref<32xi32, #tpu.memory_space<vmem>>) semaphore(%arg12 : memref<!tpu.dma_semaphore, #tpu.memory_space<semaphore_mem>>)
      %dma_start3A_30 = arith.constant 1 : i32
      %dma_start3A_31 = arith.constant 0 : i32
      %dma_start3A_32 = arith.constant 0 : i32
      %dma_start3A_33 = tpu.memref_slice %arg10[%dma_start3A_30, %dma_start3A_31, %dma_start3A_32] : memref<4x32x128xf32, #tpu.memory_space<vmem>> -> memref<1x32x128xf32, #tpu.memory_space<vmem>>
      %dma_start3A_34 = tpu.memref_squeeze %dma_start3A_33 : memref<1x32x128xf32, #tpu.memory_space<vmem>> -> memref<32x128xf32, #tpu.memory_space<vmem>>
      %dma_start3A_35 = arith.constant 0 : i32
      %dma_start3A_36 = arith.constant 0 : i32
      %dma_start3A_37 = tpu.memref_slice %arg3[%dma_start3A_35, %dma_start3A_36] : memref<99996x128xf32, #tpu.memory_space<hbm>> -> memref<99996x128xf32, #tpu.memory_space<hbm>>
      tpu.enqueue_indirect_dma source(%dma_start3A_37 : memref<99996x128xf32, #tpu.memory_space<hbm>>) target(%dma_start3A_34 : memref<32x128xf32, #tpu.memory_space<vmem>>) offsets(%arg9 : memref<32xi32, #tpu.memory_space<vmem>>) semaphore(%arg12 : memref<!tpu.dma_semaphore, #tpu.memory_space<semaphore_mem>>)
      %dma_start3A_38 = arith.constant 2 : i32
      %dma_start3A_39 = arith.constant 0 : i32
      %dma_start3A_40 = arith.constant 0 : i32
      %dma_start3A_41 = tpu.memref_slice %arg10[%dma_start3A_38, %dma_start3A_39, %dma_start3A_40] : memref<4x32x128xf32, #tpu.memory_space<vmem>> -> memref<1x32x128xf32, #tpu.memory_space<vmem>>
      %dma_start3A_42 = tpu.memref_squeeze %dma_start3A_41 : memref<1x32x128xf32, #tpu.memory_space<vmem>> -> memref<32x128xf32, #tpu.memory_space<vmem>>
      %dma_start3A_43 = arith.constant 0 : i32
      %dma_start3A_44 = arith.constant 0 : i32
      %dma_start3A_45 = tpu.memref_slice %arg4[%dma_start3A_43, %dma_start3A_44] : memref<99996x128xf32, #tpu.memory_space<hbm>> -> memref<99996x128xf32, #tpu.memory_space<hbm>>
      tpu.enqueue_indirect_dma source(%dma_start3A_45 : memref<99996x128xf32, #tpu.memory_space<hbm>>) target(%dma_start3A_42 : memref<32x128xf32, #tpu.memory_space<vmem>>) offsets(%arg9 : memref<32xi32, #tpu.memory_space<vmem>>) semaphore(%arg12 : memref<!tpu.dma_semaphore, #tpu.memory_space<semaphore_mem>>)
      %dma_start3A_46 = arith.constant 3 : i32
      %dma_start3A_47 = arith.constant 0 : i32
      %dma_start3A_48 = arith.constant 0 : i32
      %dma_start3A_49 = tpu.memref_slice %arg10[%dma_start3A_46, %dma_start3A_47, %dma_start3A_48] : memref<4x32x128xf32, #tpu.memory_space<vmem>> -> memref<1x32x128xf32, #tpu.memory_space<vmem>>
      %dma_start3A_50 = tpu.memref_squeeze %dma_start3A_49 : memref<1x32x128xf32, #tpu.memory_space<vmem>> -> memref<32x128xf32, #tpu.memory_space<vmem>>
      %dma_start3A_51 = arith.constant 0 : i32
      %dma_start3A_52 = arith.constant 0 : i32
      %dma_start3A_53 = tpu.memref_slice %arg5[%dma_start3A_51, %dma_start3A_52] : memref<99996x128xf32, #tpu.memory_space<hbm>> -> memref<99996x128xf32, #tpu.memory_space<hbm>>
      tpu.enqueue_indirect_dma source(%dma_start3A_53 : memref<99996x128xf32, #tpu.memory_space<hbm>>) target(%dma_start3A_50 : memref<32x128xf32, #tpu.memory_space<vmem>>) offsets(%arg9 : memref<32xi32, #tpu.memory_space<vmem>>) semaphore(%arg12 : memref<!tpu.dma_semaphore, #tpu.memory_space<semaphore_mem>>)
      %dma_wait3A = arith.constant 0 : i32
      %dma_wait3A_54 = arith.constant 0 : i32
      %dma_wait3A_55 = arith.constant 0 : i32
      %dma_wait3A_56 = tpu.memref_slice %arg10[%dma_wait3A, %dma_wait3A_54, %dma_wait3A_55] : memref<4x32x128xf32, #tpu.memory_space<vmem>> -> memref<1x32x128xf32, #tpu.memory_space<vmem>>
      %dma_wait3A_57 = tpu.memref_squeeze %dma_wait3A_56 : memref<1x32x128xf32, #tpu.memory_space<vmem>> -> memref<32x128xf32, #tpu.memory_space<vmem>>
      %dma_wait3A_58 = arith.constant 0 : i32
      %dma_wait3A_59 = arith.constant 0 : i32
      %dma_wait3A_60 = tpu.memref_slice %arg2[%dma_wait3A_58, %dma_wait3A_59] : memref<99996x128xf32, #tpu.memory_space<hbm>> -> memref<99996x128xf32, #tpu.memory_space<hbm>>
      tpu.wait_indirect_dma semaphore(%arg12 : memref<!tpu.dma_semaphore, #tpu.memory_space<semaphore_mem>>) src(%dma_wait3A_60 : memref<99996x128xf32, #tpu.memory_space<hbm>>) dst(%dma_wait3A_57 : memref<32x128xf32, #tpu.memory_space<vmem>>)
      %dma_wait3A_61 = arith.constant 1 : i32
      %dma_wait3A_62 = arith.constant 0 : i32
      %dma_wait3A_63 = arith.constant 0 : i32
      %dma_wait3A_64 = tpu.memref_slice %arg10[%dma_wait3A_61, %dma_wait3A_62, %dma_wait3A_63] : memref<4x32x128xf32, #tpu.memory_space<vmem>> -> memref<1x32x128xf32, #tpu.memory_space<vmem>>
      %dma_wait3A_65 = tpu.memref_squeeze %dma_wait3A_64 : memref<1x32x128xf32, #tpu.memory_space<vmem>> -> memref<32x128xf32, #tpu.memory_space<vmem>>
      %dma_wait3A_66 = arith.constant 0 : i32
      %dma_wait3A_67 = arith.constant 0 : i32
      %dma_wait3A_68 = tpu.memref_slice %arg3[%dma_wait3A_66, %dma_wait3A_67] : memref<99996x128xf32, #tpu.memory_space<hbm>> -> memref<99996x128xf32, #tpu.memory_space<hbm>>
      tpu.wait_indirect_dma semaphore(%arg12 : memref<!tpu.dma_semaphore, #tpu.memory_space<semaphore_mem>>) src(%dma_wait3A_68 : memref<99996x128xf32, #tpu.memory_space<hbm>>) dst(%dma_wait3A_65 : memref<32x128xf32, #tpu.memory_space<vmem>>)
      %dma_wait3A_69 = arith.constant 2 : i32
      %dma_wait3A_70 = arith.constant 0 : i32
      %dma_wait3A_71 = arith.constant 0 : i32
      %dma_wait3A_72 = tpu.memref_slice %arg10[%dma_wait3A_69, %dma_wait3A_70, %dma_wait3A_71] : memref<4x32x128xf32, #tpu.memory_space<vmem>> -> memref<1x32x128xf32, #tpu.memory_space<vmem>>
      %dma_wait3A_73 = tpu.memref_squeeze %dma_wait3A_72 : memref<1x32x128xf32, #tpu.memory_space<vmem>> -> memref<32x128xf32, #tpu.memory_space<vmem>>
      %dma_wait3A_74 = arith.constant 0 : i32
      %dma_wait3A_75 = arith.constant 0 : i32
      %dma_wait3A_76 = tpu.memref_slice %arg4[%dma_wait3A_74, %dma_wait3A_75] : memref<99996x128xf32, #tpu.memory_space<hbm>> -> memref<99996x128xf32, #tpu.memory_space<hbm>>
      tpu.wait_indirect_dma semaphore(%arg12 : memref<!tpu.dma_semaphore, #tpu.memory_space<semaphore_mem>>) src(%dma_wait3A_76 : memref<99996x128xf32, #tpu.memory_space<hbm>>) dst(%dma_wait3A_73 : memref<32x128xf32, #tpu.memory_space<vmem>>)
      %dma_wait3A_77 = arith.constant 3 : i32
      %dma_wait3A_78 = arith.constant 0 : i32
      %dma_wait3A_79 = arith.constant 0 : i32
      %dma_wait3A_80 = tpu.memref_slice %arg10[%dma_wait3A_77, %dma_wait3A_78, %dma_wait3A_79] : memref<4x32x128xf32, #tpu.memory_space<vmem>> -> memref<1x32x128xf32, #tpu.memory_space<vmem>>
      %dma_wait3A_81 = tpu.memref_squeeze %dma_wait3A_80 : memref<1x32x128xf32, #tpu.memory_space<vmem>> -> memref<32x128xf32, #tpu.memory_space<vmem>>
      %dma_wait3A_82 = arith.constant 0 : i32
      %dma_wait3A_83 = arith.constant 0 : i32
      %dma_wait3A_84 = tpu.memref_slice %arg5[%dma_wait3A_82, %dma_wait3A_83] : memref<99996x128xf32, #tpu.memory_space<hbm>> -> memref<99996x128xf32, #tpu.memory_space<hbm>>
      tpu.wait_indirect_dma semaphore(%arg12 : memref<!tpu.dma_semaphore, #tpu.memory_space<semaphore_mem>>) src(%dma_wait3A_84 : memref<99996x128xf32, #tpu.memory_space<hbm>>) dst(%dma_wait3A_81 : memref<32x128xf32, #tpu.memory_space<vmem>>)
      %get3A = arith.constant 3 : i32
      %get3A_85 = arith.constant 0 : i32
      %get3A_86 = arith.index_cast %get3A : i32 to index
      %get3A_87 = arith.index_cast %get3A_85 : i32 to index
      %get3A_88 = arith.constant 32 : index
      %get3A_89 = tpu.vector_load %arg10[%get3A_86, %get3A_87, %get3A_88] {strides = array<i32>} : memref<4x32x128xf32, #tpu.memory_space<vmem>>, vector<16xf32>,
      %get3A_90 = arith.constant 3 : i32
      %get3A_91 = arith.constant 1 : i32
      %get3A_92 = arith.index_cast %get3A_90 : i32 to index
      %get3A_93 = arith.index_cast %get3A_91 : i32 to index
      %get3A_94 = arith.constant 32 : index
      %get3A_95 = tpu.vector_load %arg10[%get3A_92, %get3A_93, %get3A_94] {strides = array<i32>} : memref<4x32x128xf32, #tpu.memory_space<vmem>>, vector<16xf32>,
      %add3A_96 = arith.addf %get3A_89, %get3A_95 : vector<16xf32>
      %get3A_97 = arith.constant 3 : i32
      %get3A_98 = arith.constant 2 : i32
      %get3A_99 = arith.index_cast %get3A_97 : i32 to index
      %get3A_100 = arith.index_cast %get3A_98 : i32 to index
      %get3A_101 = arith.constant 32 : index
      %get3A_102 = tpu.vector_load %arg10[%get3A_99, %get3A_100, %get3A_101] {strides = array<i32>} : memref<4x32x128xf32, #tpu.memory_space<vmem>>, vector<16xf32>,
      %add3A_103 = arith.addf %add3A_96, %get3A_102 : vector<16xf32>
      %get3A_104 = arith.constant 3 : i32
      %get3A_105 = arith.constant 3 : i32
      %get3A_106 = arith.index_cast %get3A_104 : i32 to index
      %get3A_107 = arith.index_cast %get3A_105 : i32 to index
      %get3A_108 = arith.constant 32 : index
      %get3A_109 = tpu.vector_load %arg10[%get3A_106, %get3A_107, %get3A_108] {strides = array<i32>} : memref<4x32x128xf32, #tpu.memory_space<vmem>>, vector<16xf32>,
      %add3A_110 = arith.addf %add3A_103, %get3A_109 : vector<16xf32>
      %get3A_111 = arith.constant 3 : i32
      %get3A_112 = arith.constant 4 : i32
      %get3A_113 = arith.index_cast %get3A_111 : i32 to index
      %get3A_114 = arith.index_cast %get3A_112 : i32 to index
      %get3A_115 = arith.constant 32 : index
      %get3A_116 = tpu.vector_load %arg10[%get3A_113, %get3A_114, %get3A_115] {strides = array<i32>} : memref<4x32x128xf32, #tpu.memory_space<vmem>>, vector<16xf32>,
      %add3A_117 = arith.addf %add3A_110, %get3A_116 : vector<16xf32>
      %get3A_118 = arith.constant 3 : i32
      %get3A_119 = arith.constant 5 : i32
      %get3A_120 = arith.index_cast %get3A_118 : i32 to index
      %get3A_121 = arith.index_cast %get3A_119 : i32 to index
      %get3A_122 = arith.constant 32 : index
      %get3A_123 = tpu.vector_load %arg10[%get3A_120, %get3A_121, %get3A_122] {strides = array<i32>} : memref<4x32x128xf32, #tpu.memory_space<vmem>>, vector<16xf32>,
      %add3A_124 = arith.addf %add3A_117, %get3A_123 : vector<16xf32>
      %get3A_125 = arith.constant 3 : i32
      %get3A_126 = arith.constant 6 : i32
      %get3A_127 = arith.index_cast %get3A_125 : i32 to index
      %get3A_128 = arith.index_cast %get3A_126 : i32 to index
      %get3A_129 = arith.constant 32 : index
      %get3A_130 = tpu.vector_load %arg10[%get3A_127, %get3A_128, %get3A_129] {strides = array<i32>} : memref<4x32x128xf32, #tpu.memory_space<vmem>>, vector<16xf32>,
      %add3A_131 = arith.addf %add3A_124, %get3A_130 : vector<16xf32>
      %get3A_132 = arith.constant 3 : i32
      %get3A_133 = arith.constant 7 : i32
      %get3A_134 = arith.index_cast %get3A_132 : i32 to index
      %get3A_135 = arith.index_cast %get3A_133 : i32 to index
      %get3A_136 = arith.constant 32 : index
      %get3A_137 = tpu.vector_load %arg10[%get3A_134, %get3A_135, %get3A_136] {strides = array<i32>} : memref<4x32x128xf32, #tpu.memory_space<vmem>>, vector<16xf32>,
      %add3A_138 = arith.addf %add3A_131, %get3A_137 : vector<16xf32>
      %get3A_139 = arith.constant 3 : i32
      %get3A_140 = arith.constant 8 : i32
      %get3A_141 = arith.index_cast %get3A_139 : i32 to index
      %get3A_142 = arith.index_cast %get3A_140 : i32 to index
      %get3A_143 = arith.constant 32 : index
      %get3A_144 = tpu.vector_load %arg10[%get3A_141, %get3A_142, %get3A_143] {strides = array<i32>} : memref<4x32x128xf32, #tpu.memory_space<vmem>>, vector<16xf32>,
      %add3A_145 = arith.addf %add3A_138, %get3A_144 : vector<16xf32>
      %get3A_146 = arith.constant 3 : i32
      %get3A_147 = arith.constant 9 : i32
      %get3A_148 = arith.index_cast %get3A_146 : i32 to index
      %get3A_149 = arith.index_cast %get3A_147 : i32 to index
      %get3A_150 = arith.constant 32 : index
      %get3A_151 = tpu.vector_load %arg10[%get3A_148, %get3A_149, %get3A_150] {strides = array<i32>} : memref<4x32x128xf32, #tpu.memory_space<vmem>>, vector<16xf32>,
      %add3A_152 = arith.addf %add3A_145, %get3A_151 : vector<16xf32>
      %get3A_153 = arith.constant 3 : i32
      %get3A_154 = arith.constant 10 : i32
      %get3A_155 = arith.index_cast %get3A_153 : i32 to index
      %get3A_156 = arith.index_cast %get3A_154 : i32 to index
      %get3A_157 = arith.constant 32 : index
      %get3A_158 = tpu.vector_load %arg10[%get3A_155, %get3A_156, %get3A_157] {strides = array<i32>} : memref<4x32x128xf32, #tpu.memory_space<vmem>>, vector<16xf32>,
      %add3A_159 = arith.addf %add3A_152, %get3A_158 : vector<16xf32>
      %get3A_160 = arith.constant 3 : i32
      %get3A_161 = arith.constant 11 : i32
      %get3A_162 = arith.index_cast %get3A_160 : i32 to index
      %get3A_163 = arith.index_cast %get3A_161 : i32 to index
      %get3A_164 = arith.constant 32 : index
      %get3A_165 = tpu.vector_load %arg10[%get3A_162, %get3A_163, %get3A_164] {strides = array<i32>} : memref<4x32x128xf32, #tpu.memory_space<vmem>>, vector<16xf32>,
      %add3A_166 = arith.addf %add3A_159, %get3A_165 : vector<16xf32>
      %get3A_167 = arith.constant 3 : i32
      %get3A_168 = arith.constant 12 : i32
      %get3A_169 = arith.index_cast %get3A_167 : i32 to index
      %get3A_170 = arith.index_cast %get3A_168 : i32 to index
      %get3A_171 = arith.constant 32 : index
      %get3A_172 = tpu.vector_load %arg10[%get3A_169, %get3A_170, %get3A_171] {strides = array<i32>} : memref<4x32x128xf32, #tpu.memory_space<vmem>>, vector<16xf32>,
      %add3A_173 = arith.addf %add3A_166, %get3A_172 : vector<16xf32>
      %get3A_174 = arith.constant 3 : i32
      %get3A_175 = arith.constant 13 : i32
      %get3A_176 = arith.index_cast %get3A_174 : i32 to index
      %get3A_177 = arith.index_cast %get3A_175 : i32 to index
      %get3A_178 = arith.constant 32 : index
      %get3A_179 = tpu.vector_load %arg10[%get3A_176, %get3A_177, %get3A_178] {strides = array<i32>} : memref<4x32x128xf32, #tpu.memory_space<vmem>>, vector<16xf32>,
      %add3A_180 = arith.addf %add3A_173, %get3A_179 : vector<16xf32>
      %get3A_181 = arith.constant 3 : i32
      %get3A_182 = arith.constant 14 : i32
      %get3A_183 = arith.index_cast %get3A_181 : i32 to index
      %get3A_184 = arith.index_cast %get3A_182 : i32 to index
      %get3A_185 = arith.constant 32 : index
      %get3A_186 = tpu.vector_load %arg10[%get3A_183, %get3A_184, %get3A_185] {strides = array<i32>} : memref<4x32x128xf32, #tpu.memory_space<vmem>>, vector<16xf32>,
      %add3A_187 = arith.addf %add3A_180, %get3A_186 : vector<16xf32>
      %get3A_188 = arith.constant 3 : i32
      %get3A_189 = arith.constant 15 : i32
      %get3A_190 = arith.index_cast %get3A_188 : i32 to index
      %get3A_191 = arith.index_cast %get3A_189 : i32 to index
      %get3A_192 = arith.constant 32 : index
      %get3A_193 = tpu.vector_load %arg10[%get3A_190, %get3A_191, %get3A_192] {strides = array<i32>} : memref<4x32x128xf32, #tpu.memory_space<vmem>>, vector<16xf32>,
      %add3A_194 = arith.addf %add3A_187, %get3A_193 : vector<16xf32>
      %get3A_195 = arith.constant 3 : i32
      %get3A_196 = arith.constant 16 : i32
      %get3A_197 = arith.index_cast %get3A_195 : i32 to index
      %get3A_198 = arith.index_cast %get3A_196 : i32 to index
      %get3A_199 = arith.constant 32 : index
      %get3A_200 = tpu.vector_load %arg10[%get3A_197, %get3A_198, %get3A_199] {strides = array<i32>} : memref<4x32x128xf32, #tpu.memory_space<vmem>>, vector<16xf32>,
      %add3A_201 = arith.addf %add3A_194, %get3A_200 : vector<16xf32>
      %get3A_202 = arith.constant 3 : i32
      %get3A_203 = arith.constant 17 : i32
      %get3A_204 = arith.index_cast %get3A_202 : i32 to index
      %get3A_205 = arith.index_cast %get3A_203 : i32 to index
      %get3A_206 = arith.constant 32 : index
      %get3A_207 = tpu.vector_load %arg10[%get3A_204, %get3A_205, %get3A_206] {strides = array<i32>} : memref<4x32x128xf32, #tpu.memory_space<vmem>>, vector<16xf32>,
      %add3A_208 = arith.addf %add3A_201, %get3A_207 : vector<16xf32>
      %get3A_209 = arith.constant 3 : i32
      %get3A_210 = arith.constant 18 : i32
      %get3A_211 = arith.index_cast %get3A_209 : i32 to index
      %get3A_212 = arith.index_cast %get3A_210 : i32 to index
      %get3A_213 = arith.constant 32 : index
      %get3A_214 = tpu.vector_load %arg10[%get3A_211, %get3A_212, %get3A_213] {strides = array<i32>} : memref<4x32x128xf32, #tpu.memory_space<vmem>>, vector<16xf32>,
      %add3A_215 = arith.addf %add3A_208, %get3A_214 : vector<16xf32>
      %get3A_216 = arith.constant 3 : i32
      %get3A_217 = arith.constant 19 : i32
      %get3A_218 = arith.index_cast %get3A_216 : i32 to index
      %get3A_219 = arith.index_cast %get3A_217 : i32 to index
      %get3A_220 = arith.constant 32 : index
      %get3A_221 = tpu.vector_load %arg10[%get3A_218, %get3A_219, %get3A_220] {strides = array<i32>} : memref<4x32x128xf32, #tpu.memory_space<vmem>>, vector<16xf32>,
      %add3A_222 = arith.addf %add3A_215, %get3A_221 : vector<16xf32>
      %get3A_223 = arith.constant 3 : i32
      %get3A_224 = arith.constant 20 : i32
      %get3A_225 = arith.index_cast %get3A_223 : i32 to index
      %get3A_226 = arith.index_cast %get3A_224 : i32 to index
      %get3A_227 = arith.constant 32 : index
      %get3A_228 = tpu.vector_load %arg10[%get3A_225, %get3A_226, %get3A_227] {strides = array<i32>} : memref<4x32x128xf32, #tpu.memory_space<vmem>>, vector<16xf32>,
      %add3A_229 = arith.addf %add3A_222, %get3A_228 : vector<16xf32>
      %get3A_230 = arith.constant 3 : i32
      %get3A_231 = arith.constant 21 : i32
      %get3A_232 = arith.index_cast %get3A_230 : i32 to index
      %get3A_233 = arith.index_cast %get3A_231 : i32 to index
      %get3A_234 = arith.constant 32 : index
      %get3A_235 = tpu.vector_load %arg10[%get3A_232, %get3A_233, %get3A_234] {strides = array<i32>} : memref<4x32x128xf32, #tpu.memory_space<vmem>>, vector<16xf32>,
      %add3A_236 = arith.addf %add3A_229, %get3A_235 : vector<16xf32>
      %get3A_237 = arith.constant 3 : i32
      %get3A_238 = arith.constant 22 : i32
      %get3A_239 = arith.index_cast %get3A_237 : i32 to index
      %get3A_240 = arith.index_cast %get3A_238 : i32 to index
      %get3A_241 = arith.constant 32 : index
      %get3A_242 = tpu.vector_load %arg10[%get3A_239, %get3A_240, %get3A_241] {strides = array<i32>} : memref<4x32x128xf32, #tpu.memory_space<vmem>>, vector<16xf32>,
      %add3A_243 = arith.addf %add3A_236, %get3A_242 : vector<16xf32>
      %get3A_244 = arith.constant 3 : i32
      %get3A_245 = arith.constant 23 : i32
      %get3A_246 = arith.index_cast %get3A_244 : i32 to index
      %get3A_247 = arith.index_cast %get3A_245 : i32 to index
      %get3A_248 = arith.constant 32 : index
      %get3A_249 = tpu.vector_load %arg10[%get3A_246, %get3A_247, %get3A_248] {strides = array<i32>} : memref<4x32x128xf32, #tpu.memory_space<vmem>>, vector<16xf32>,
      %add3A_250 = arith.addf %add3A_243, %get3A_249 : vector<16xf32>
      %get3A_251 = arith.constant 3 : i32
      %get3A_252 = arith.constant 24 : i32
      %get3A_253 = arith.index_cast %get3A_251 : i32 to index
      %get3A_254 = arith.index_cast %get3A_252 : i32 to index
      %get3A_255 = arith.constant 32 : index
      %get3A_256 = tpu.vector_load %arg10[%get3A_253, %get3A_254, %get3A_255] {strides = array<i32>} : memref<4x32x128xf32, #tpu.memory_space<vmem>>, vector<16xf32>,
      %add3A_257 = arith.addf %add3A_250, %get3A_256 : vector<16xf32>
      %get3A_258 = arith.constant 3 : i32
      %get3A_259 = arith.constant 25 : i32
      %get3A_260 = arith.index_cast %get3A_258 : i32 to index
      %get3A_261 = arith.index_cast %get3A_259 : i32 to index
      %get3A_262 = arith.constant 32 : index
      %get3A_263 = tpu.vector_load %arg10[%get3A_260, %get3A_261, %get3A_262] {strides = array<i32>} : memref<4x32x128xf32, #tpu.memory_space<vmem>>, vector<16xf32>,
      %add3A_264 = arith.addf %add3A_257, %get3A_263 : vector<16xf32>
      %get3A_265 = arith.constant 0 : i32
      %get3A_266 = arith.constant 0 : i32
      %get3A_267 = arith.index_cast %get3A_265 : i32 to index
      %get3A_268 = arith.index_cast %get3A_266 : i32 to index
      %get3A_269 = arith.constant 16 : index
      %get3A_270 = tpu.vector_load %arg10[%get3A_267, %get3A_268, %get3A_269] {strides = array<i32>} : memref<4x32x128xf32, #tpu.memory_space<vmem>>, vector<16xf32>,
      %get3A_271 = arith.constant 0 : i32
      %get3A_272 = arith.constant 1 : i32
      %get3A_273 = arith.index_cast %get3A_271 : i32 to index
      %get3A_274 = arith.index_cast %get3A_272 : i32 to index
      %get3A_275 = arith.constant 0 : index
      %get3A_276 = tpu.vector_load %arg10[%get3A_273, %get3A_274, %get3A_275] {strides = array<i32>} : memref<4x32x128xf32, #tpu.memory_space<vmem>>, vector<16xf32>,
      %mul3A_277 = arith.mulf %get3A_270, %get3A_276 : vector<16xf32>
      %add3A_278 = arith.addf %add3A_264, %mul3A_277 : vector<16xf32>
      %get3A_279 = arith.constant 0 : i32
      %get3A_280 = arith.constant 0 : i32
      %get3A_281 = arith.index_cast %get3A_279 : i32 to index
      %get3A_282 = arith.index_cast %get3A_280 : i32 to index
      %get3A_283 = arith.constant 32 : index
      %get3A_284 = tpu.vector_load %arg10[%get3A_281, %get3A_282, %get3A_283] {strides = array<i32>} : memref<4x32x128xf32, #tpu.memory_space<vmem>>, vector<16xf32>,
      %get3A_285 = arith.constant 0 : i32
      %get3A_286 = arith.constant 2 : i32
      %get3A_287 = arith.index_cast %get3A_285 : i32 to index
      %get3A_288 = arith.index_cast %get3A_286 : i32 to index
      %get3A_289 = arith.constant 0 : index
      %get3A_290 = tpu.vector_load %arg10[%get3A_287, %get3A_288, %get3A_289] {strides = array<i32>} : memref<4x32x128xf32, #tpu.memory_space<vmem>>, vector<16xf32>,
      %mul3A_291 = arith.mulf %get3A_284, %get3A_290 : vector<16xf32>
      %add3A_292 = arith.addf %add3A_278, %mul3A_291 : vector<16xf32>
      %get3A_293 = arith.constant 0 : i32
      %get3A_294 = arith.constant 0 : i32
      %get3A_295 = arith.index_cast %get3A_293 : i32 to index
      %get3A_296 = arith.index_cast %get3A_294 : i32 to index
      %get3A_297 = arith.constant 48 : index
      %get3A_298 = tpu.vector_load %arg10[%get3A_295, %get3A_296, %get3A_297] {strides = array<i32>} : memref<4x32x128xf32, #tpu.memory_space<vmem>>, vector<16xf32>,
      %get3A_299 = arith.constant 0 : i32
      %get3A_300 = arith.constant 3 : i32
      %get3A_301 = arith.index_cast %get3A_299 : i32 to index
      %get3A_302 = arith.index_cast %get3A_300 : i32 to index
      %get3A_303 = arith.constant 0 : index
      %get3A_304 = tpu.vector_load %arg10[%get3A_301, %get3A_302, %get3A_303] {strides = array<i32>} : memref<4x32x128xf32, #tpu.memory_space<vmem>>, vector<16xf32>,
      %mul3A_305 = arith.mulf %get3A_298, %get3A_304 : vector<16xf32>
      %add3A_306 = arith.addf %add3A_292, %mul3A_305 : vector<16xf32>
      %get3A_307 = arith.constant 0 : i32
      %get3A_308 = arith.constant 0 : i32
      %get3A_309 = arith.index_cast %get3A_307 : i32 to index
      %get3A_310 = arith.index_cast %get3A_308 : i32 to index
      %get3A_311 = arith.constant 64 : index
      %get3A_312 = tpu.vector_load %arg10[%get3A_309, %get3A_310, %get3A_311] {strides = array<i32>} : memref<4x32x128xf32, #tpu.memory_space<vmem>>, vector<16xf32>,
      %get3A_313 = arith.constant 0 : i32
      %get3A_314 = arith.constant 4 : i32
      %get3A_315 = arith.index_cast %get3A_313 : i32 to index
      %get3A_316 = arith.index_cast %get3A_314 : i32 to index
      %get3A_317 = arith.constant 0 : index
      %get3A_318 = tpu.vector_load %arg10[%get3A_315, %get3A_316, %get3A_317] {strides = array<i32>} : memref<4x32x128xf32, #tpu.memory_space<vmem>>, vector<16xf32>,
      %mul3A_319 = arith.mulf %get3A_312, %get3A_318 : vector<16xf32>
      %add3A_320 = arith.addf %add3A_306, %mul3A_319 : vector<16xf32>
      %get3A_321 = arith.constant 0 : i32
      %get3A_322 = arith.constant 0 : i32
      %get3A_323 = arith.index_cast %get3A_321 : i32 to index
      %get3A_324 = arith.index_cast %get3A_322 : i32 to index
      %get3A_325 = arith.constant 80 : index
      %get3A_326 = tpu.vector_load %arg10[%get3A_323, %get3A_324, %get3A_325] {strides = array<i32>} : memref<4x32x128xf32, #tpu.memory_space<vmem>>, vector<16xf32>,
      %get3A_327 = arith.constant 0 : i32
      %get3A_328 = arith.constant 5 : i32
      %get3A_329 = arith.index_cast %get3A_327 : i32 to index
      %get3A_330 = arith.index_cast %get3A_328 : i32 to index
      %get3A_331 = arith.constant 0 : index
      %get3A_332 = tpu.vector_load %arg10[%get3A_329, %get3A_330, %get3A_331] {strides = array<i32>} : memref<4x32x128xf32, #tpu.memory_space<vmem>>, vector<16xf32>,
      %mul3A_333 = arith.mulf %get3A_326, %get3A_332 : vector<16xf32>
      %add3A_334 = arith.addf %add3A_320, %mul3A_333 : vector<16xf32>
      %get3A_335 = arith.constant 0 : i32
      %get3A_336 = arith.constant 0 : i32
      %get3A_337 = arith.index_cast %get3A_335 : i32 to index
      %get3A_338 = arith.index_cast %get3A_336 : i32 to index
      %get3A_339 = arith.constant 96 : index
      %get3A_340 = tpu.vector_load %arg10[%get3A_337, %get3A_338, %get3A_339] {strides = array<i32>} : memref<4x32x128xf32, #tpu.memory_space<vmem>>, vector<16xf32>,
      %get3A_341 = arith.constant 0 : i32
      %get3A_342 = arith.constant 6 : i32
      %get3A_343 = arith.index_cast %get3A_341 : i32 to index
      %get3A_344 = arith.index_cast %get3A_342 : i32 to index
      %get3A_345 = arith.constant 0 : index
      %get3A_346 = tpu.vector_load %arg10[%get3A_343, %get3A_344, %get3A_345] {strides = array<i32>} : memref<4x32x128xf32, #tpu.memory_space<vmem>>, vector<16xf32>,
      %mul3A_347 = arith.mulf %get3A_340, %get3A_346 : vector<16xf32>
      %add3A_348 = arith.addf %add3A_334, %mul3A_347 : vector<16xf32>
      %get3A_349 = arith.constant 0 : i32
      %get3A_350 = arith.constant 0 : i32
      %get3A_351 = arith.index_cast %get3A_349 : i32 to index
      %get3A_352 = arith.index_cast %get3A_350 : i32 to index
      %get3A_353 = arith.constant 112 : index
      %get3A_354 = tpu.vector_load %arg10[%get3A_351, %get3A_352, %get3A_353] {strides = array<i32>} : memref<4x32x128xf32, #tpu.memory_space<vmem>>, vector<16xf32>,
      %get3A_355 = arith.constant 0 : i32
      %get3A_356 = arith.constant 7 : i32
      %get3A_357 = arith.index_cast %get3A_355 : i32 to index
      %get3A_358 = arith.index_cast %get3A_356 : i32 to index
      %get3A_359 = arith.constant 0 : index
      %get3A_360 = tpu.vector_load %arg10[%get3A_357, %get3A_358, %get3A_359] {strides = array<i32>} : memref<4x32x128xf32, #tpu.memory_space<vmem>>, vector<16xf32>,
      %mul3A_361 = arith.mulf %get3A_354, %get3A_360 : vector<16xf32>
      %add3A_362 = arith.addf %add3A_348, %mul3A_361 : vector<16xf32>
      %get3A_363 = arith.constant 1 : i32
      %get3A_364 = arith.constant 0 : i32
      %get3A_365 = arith.index_cast %get3A_363 : i32 to index
      %get3A_366 = arith.index_cast %get3A_364 : i32 to index
      %get3A_367 = arith.constant 0 : index
      %get3A_368 = tpu.vector_load %arg10[%get3A_365, %get3A_366, %get3A_367] {strides = array<i32>} : memref<4x32x128xf32, #tpu.memory_space<vmem>>, vector<16xf32>,
      %get3A_369 = arith.constant 0 : i32
      %get3A_370 = arith.constant 8 : i32
      %get3A_371 = arith.index_cast %get3A_369 : i32 to index
      %get3A_372 = arith.index_cast %get3A_370 : i32 to index
      %get3A_373 = arith.constant 0 : index
      %get3A_374 = tpu.vector_load %arg10[%get3A_371, %get3A_372, %get3A_373] {strides = array<i32>} : memref<4x32x128xf32, #tpu.memory_space<vmem>>, vector<16xf32>,
      %mul3A_375 = arith.mulf %get3A_368, %get3A_374 : vector<16xf32>
      %add3A_376 = arith.addf %add3A_362, %mul3A_375 : vector<16xf32>
      %get3A_377 = arith.constant 1 : i32
      %get3A_378 = arith.constant 0 : i32
      %get3A_379 = arith.index_cast %get3A_377 : i32 to index
      %get3A_380 = arith.index_cast %get3A_378 : i32 to index
      %get3A_381 = arith.constant 16 : index
      %get3A_382 = tpu.vector_load %arg10[%get3A_379, %get3A_380, %get3A_381] {strides = array<i32>} : memref<4x32x128xf32, #tpu.memory_space<vmem>>, vector<16xf32>,
      %get3A_383 = arith.constant 0 : i32
      %get3A_384 = arith.constant 9 : i32
      %get3A_385 = arith.index_cast %get3A_383 : i32 to index
      %get3A_386 = arith.index_cast %get3A_384 : i32 to index
      %get3A_387 = arith.constant 0 : index
      %get3A_388 = tpu.vector_load %arg10[%get3A_385, %get3A_386, %get3A_387] {strides = array<i32>} : memref<4x32x128xf32, #tpu.memory_space<vmem>>, vector<16xf32>,
      %mul3A_389 = arith.mulf %get3A_382, %get3A_388 : vector<16xf32>
      %add3A_390 = arith.addf %add3A_376, %mul3A_389 : vector<16xf32>
      %get3A_391 = arith.constant 1 : i32
      %get3A_392 = arith.constant 0 : i32
      %get3A_393 = arith.index_cast %get3A_391 : i32 to index
      %get3A_394 = arith.index_cast %get3A_392 : i32 to index
      %get3A_395 = arith.constant 32 : index
      %get3A_396 = tpu.vector_load %arg10[%get3A_393, %get3A_394, %get3A_395] {strides = array<i32>} : memref<4x32x128xf32, #tpu.memory_space<vmem>>, vector<16xf32>,
      %get3A_397 = arith.constant 0 : i32
      %get3A_398 = arith.constant 10 : i32
      %get3A_399 = arith.index_cast %get3A_397 : i32 to index
      %get3A_400 = arith.index_cast %get3A_398 : i32 to index
      %get3A_401 = arith.constant 0 : index
      %get3A_402 = tpu.vector_load %arg10[%get3A_399, %get3A_400, %get3A_401] {strides = array<i32>} : memref<4x32x128xf32, #tpu.memory_space<vmem>>, vector<16xf32>,
      %mul3A_403 = arith.mulf %get3A_396, %get3A_402 : vector<16xf32>
      %add3A_404 = arith.addf %add3A_390, %mul3A_403 : vector<16xf32>
      %get3A_405 = arith.constant 1 : i32
      %get3A_406 = arith.constant 0 : i32
      %get3A_407 = arith.index_cast %get3A_405 : i32 to index
      %get3A_408 = arith.index_cast %get3A_406 : i32 to index
      %get3A_409 = arith.constant 48 : index
      %get3A_410 = tpu.vector_load %arg10[%get3A_407, %get3A_408, %get3A_409] {strides = array<i32>} : memref<4x32x128xf32, #tpu.memory_space<vmem>>, vector<16xf32>,
      %get3A_411 = arith.constant 0 : i32
      %get3A_412 = arith.constant 11 : i32
      %get3A_413 = arith.index_cast %get3A_411 : i32 to index
      %get3A_414 = arith.index_cast %get3A_412 : i32 to index
      %get3A_415 = arith.constant 0 : index
      %get3A_416 = tpu.vector_load %arg10[%get3A_413, %get3A_414, %get3A_415] {strides = array<i32>} : memref<4x32x128xf32, #tpu.memory_space<vmem>>, vector<16xf32>,
      %mul3A_417 = arith.mulf %get3A_410, %get3A_416 : vector<16xf32>
      %add3A_418 = arith.addf %add3A_404, %mul3A_417 : vector<16xf32>
      %get3A_419 = arith.constant 1 : i32
      %get3A_420 = arith.constant 0 : i32
      %get3A_421 = arith.index_cast %get3A_419 : i32 to index
      %get3A_422 = arith.index_cast %get3A_420 : i32 to index
      %get3A_423 = arith.constant 64 : index
      %get3A_424 = tpu.vector_load %arg10[%get3A_421, %get3A_422, %get3A_423] {strides = array<i32>} : memref<4x32x128xf32, #tpu.memory_space<vmem>>, vector<16xf32>,
      %get3A_425 = arith.constant 0 : i32
      %get3A_426 = arith.constant 12 : i32
      %get3A_427 = arith.index_cast %get3A_425 : i32 to index
      %get3A_428 = arith.index_cast %get3A_426 : i32 to index
      %get3A_429 = arith.constant 0 : index
      %get3A_430 = tpu.vector_load %arg10[%get3A_427, %get3A_428, %get3A_429] {strides = array<i32>} : memref<4x32x128xf32, #tpu.memory_space<vmem>>, vector<16xf32>,
      %mul3A_431 = arith.mulf %get3A_424, %get3A_430 : vector<16xf32>
      %add3A_432 = arith.addf %add3A_418, %mul3A_431 : vector<16xf32>
      %get3A_433 = arith.constant 1 : i32
      %get3A_434 = arith.constant 0 : i32
      %get3A_435 = arith.index_cast %get3A_433 : i32 to index
      %get3A_436 = arith.index_cast %get3A_434 : i32 to index
      %get3A_437 = arith.constant 80 : index
      %get3A_438 = tpu.vector_load %arg10[%get3A_435, %get3A_436, %get3A_437] {strides = array<i32>} : memref<4x32x128xf32, #tpu.memory_space<vmem>>, vector<16xf32>,
      %get3A_439 = arith.constant 0 : i32
      %get3A_440 = arith.constant 13 : i32
      %get3A_441 = arith.index_cast %get3A_439 : i32 to index
      %get3A_442 = arith.index_cast %get3A_440 : i32 to index
      %get3A_443 = arith.constant 0 : index
      %get3A_444 = tpu.vector_load %arg10[%get3A_441, %get3A_442, %get3A_443] {strides = array<i32>} : memref<4x32x128xf32, #tpu.memory_space<vmem>>, vector<16xf32>,
      %mul3A_445 = arith.mulf %get3A_438, %get3A_444 : vector<16xf32>
      %add3A_446 = arith.addf %add3A_432, %mul3A_445 : vector<16xf32>
      %get3A_447 = arith.constant 1 : i32
      %get3A_448 = arith.constant 0 : i32
      %get3A_449 = arith.index_cast %get3A_447 : i32 to index
      %get3A_450 = arith.index_cast %get3A_448 : i32 to index
      %get3A_451 = arith.constant 96 : index
      %get3A_452 = tpu.vector_load %arg10[%get3A_449, %get3A_450, %get3A_451] {strides = array<i32>} : memref<4x32x128xf32, #tpu.memory_space<vmem>>, vector<16xf32>,
      %get3A_453 = arith.constant 0 : i32
      %get3A_454 = arith.constant 14 : i32
      %get3A_455 = arith.index_cast %get3A_453 : i32 to index
      %get3A_456 = arith.index_cast %get3A_454 : i32 to index
      %get3A_457 = arith.constant 0 : index
      %get3A_458 = tpu.vector_load %arg10[%get3A_455, %get3A_456, %get3A_457] {strides = array<i32>} : memref<4x32x128xf32, #tpu.memory_space<vmem>>, vector<16xf32>,
      %mul3A_459 = arith.mulf %get3A_452, %get3A_458 : vector<16xf32>
      %add3A_460 = arith.addf %add3A_446, %mul3A_459 : vector<16xf32>
      %get3A_461 = arith.constant 1 : i32
      %get3A_462 = arith.constant 0 : i32
      %get3A_463 = arith.index_cast %get3A_461 : i32 to index
      %get3A_464 = arith.index_cast %get3A_462 : i32 to index
      %get3A_465 = arith.constant 112 : index
      %get3A_466 = tpu.vector_load %arg10[%get3A_463, %get3A_464, %get3A_465] {strides = array<i32>} : memref<4x32x128xf32, #tpu.memory_space<vmem>>, vector<16xf32>,
      %get3A_467 = arith.constant 0 : i32
      %get3A_468 = arith.constant 15 : i32
      %get3A_469 = arith.index_cast %get3A_467 : i32 to index
      %get3A_470 = arith.index_cast %get3A_468 : i32 to index
      %get3A_471 = arith.constant 0 : index
      %get3A_472 = tpu.vector_load %arg10[%get3A_469, %get3A_470, %get3A_471] {strides = array<i32>} : memref<4x32x128xf32, #tpu.memory_space<vmem>>, vector<16xf32>,
      %mul3A_473 = arith.mulf %get3A_466, %get3A_472 : vector<16xf32>
      %add3A_474 = arith.addf %add3A_460, %mul3A_473 : vector<16xf32>
      %get3A_475 = arith.constant 2 : i32
      %get3A_476 = arith.constant 0 : i32
      %get3A_477 = arith.index_cast %get3A_475 : i32 to index
      %get3A_478 = arith.index_cast %get3A_476 : i32 to index
      %get3A_479 = arith.constant 0 : index
      %get3A_480 = tpu.vector_load %arg10[%get3A_477, %get3A_478, %get3A_479] {strides = array<i32>} : memref<4x32x128xf32, #tpu.memory_space<vmem>>, vector<16xf32>,
      %get3A_481 = arith.constant 0 : i32
      %get3A_482 = arith.constant 16 : i32
      %get3A_483 = arith.index_cast %get3A_481 : i32 to index
      %get3A_484 = arith.index_cast %get3A_482 : i32 to index
      %get3A_485 = arith.constant 0 : index
      %get3A_486 = tpu.vector_load %arg10[%get3A_483, %get3A_484, %get3A_485] {strides = array<i32>} : memref<4x32x128xf32, #tpu.memory_space<vmem>>, vector<16xf32>,
      %mul3A_487 = arith.mulf %get3A_480, %get3A_486 : vector<16xf32>
      %add3A_488 = arith.addf %add3A_474, %mul3A_487 : vector<16xf32>
      %get3A_489 = arith.constant 2 : i32
      %get3A_490 = arith.constant 0 : i32
      %get3A_491 = arith.index_cast %get3A_489 : i32 to index
      %get3A_492 = arith.index_cast %get3A_490 : i32 to index
      %get3A_493 = arith.constant 16 : index
      %get3A_494 = tpu.vector_load %arg10[%get3A_491, %get3A_492, %get3A_493] {strides = array<i32>} : memref<4x32x128xf32, #tpu.memory_space<vmem>>, vector<16xf32>,
      %get3A_495 = arith.constant 0 : i32
      %get3A_496 = arith.constant 17 : i32
      %get3A_497 = arith.index_cast %get3A_495 : i32 to index
      %get3A_498 = arith.index_cast %get3A_496 : i32 to index
      %get3A_499 = arith.constant 0 : index
      %get3A_500 = tpu.vector_load %arg10[%get3A_497, %get3A_498, %get3A_499] {strides = array<i32>} : memref<4x32x128xf32, #tpu.memory_space<vmem>>, vector<16xf32>,
      %mul3A_501 = arith.mulf %get3A_494, %get3A_500 : vector<16xf32>
      %add3A_502 = arith.addf %add3A_488, %mul3A_501 : vector<16xf32>
      %get3A_503 = arith.constant 2 : i32
      %get3A_504 = arith.constant 0 : i32
      %get3A_505 = arith.index_cast %get3A_503 : i32 to index
      %get3A_506 = arith.index_cast %get3A_504 : i32 to index
      %get3A_507 = arith.constant 32 : index
      %get3A_508 = tpu.vector_load %arg10[%get3A_505, %get3A_506, %get3A_507] {strides = array<i32>} : memref<4x32x128xf32, #tpu.memory_space<vmem>>, vector<16xf32>,
      %get3A_509 = arith.constant 0 : i32
      %get3A_510 = arith.constant 18 : i32
      %get3A_511 = arith.index_cast %get3A_509 : i32 to index
      %get3A_512 = arith.index_cast %get3A_510 : i32 to index
      %get3A_513 = arith.constant 0 : index
      %get3A_514 = tpu.vector_load %arg10[%get3A_511, %get3A_512, %get3A_513] {strides = array<i32>} : memref<4x32x128xf32, #tpu.memory_space<vmem>>, vector<16xf32>,
      %mul3A_515 = arith.mulf %get3A_508, %get3A_514 : vector<16xf32>
      %add3A_516 = arith.addf %add3A_502, %mul3A_515 : vector<16xf32>
      %get3A_517 = arith.constant 2 : i32
      %get3A_518 = arith.constant 0 : i32
      %get3A_519 = arith.index_cast %get3A_517 : i32 to index
      %get3A_520 = arith.index_cast %get3A_518 : i32 to index
      %get3A_521 = arith.constant 48 : index
      %get3A_522 = tpu.vector_load %arg10[%get3A_519, %get3A_520, %get3A_521] {strides = array<i32>} : memref<4x32x128xf32, #tpu.memory_space<vmem>>, vector<16xf32>,
      %get3A_523 = arith.constant 0 : i32
      %get3A_524 = arith.constant 19 : i32
      %get3A_525 = arith.index_cast %get3A_523 : i32 to index
      %get3A_526 = arith.index_cast %get3A_524 : i32 to index
      %get3A_527 = arith.constant 0 : index
      %get3A_528 = tpu.vector_load %arg10[%get3A_525, %get3A_526, %get3A_527] {strides = array<i32>} : memref<4x32x128xf32, #tpu.memory_space<vmem>>, vector<16xf32>,
      %mul3A_529 = arith.mulf %get3A_522, %get3A_528 : vector<16xf32>
      %add3A_530 = arith.addf %add3A_516, %mul3A_529 : vector<16xf32>
      %get3A_531 = arith.constant 2 : i32
      %get3A_532 = arith.constant 0 : i32
      %get3A_533 = arith.index_cast %get3A_531 : i32 to index
      %get3A_534 = arith.index_cast %get3A_532 : i32 to index
      %get3A_535 = arith.constant 64 : index
      %get3A_536 = tpu.vector_load %arg10[%get3A_533, %get3A_534, %get3A_535] {strides = array<i32>} : memref<4x32x128xf32, #tpu.memory_space<vmem>>, vector<16xf32>,
      %get3A_537 = arith.constant 0 : i32
      %get3A_538 = arith.constant 20 : i32
      %get3A_539 = arith.index_cast %get3A_537 : i32 to index
      %get3A_540 = arith.index_cast %get3A_538 : i32 to index
      %get3A_541 = arith.constant 0 : index
      %get3A_542 = tpu.vector_load %arg10[%get3A_539, %get3A_540, %get3A_541] {strides = array<i32>} : memref<4x32x128xf32, #tpu.memory_space<vmem>>, vector<16xf32>,
      %mul3A_543 = arith.mulf %get3A_536, %get3A_542 : vector<16xf32>
      %add3A_544 = arith.addf %add3A_530, %mul3A_543 : vector<16xf32>
      %get3A_545 = arith.constant 2 : i32
      %get3A_546 = arith.constant 0 : i32
      %get3A_547 = arith.index_cast %get3A_545 : i32 to index
      %get3A_548 = arith.index_cast %get3A_546 : i32 to index
      %get3A_549 = arith.constant 80 : index
      %get3A_550 = tpu.vector_load %arg10[%get3A_547, %get3A_548, %get3A_549] {strides = array<i32>} : memref<4x32x128xf32, #tpu.memory_space<vmem>>, vector<16xf32>,
      %get3A_551 = arith.constant 0 : i32
      %get3A_552 = arith.constant 21 : i32
      %get3A_553 = arith.index_cast %get3A_551 : i32 to index
      %get3A_554 = arith.index_cast %get3A_552 : i32 to index
      %get3A_555 = arith.constant 0 : index
      %get3A_556 = tpu.vector_load %arg10[%get3A_553, %get3A_554, %get3A_555] {strides = array<i32>} : memref<4x32x128xf32, #tpu.memory_space<vmem>>, vector<16xf32>,
      %mul3A_557 = arith.mulf %get3A_550, %get3A_556 : vector<16xf32>
      %add3A_558 = arith.addf %add3A_544, %mul3A_557 : vector<16xf32>
      %get3A_559 = arith.constant 2 : i32
      %get3A_560 = arith.constant 0 : i32
      %get3A_561 = arith.index_cast %get3A_559 : i32 to index
      %get3A_562 = arith.index_cast %get3A_560 : i32 to index
      %get3A_563 = arith.constant 96 : index
      %get3A_564 = tpu.vector_load %arg10[%get3A_561, %get3A_562, %get3A_563] {strides = array<i32>} : memref<4x32x128xf32, #tpu.memory_space<vmem>>, vector<16xf32>,
      %get3A_565 = arith.constant 0 : i32
      %get3A_566 = arith.constant 22 : i32
      %get3A_567 = arith.index_cast %get3A_565 : i32 to index
      %get3A_568 = arith.index_cast %get3A_566 : i32 to index
      %get3A_569 = arith.constant 0 : index
      %get3A_570 = tpu.vector_load %arg10[%get3A_567, %get3A_568, %get3A_569] {strides = array<i32>} : memref<4x32x128xf32, #tpu.memory_space<vmem>>, vector<16xf32>,
      %mul3A_571 = arith.mulf %get3A_564, %get3A_570 : vector<16xf32>
      %add3A_572 = arith.addf %add3A_558, %mul3A_571 : vector<16xf32>
      %get3A_573 = arith.constant 2 : i32
      %get3A_574 = arith.constant 0 : i32
      %get3A_575 = arith.index_cast %get3A_573 : i32 to index
      %get3A_576 = arith.index_cast %get3A_574 : i32 to index
      %get3A_577 = arith.constant 112 : index
      %get3A_578 = tpu.vector_load %arg10[%get3A_575, %get3A_576, %get3A_577] {strides = array<i32>} : memref<4x32x128xf32, #tpu.memory_space<vmem>>, vector<16xf32>,
      %get3A_579 = arith.constant 0 : i32
      %get3A_580 = arith.constant 23 : i32
      %get3A_581 = arith.index_cast %get3A_579 : i32 to index
      %get3A_582 = arith.index_cast %get3A_580 : i32 to index
      %get3A_583 = arith.constant 0 : index
      %get3A_584 = tpu.vector_load %arg10[%get3A_581, %get3A_582, %get3A_583] {strides = array<i32>} : memref<4x32x128xf32, #tpu.memory_space<vmem>>, vector<16xf32>,
      %mul3A_585 = arith.mulf %get3A_578, %get3A_584 : vector<16xf32>
      %add3A_586 = arith.addf %add3A_572, %mul3A_585 : vector<16xf32>
      %get3A_587 = arith.constant 3 : i32
      %get3A_588 = arith.constant 0 : i32
      %get3A_589 = arith.index_cast %get3A_587 : i32 to index
      %get3A_590 = arith.index_cast %get3A_588 : i32 to index
      %get3A_591 = arith.constant 0 : index
      %get3A_592 = tpu.vector_load %arg10[%get3A_589, %get3A_590, %get3A_591] {strides = array<i32>} : memref<4x32x128xf32, #tpu.memory_space<vmem>>, vector<16xf32>,
      %get3A_593 = arith.constant 0 : i32
      %get3A_594 = arith.constant 24 : i32
      %get3A_595 = arith.index_cast %get3A_593 : i32 to index
      %get3A_596 = arith.index_cast %get3A_594 : i32 to index
      %get3A_597 = arith.constant 0 : index
      %get3A_598 = tpu.vector_load %arg10[%get3A_595, %get3A_596, %get3A_597] {strides = array<i32>} : memref<4x32x128xf32, #tpu.memory_space<vmem>>, vector<16xf32>,
      %mul3A_599 = arith.mulf %get3A_592, %get3A_598 : vector<16xf32>
      %add3A_600 = arith.addf %add3A_586, %mul3A_599 : vector<16xf32>
      %get3A_601 = arith.constant 3 : i32
      %get3A_602 = arith.constant 0 : i32
      %get3A_603 = arith.index_cast %get3A_601 : i32 to index
      %get3A_604 = arith.index_cast %get3A_602 : i32 to index
      %get3A_605 = arith.constant 16 : index
      %get3A_606 = tpu.vector_load %arg10[%get3A_603, %get3A_604, %get3A_605] {strides = array<i32>} : memref<4x32x128xf32, #tpu.memory_space<vmem>>, vector<16xf32>,
      %get3A_607 = arith.constant 0 : i32
      %get3A_608 = arith.constant 25 : i32
      %get3A_609 = arith.index_cast %get3A_607 : i32 to index
      %get3A_610 = arith.index_cast %get3A_608 : i32 to index
      %get3A_611 = arith.constant 0 : index
      %get3A_612 = tpu.vector_load %arg10[%get3A_609, %get3A_610, %get3A_611] {strides = array<i32>} : memref<4x32x128xf32, #tpu.memory_space<vmem>>, vector<16xf32>,
      %mul3A_613 = arith.mulf %get3A_606, %get3A_612 : vector<16xf32>
      %add3A_614 = arith.addf %add3A_600, %mul3A_613 : vector<16xf32>
      %get3A_615 = arith.constant 0 : i32
      %get3A_616 = arith.constant 1 : i32
      %get3A_617 = arith.index_cast %get3A_615 : i32 to index
      %get3A_618 = arith.index_cast %get3A_616 : i32 to index
      %get3A_619 = arith.constant 32 : index
      %get3A_620 = tpu.vector_load %arg10[%get3A_617, %get3A_618, %get3A_619] {strides = array<i32>} : memref<4x32x128xf32, #tpu.memory_space<vmem>>, vector<16xf32>,
      %get3A_621 = arith.constant 0 : i32
      %get3A_622 = arith.constant 2 : i32
      %get3A_623 = arith.index_cast %get3A_621 : i32 to index
      %get3A_624 = arith.index_cast %get3A_622 : i32 to index
      %get3A_625 = arith.constant 16 : index
      %get3A_626 = tpu.vector_load %arg10[%get3A_623, %get3A_624, %get3A_625] {strides = array<i32>} : memref<4x32x128xf32, #tpu.memory_space<vmem>>, vector<16xf32>,
      %mul3A_627 = arith.mulf %get3A_620, %get3A_626 : vector<16xf32>
      %add3A_628 = arith.addf %add3A_614, %mul3A_627 : vector<16xf32>
      %get3A_629 = arith.constant 0 : i32
      %get3A_630 = arith.constant 1 : i32
      %get3A_631 = arith.index_cast %get3A_629 : i32 to index
      %get3A_632 = arith.index_cast %get3A_630 : i32 to index
      %get3A_633 = arith.constant 48 : index
      %get3A_634 = tpu.vector_load %arg10[%get3A_631, %get3A_632, %get3A_633] {strides = array<i32>} : memref<4x32x128xf32, #tpu.memory_space<vmem>>, vector<16xf32>,
      %get3A_635 = arith.constant 0 : i32
      %get3A_636 = arith.constant 3 : i32
      %get3A_637 = arith.index_cast %get3A_635 : i32 to index
      %get3A_638 = arith.index_cast %get3A_636 : i32 to index
      %get3A_639 = arith.constant 16 : index
      %get3A_640 = tpu.vector_load %arg10[%get3A_637, %get3A_638, %get3A_639] {strides = array<i32>} : memref<4x32x128xf32, #tpu.memory_space<vmem>>, vector<16xf32>,
      %mul3A_641 = arith.mulf %get3A_634, %get3A_640 : vector<16xf32>
      %add3A_642 = arith.addf %add3A_628, %mul3A_641 : vector<16xf32>
      %get3A_643 = arith.constant 0 : i32
      %get3A_644 = arith.constant 1 : i32
      %get3A_645 = arith.index_cast %get3A_643 : i32 to index
      %get3A_646 = arith.index_cast %get3A_644 : i32 to index
      %get3A_647 = arith.constant 64 : index
      %get3A_648 = tpu.vector_load %arg10[%get3A_645, %get3A_646, %get3A_647] {strides = array<i32>} : memref<4x32x128xf32, #tpu.memory_space<vmem>>, vector<16xf32>,
      %get3A_649 = arith.constant 0 : i32
      %get3A_650 = arith.constant 4 : i32
      %get3A_651 = arith.index_cast %get3A_649 : i32 to index
      %get3A_652 = arith.index_cast %get3A_650 : i32 to index
      %get3A_653 = arith.constant 16 : index
      %get3A_654 = tpu.vector_load %arg10[%get3A_651, %get3A_652, %get3A_653] {strides = array<i32>} : memref<4x32x128xf32, #tpu.memory_space<vmem>>, vector<16xf32>,
      %mul3A_655 = arith.mulf %get3A_648, %get3A_654 : vector<16xf32>
      %add3A_656 = arith.addf %add3A_642, %mul3A_655 : vector<16xf32>
      %get3A_657 = arith.constant 0 : i32
      %get3A_658 = arith.constant 1 : i32
      %get3A_659 = arith.index_cast %get3A_657 : i32 to index
      %get3A_660 = arith.index_cast %get3A_658 : i32 to index
      %get3A_661 = arith.constant 80 : index
      %get3A_662 = tpu.vector_load %arg10[%get3A_659, %get3A_660, %get3A_661] {strides = array<i32>} : memref<4x32x128xf32, #tpu.memory_space<vmem>>, vector<16xf32>,
      %get3A_663 = arith.constant 0 : i32
      %get3A_664 = arith.constant 5 : i32
      %get3A_665 = arith.index_cast %get3A_663 : i32 to index
      %get3A_666 = arith.index_cast %get3A_664 : i32 to index
      %get3A_667 = arith.constant 16 : index
      %get3A_668 = tpu.vector_load %arg10[%get3A_665, %get3A_666, %get3A_667] {strides = array<i32>} : memref<4x32x128xf32, #tpu.memory_space<vmem>>, vector<16xf32>,
      %mul3A_669 = arith.mulf %get3A_662, %get3A_668 : vector<16xf32>
      %add3A_670 = arith.addf %add3A_656, %mul3A_669 : vector<16xf32>
      %get3A_671 = arith.constant 0 : i32
      %get3A_672 = arith.constant 1 : i32
      %get3A_673 = arith.index_cast %get3A_671 : i32 to index
      %get3A_674 = arith.index_cast %get3A_672 : i32 to index
      %get3A_675 = arith.constant 96 : index
      %get3A_676 = tpu.vector_load %arg10[%get3A_673, %get3A_674, %get3A_675] {strides = array<i32>} : memref<4x32x128xf32, #tpu.memory_space<vmem>>, vector<16xf32>,
      %get3A_677 = arith.constant 0 : i32
      %get3A_678 = arith.constant 6 : i32
      %get3A_679 = arith.index_cast %get3A_677 : i32 to index
      %get3A_680 = arith.index_cast %get3A_678 : i32 to index
      %get3A_681 = arith.constant 16 : index
      %get3A_682 = tpu.vector_load %arg10[%get3A_679, %get3A_680, %get3A_681] {strides = array<i32>} : memref<4x32x128xf32, #tpu.memory_space<vmem>>, vector<16xf32>,
      %mul3A_683 = arith.mulf %get3A_676, %get3A_682 : vector<16xf32>
      %add3A_684 = arith.addf %add3A_670, %mul3A_683 : vector<16xf32>
      %get3A_685 = arith.constant 0 : i32
      %get3A_686 = arith.constant 1 : i32
      %get3A_687 = arith.index_cast %get3A_685 : i32 to index
      %get3A_688 = arith.index_cast %get3A_686 : i32 to index
      %get3A_689 = arith.constant 112 : index
      %get3A_690 = tpu.vector_load %arg10[%get3A_687, %get3A_688, %get3A_689] {strides = array<i32>} : memref<4x32x128xf32, #tpu.memory_space<vmem>>, vector<16xf32>,
      %get3A_691 = arith.constant 0 : i32
      %get3A_692 = arith.constant 7 : i32
      %get3A_693 = arith.index_cast %get3A_691 : i32 to index
      %get3A_694 = arith.index_cast %get3A_692 : i32 to index
      %get3A_695 = arith.constant 16 : index
      %get3A_696 = tpu.vector_load %arg10[%get3A_693, %get3A_694, %get3A_695] {strides = array<i32>} : memref<4x32x128xf32, #tpu.memory_space<vmem>>, vector<16xf32>,
      %mul3A_697 = arith.mulf %get3A_690, %get3A_696 : vector<16xf32>
      %add3A_698 = arith.addf %add3A_684, %mul3A_697 : vector<16xf32>
      %get3A_699 = arith.constant 1 : i32
      %get3A_700 = arith.constant 1 : i32
      %get3A_701 = arith.index_cast %get3A_699 : i32 to index
      %get3A_702 = arith.index_cast %get3A_700 : i32 to index
      %get3A_703 = arith.constant 0 : index
      %get3A_704 = tpu.vector_load %arg10[%get3A_701, %get3A_702, %get3A_703] {strides = array<i32>} : memref<4x32x128xf32, #tpu.memory_space<vmem>>, vector<16xf32>,
      %get3A_705 = arith.constant 0 : i32
      %get3A_706 = arith.constant 8 : i32
      %get3A_707 = arith.index_cast %get3A_705 : i32 to index
      %get3A_708 = arith.index_cast %get3A_706 : i32 to index
      %get3A_709 = arith.constant 16 : index
      %get3A_710 = tpu.vector_load %arg10[%get3A_707, %get3A_708, %get3A_709] {strides = array<i32>} : memref<4x32x128xf32, #tpu.memory_space<vmem>>, vector<16xf32>,
      %mul3A_711 = arith.mulf %get3A_704, %get3A_710 : vector<16xf32>
      %add3A_712 = arith.addf %add3A_698, %mul3A_711 : vector<16xf32>
      %get3A_713 = arith.constant 1 : i32
      %get3A_714 = arith.constant 1 : i32
      %get3A_715 = arith.index_cast %get3A_713 : i32 to index
      %get3A_716 = arith.index_cast %get3A_714 : i32 to index
      %get3A_717 = arith.constant 16 : index
      %get3A_718 = tpu.vector_load %arg10[%get3A_715, %get3A_716, %get3A_717] {strides = array<i32>} : memref<4x32x128xf32, #tpu.memory_space<vmem>>, vector<16xf32>,
      %get3A_719 = arith.constant 0 : i32
      %get3A_720 = arith.constant 9 : i32
      %get3A_721 = arith.index_cast %get3A_719 : i32 to index
      %get3A_722 = arith.index_cast %get3A_720 : i32 to index
      %get3A_723 = arith.constant 16 : index
      %get3A_724 = tpu.vector_load %arg10[%get3A_721, %get3A_722, %get3A_723] {strides = array<i32>} : memref<4x32x128xf32, #tpu.memory_space<vmem>>, vector<16xf32>,
      %mul3A_725 = arith.mulf %get3A_718, %get3A_724 : vector<16xf32>
      %add3A_726 = arith.addf %add3A_712, %mul3A_725 : vector<16xf32>
      %get3A_727 = arith.constant 1 : i32
      %get3A_728 = arith.constant 1 : i32
      %get3A_729 = arith.index_cast %get3A_727 : i32 to index
      %get3A_730 = arith.index_cast %get3A_728 : i32 to index
      %get3A_731 = arith.constant 32 : index
      %get3A_732 = tpu.vector_load %arg10[%get3A_729, %get3A_730, %get3A_731] {strides = array<i32>} : memref<4x32x128xf32, #tpu.memory_space<vmem>>, vector<16xf32>,
      %get3A_733 = arith.constant 0 : i32
      %get3A_734 = arith.constant 10 : i32
      %get3A_735 = arith.index_cast %get3A_733 : i32 to index
      %get3A_736 = arith.index_cast %get3A_734 : i32 to index
      %get3A_737 = arith.constant 16 : index
      %get3A_738 = tpu.vector_load %arg10[%get3A_735, %get3A_736, %get3A_737] {strides = array<i32>} : memref<4x32x128xf32, #tpu.memory_space<vmem>>, vector<16xf32>,
      %mul3A_739 = arith.mulf %get3A_732, %get3A_738 : vector<16xf32>
      %add3A_740 = arith.addf %add3A_726, %mul3A_739 : vector<16xf32>
      %get3A_741 = arith.constant 1 : i32
      %get3A_742 = arith.constant 1 : i32
      %get3A_743 = arith.index_cast %get3A_741 : i32 to index
      %get3A_744 = arith.index_cast %get3A_742 : i32 to index
      %get3A_745 = arith.constant 48 : index
      %get3A_746 = tpu.vector_load %arg10[%get3A_743, %get3A_744, %get3A_745] {strides = array<i32>} : memref<4x32x128xf32, #tpu.memory_space<vmem>>, vector<16xf32>,
      %get3A_747 = arith.constant 0 : i32
      %get3A_748 = arith.constant 11 : i32
      %get3A_749 = arith.index_cast %get3A_747 : i32 to index
      %get3A_750 = arith.index_cast %get3A_748 : i32 to index
      %get3A_751 = arith.constant 16 : index
      %get3A_752 = tpu.vector_load %arg10[%get3A_749, %get3A_750, %get3A_751] {strides = array<i32>} : memref<4x32x128xf32, #tpu.memory_space<vmem>>, vector<16xf32>,
      %mul3A_753 = arith.mulf %get3A_746, %get3A_752 : vector<16xf32>
      %add3A_754 = arith.addf %add3A_740, %mul3A_753 : vector<16xf32>
      %get3A_755 = arith.constant 1 : i32
      %get3A_756 = arith.constant 1 : i32
      %get3A_757 = arith.index_cast %get3A_755 : i32 to index
      %get3A_758 = arith.index_cast %get3A_756 : i32 to index
      %get3A_759 = arith.constant 64 : index
      %get3A_760 = tpu.vector_load %arg10[%get3A_757, %get3A_758, %get3A_759] {strides = array<i32>} : memref<4x32x128xf32, #tpu.memory_space<vmem>>, vector<16xf32>,
      %get3A_761 = arith.constant 0 : i32
      %get3A_762 = arith.constant 12 : i32
      %get3A_763 = arith.index_cast %get3A_761 : i32 to index
      %get3A_764 = arith.index_cast %get3A_762 : i32 to index
      %get3A_765 = arith.constant 16 : index
      %get3A_766 = tpu.vector_load %arg10[%get3A_763, %get3A_764, %get3A_765] {strides = array<i32>} : memref<4x32x128xf32, #tpu.memory_space<vmem>>, vector<16xf32>,
      %mul3A_767 = arith.mulf %get3A_760, %get3A_766 : vector<16xf32>
      %add3A_768 = arith.addf %add3A_754, %mul3A_767 : vector<16xf32>
      %get3A_769 = arith.constant 1 : i32
      %get3A_770 = arith.constant 1 : i32
      %get3A_771 = arith.index_cast %get3A_769 : i32 to index
      %get3A_772 = arith.index_cast %get3A_770 : i32 to index
      %get3A_773 = arith.constant 80 : index
      %get3A_774 = tpu.vector_load %arg10[%get3A_771, %get3A_772, %get3A_773] {strides = array<i32>} : memref<4x32x128xf32, #tpu.memory_space<vmem>>, vector<16xf32>,
      %get3A_775 = arith.constant 0 : i32
      %get3A_776 = arith.constant 13 : i32
      %get3A_777 = arith.index_cast %get3A_775 : i32 to index
      %get3A_778 = arith.index_cast %get3A_776 : i32 to index
      %get3A_779 = arith.constant 16 : index
      %get3A_780 = tpu.vector_load %arg10[%get3A_777, %get3A_778, %get3A_779] {strides = array<i32>} : memref<4x32x128xf32, #tpu.memory_space<vmem>>, vector<16xf32>,
      %mul3A_781 = arith.mulf %get3A_774, %get3A_780 : vector<16xf32>
      %add3A_782 = arith.addf %add3A_768, %mul3A_781 : vector<16xf32>
      %get3A_783 = arith.constant 1 : i32
      %get3A_784 = arith.constant 1 : i32
      %get3A_785 = arith.index_cast %get3A_783 : i32 to index
      %get3A_786 = arith.index_cast %get3A_784 : i32 to index
      %get3A_787 = arith.constant 96 : index
      %get3A_788 = tpu.vector_load %arg10[%get3A_785, %get3A_786, %get3A_787] {strides = array<i32>} : memref<4x32x128xf32, #tpu.memory_space<vmem>>, vector<16xf32>,
      %get3A_789 = arith.constant 0 : i32
      %get3A_790 = arith.constant 14 : i32
      %get3A_791 = arith.index_cast %get3A_789 : i32 to index
      %get3A_792 = arith.index_cast %get3A_790 : i32 to index
      %get3A_793 = arith.constant 16 : index
      %get3A_794 = tpu.vector_load %arg10[%get3A_791, %get3A_792, %get3A_793] {strides = array<i32>} : memref<4x32x128xf32, #tpu.memory_space<vmem>>, vector<16xf32>,
      %mul3A_795 = arith.mulf %get3A_788, %get3A_794 : vector<16xf32>
      %add3A_796 = arith.addf %add3A_782, %mul3A_795 : vector<16xf32>
      %get3A_797 = arith.constant 1 : i32
      %get3A_798 = arith.constant 1 : i32
      %get3A_799 = arith.index_cast %get3A_797 : i32 to index
      %get3A_800 = arith.index_cast %get3A_798 : i32 to index
      %get3A_801 = arith.constant 112 : index
      %get3A_802 = tpu.vector_load %arg10[%get3A_799, %get3A_800, %get3A_801] {strides = array<i32>} : memref<4x32x128xf32, #tpu.memory_space<vmem>>, vector<16xf32>,
      %get3A_803 = arith.constant 0 : i32
      %get3A_804 = arith.constant 15 : i32
      %get3A_805 = arith.index_cast %get3A_803 : i32 to index
      %get3A_806 = arith.index_cast %get3A_804 : i32 to index
      %get3A_807 = arith.constant 16 : index
      %get3A_808 = tpu.vector_load %arg10[%get3A_805, %get3A_806, %get3A_807] {strides = array<i32>} : memref<4x32x128xf32, #tpu.memory_space<vmem>>, vector<16xf32>,
      %mul3A_809 = arith.mulf %get3A_802, %get3A_808 : vector<16xf32>
      %add3A_810 = arith.addf %add3A_796, %mul3A_809 : vector<16xf32>
      %get3A_811 = arith.constant 2 : i32
      %get3A_812 = arith.constant 1 : i32
      %get3A_813 = arith.index_cast %get3A_811 : i32 to index
      %get3A_814 = arith.index_cast %get3A_812 : i32 to index
      %get3A_815 = arith.constant 0 : index
      %get3A_816 = tpu.vector_load %arg10[%get3A_813, %get3A_814, %get3A_815] {strides = array<i32>} : memref<4x32x128xf32, #tpu.memory_space<vmem>>, vector<16xf32>,
      %get3A_817 = arith.constant 0 : i32
      %get3A_818 = arith.constant 16 : i32
      %get3A_819 = arith.index_cast %get3A_817 : i32 to index
      %get3A_820 = arith.index_cast %get3A_818 : i32 to index
      %get3A_821 = arith.constant 16 : index
      %get3A_822 = tpu.vector_load %arg10[%get3A_819, %get3A_820, %get3A_821] {strides = array<i32>} : memref<4x32x128xf32, #tpu.memory_space<vmem>>, vector<16xf32>,
      %mul3A_823 = arith.mulf %get3A_816, %get3A_822 : vector<16xf32>
      %add3A_824 = arith.addf %add3A_810, %mul3A_823 : vector<16xf32>
      %get3A_825 = arith.constant 2 : i32
      %get3A_826 = arith.constant 1 : i32
      %get3A_827 = arith.index_cast %get3A_825 : i32 to index
      %get3A_828 = arith.index_cast %get3A_826 : i32 to index
      %get3A_829 = arith.constant 16 : index
      %get3A_830 = tpu.vector_load %arg10[%get3A_827, %get3A_828, %get3A_829] {strides = array<i32>} : memref<4x32x128xf32, #tpu.memory_space<vmem>>, vector<16xf32>,
      %get3A_831 = arith.constant 0 : i32
      %get3A_832 = arith.constant 17 : i32
      %get3A_833 = arith.index_cast %get3A_831 : i32 to index
      %get3A_834 = arith.index_cast %get3A_832 : i32 to index
      %get3A_835 = arith.constant 16 : index
      %get3A_836 = tpu.vector_load %arg10[%get3A_833, %get3A_834, %get3A_835] {strides = array<i32>} : memref<4x32x128xf32, #tpu.memory_space<vmem>>, vector<16xf32>,
      %mul3A_837 = arith.mulf %get3A_830, %get3A_836 : vector<16xf32>
      %add3A_838 = arith.addf %add3A_824, %mul3A_837 : vector<16xf32>
      %get3A_839 = arith.constant 2 : i32
      %get3A_840 = arith.constant 1 : i32
      %get3A_841 = arith.index_cast %get3A_839 : i32 to index
      %get3A_842 = arith.index_cast %get3A_840 : i32 to index
      %get3A_843 = arith.constant 32 : index
      %get3A_844 = tpu.vector_load %arg10[%get3A_841, %get3A_842, %get3A_843] {strides = array<i32>} : memref<4x32x128xf32, #tpu.memory_space<vmem>>, vector<16xf32>,
      %get3A_845 = arith.constant 0 : i32
      %get3A_846 = arith.constant 18 : i32
      %get3A_847 = arith.index_cast %get3A_845 : i32 to index
      %get3A_848 = arith.index_cast %get3A_846 : i32 to index
      %get3A_849 = arith.constant 16 : index
      %get3A_850 = tpu.vector_load %arg10[%get3A_847, %get3A_848, %get3A_849] {strides = array<i32>} : memref<4x32x128xf32, #tpu.memory_space<vmem>>, vector<16xf32>,
      %mul3A_851 = arith.mulf %get3A_844, %get3A_850 : vector<16xf32>
      %add3A_852 = arith.addf %add3A_838, %mul3A_851 : vector<16xf32>
      %get3A_853 = arith.constant 2 : i32
      %get3A_854 = arith.constant 1 : i32
      %get3A_855 = arith.index_cast %get3A_853 : i32 to index
      %get3A_856 = arith.index_cast %get3A_854 : i32 to index
      %get3A_857 = arith.constant 48 : index
      %get3A_858 = tpu.vector_load %arg10[%get3A_855, %get3A_856, %get3A_857] {strides = array<i32>} : memref<4x32x128xf32, #tpu.memory_space<vmem>>, vector<16xf32>,
      %get3A_859 = arith.constant 0 : i32
      %get3A_860 = arith.constant 19 : i32
      %get3A_861 = arith.index_cast %get3A_859 : i32 to index
      %get3A_862 = arith.index_cast %get3A_860 : i32 to index
      %get3A_863 = arith.constant 16 : index
      %get3A_864 = tpu.vector_load %arg10[%get3A_861, %get3A_862, %get3A_863] {strides = array<i32>} : memref<4x32x128xf32, #tpu.memory_space<vmem>>, vector<16xf32>,
      %mul3A_865 = arith.mulf %get3A_858, %get3A_864 : vector<16xf32>
      %add3A_866 = arith.addf %add3A_852, %mul3A_865 : vector<16xf32>
      %get3A_867 = arith.constant 2 : i32
      %get3A_868 = arith.constant 1 : i32
      %get3A_869 = arith.index_cast %get3A_867 : i32 to index
      %get3A_870 = arith.index_cast %get3A_868 : i32 to index
      %get3A_871 = arith.constant 64 : index
      %get3A_872 = tpu.vector_load %arg10[%get3A_869, %get3A_870, %get3A_871] {strides = array<i32>} : memref<4x32x128xf32, #tpu.memory_space<vmem>>, vector<16xf32>,
      %get3A_873 = arith.constant 0 : i32
      %get3A_874 = arith.constant 20 : i32
      %get3A_875 = arith.index_cast %get3A_873 : i32 to index
      %get3A_876 = arith.index_cast %get3A_874 : i32 to index
      %get3A_877 = arith.constant 16 : index
      %get3A_878 = tpu.vector_load %arg10[%get3A_875, %get3A_876, %get3A_877] {strides = array<i32>} : memref<4x32x128xf32, #tpu.memory_space<vmem>>, vector<16xf32>,
      %mul3A_879 = arith.mulf %get3A_872, %get3A_878 : vector<16xf32>
      %add3A_880 = arith.addf %add3A_866, %mul3A_879 : vector<16xf32>
      %get3A_881 = arith.constant 2 : i32
      %get3A_882 = arith.constant 1 : i32
      %get3A_883 = arith.index_cast %get3A_881 : i32 to index
      %get3A_884 = arith.index_cast %get3A_882 : i32 to index
      %get3A_885 = arith.constant 80 : index
      %get3A_886 = tpu.vector_load %arg10[%get3A_883, %get3A_884, %get3A_885] {strides = array<i32>} : memref<4x32x128xf32, #tpu.memory_space<vmem>>, vector<16xf32>,
      %get3A_887 = arith.constant 0 : i32
      %get3A_888 = arith.constant 21 : i32
      %get3A_889 = arith.index_cast %get3A_887 : i32 to index
      %get3A_890 = arith.index_cast %get3A_888 : i32 to index
      %get3A_891 = arith.constant 16 : index
      %get3A_892 = tpu.vector_load %arg10[%get3A_889, %get3A_890, %get3A_891] {strides = array<i32>} : memref<4x32x128xf32, #tpu.memory_space<vmem>>, vector<16xf32>,
      %mul3A_893 = arith.mulf %get3A_886, %get3A_892 : vector<16xf32>
      %add3A_894 = arith.addf %add3A_880, %mul3A_893 : vector<16xf32>
      %get3A_895 = arith.constant 2 : i32
      %get3A_896 = arith.constant 1 : i32
      %get3A_897 = arith.index_cast %get3A_895 : i32 to index
      %get3A_898 = arith.index_cast %get3A_896 : i32 to index
      %get3A_899 = arith.constant 96 : index
      %get3A_900 = tpu.vector_load %arg10[%get3A_897, %get3A_898, %get3A_899] {strides = array<i32>} : memref<4x32x128xf32, #tpu.memory_space<vmem>>, vector<16xf32>,
      %get3A_901 = arith.constant 0 : i32
      %get3A_902 = arith.constant 22 : i32
      %get3A_903 = arith.index_cast %get3A_901 : i32 to index
      %get3A_904 = arith.index_cast %get3A_902 : i32 to index
      %get3A_905 = arith.constant 16 : index
      %get3A_906 = tpu.vector_load %arg10[%get3A_903, %get3A_904, %get3A_905] {strides = array<i32>} : memref<4x32x128xf32, #tpu.memory_space<vmem>>, vector<16xf32>,
      %mul3A_907 = arith.mulf %get3A_900, %get3A_906 : vector<16xf32>
      %add3A_908 = arith.addf %add3A_894, %mul3A_907 : vector<16xf32>
      %get3A_909 = arith.constant 2 : i32
      %get3A_910 = arith.constant 1 : i32
      %get3A_911 = arith.index_cast %get3A_909 : i32 to index
      %get3A_912 = arith.index_cast %get3A_910 : i32 to index
      %get3A_913 = arith.constant 112 : index
      %get3A_914 = tpu.vector_load %arg10[%get3A_911, %get3A_912, %get3A_913] {strides = array<i32>} : memref<4x32x128xf32, #tpu.memory_space<vmem>>, vector<16xf32>,
      %get3A_915 = arith.constant 0 : i32
      %get3A_916 = arith.constant 23 : i32
      %get3A_917 = arith.index_cast %get3A_915 : i32 to index
      %get3A_918 = arith.index_cast %get3A_916 : i32 to index
      %get3A_919 = arith.constant 16 : index
      %get3A_920 = tpu.vector_load %arg10[%get3A_917, %get3A_918, %get3A_919] {strides = array<i32>} : memref<4x32x128xf32, #tpu.memory_space<vmem>>, vector<16xf32>,
      %mul3A_921 = arith.mulf %get3A_914, %get3A_920 : vector<16xf32>
      %add3A_922 = arith.addf %add3A_908, %mul3A_921 : vector<16xf32>
      %get3A_923 = arith.constant 3 : i32
      %get3A_924 = arith.constant 1 : i32
      %get3A_925 = arith.index_cast %get3A_923 : i32 to index
      %get3A_926 = arith.index_cast %get3A_924 : i32 to index
      %get3A_927 = arith.constant 0 : index
      %get3A_928 = tpu.vector_load %arg10[%get3A_925, %get3A_926, %get3A_927] {strides = array<i32>} : memref<4x32x128xf32, #tpu.memory_space<vmem>>, vector<16xf32>,
      %get3A_929 = arith.constant 0 : i32
      %get3A_930 = arith.constant 24 : i32
      %get3A_931 = arith.index_cast %get3A_929 : i32 to index
      %get3A_932 = arith.index_cast %get3A_930 : i32 to index
      %get3A_933 = arith.constant 16 : index
      %get3A_934 = tpu.vector_load %arg10[%get3A_931, %get3A_932, %get3A_933] {strides = array<i32>} : memref<4x32x128xf32, #tpu.memory_space<vmem>>, vector<16xf32>,
      %mul3A_935 = arith.mulf %get3A_928, %get3A_934 : vector<16xf32>
      %add3A_936 = arith.addf %add3A_922, %mul3A_935 : vector<16xf32>
      %get3A_937 = arith.constant 3 : i32
      %get3A_938 = arith.constant 1 : i32
      %get3A_939 = arith.index_cast %get3A_937 : i32 to index
      %get3A_940 = arith.index_cast %get3A_938 : i32 to index
      %get3A_941 = arith.constant 16 : index
      %get3A_942 = tpu.vector_load %arg10[%get3A_939, %get3A_940, %get3A_941] {strides = array<i32>} : memref<4x32x128xf32, #tpu.memory_space<vmem>>, vector<16xf32>,
      %get3A_943 = arith.constant 0 : i32
      %get3A_944 = arith.constant 25 : i32
      %get3A_945 = arith.index_cast %get3A_943 : i32 to index
      %get3A_946 = arith.index_cast %get3A_944 : i32 to index
      %get3A_947 = arith.constant 16 : index
      %get3A_948 = tpu.vector_load %arg10[%get3A_945, %get3A_946, %get3A_947] {strides = array<i32>} : memref<4x32x128xf32, #tpu.memory_space<vmem>>, vector<16xf32>,
      %mul3A_949 = arith.mulf %get3A_942, %get3A_948 : vector<16xf32>
      %add3A_950 = arith.addf %add3A_936, %mul3A_949 : vector<16xf32>
      %get3A_951 = arith.constant 0 : i32
      %get3A_952 = arith.constant 2 : i32
      %get3A_953 = arith.index_cast %get3A_951 : i32 to index
      %get3A_954 = arith.index_cast %get3A_952 : i32 to index
      %get3A_955 = arith.constant 48 : index
      %get3A_956 = tpu.vector_load %arg10[%get3A_953, %get3A_954, %get3A_955] {strides = array<i32>} : memref<4x32x128xf32, #tpu.memory_space<vmem>>, vector<16xf32>,
      %get3A_957 = arith.constant 0 : i32
      %get3A_958 = arith.constant 3 : i32
      %get3A_959 = arith.index_cast %get3A_957 : i32 to index
      %get3A_960 = arith.index_cast %get3A_958 : i32 to index
      %get3A_961 = arith.constant 32 : index
      %get3A_962 = tpu.vector_load %arg10[%get3A_959, %get3A_960, %get3A_961] {strides = array<i32>} : memref<4x32x128xf32, #tpu.memory_space<vmem>>, vector<16xf32>,
      %mul3A_963 = arith.mulf %get3A_956, %get3A_962 : vector<16xf32>
      %add3A_964 = arith.addf %add3A_950, %mul3A_963 : vector<16xf32>
      %get3A_965 = arith.constant 0 : i32
      %get3A_966 = arith.constant 2 : i32
      %get3A_967 = arith.index_cast %get3A_965 : i32 to index
      %get3A_968 = arith.index_cast %get3A_966 : i32 to index
      %get3A_969 = arith.constant 64 : index
      %get3A_970 = tpu.vector_load %arg10[%get3A_967, %get3A_968, %get3A_969] {strides = array<i32>} : memref<4x32x128xf32, #tpu.memory_space<vmem>>, vector<16xf32>,
      %get3A_971 = arith.constant 0 : i32
      %get3A_972 = arith.constant 4 : i32
      %get3A_973 = arith.index_cast %get3A_971 : i32 to index
      %get3A_974 = arith.index_cast %get3A_972 : i32 to index
      %get3A_975 = arith.constant 32 : index
      %get3A_976 = tpu.vector_load %arg10[%get3A_973, %get3A_974, %get3A_975] {strides = array<i32>} : memref<4x32x128xf32, #tpu.memory_space<vmem>>, vector<16xf32>,
      %mul3A_977 = arith.mulf %get3A_970, %get3A_976 : vector<16xf32>
      %add3A_978 = arith.addf %add3A_964, %mul3A_977 : vector<16xf32>
      %get3A_979 = arith.constant 0 : i32
      %get3A_980 = arith.constant 2 : i32
      %get3A_981 = arith.index_cast %get3A_979 : i32 to index
      %get3A_982 = arith.index_cast %get3A_980 : i32 to index
      %get3A_983 = arith.constant 80 : index
      %get3A_984 = tpu.vector_load %arg10[%get3A_981, %get3A_982, %get3A_983] {strides = array<i32>} : memref<4x32x128xf32, #tpu.memory_space<vmem>>, vector<16xf32>,
      %get3A_985 = arith.constant 0 : i32
      %get3A_986 = arith.constant 5 : i32
      %get3A_987 = arith.index_cast %get3A_985 : i32 to index
      %get3A_988 = arith.index_cast %get3A_986 : i32 to index
      %get3A_989 = arith.constant 32 : index
      %get3A_990 = tpu.vector_load %arg10[%get3A_987, %get3A_988, %get3A_989] {strides = array<i32>} : memref<4x32x128xf32, #tpu.memory_space<vmem>>, vector<16xf32>,
      %mul3A_991 = arith.mulf %get3A_984, %get3A_990 : vector<16xf32>
      %add3A_992 = arith.addf %add3A_978, %mul3A_991 : vector<16xf32>
      %get3A_993 = arith.constant 0 : i32
      %get3A_994 = arith.constant 2 : i32
      %get3A_995 = arith.index_cast %get3A_993 : i32 to index
      %get3A_996 = arith.index_cast %get3A_994 : i32 to index
      %get3A_997 = arith.constant 96 : index
      %get3A_998 = tpu.vector_load %arg10[%get3A_995, %get3A_996, %get3A_997] {strides = array<i32>} : memref<4x32x128xf32, #tpu.memory_space<vmem>>, vector<16xf32>,
      %get3A_999 = arith.constant 0 : i32
      %get3A_1000 = arith.constant 6 : i32
      %get3A_1001 = arith.index_cast %get3A_999 : i32 to index
      %get3A_1002 = arith.index_cast %get3A_1000 : i32 to index
      %get3A_1003 = arith.constant 32 : index
      %get3A_1004 = tpu.vector_load %arg10[%get3A_1001, %get3A_1002, %get3A_1003] {strides = array<i32>} : memref<4x32x128xf32, #tpu.memory_space<vmem>>, vector<16xf32>,
      %mul3A_1005 = arith.mulf %get3A_998, %get3A_1004 : vector<16xf32>
      %add3A_1006 = arith.addf %add3A_992, %mul3A_1005 : vector<16xf32>
      %get3A_1007 = arith.constant 0 : i32
      %get3A_1008 = arith.constant 2 : i32
      %get3A_1009 = arith.index_cast %get3A_1007 : i32 to index
      %get3A_1010 = arith.index_cast %get3A_1008 : i32 to index
      %get3A_1011 = arith.constant 112 : index
      %get3A_1012 = tpu.vector_load %arg10[%get3A_1009, %get3A_1010, %get3A_1011] {strides = array<i32>} : memref<4x32x128xf32, #tpu.memory_space<vmem>>, vector<16xf32>,
      %get3A_1013 = arith.constant 0 : i32
      %get3A_1014 = arith.constant 7 : i32
      %get3A_1015 = arith.index_cast %get3A_1013 : i32 to index
      %get3A_1016 = arith.index_cast %get3A_1014 : i32 to index
      %get3A_1017 = arith.constant 32 : index
      %get3A_1018 = tpu.vector_load %arg10[%get3A_1015, %get3A_1016, %get3A_1017] {strides = array<i32>} : memref<4x32x128xf32, #tpu.memory_space<vmem>>, vector<16xf32>,
      %mul3A_1019 = arith.mulf %get3A_1012, %get3A_1018 : vector<16xf32>
      %add3A_1020 = arith.addf %add3A_1006, %mul3A_1019 : vector<16xf32>
      %get3A_1021 = arith.constant 1 : i32
      %get3A_1022 = arith.constant 2 : i32
      %get3A_1023 = arith.index_cast %get3A_1021 : i32 to index
      %get3A_1024 = arith.index_cast %get3A_1022 : i32 to index
      %get3A_1025 = arith.constant 0 : index
      %get3A_1026 = tpu.vector_load %arg10[%get3A_1023, %get3A_1024, %get3A_1025] {strides = array<i32>} : memref<4x32x128xf32, #tpu.memory_space<vmem>>, vector<16xf32>,
      %get3A_1027 = arith.constant 0 : i32
      %get3A_1028 = arith.constant 8 : i32
      %get3A_1029 = arith.index_cast %get3A_1027 : i32 to index
      %get3A_1030 = arith.index_cast %get3A_1028 : i32 to index
      %get3A_1031 = arith.constant 32 : index
      %get3A_1032 = tpu.vector_load %arg10[%get3A_1029, %get3A_1030, %get3A_1031] {strides = array<i32>} : memref<4x32x128xf32, #tpu.memory_space<vmem>>, vector<16xf32>,
      %mul3A_1033 = arith.mulf %get3A_1026, %get3A_1032 : vector<16xf32>
      %add3A_1034 = arith.addf %add3A_1020, %mul3A_1033 : vector<16xf32>
      %get3A_1035 = arith.constant 1 : i32
      %get3A_1036 = arith.constant 2 : i32
      %get3A_1037 = arith.index_cast %get3A_1035 : i32 to index
      %get3A_1038 = arith.index_cast %get3A_1036 : i32 to index
      %get3A_1039 = arith.constant 16 : index
      %get3A_1040 = tpu.vector_load %arg10[%get3A_1037, %get3A_1038, %get3A_1039] {strides = array<i32>} : memref<4x32x128xf32, #tpu.memory_space<vmem>>, vector<16xf32>,
      %get3A_1041 = arith.constant 0 : i32
      %get3A_1042 = arith.constant 9 : i32
      %get3A_1043 = arith.index_cast %get3A_1041 : i32 to index
      %get3A_1044 = arith.index_cast %get3A_1042 : i32 to index
      %get3A_1045 = arith.constant 32 : index
      %get3A_1046 = tpu.vector_load %arg10[%get3A_1043, %get3A_1044, %get3A_1045] {strides = array<i32>} : memref<4x32x128xf32, #tpu.memory_space<vmem>>, vector<16xf32>,
      %mul3A_1047 = arith.mulf %get3A_1040, %get3A_1046 : vector<16xf32>
      %add3A_1048 = arith.addf %add3A_1034, %mul3A_1047 : vector<16xf32>
      %get3A_1049 = arith.constant 1 : i32
      %get3A_1050 = arith.constant 2 : i32
      %get3A_1051 = arith.index_cast %get3A_1049 : i32 to index
      %get3A_1052 = arith.index_cast %get3A_1050 : i32 to index
      %get3A_1053 = arith.constant 32 : index
      %get3A_1054 = tpu.vector_load %arg10[%get3A_1051, %get3A_1052, %get3A_1053] {strides = array<i32>} : memref<4x32x128xf32, #tpu.memory_space<vmem>>, vector<16xf32>,
      %get3A_1055 = arith.constant 0 : i32
      %get3A_1056 = arith.constant 10 : i32
      %get3A_1057 = arith.index_cast %get3A_1055 : i32 to index
      %get3A_1058 = arith.index_cast %get3A_1056 : i32 to index
      %get3A_1059 = arith.constant 32 : index
      %get3A_1060 = tpu.vector_load %arg10[%get3A_1057, %get3A_1058, %get3A_1059] {strides = array<i32>} : memref<4x32x128xf32, #tpu.memory_space<vmem>>, vector<16xf32>,
      %mul3A_1061 = arith.mulf %get3A_1054, %get3A_1060 : vector<16xf32>
      %add3A_1062 = arith.addf %add3A_1048, %mul3A_1061 : vector<16xf32>
      %get3A_1063 = arith.constant 1 : i32
      %get3A_1064 = arith.constant 2 : i32
      %get3A_1065 = arith.index_cast %get3A_1063 : i32 to index
      %get3A_1066 = arith.index_cast %get3A_1064 : i32 to index
      %get3A_1067 = arith.constant 48 : index
      %get3A_1068 = tpu.vector_load %arg10[%get3A_1065, %get3A_1066, %get3A_1067] {strides = array<i32>} : memref<4x32x128xf32, #tpu.memory_space<vmem>>, vector<16xf32>,
      %get3A_1069 = arith.constant 0 : i32
      %get3A_1070 = arith.constant 11 : i32
      %get3A_1071 = arith.index_cast %get3A_1069 : i32 to index
      %get3A_1072 = arith.index_cast %get3A_1070 : i32 to index
      %get3A_1073 = arith.constant 32 : index
      %get3A_1074 = tpu.vector_load %arg10[%get3A_1071, %get3A_1072, %get3A_1073] {strides = array<i32>} : memref<4x32x128xf32, #tpu.memory_space<vmem>>, vector<16xf32>,
      %mul3A_1075 = arith.mulf %get3A_1068, %get3A_1074 : vector<16xf32>
      %add3A_1076 = arith.addf %add3A_1062, %mul3A_1075 : vector<16xf32>
      %get3A_1077 = arith.constant 1 : i32
      %get3A_1078 = arith.constant 2 : i32
      %get3A_1079 = arith.index_cast %get3A_1077 : i32 to index
      %get3A_1080 = arith.index_cast %get3A_1078 : i32 to index
      %get3A_1081 = arith.constant 64 : index
      %get3A_1082 = tpu.vector_load %arg10[%get3A_1079, %get3A_1080, %get3A_1081] {strides = array<i32>} : memref<4x32x128xf32, #tpu.memory_space<vmem>>, vector<16xf32>,
      %get3A_1083 = arith.constant 0 : i32
      %get3A_1084 = arith.constant 12 : i32
      %get3A_1085 = arith.index_cast %get3A_1083 : i32 to index
      %get3A_1086 = arith.index_cast %get3A_1084 : i32 to index
      %get3A_1087 = arith.constant 32 : index
      %get3A_1088 = tpu.vector_load %arg10[%get3A_1085, %get3A_1086, %get3A_1087] {strides = array<i32>} : memref<4x32x128xf32, #tpu.memory_space<vmem>>, vector<16xf32>,
      %mul3A_1089 = arith.mulf %get3A_1082, %get3A_1088 : vector<16xf32>
      %add3A_1090 = arith.addf %add3A_1076, %mul3A_1089 : vector<16xf32>
      %get3A_1091 = arith.constant 1 : i32
      %get3A_1092 = arith.constant 2 : i32
      %get3A_1093 = arith.index_cast %get3A_1091 : i32 to index
      %get3A_1094 = arith.index_cast %get3A_1092 : i32 to index
      %get3A_1095 = arith.constant 80 : index
      %get3A_1096 = tpu.vector_load %arg10[%get3A_1093, %get3A_1094, %get3A_1095] {strides = array<i32>} : memref<4x32x128xf32, #tpu.memory_space<vmem>>, vector<16xf32>,
      %get3A_1097 = arith.constant 0 : i32
      %get3A_1098 = arith.constant 13 : i32
      %get3A_1099 = arith.index_cast %get3A_1097 : i32 to index
      %get3A_1100 = arith.index_cast %get3A_1098 : i32 to index
      %get3A_1101 = arith.constant 32 : index
      %get3A_1102 = tpu.vector_load %arg10[%get3A_1099, %get3A_1100, %get3A_1101] {strides = array<i32>} : memref<4x32x128xf32, #tpu.memory_space<vmem>>, vector<16xf32>,
      %mul3A_1103 = arith.mulf %get3A_1096, %get3A_1102 : vector<16xf32>
      %add3A_1104 = arith.addf %add3A_1090, %mul3A_1103 : vector<16xf32>
      %get3A_1105 = arith.constant 1 : i32
      %get3A_1106 = arith.constant 2 : i32
      %get3A_1107 = arith.index_cast %get3A_1105 : i32 to index
      %get3A_1108 = arith.index_cast %get3A_1106 : i32 to index
      %get3A_1109 = arith.constant 96 : index
      %get3A_1110 = tpu.vector_load %arg10[%get3A_1107, %get3A_1108, %get3A_1109] {strides = array<i32>} : memref<4x32x128xf32, #tpu.memory_space<vmem>>, vector<16xf32>,
      %get3A_1111 = arith.constant 0 : i32
      %get3A_1112 = arith.constant 14 : i32
      %get3A_1113 = arith.index_cast %get3A_1111 : i32 to index
      %get3A_1114 = arith.index_cast %get3A_1112 : i32 to index
      %get3A_1115 = arith.constant 32 : index
      %get3A_1116 = tpu.vector_load %arg10[%get3A_1113, %get3A_1114, %get3A_1115] {strides = array<i32>} : memref<4x32x128xf32, #tpu.memory_space<vmem>>, vector<16xf32>,
      %mul3A_1117 = arith.mulf %get3A_1110, %get3A_1116 : vector<16xf32>
      %add3A_1118 = arith.addf %add3A_1104, %mul3A_1117 : vector<16xf32>
      %get3A_1119 = arith.constant 1 : i32
      %get3A_1120 = arith.constant 2 : i32
      %get3A_1121 = arith.index_cast %get3A_1119 : i32 to index
      %get3A_1122 = arith.index_cast %get3A_1120 : i32 to index
      %get3A_1123 = arith.constant 112 : index
      %get3A_1124 = tpu.vector_load %arg10[%get3A_1121, %get3A_1122, %get3A_1123] {strides = array<i32>} : memref<4x32x128xf32, #tpu.memory_space<vmem>>, vector<16xf32>,
      %get3A_1125 = arith.constant 0 : i32
      %get3A_1126 = arith.constant 15 : i32
      %get3A_1127 = arith.index_cast %get3A_1125 : i32 to index
      %get3A_1128 = arith.index_cast %get3A_1126 : i32 to index
      %get3A_1129 = arith.constant 32 : index
      %get3A_1130 = tpu.vector_load %arg10[%get3A_1127, %get3A_1128, %get3A_1129] {strides = array<i32>} : memref<4x32x128xf32, #tpu.memory_space<vmem>>, vector<16xf32>,
      %mul3A_1131 = arith.mulf %get3A_1124, %get3A_1130 : vector<16xf32>
      %add3A_1132 = arith.addf %add3A_1118, %mul3A_1131 : vector<16xf32>
      %get3A_1133 = arith.constant 2 : i32
      %get3A_1134 = arith.constant 2 : i32
      %get3A_1135 = arith.index_cast %get3A_1133 : i32 to index
      %get3A_1136 = arith.index_cast %get3A_1134 : i32 to index
      %get3A_1137 = arith.constant 0 : index
      %get3A_1138 = tpu.vector_load %arg10[%get3A_1135, %get3A_1136, %get3A_1137] {strides = array<i32>} : memref<4x32x128xf32, #tpu.memory_space<vmem>>, vector<16xf32>,
      %get3A_1139 = arith.constant 0 : i32
      %get3A_1140 = arith.constant 16 : i32
      %get3A_1141 = arith.index_cast %get3A_1139 : i32 to index
      %get3A_1142 = arith.index_cast %get3A_1140 : i32 to index
      %get3A_1143 = arith.constant 32 : index
      %get3A_1144 = tpu.vector_load %arg10[%get3A_1141, %get3A_1142, %get3A_1143] {strides = array<i32>} : memref<4x32x128xf32, #tpu.memory_space<vmem>>, vector<16xf32>,
      %mul3A_1145 = arith.mulf %get3A_1138, %get3A_1144 : vector<16xf32>
      %add3A_1146 = arith.addf %add3A_1132, %mul3A_1145 : vector<16xf32>
      %get3A_1147 = arith.constant 2 : i32
      %get3A_1148 = arith.constant 2 : i32
      %get3A_1149 = arith.index_cast %get3A_1147 : i32 to index
      %get3A_1150 = arith.index_cast %get3A_1148 : i32 to index
      %get3A_1151 = arith.constant 16 : index
      %get3A_1152 = tpu.vector_load %arg10[%get3A_1149, %get3A_1150, %get3A_1151] {strides = array<i32>} : memref<4x32x128xf32, #tpu.memory_space<vmem>>, vector<16xf32>,
      %get3A_1153 = arith.constant 0 : i32
      %get3A_1154 = arith.constant 17 : i32
      %get3A_1155 = arith.index_cast %get3A_1153 : i32 to index
      %get3A_1156 = arith.index_cast %get3A_1154 : i32 to index
      %get3A_1157 = arith.constant 32 : index
      %get3A_1158 = tpu.vector_load %arg10[%get3A_1155, %get3A_1156, %get3A_1157] {strides = array<i32>} : memref<4x32x128xf32, #tpu.memory_space<vmem>>, vector<16xf32>,
      %mul3A_1159 = arith.mulf %get3A_1152, %get3A_1158 : vector<16xf32>
      %add3A_1160 = arith.addf %add3A_1146, %mul3A_1159 : vector<16xf32>
      %get3A_1161 = arith.constant 2 : i32
      %get3A_1162 = arith.constant 2 : i32
      %get3A_1163 = arith.index_cast %get3A_1161 : i32 to index
      %get3A_1164 = arith.index_cast %get3A_1162 : i32 to index
      %get3A_1165 = arith.constant 32 : index
      %get3A_1166 = tpu.vector_load %arg10[%get3A_1163, %get3A_1164, %get3A_1165] {strides = array<i32>} : memref<4x32x128xf32, #tpu.memory_space<vmem>>, vector<16xf32>,
      %get3A_1167 = arith.constant 0 : i32
      %get3A_1168 = arith.constant 18 : i32
      %get3A_1169 = arith.index_cast %get3A_1167 : i32 to index
      %get3A_1170 = arith.index_cast %get3A_1168 : i32 to index
      %get3A_1171 = arith.constant 32 : index
      %get3A_1172 = tpu.vector_load %arg10[%get3A_1169, %get3A_1170, %get3A_1171] {strides = array<i32>} : memref<4x32x128xf32, #tpu.memory_space<vmem>>, vector<16xf32>,
      %mul3A_1173 = arith.mulf %get3A_1166, %get3A_1172 : vector<16xf32>
      %add3A_1174 = arith.addf %add3A_1160, %mul3A_1173 : vector<16xf32>
      %get3A_1175 = arith.constant 2 : i32
      %get3A_1176 = arith.constant 2 : i32
      %get3A_1177 = arith.index_cast %get3A_1175 : i32 to index
      %get3A_1178 = arith.index_cast %get3A_1176 : i32 to index
      %get3A_1179 = arith.constant 48 : index
      %get3A_1180 = tpu.vector_load %arg10[%get3A_1177, %get3A_1178, %get3A_1179] {strides = array<i32>} : memref<4x32x128xf32, #tpu.memory_space<vmem>>, vector<16xf32>,
      %get3A_1181 = arith.constant 0 : i32
      %get3A_1182 = arith.constant 19 : i32
      %get3A_1183 = arith.index_cast %get3A_1181 : i32 to index
      %get3A_1184 = arith.index_cast %get3A_1182 : i32 to index
      %get3A_1185 = arith.constant 32 : index
      %get3A_1186 = tpu.vector_load %arg10[%get3A_1183, %get3A_1184, %get3A_1185] {strides = array<i32>} : memref<4x32x128xf32, #tpu.memory_space<vmem>>, vector<16xf32>,
      %mul3A_1187 = arith.mulf %get3A_1180, %get3A_1186 : vector<16xf32>
      %add3A_1188 = arith.addf %add3A_1174, %mul3A_1187 : vector<16xf32>
      %get3A_1189 = arith.constant 2 : i32
      %get3A_1190 = arith.constant 2 : i32
      %get3A_1191 = arith.index_cast %get3A_1189 : i32 to index
      %get3A_1192 = arith.index_cast %get3A_1190 : i32 to index
      %get3A_1193 = arith.constant 64 : index
      %get3A_1194 = tpu.vector_load %arg10[%get3A_1191, %get3A_1192, %get3A_1193] {strides = array<i32>} : memref<4x32x128xf32, #tpu.memory_space<vmem>>, vector<16xf32>,
      %get3A_1195 = arith.constant 0 : i32
      %get3A_1196 = arith.constant 20 : i32
      %get3A_1197 = arith.index_cast %get3A_1195 : i32 to index
      %get3A_1198 = arith.index_cast %get3A_1196 : i32 to index
      %get3A_1199 = arith.constant 32 : index
      %get3A_1200 = tpu.vector_load %arg10[%get3A_1197, %get3A_1198, %get3A_1199] {strides = array<i32>} : memref<4x32x128xf32, #tpu.memory_space<vmem>>, vector<16xf32>,
      %mul3A_1201 = arith.mulf %get3A_1194, %get3A_1200 : vector<16xf32>
      %add3A_1202 = arith.addf %add3A_1188, %mul3A_1201 : vector<16xf32>
      %get3A_1203 = arith.constant 2 : i32
      %get3A_1204 = arith.constant 2 : i32
      %get3A_1205 = arith.index_cast %get3A_1203 : i32 to index
      %get3A_1206 = arith.index_cast %get3A_1204 : i32 to index
      %get3A_1207 = arith.constant 80 : index
      %get3A_1208 = tpu.vector_load %arg10[%get3A_1205, %get3A_1206, %get3A_1207] {strides = array<i32>} : memref<4x32x128xf32, #tpu.memory_space<vmem>>, vector<16xf32>,
      %get3A_1209 = arith.constant 0 : i32
      %get3A_1210 = arith.constant 21 : i32
      %get3A_1211 = arith.index_cast %get3A_1209 : i32 to index
      %get3A_1212 = arith.index_cast %get3A_1210 : i32 to index
      %get3A_1213 = arith.constant 32 : index
      %get3A_1214 = tpu.vector_load %arg10[%get3A_1211, %get3A_1212, %get3A_1213] {strides = array<i32>} : memref<4x32x128xf32, #tpu.memory_space<vmem>>, vector<16xf32>,
      %mul3A_1215 = arith.mulf %get3A_1208, %get3A_1214 : vector<16xf32>
      %add3A_1216 = arith.addf %add3A_1202, %mul3A_1215 : vector<16xf32>
      %get3A_1217 = arith.constant 2 : i32
      %get3A_1218 = arith.constant 2 : i32
      %get3A_1219 = arith.index_cast %get3A_1217 : i32 to index
      %get3A_1220 = arith.index_cast %get3A_1218 : i32 to index
      %get3A_1221 = arith.constant 96 : index
      %get3A_1222 = tpu.vector_load %arg10[%get3A_1219, %get3A_1220, %get3A_1221] {strides = array<i32>} : memref<4x32x128xf32, #tpu.memory_space<vmem>>, vector<16xf32>,
      %get3A_1223 = arith.constant 0 : i32
      %get3A_1224 = arith.constant 22 : i32
      %get3A_1225 = arith.index_cast %get3A_1223 : i32 to index
      %get3A_1226 = arith.index_cast %get3A_1224 : i32 to index
      %get3A_1227 = arith.constant 32 : index
      %get3A_1228 = tpu.vector_load %arg10[%get3A_1225, %get3A_1226, %get3A_1227] {strides = array<i32>} : memref<4x32x128xf32, #tpu.memory_space<vmem>>, vector<16xf32>,
      %mul3A_1229 = arith.mulf %get3A_1222, %get3A_1228 : vector<16xf32>
      %add3A_1230 = arith.addf %add3A_1216, %mul3A_1229 : vector<16xf32>
      %get3A_1231 = arith.constant 2 : i32
      %get3A_1232 = arith.constant 2 : i32
      %get3A_1233 = arith.index_cast %get3A_1231 : i32 to index
      %get3A_1234 = arith.index_cast %get3A_1232 : i32 to index
      %get3A_1235 = arith.constant 112 : index
      %get3A_1236 = tpu.vector_load %arg10[%get3A_1233, %get3A_1234, %get3A_1235] {strides = array<i32>} : memref<4x32x128xf32, #tpu.memory_space<vmem>>, vector<16xf32>,
      %get3A_1237 = arith.constant 0 : i32
      %get3A_1238 = arith.constant 23 : i32
      %get3A_1239 = arith.index_cast %get3A_1237 : i32 to index
      %get3A_1240 = arith.index_cast %get3A_1238 : i32 to index
      %get3A_1241 = arith.constant 32 : index
      %get3A_1242 = tpu.vector_load %arg10[%get3A_1239, %get3A_1240, %get3A_1241] {strides = array<i32>} : memref<4x32x128xf32, #tpu.memory_space<vmem>>, vector<16xf32>,
      %mul3A_1243 = arith.mulf %get3A_1236, %get3A_1242 : vector<16xf32>
      %add3A_1244 = arith.addf %add3A_1230, %mul3A_1243 : vector<16xf32>
      %get3A_1245 = arith.constant 3 : i32
      %get3A_1246 = arith.constant 2 : i32
      %get3A_1247 = arith.index_cast %get3A_1245 : i32 to index
      %get3A_1248 = arith.index_cast %get3A_1246 : i32 to index
      %get3A_1249 = arith.constant 0 : index
      %get3A_1250 = tpu.vector_load %arg10[%get3A_1247, %get3A_1248, %get3A_1249] {strides = array<i32>} : memref<4x32x128xf32, #tpu.memory_space<vmem>>, vector<16xf32>,
      %get3A_1251 = arith.constant 0 : i32
      %get3A_1252 = arith.constant 24 : i32
      %get3A_1253 = arith.index_cast %get3A_1251 : i32 to index
      %get3A_1254 = arith.index_cast %get3A_1252 : i32 to index
      %get3A_1255 = arith.constant 32 : index
      %get3A_1256 = tpu.vector_load %arg10[%get3A_1253, %get3A_1254, %get3A_1255] {strides = array<i32>} : memref<4x32x128xf32, #tpu.memory_space<vmem>>, vector<16xf32>,
      %mul3A_1257 = arith.mulf %get3A_1250, %get3A_1256 : vector<16xf32>
      %add3A_1258 = arith.addf %add3A_1244, %mul3A_1257 : vector<16xf32>
      %get3A_1259 = arith.constant 3 : i32
      %get3A_1260 = arith.constant 2 : i32
      %get3A_1261 = arith.index_cast %get3A_1259 : i32 to index
      %get3A_1262 = arith.index_cast %get3A_1260 : i32 to index
      %get3A_1263 = arith.constant 16 : index
      %get3A_1264 = tpu.vector_load %arg10[%get3A_1261, %get3A_1262, %get3A_1263] {strides = array<i32>} : memref<4x32x128xf32, #tpu.memory_space<vmem>>, vector<16xf32>,
      %get3A_1265 = arith.constant 0 : i32
      %get3A_1266 = arith.constant 25 : i32
      %get3A_1267 = arith.index_cast %get3A_1265 : i32 to index
      %get3A_1268 = arith.index_cast %get3A_1266 : i32 to index
      %get3A_1269 = arith.constant 32 : index
      %get3A_1270 = tpu.vector_load %arg10[%get3A_1267, %get3A_1268, %get3A_1269] {strides = array<i32>} : memref<4x32x128xf32, #tpu.memory_space<vmem>>, vector<16xf32>,
      %mul3A_1271 = arith.mulf %get3A_1264, %get3A_1270 : vector<16xf32>
      %add3A_1272 = arith.addf %add3A_1258, %mul3A_1271 : vector<16xf32>
      %get3A_1273 = arith.constant 0 : i32
      %get3A_1274 = arith.constant 3 : i32
      %get3A_1275 = arith.index_cast %get3A_1273 : i32 to index
      %get3A_1276 = arith.index_cast %get3A_1274 : i32 to index
      %get3A_1277 = arith.constant 64 : index
      %get3A_1278 = tpu.vector_load %arg10[%get3A_1275, %get3A_1276, %get3A_1277] {strides = array<i32>} : memref<4x32x128xf32, #tpu.memory_space<vmem>>, vector<16xf32>,
      %get3A_1279 = arith.constant 0 : i32
      %get3A_1280 = arith.constant 4 : i32
      %get3A_1281 = arith.index_cast %get3A_1279 : i32 to index
      %get3A_1282 = arith.index_cast %get3A_1280 : i32 to index
      %get3A_1283 = arith.constant 48 : index
      %get3A_1284 = tpu.vector_load %arg10[%get3A_1281, %get3A_1282, %get3A_1283] {strides = array<i32>} : memref<4x32x128xf32, #tpu.memory_space<vmem>>, vector<16xf32>,
      %mul3A_1285 = arith.mulf %get3A_1278, %get3A_1284 : vector<16xf32>
      %add3A_1286 = arith.addf %add3A_1272, %mul3A_1285 : vector<16xf32>
      %get3A_1287 = arith.constant 0 : i32
      %get3A_1288 = arith.constant 3 : i32
      %get3A_1289 = arith.index_cast %get3A_1287 : i32 to index
      %get3A_1290 = arith.index_cast %get3A_1288 : i32 to index
      %get3A_1291 = arith.constant 80 : index
      %get3A_1292 = tpu.vector_load %arg10[%get3A_1289, %get3A_1290, %get3A_1291] {strides = array<i32>} : memref<4x32x128xf32, #tpu.memory_space<vmem>>, vector<16xf32>,
      %get3A_1293 = arith.constant 0 : i32
      %get3A_1294 = arith.constant 5 : i32
      %get3A_1295 = arith.index_cast %get3A_1293 : i32 to index
      %get3A_1296 = arith.index_cast %get3A_1294 : i32 to index
      %get3A_1297 = arith.constant 48 : index
      %get3A_1298 = tpu.vector_load %arg10[%get3A_1295, %get3A_1296, %get3A_1297] {strides = array<i32>} : memref<4x32x128xf32, #tpu.memory_space<vmem>>, vector<16xf32>,
      %mul3A_1299 = arith.mulf %get3A_1292, %get3A_1298 : vector<16xf32>
      %add3A_1300 = arith.addf %add3A_1286, %mul3A_1299 : vector<16xf32>
      %get3A_1301 = arith.constant 0 : i32
      %get3A_1302 = arith.constant 3 : i32
      %get3A_1303 = arith.index_cast %get3A_1301 : i32 to index
      %get3A_1304 = arith.index_cast %get3A_1302 : i32 to index
      %get3A_1305 = arith.constant 96 : index
      %get3A_1306 = tpu.vector_load %arg10[%get3A_1303, %get3A_1304, %get3A_1305] {strides = array<i32>} : memref<4x32x128xf32, #tpu.memory_space<vmem>>, vector<16xf32>,
      %get3A_1307 = arith.constant 0 : i32
      %get3A_1308 = arith.constant 6 : i32
      %get3A_1309 = arith.index_cast %get3A_1307 : i32 to index
      %get3A_1310 = arith.index_cast %get3A_1308 : i32 to index
      %get3A_1311 = arith.constant 48 : index
      %get3A_1312 = tpu.vector_load %arg10[%get3A_1309, %get3A_1310, %get3A_1311] {strides = array<i32>} : memref<4x32x128xf32, #tpu.memory_space<vmem>>, vector<16xf32>,
      %mul3A_1313 = arith.mulf %get3A_1306, %get3A_1312 : vector<16xf32>
      %add3A_1314 = arith.addf %add3A_1300, %mul3A_1313 : vector<16xf32>
      %get3A_1315 = arith.constant 0 : i32
      %get3A_1316 = arith.constant 3 : i32
      %get3A_1317 = arith.index_cast %get3A_1315 : i32 to index
      %get3A_1318 = arith.index_cast %get3A_1316 : i32 to index
      %get3A_1319 = arith.constant 112 : index
      %get3A_1320 = tpu.vector_load %arg10[%get3A_1317, %get3A_1318, %get3A_1319] {strides = array<i32>} : memref<4x32x128xf32, #tpu.memory_space<vmem>>, vector<16xf32>,
      %get3A_1321 = arith.constant 0 : i32
      %get3A_1322 = arith.constant 7 : i32
      %get3A_1323 = arith.index_cast %get3A_1321 : i32 to index
      %get3A_1324 = arith.index_cast %get3A_1322 : i32 to index
      %get3A_1325 = arith.constant 48 : index
      %get3A_1326 = tpu.vector_load %arg10[%get3A_1323, %get3A_1324, %get3A_1325] {strides = array<i32>} : memref<4x32x128xf32, #tpu.memory_space<vmem>>, vector<16xf32>,
      %mul3A_1327 = arith.mulf %get3A_1320, %get3A_1326 : vector<16xf32>
      %add3A_1328 = arith.addf %add3A_1314, %mul3A_1327 : vector<16xf32>
      %get3A_1329 = arith.constant 1 : i32
      %get3A_1330 = arith.constant 3 : i32
      %get3A_1331 = arith.index_cast %get3A_1329 : i32 to index
      %get3A_1332 = arith.index_cast %get3A_1330 : i32 to index
      %get3A_1333 = arith.constant 0 : index
      %get3A_1334 = tpu.vector_load %arg10[%get3A_1331, %get3A_1332, %get3A_1333] {strides = array<i32>} : memref<4x32x128xf32, #tpu.memory_space<vmem>>, vector<16xf32>,
      %get3A_1335 = arith.constant 0 : i32
      %get3A_1336 = arith.constant 8 : i32
      %get3A_1337 = arith.index_cast %get3A_1335 : i32 to index
      %get3A_1338 = arith.index_cast %get3A_1336 : i32 to index
      %get3A_1339 = arith.constant 48 : index
      %get3A_1340 = tpu.vector_load %arg10[%get3A_1337, %get3A_1338, %get3A_1339] {strides = array<i32>} : memref<4x32x128xf32, #tpu.memory_space<vmem>>, vector<16xf32>,
      %mul3A_1341 = arith.mulf %get3A_1334, %get3A_1340 : vector<16xf32>
      %add3A_1342 = arith.addf %add3A_1328, %mul3A_1341 : vector<16xf32>
      %get3A_1343 = arith.constant 1 : i32
      %get3A_1344 = arith.constant 3 : i32
      %get3A_1345 = arith.index_cast %get3A_1343 : i32 to index
      %get3A_1346 = arith.index_cast %get3A_1344 : i32 to index
      %get3A_1347 = arith.constant 16 : index
      %get3A_1348 = tpu.vector_load %arg10[%get3A_1345, %get3A_1346, %get3A_1347] {strides = array<i32>} : memref<4x32x128xf32, #tpu.memory_space<vmem>>, vector<16xf32>,
      %get3A_1349 = arith.constant 0 : i32
      %get3A_1350 = arith.constant 9 : i32
      %get3A_1351 = arith.index_cast %get3A_1349 : i32 to index
      %get3A_1352 = arith.index_cast %get3A_1350 : i32 to index
      %get3A_1353 = arith.constant 48 : index
      %get3A_1354 = tpu.vector_load %arg10[%get3A_1351, %get3A_1352, %get3A_1353] {strides = array<i32>} : memref<4x32x128xf32, #tpu.memory_space<vmem>>, vector<16xf32>,
      %mul3A_1355 = arith.mulf %get3A_1348, %get3A_1354 : vector<16xf32>
      %add3A_1356 = arith.addf %add3A_1342, %mul3A_1355 : vector<16xf32>
      %get3A_1357 = arith.constant 1 : i32
      %get3A_1358 = arith.constant 3 : i32
      %get3A_1359 = arith.index_cast %get3A_1357 : i32 to index
      %get3A_1360 = arith.index_cast %get3A_1358 : i32 to index
      %get3A_1361 = arith.constant 32 : index
      %get3A_1362 = tpu.vector_load %arg10[%get3A_1359, %get3A_1360, %get3A_1361] {strides = array<i32>} : memref<4x32x128xf32, #tpu.memory_space<vmem>>, vector<16xf32>,
      %get3A_1363 = arith.constant 0 : i32
      %get3A_1364 = arith.constant 10 : i32
      %get3A_1365 = arith.index_cast %get3A_1363 : i32 to index
      %get3A_1366 = arith.index_cast %get3A_1364 : i32 to index
      %get3A_1367 = arith.constant 48 : index
      %get3A_1368 = tpu.vector_load %arg10[%get3A_1365, %get3A_1366, %get3A_1367] {strides = array<i32>} : memref<4x32x128xf32, #tpu.memory_space<vmem>>, vector<16xf32>,
      %mul3A_1369 = arith.mulf %get3A_1362, %get3A_1368 : vector<16xf32>
      %add3A_1370 = arith.addf %add3A_1356, %mul3A_1369 : vector<16xf32>
      %get3A_1371 = arith.constant 1 : i32
      %get3A_1372 = arith.constant 3 : i32
      %get3A_1373 = arith.index_cast %get3A_1371 : i32 to index
      %get3A_1374 = arith.index_cast %get3A_1372 : i32 to index
      %get3A_1375 = arith.constant 48 : index
      %get3A_1376 = tpu.vector_load %arg10[%get3A_1373, %get3A_1374, %get3A_1375] {strides = array<i32>} : memref<4x32x128xf32, #tpu.memory_space<vmem>>, vector<16xf32>,
      %get3A_1377 = arith.constant 0 : i32
      %get3A_1378 = arith.constant 11 : i32
      %get3A_1379 = arith.index_cast %get3A_1377 : i32 to index
      %get3A_1380 = arith.index_cast %get3A_1378 : i32 to index
      %get3A_1381 = arith.constant 48 : index
      %get3A_1382 = tpu.vector_load %arg10[%get3A_1379, %get3A_1380, %get3A_1381] {strides = array<i32>} : memref<4x32x128xf32, #tpu.memory_space<vmem>>, vector<16xf32>,
      %mul3A_1383 = arith.mulf %get3A_1376, %get3A_1382 : vector<16xf32>
      %add3A_1384 = arith.addf %add3A_1370, %mul3A_1383 : vector<16xf32>
      %get3A_1385 = arith.constant 1 : i32
      %get3A_1386 = arith.constant 3 : i32
      %get3A_1387 = arith.index_cast %get3A_1385 : i32 to index
      %get3A_1388 = arith.index_cast %get3A_1386 : i32 to index
      %get3A_1389 = arith.constant 64 : index
      %get3A_1390 = tpu.vector_load %arg10[%get3A_1387, %get3A_1388, %get3A_1389] {strides = array<i32>} : memref<4x32x128xf32, #tpu.memory_space<vmem>>, vector<16xf32>,
      %get3A_1391 = arith.constant 0 : i32
      %get3A_1392 = arith.constant 12 : i32
      %get3A_1393 = arith.index_cast %get3A_1391 : i32 to index
      %get3A_1394 = arith.index_cast %get3A_1392 : i32 to index
      %get3A_1395 = arith.constant 48 : index
      %get3A_1396 = tpu.vector_load %arg10[%get3A_1393, %get3A_1394, %get3A_1395] {strides = array<i32>} : memref<4x32x128xf32, #tpu.memory_space<vmem>>, vector<16xf32>,
      %mul3A_1397 = arith.mulf %get3A_1390, %get3A_1396 : vector<16xf32>
      %add3A_1398 = arith.addf %add3A_1384, %mul3A_1397 : vector<16xf32>
      %get3A_1399 = arith.constant 1 : i32
      %get3A_1400 = arith.constant 3 : i32
      %get3A_1401 = arith.index_cast %get3A_1399 : i32 to index
      %get3A_1402 = arith.index_cast %get3A_1400 : i32 to index
      %get3A_1403 = arith.constant 80 : index
      %get3A_1404 = tpu.vector_load %arg10[%get3A_1401, %get3A_1402, %get3A_1403] {strides = array<i32>} : memref<4x32x128xf32, #tpu.memory_space<vmem>>, vector<16xf32>,
      %get3A_1405 = arith.constant 0 : i32
      %get3A_1406 = arith.constant 13 : i32
      %get3A_1407 = arith.index_cast %get3A_1405 : i32 to index
      %get3A_1408 = arith.index_cast %get3A_1406 : i32 to index
      %get3A_1409 = arith.constant 48 : index
      %get3A_1410 = tpu.vector_load %arg10[%get3A_1407, %get3A_1408, %get3A_1409] {strides = array<i32>} : memref<4x32x128xf32, #tpu.memory_space<vmem>>, vector<16xf32>,
      %mul3A_1411 = arith.mulf %get3A_1404, %get3A_1410 : vector<16xf32>
      %add3A_1412 = arith.addf %add3A_1398, %mul3A_1411 : vector<16xf32>
      %get3A_1413 = arith.constant 1 : i32
      %get3A_1414 = arith.constant 3 : i32
      %get3A_1415 = arith.index_cast %get3A_1413 : i32 to index
      %get3A_1416 = arith.index_cast %get3A_1414 : i32 to index
      %get3A_1417 = arith.constant 96 : index
      %get3A_1418 = tpu.vector_load %arg10[%get3A_1415, %get3A_1416, %get3A_1417] {strides = array<i32>} : memref<4x32x128xf32, #tpu.memory_space<vmem>>, vector<16xf32>,
      %get3A_1419 = arith.constant 0 : i32
      %get3A_1420 = arith.constant 14 : i32
      %get3A_1421 = arith.index_cast %get3A_1419 : i32 to index
      %get3A_1422 = arith.index_cast %get3A_1420 : i32 to index
      %get3A_1423 = arith.constant 48 : index
      %get3A_1424 = tpu.vector_load %arg10[%get3A_1421, %get3A_1422, %get3A_1423] {strides = array<i32>} : memref<4x32x128xf32, #tpu.memory_space<vmem>>, vector<16xf32>,
      %mul3A_1425 = arith.mulf %get3A_1418, %get3A_1424 : vector<16xf32>
      %add3A_1426 = arith.addf %add3A_1412, %mul3A_1425 : vector<16xf32>
      %get3A_1427 = arith.constant 1 : i32
      %get3A_1428 = arith.constant 3 : i32
      %get3A_1429 = arith.index_cast %get3A_1427 : i32 to index
      %get3A_1430 = arith.index_cast %get3A_1428 : i32 to index
      %get3A_1431 = arith.constant 112 : index
      %get3A_1432 = tpu.vector_load %arg10[%get3A_1429, %get3A_1430, %get3A_1431] {strides = array<i32>} : memref<4x32x128xf32, #tpu.memory_space<vmem>>, vector<16xf32>,
      %get3A_1433 = arith.constant 0 : i32
      %get3A_1434 = arith.constant 15 : i32
      %get3A_1435 = arith.index_cast %get3A_1433 : i32 to index
      %get3A_1436 = arith.index_cast %get3A_1434 : i32 to index
      %get3A_1437 = arith.constant 48 : index
      %get3A_1438 = tpu.vector_load %arg10[%get3A_1435, %get3A_1436, %get3A_1437] {strides = array<i32>} : memref<4x32x128xf32, #tpu.memory_space<vmem>>, vector<16xf32>,
      %mul3A_1439 = arith.mulf %get3A_1432, %get3A_1438 : vector<16xf32>
      %add3A_1440 = arith.addf %add3A_1426, %mul3A_1439 : vector<16xf32>
      %get3A_1441 = arith.constant 2 : i32
      %get3A_1442 = arith.constant 3 : i32
      %get3A_1443 = arith.index_cast %get3A_1441 : i32 to index
      %get3A_1444 = arith.index_cast %get3A_1442 : i32 to index
      %get3A_1445 = arith.constant 0 : index
      %get3A_1446 = tpu.vector_load %arg10[%get3A_1443, %get3A_1444, %get3A_1445] {strides = array<i32>} : memref<4x32x128xf32, #tpu.memory_space<vmem>>, vector<16xf32>,
      %get3A_1447 = arith.constant 0 : i32
      %get3A_1448 = arith.constant 16 : i32
      %get3A_1449 = arith.index_cast %get3A_1447 : i32 to index
      %get3A_1450 = arith.index_cast %get3A_1448 : i32 to index
      %get3A_1451 = arith.constant 48 : index
      %get3A_1452 = tpu.vector_load %arg10[%get3A_1449, %get3A_1450, %get3A_1451] {strides = array<i32>} : memref<4x32x128xf32, #tpu.memory_space<vmem>>, vector<16xf32>,
      %mul3A_1453 = arith.mulf %get3A_1446, %get3A_1452 : vector<16xf32>
      %add3A_1454 = arith.addf %add3A_1440, %mul3A_1453 : vector<16xf32>
      %get3A_1455 = arith.constant 2 : i32
      %get3A_1456 = arith.constant 3 : i32
      %get3A_1457 = arith.index_cast %get3A_1455 : i32 to index
      %get3A_1458 = arith.index_cast %get3A_1456 : i32 to index
      %get3A_1459 = arith.constant 16 : index
      %get3A_1460 = tpu.vector_load %arg10[%get3A_1457, %get3A_1458, %get3A_1459] {strides = array<i32>} : memref<4x32x128xf32, #tpu.memory_space<vmem>>, vector<16xf32>,
      %get3A_1461 = arith.constant 0 : i32
      %get3A_1462 = arith.constant 17 : i32
      %get3A_1463 = arith.index_cast %get3A_1461 : i32 to index
      %get3A_1464 = arith.index_cast %get3A_1462 : i32 to index
      %get3A_1465 = arith.constant 48 : index
      %get3A_1466 = tpu.vector_load %arg10[%get3A_1463, %get3A_1464, %get3A_1465] {strides = array<i32>} : memref<4x32x128xf32, #tpu.memory_space<vmem>>, vector<16xf32>,
      %mul3A_1467 = arith.mulf %get3A_1460, %get3A_1466 : vector<16xf32>
      %add3A_1468 = arith.addf %add3A_1454, %mul3A_1467 : vector<16xf32>
      %get3A_1469 = arith.constant 2 : i32
      %get3A_1470 = arith.constant 3 : i32
      %get3A_1471 = arith.index_cast %get3A_1469 : i32 to index
      %get3A_1472 = arith.index_cast %get3A_1470 : i32 to index
      %get3A_1473 = arith.constant 32 : index
      %get3A_1474 = tpu.vector_load %arg10[%get3A_1471, %get3A_1472, %get3A_1473] {strides = array<i32>} : memref<4x32x128xf32, #tpu.memory_space<vmem>>, vector<16xf32>,
      %get3A_1475 = arith.constant 0 : i32
      %get3A_1476 = arith.constant 18 : i32
      %get3A_1477 = arith.index_cast %get3A_1475 : i32 to index
      %get3A_1478 = arith.index_cast %get3A_1476 : i32 to index
      %get3A_1479 = arith.constant 48 : index
      %get3A_1480 = tpu.vector_load %arg10[%get3A_1477, %get3A_1478, %get3A_1479] {strides = array<i32>} : memref<4x32x128xf32, #tpu.memory_space<vmem>>, vector<16xf32>,
      %mul3A_1481 = arith.mulf %get3A_1474, %get3A_1480 : vector<16xf32>
      %add3A_1482 = arith.addf %add3A_1468, %mul3A_1481 : vector<16xf32>
      %get3A_1483 = arith.constant 2 : i32
      %get3A_1484 = arith.constant 3 : i32
      %get3A_1485 = arith.index_cast %get3A_1483 : i32 to index
      %get3A_1486 = arith.index_cast %get3A_1484 : i32 to index
      %get3A_1487 = arith.constant 48 : index
      %get3A_1488 = tpu.vector_load %arg10[%get3A_1485, %get3A_1486, %get3A_1487] {strides = array<i32>} : memref<4x32x128xf32, #tpu.memory_space<vmem>>, vector<16xf32>,
      %get3A_1489 = arith.constant 0 : i32
      %get3A_1490 = arith.constant 19 : i32
      %get3A_1491 = arith.index_cast %get3A_1489 : i32 to index
      %get3A_1492 = arith.index_cast %get3A_1490 : i32 to index
      %get3A_1493 = arith.constant 48 : index
      %get3A_1494 = tpu.vector_load %arg10[%get3A_1491, %get3A_1492, %get3A_1493] {strides = array<i32>} : memref<4x32x128xf32, #tpu.memory_space<vmem>>, vector<16xf32>,
      %mul3A_1495 = arith.mulf %get3A_1488, %get3A_1494 : vector<16xf32>
      %add3A_1496 = arith.addf %add3A_1482, %mul3A_1495 : vector<16xf32>
      %get3A_1497 = arith.constant 2 : i32
      %get3A_1498 = arith.constant 3 : i32
      %get3A_1499 = arith.index_cast %get3A_1497 : i32 to index
      %get3A_1500 = arith.index_cast %get3A_1498 : i32 to index
      %get3A_1501 = arith.constant 64 : index
      %get3A_1502 = tpu.vector_load %arg10[%get3A_1499, %get3A_1500, %get3A_1501] {strides = array<i32>} : memref<4x32x128xf32, #tpu.memory_space<vmem>>, vector<16xf32>,
      %get3A_1503 = arith.constant 0 : i32
      %get3A_1504 = arith.constant 20 : i32
      %get3A_1505 = arith.index_cast %get3A_1503 : i32 to index
      %get3A_1506 = arith.index_cast %get3A_1504 : i32 to index
      %get3A_1507 = arith.constant 48 : index
      %get3A_1508 = tpu.vector_load %arg10[%get3A_1505, %get3A_1506, %get3A_1507] {strides = array<i32>} : memref<4x32x128xf32, #tpu.memory_space<vmem>>, vector<16xf32>,
      %mul3A_1509 = arith.mulf %get3A_1502, %get3A_1508 : vector<16xf32>
      %add3A_1510 = arith.addf %add3A_1496, %mul3A_1509 : vector<16xf32>
      %get3A_1511 = arith.constant 2 : i32
      %get3A_1512 = arith.constant 3 : i32
      %get3A_1513 = arith.index_cast %get3A_1511 : i32 to index
      %get3A_1514 = arith.index_cast %get3A_1512 : i32 to index
      %get3A_1515 = arith.constant 80 : index
      %get3A_1516 = tpu.vector_load %arg10[%get3A_1513, %get3A_1514, %get3A_1515] {strides = array<i32>} : memref<4x32x128xf32, #tpu.memory_space<vmem>>, vector<16xf32>,
      %get3A_1517 = arith.constant 0 : i32
      %get3A_1518 = arith.constant 21 : i32
      %get3A_1519 = arith.index_cast %get3A_1517 : i32 to index
      %get3A_1520 = arith.index_cast %get3A_1518 : i32 to index
      %get3A_1521 = arith.constant 48 : index
      %get3A_1522 = tpu.vector_load %arg10[%get3A_1519, %get3A_1520, %get3A_1521] {strides = array<i32>} : memref<4x32x128xf32, #tpu.memory_space<vmem>>, vector<16xf32>,
      %mul3A_1523 = arith.mulf %get3A_1516, %get3A_1522 : vector<16xf32>
      %add3A_1524 = arith.addf %add3A_1510, %mul3A_1523 : vector<16xf32>
      %get3A_1525 = arith.constant 2 : i32
      %get3A_1526 = arith.constant 3 : i32
      %get3A_1527 = arith.index_cast %get3A_1525 : i32 to index
      %get3A_1528 = arith.index_cast %get3A_1526 : i32 to index
      %get3A_1529 = arith.constant 96 : index
      %get3A_1530 = tpu.vector_load %arg10[%get3A_1527, %get3A_1528, %get3A_1529] {strides = array<i32>} : memref<4x32x128xf32, #tpu.memory_space<vmem>>, vector<16xf32>,
      %get3A_1531 = arith.constant 0 : i32
      %get3A_1532 = arith.constant 22 : i32
      %get3A_1533 = arith.index_cast %get3A_1531 : i32 to index
      %get3A_1534 = arith.index_cast %get3A_1532 : i32 to index
      %get3A_1535 = arith.constant 48 : index
      %get3A_1536 = tpu.vector_load %arg10[%get3A_1533, %get3A_1534, %get3A_1535] {strides = array<i32>} : memref<4x32x128xf32, #tpu.memory_space<vmem>>, vector<16xf32>,
      %mul3A_1537 = arith.mulf %get3A_1530, %get3A_1536 : vector<16xf32>
      %add3A_1538 = arith.addf %add3A_1524, %mul3A_1537 : vector<16xf32>
      %get3A_1539 = arith.constant 2 : i32
      %get3A_1540 = arith.constant 3 : i32
      %get3A_1541 = arith.index_cast %get3A_1539 : i32 to index
      %get3A_1542 = arith.index_cast %get3A_1540 : i32 to index
      %get3A_1543 = arith.constant 112 : index
      %get3A_1544 = tpu.vector_load %arg10[%get3A_1541, %get3A_1542, %get3A_1543] {strides = array<i32>} : memref<4x32x128xf32, #tpu.memory_space<vmem>>, vector<16xf32>,
      %get3A_1545 = arith.constant 0 : i32
      %get3A_1546 = arith.constant 23 : i32
      %get3A_1547 = arith.index_cast %get3A_1545 : i32 to index
      %get3A_1548 = arith.index_cast %get3A_1546 : i32 to index
      %get3A_1549 = arith.constant 48 : index
      %get3A_1550 = tpu.vector_load %arg10[%get3A_1547, %get3A_1548, %get3A_1549] {strides = array<i32>} : memref<4x32x128xf32, #tpu.memory_space<vmem>>, vector<16xf32>,
      %mul3A_1551 = arith.mulf %get3A_1544, %get3A_1550 : vector<16xf32>
      %add3A_1552 = arith.addf %add3A_1538, %mul3A_1551 : vector<16xf32>
      %get3A_1553 = arith.constant 3 : i32
      %get3A_1554 = arith.constant 3 : i32
      %get3A_1555 = arith.index_cast %get3A_1553 : i32 to index
      %get3A_1556 = arith.index_cast %get3A_1554 : i32 to index
      %get3A_1557 = arith.constant 0 : index
      %get3A_1558 = tpu.vector_load %arg10[%get3A_1555, %get3A_1556, %get3A_1557] {strides = array<i32>} : memref<4x32x128xf32, #tpu.memory_space<vmem>>, vector<16xf32>,
      %get3A_1559 = arith.constant 0 : i32
      %get3A_1560 = arith.constant 24 : i32
      %get3A_1561 = arith.index_cast %get3A_1559 : i32 to index
      %get3A_1562 = arith.index_cast %get3A_1560 : i32 to index
      %get3A_1563 = arith.constant 48 : index
      %get3A_1564 = tpu.vector_load %arg10[%get3A_1561, %get3A_1562, %get3A_1563] {strides = array<i32>} : memref<4x32x128xf32, #tpu.memory_space<vmem>>, vector<16xf32>,
      %mul3A_1565 = arith.mulf %get3A_1558, %get3A_1564 : vector<16xf32>
      %add3A_1566 = arith.addf %add3A_1552, %mul3A_1565 : vector<16xf32>
      %get3A_1567 = arith.constant 3 : i32
      %get3A_1568 = arith.constant 3 : i32
      %get3A_1569 = arith.index_cast %get3A_1567 : i32 to index
      %get3A_1570 = arith.index_cast %get3A_1568 : i32 to index
      %get3A_1571 = arith.constant 16 : index
      %get3A_1572 = tpu.vector_load %arg10[%get3A_1569, %get3A_1570, %get3A_1571] {strides = array<i32>} : memref<4x32x128xf32, #tpu.memory_space<vmem>>, vector<16xf32>,
      %get3A_1573 = arith.constant 0 : i32
      %get3A_1574 = arith.constant 25 : i32
      %get3A_1575 = arith.index_cast %get3A_1573 : i32 to index
      %get3A_1576 = arith.index_cast %get3A_1574 : i32 to index
      %get3A_1577 = arith.constant 48 : index
      %get3A_1578 = tpu.vector_load %arg10[%get3A_1575, %get3A_1576, %get3A_1577] {strides = array<i32>} : memref<4x32x128xf32, #tpu.memory_space<vmem>>, vector<16xf32>,
      %mul3A_1579 = arith.mulf %get3A_1572, %get3A_1578 : vector<16xf32>
      %add3A_1580 = arith.addf %add3A_1566, %mul3A_1579 : vector<16xf32>
      %get3A_1581 = arith.constant 0 : i32
      %get3A_1582 = arith.constant 4 : i32
      %get3A_1583 = arith.index_cast %get3A_1581 : i32 to index
      %get3A_1584 = arith.index_cast %get3A_1582 : i32 to index
      %get3A_1585 = arith.constant 80 : index
      %get3A_1586 = tpu.vector_load %arg10[%get3A_1583, %get3A_1584, %get3A_1585] {strides = array<i32>} : memref<4x32x128xf32, #tpu.memory_space<vmem>>, vector<16xf32>,
      %get3A_1587 = arith.constant 0 : i32
      %get3A_1588 = arith.constant 5 : i32
      %get3A_1589 = arith.index_cast %get3A_1587 : i32 to index
      %get3A_1590 = arith.index_cast %get3A_1588 : i32 to index
      %get3A_1591 = arith.constant 64 : index
      %get3A_1592 = tpu.vector_load %arg10[%get3A_1589, %get3A_1590, %get3A_1591] {strides = array<i32>} : memref<4x32x128xf32, #tpu.memory_space<vmem>>, vector<16xf32>,
      %mul3A_1593 = arith.mulf %get3A_1586, %get3A_1592 : vector<16xf32>
      %add3A_1594 = arith.addf %add3A_1580, %mul3A_1593 : vector<16xf32>
      %get3A_1595 = arith.constant 0 : i32
      %get3A_1596 = arith.constant 4 : i32
      %get3A_1597 = arith.index_cast %get3A_1595 : i32 to index
      %get3A_1598 = arith.index_cast %get3A_1596 : i32 to index
      %get3A_1599 = arith.constant 96 : index
      %get3A_1600 = tpu.vector_load %arg10[%get3A_1597, %get3A_1598, %get3A_1599] {strides = array<i32>} : memref<4x32x128xf32, #tpu.memory_space<vmem>>, vector<16xf32>,
      %get3A_1601 = arith.constant 0 : i32
      %get3A_1602 = arith.constant 6 : i32
      %get3A_1603 = arith.index_cast %get3A_1601 : i32 to index
      %get3A_1604 = arith.index_cast %get3A_1602 : i32 to index
      %get3A_1605 = arith.constant 64 : index
      %get3A_1606 = tpu.vector_load %arg10[%get3A_1603, %get3A_1604, %get3A_1605] {strides = array<i32>} : memref<4x32x128xf32, #tpu.memory_space<vmem>>, vector<16xf32>,
      %mul3A_1607 = arith.mulf %get3A_1600, %get3A_1606 : vector<16xf32>
      %add3A_1608 = arith.addf %add3A_1594, %mul3A_1607 : vector<16xf32>
      %get3A_1609 = arith.constant 0 : i32
      %get3A_1610 = arith.constant 4 : i32
      %get3A_1611 = arith.index_cast %get3A_1609 : i32 to index
      %get3A_1612 = arith.index_cast %get3A_1610 : i32 to index
      %get3A_1613 = arith.constant 112 : index
      %get3A_1614 = tpu.vector_load %arg10[%get3A_1611, %get3A_1612, %get3A_1613] {strides = array<i32>} : memref<4x32x128xf32, #tpu.memory_space<vmem>>, vector<16xf32>,
      %get3A_1615 = arith.constant 0 : i32
      %get3A_1616 = arith.constant 7 : i32
      %get3A_1617 = arith.index_cast %get3A_1615 : i32 to index
      %get3A_1618 = arith.index_cast %get3A_1616 : i32 to index
      %get3A_1619 = arith.constant 64 : index
      %get3A_1620 = tpu.vector_load %arg10[%get3A_1617, %get3A_1618, %get3A_1619] {strides = array<i32>} : memref<4x32x128xf32, #tpu.memory_space<vmem>>, vector<16xf32>,
      %mul3A_1621 = arith.mulf %get3A_1614, %get3A_1620 : vector<16xf32>
      %add3A_1622 = arith.addf %add3A_1608, %mul3A_1621 : vector<16xf32>
      %get3A_1623 = arith.constant 1 : i32
      %get3A_1624 = arith.constant 4 : i32
      %get3A_1625 = arith.index_cast %get3A_1623 : i32 to index
      %get3A_1626 = arith.index_cast %get3A_1624 : i32 to index
      %get3A_1627 = arith.constant 0 : index
      %get3A_1628 = tpu.vector_load %arg10[%get3A_1625, %get3A_1626, %get3A_1627] {strides = array<i32>} : memref<4x32x128xf32, #tpu.memory_space<vmem>>, vector<16xf32>,
      %get3A_1629 = arith.constant 0 : i32
      %get3A_1630 = arith.constant 8 : i32
      %get3A_1631 = arith.index_cast %get3A_1629 : i32 to index
      %get3A_1632 = arith.index_cast %get3A_1630 : i32 to index
      %get3A_1633 = arith.constant 64 : index
      %get3A_1634 = tpu.vector_load %arg10[%get3A_1631, %get3A_1632, %get3A_1633] {strides = array<i32>} : memref<4x32x128xf32, #tpu.memory_space<vmem>>, vector<16xf32>,
      %mul3A_1635 = arith.mulf %get3A_1628, %get3A_1634 : vector<16xf32>
      %add3A_1636 = arith.addf %add3A_1622, %mul3A_1635 : vector<16xf32>
      %get3A_1637 = arith.constant 1 : i32
      %get3A_1638 = arith.constant 4 : i32
      %get3A_1639 = arith.index_cast %get3A_1637 : i32 to index
      %get3A_1640 = arith.index_cast %get3A_1638 : i32 to index
      %get3A_1641 = arith.constant 16 : index
      %get3A_1642 = tpu.vector_load %arg10[%get3A_1639, %get3A_1640, %get3A_1641] {strides = array<i32>} : memref<4x32x128xf32, #tpu.memory_space<vmem>>, vector<16xf32>,
      %get3A_1643 = arith.constant 0 : i32
      %get3A_1644 = arith.constant 9 : i32
      %get3A_1645 = arith.index_cast %get3A_1643 : i32 to index
      %get3A_1646 = arith.index_cast %get3A_1644 : i32 to index
      %get3A_1647 = arith.constant 64 : index
      %get3A_1648 = tpu.vector_load %arg10[%get3A_1645, %get3A_1646, %get3A_1647] {strides = array<i32>} : memref<4x32x128xf32, #tpu.memory_space<vmem>>, vector<16xf32>,
      %mul3A_1649 = arith.mulf %get3A_1642, %get3A_1648 : vector<16xf32>
      %add3A_1650 = arith.addf %add3A_1636, %mul3A_1649 : vector<16xf32>
      %get3A_1651 = arith.constant 1 : i32
      %get3A_1652 = arith.constant 4 : i32
      %get3A_1653 = arith.index_cast %get3A_1651 : i32 to index
      %get3A_1654 = arith.index_cast %get3A_1652 : i32 to index
      %get3A_1655 = arith.constant 32 : index
      %get3A_1656 = tpu.vector_load %arg10[%get3A_1653, %get3A_1654, %get3A_1655] {strides = array<i32>} : memref<4x32x128xf32, #tpu.memory_space<vmem>>, vector<16xf32>,
      %get3A_1657 = arith.constant 0 : i32
      %get3A_1658 = arith.constant 10 : i32
      %get3A_1659 = arith.index_cast %get3A_1657 : i32 to index
      %get3A_1660 = arith.index_cast %get3A_1658 : i32 to index
      %get3A_1661 = arith.constant 64 : index
      %get3A_1662 = tpu.vector_load %arg10[%get3A_1659, %get3A_1660, %get3A_1661] {strides = array<i32>} : memref<4x32x128xf32, #tpu.memory_space<vmem>>, vector<16xf32>,
      %mul3A_1663 = arith.mulf %get3A_1656, %get3A_1662 : vector<16xf32>
      %add3A_1664 = arith.addf %add3A_1650, %mul3A_1663 : vector<16xf32>
      %get3A_1665 = arith.constant 1 : i32
      %get3A_1666 = arith.constant 4 : i32
      %get3A_1667 = arith.index_cast %get3A_1665 : i32 to index
      %get3A_1668 = arith.index_cast %get3A_1666 : i32 to index
      %get3A_1669 = arith.constant 48 : index
      %get3A_1670 = tpu.vector_load %arg10[%get3A_1667, %get3A_1668, %get3A_1669] {strides = array<i32>} : memref<4x32x128xf32, #tpu.memory_space<vmem>>, vector<16xf32>,
      %get3A_1671 = arith.constant 0 : i32
      %get3A_1672 = arith.constant 11 : i32
      %get3A_1673 = arith.index_cast %get3A_1671 : i32 to index
      %get3A_1674 = arith.index_cast %get3A_1672 : i32 to index
      %get3A_1675 = arith.constant 64 : index
      %get3A_1676 = tpu.vector_load %arg10[%get3A_1673, %get3A_1674, %get3A_1675] {strides = array<i32>} : memref<4x32x128xf32, #tpu.memory_space<vmem>>, vector<16xf32>,
      %mul3A_1677 = arith.mulf %get3A_1670, %get3A_1676 : vector<16xf32>
      %add3A_1678 = arith.addf %add3A_1664, %mul3A_1677 : vector<16xf32>
      %get3A_1679 = arith.constant 1 : i32
      %get3A_1680 = arith.constant 4 : i32
      %get3A_1681 = arith.index_cast %get3A_1679 : i32 to index
      %get3A_1682 = arith.index_cast %get3A_1680 : i32 to index
      %get3A_1683 = arith.constant 64 : index
      %get3A_1684 = tpu.vector_load %arg10[%get3A_1681, %get3A_1682, %get3A_1683] {strides = array<i32>} : memref<4x32x128xf32, #tpu.memory_space<vmem>>, vector<16xf32>,
      %get3A_1685 = arith.constant 0 : i32
      %get3A_1686 = arith.constant 12 : i32
      %get3A_1687 = arith.index_cast %get3A_1685 : i32 to index
      %get3A_1688 = arith.index_cast %get3A_1686 : i32 to index
      %get3A_1689 = arith.constant 64 : index
      %get3A_1690 = tpu.vector_load %arg10[%get3A_1687, %get3A_1688, %get3A_1689] {strides = array<i32>} : memref<4x32x128xf32, #tpu.memory_space<vmem>>, vector<16xf32>,
      %mul3A_1691 = arith.mulf %get3A_1684, %get3A_1690 : vector<16xf32>
      %add3A_1692 = arith.addf %add3A_1678, %mul3A_1691 : vector<16xf32>
      %get3A_1693 = arith.constant 1 : i32
      %get3A_1694 = arith.constant 4 : i32
      %get3A_1695 = arith.index_cast %get3A_1693 : i32 to index
      %get3A_1696 = arith.index_cast %get3A_1694 : i32 to index
      %get3A_1697 = arith.constant 80 : index
      %get3A_1698 = tpu.vector_load %arg10[%get3A_1695, %get3A_1696, %get3A_1697] {strides = array<i32>} : memref<4x32x128xf32, #tpu.memory_space<vmem>>, vector<16xf32>,
      %get3A_1699 = arith.constant 0 : i32
      %get3A_1700 = arith.constant 13 : i32
      %get3A_1701 = arith.index_cast %get3A_1699 : i32 to index
      %get3A_1702 = arith.index_cast %get3A_1700 : i32 to index
      %get3A_1703 = arith.constant 64 : index
      %get3A_1704 = tpu.vector_load %arg10[%get3A_1701, %get3A_1702, %get3A_1703] {strides = array<i32>} : memref<4x32x128xf32, #tpu.memory_space<vmem>>, vector<16xf32>,
      %mul3A_1705 = arith.mulf %get3A_1698, %get3A_1704 : vector<16xf32>
      %add3A_1706 = arith.addf %add3A_1692, %mul3A_1705 : vector<16xf32>
      %get3A_1707 = arith.constant 1 : i32
      %get3A_1708 = arith.constant 4 : i32
      %get3A_1709 = arith.index_cast %get3A_1707 : i32 to index
      %get3A_1710 = arith.index_cast %get3A_1708 : i32 to index
      %get3A_1711 = arith.constant 96 : index
      %get3A_1712 = tpu.vector_load %arg10[%get3A_1709, %get3A_1710, %get3A_1711] {strides = array<i32>} : memref<4x32x128xf32, #tpu.memory_space<vmem>>, vector<16xf32>,
      %get3A_1713 = arith.constant 0 : i32
      %get3A_1714 = arith.constant 14 : i32
      %get3A_1715 = arith.index_cast %get3A_1713 : i32 to index
      %get3A_1716 = arith.index_cast %get3A_1714 : i32 to index
      %get3A_1717 = arith.constant 64 : index
      %get3A_1718 = tpu.vector_load %arg10[%get3A_1715, %get3A_1716, %get3A_1717] {strides = array<i32>} : memref<4x32x128xf32, #tpu.memory_space<vmem>>, vector<16xf32>,
      %mul3A_1719 = arith.mulf %get3A_1712, %get3A_1718 : vector<16xf32>
      %add3A_1720 = arith.addf %add3A_1706, %mul3A_1719 : vector<16xf32>
      %get3A_1721 = arith.constant 1 : i32
      %get3A_1722 = arith.constant 4 : i32
      %get3A_1723 = arith.index_cast %get3A_1721 : i32 to index
      %get3A_1724 = arith.index_cast %get3A_1722 : i32 to index
      %get3A_1725 = arith.constant 112 : index
      %get3A_1726 = tpu.vector_load %arg10[%get3A_1723, %get3A_1724, %get3A_1725] {strides = array<i32>} : memref<4x32x128xf32, #tpu.memory_space<vmem>>, vector<16xf32>,
      %get3A_1727 = arith.constant 0 : i32
      %get3A_1728 = arith.constant 15 : i32
      %get3A_1729 = arith.index_cast %get3A_1727 : i32 to index
      %get3A_1730 = arith.index_cast %get3A_1728 : i32 to index
      %get3A_1731 = arith.constant 64 : index
      %get3A_1732 = tpu.vector_load %arg10[%get3A_1729, %get3A_1730, %get3A_1731] {strides = array<i32>} : memref<4x32x128xf32, #tpu.memory_space<vmem>>, vector<16xf32>,
      %mul3A_1733 = arith.mulf %get3A_1726, %get3A_1732 : vector<16xf32>
      %add3A_1734 = arith.addf %add3A_1720, %mul3A_1733 : vector<16xf32>
      %get3A_1735 = arith.constant 2 : i32
      %get3A_1736 = arith.constant 4 : i32
      %get3A_1737 = arith.index_cast %get3A_1735 : i32 to index
      %get3A_1738 = arith.index_cast %get3A_1736 : i32 to index
      %get3A_1739 = arith.constant 0 : index
      %get3A_1740 = tpu.vector_load %arg10[%get3A_1737, %get3A_1738, %get3A_1739] {strides = array<i32>} : memref<4x32x128xf32, #tpu.memory_space<vmem>>, vector<16xf32>,
      %get3A_1741 = arith.constant 0 : i32
      %get3A_1742 = arith.constant 16 : i32
      %get3A_1743 = arith.index_cast %get3A_1741 : i32 to index
      %get3A_1744 = arith.index_cast %get3A_1742 : i32 to index
      %get3A_1745 = arith.constant 64 : index
      %get3A_1746 = tpu.vector_load %arg10[%get3A_1743, %get3A_1744, %get3A_1745] {strides = array<i32>} : memref<4x32x128xf32, #tpu.memory_space<vmem>>, vector<16xf32>,
      %mul3A_1747 = arith.mulf %get3A_1740, %get3A_1746 : vector<16xf32>
      %add3A_1748 = arith.addf %add3A_1734, %mul3A_1747 : vector<16xf32>
      %get3A_1749 = arith.constant 2 : i32
      %get3A_1750 = arith.constant 4 : i32
      %get3A_1751 = arith.index_cast %get3A_1749 : i32 to index
      %get3A_1752 = arith.index_cast %get3A_1750 : i32 to index
      %get3A_1753 = arith.constant 16 : index
      %get3A_1754 = tpu.vector_load %arg10[%get3A_1751, %get3A_1752, %get3A_1753] {strides = array<i32>} : memref<4x32x128xf32, #tpu.memory_space<vmem>>, vector<16xf32>,
      %get3A_1755 = arith.constant 0 : i32
      %get3A_1756 = arith.constant 17 : i32
      %get3A_1757 = arith.index_cast %get3A_1755 : i32 to index
      %get3A_1758 = arith.index_cast %get3A_1756 : i32 to index
      %get3A_1759 = arith.constant 64 : index
      %get3A_1760 = tpu.vector_load %arg10[%get3A_1757, %get3A_1758, %get3A_1759] {strides = array<i32>} : memref<4x32x128xf32, #tpu.memory_space<vmem>>, vector<16xf32>,
      %mul3A_1761 = arith.mulf %get3A_1754, %get3A_1760 : vector<16xf32>
      %add3A_1762 = arith.addf %add3A_1748, %mul3A_1761 : vector<16xf32>
      %get3A_1763 = arith.constant 2 : i32
      %get3A_1764 = arith.constant 4 : i32
      %get3A_1765 = arith.index_cast %get3A_1763 : i32 to index
      %get3A_1766 = arith.index_cast %get3A_1764 : i32 to index
      %get3A_1767 = arith.constant 32 : index
      %get3A_1768 = tpu.vector_load %arg10[%get3A_1765, %get3A_1766, %get3A_1767] {strides = array<i32>} : memref<4x32x128xf32, #tpu.memory_space<vmem>>, vector<16xf32>,
      %get3A_1769 = arith.constant 0 : i32
      %get3A_1770 = arith.constant 18 : i32
      %get3A_1771 = arith.index_cast %get3A_1769 : i32 to index
      %get3A_1772 = arith.index_cast %get3A_1770 : i32 to index
      %get3A_1773 = arith.constant 64 : index
      %get3A_1774 = tpu.vector_load %arg10[%get3A_1771, %get3A_1772, %get3A_1773] {strides = array<i32>} : memref<4x32x128xf32, #tpu.memory_space<vmem>>, vector<16xf32>,
      %mul3A_1775 = arith.mulf %get3A_1768, %get3A_1774 : vector<16xf32>
      %add3A_1776 = arith.addf %add3A_1762, %mul3A_1775 : vector<16xf32>
      %get3A_1777 = arith.constant 2 : i32
      %get3A_1778 = arith.constant 4 : i32
      %get3A_1779 = arith.index_cast %get3A_1777 : i32 to index
      %get3A_1780 = arith.index_cast %get3A_1778 : i32 to index
      %get3A_1781 = arith.constant 48 : index
      %get3A_1782 = tpu.vector_load %arg10[%get3A_1779, %get3A_1780, %get3A_1781] {strides = array<i32>} : memref<4x32x128xf32, #tpu.memory_space<vmem>>, vector<16xf32>,
      %get3A_1783 = arith.constant 0 : i32
      %get3A_1784 = arith.constant 19 : i32
      %get3A_1785 = arith.index_cast %get3A_1783 : i32 to index
      %get3A_1786 = arith.index_cast %get3A_1784 : i32 to index
      %get3A_1787 = arith.constant 64 : index
      %get3A_1788 = tpu.vector_load %arg10[%get3A_1785, %get3A_1786, %get3A_1787] {strides = array<i32>} : memref<4x32x128xf32, #tpu.memory_space<vmem>>, vector<16xf32>,
      %mul3A_1789 = arith.mulf %get3A_1782, %get3A_1788 : vector<16xf32>
      %add3A_1790 = arith.addf %add3A_1776, %mul3A_1789 : vector<16xf32>
      %get3A_1791 = arith.constant 2 : i32
      %get3A_1792 = arith.constant 4 : i32
      %get3A_1793 = arith.index_cast %get3A_1791 : i32 to index
      %get3A_1794 = arith.index_cast %get3A_1792 : i32 to index
      %get3A_1795 = arith.constant 64 : index
      %get3A_1796 = tpu.vector_load %arg10[%get3A_1793, %get3A_1794, %get3A_1795] {strides = array<i32>} : memref<4x32x128xf32, #tpu.memory_space<vmem>>, vector<16xf32>,
      %get3A_1797 = arith.constant 0 : i32
      %get3A_1798 = arith.constant 20 : i32
      %get3A_1799 = arith.index_cast %get3A_1797 : i32 to index
      %get3A_1800 = arith.index_cast %get3A_1798 : i32 to index
      %get3A_1801 = arith.constant 64 : index
      %get3A_1802 = tpu.vector_load %arg10[%get3A_1799, %get3A_1800, %get3A_1801] {strides = array<i32>} : memref<4x32x128xf32, #tpu.memory_space<vmem>>, vector<16xf32>,
      %mul3A_1803 = arith.mulf %get3A_1796, %get3A_1802 : vector<16xf32>
      %add3A_1804 = arith.addf %add3A_1790, %mul3A_1803 : vector<16xf32>
      %get3A_1805 = arith.constant 2 : i32
      %get3A_1806 = arith.constant 4 : i32
      %get3A_1807 = arith.index_cast %get3A_1805 : i32 to index
      %get3A_1808 = arith.index_cast %get3A_1806 : i32 to index
      %get3A_1809 = arith.constant 80 : index
      %get3A_1810 = tpu.vector_load %arg10[%get3A_1807, %get3A_1808, %get3A_1809] {strides = array<i32>} : memref<4x32x128xf32, #tpu.memory_space<vmem>>, vector<16xf32>,
      %get3A_1811 = arith.constant 0 : i32
      %get3A_1812 = arith.constant 21 : i32
      %get3A_1813 = arith.index_cast %get3A_1811 : i32 to index
      %get3A_1814 = arith.index_cast %get3A_1812 : i32 to index
      %get3A_1815 = arith.constant 64 : index
      %get3A_1816 = tpu.vector_load %arg10[%get3A_1813, %get3A_1814, %get3A_1815] {strides = array<i32>} : memref<4x32x128xf32, #tpu.memory_space<vmem>>, vector<16xf32>,
      %mul3A_1817 = arith.mulf %get3A_1810, %get3A_1816 : vector<16xf32>
      %add3A_1818 = arith.addf %add3A_1804, %mul3A_1817 : vector<16xf32>
      %get3A_1819 = arith.constant 2 : i32
      %get3A_1820 = arith.constant 4 : i32
      %get3A_1821 = arith.index_cast %get3A_1819 : i32 to index
      %get3A_1822 = arith.index_cast %get3A_1820 : i32 to index
      %get3A_1823 = arith.constant 96 : index
      %get3A_1824 = tpu.vector_load %arg10[%get3A_1821, %get3A_1822, %get3A_1823] {strides = array<i32>} : memref<4x32x128xf32, #tpu.memory_space<vmem>>, vector<16xf32>,
      %get3A_1825 = arith.constant 0 : i32
      %get3A_1826 = arith.constant 22 : i32
      %get3A_1827 = arith.index_cast %get3A_1825 : i32 to index
      %get3A_1828 = arith.index_cast %get3A_1826 : i32 to index
      %get3A_1829 = arith.constant 64 : index
      %get3A_1830 = tpu.vector_load %arg10[%get3A_1827, %get3A_1828, %get3A_1829] {strides = array<i32>} : memref<4x32x128xf32, #tpu.memory_space<vmem>>, vector<16xf32>,
      %mul3A_1831 = arith.mulf %get3A_1824, %get3A_1830 : vector<16xf32>
      %add3A_1832 = arith.addf %add3A_1818, %mul3A_1831 : vector<16xf32>
      %get3A_1833 = arith.constant 2 : i32
      %get3A_1834 = arith.constant 4 : i32
      %get3A_1835 = arith.index_cast %get3A_1833 : i32 to index
      %get3A_1836 = arith.index_cast %get3A_1834 : i32 to index
      %get3A_1837 = arith.constant 112 : index
      %get3A_1838 = tpu.vector_load %arg10[%get3A_1835, %get3A_1836, %get3A_1837] {strides = array<i32>} : memref<4x32x128xf32, #tpu.memory_space<vmem>>, vector<16xf32>,
      %get3A_1839 = arith.constant 0 : i32
      %get3A_1840 = arith.constant 23 : i32
      %get3A_1841 = arith.index_cast %get3A_1839 : i32 to index
      %get3A_1842 = arith.index_cast %get3A_1840 : i32 to index
      %get3A_1843 = arith.constant 64 : index
      %get3A_1844 = tpu.vector_load %arg10[%get3A_1841, %get3A_1842, %get3A_1843] {strides = array<i32>} : memref<4x32x128xf32, #tpu.memory_space<vmem>>, vector<16xf32>,
      %mul3A_1845 = arith.mulf %get3A_1838, %get3A_1844 : vector<16xf32>
      %add3A_1846 = arith.addf %add3A_1832, %mul3A_1845 : vector<16xf32>
      %get3A_1847 = arith.constant 3 : i32
      %get3A_1848 = arith.constant 4 : i32
      %get3A_1849 = arith.index_cast %get3A_1847 : i32 to index
      %get3A_1850 = arith.index_cast %get3A_1848 : i32 to index
      %get3A_1851 = arith.constant 0 : index
      %get3A_1852 = tpu.vector_load %arg10[%get3A_1849, %get3A_1850, %get3A_1851] {strides = array<i32>} : memref<4x32x128xf32, #tpu.memory_space<vmem>>, vector<16xf32>,
      %get3A_1853 = arith.constant 0 : i32
      %get3A_1854 = arith.constant 24 : i32
      %get3A_1855 = arith.index_cast %get3A_1853 : i32 to index
      %get3A_1856 = arith.index_cast %get3A_1854 : i32 to index
      %get3A_1857 = arith.constant 64 : index
      %get3A_1858 = tpu.vector_load %arg10[%get3A_1855, %get3A_1856, %get3A_1857] {strides = array<i32>} : memref<4x32x128xf32, #tpu.memory_space<vmem>>, vector<16xf32>,
      %mul3A_1859 = arith.mulf %get3A_1852, %get3A_1858 : vector<16xf32>
      %add3A_1860 = arith.addf %add3A_1846, %mul3A_1859 : vector<16xf32>
      %get3A_1861 = arith.constant 3 : i32
      %get3A_1862 = arith.constant 4 : i32
      %get3A_1863 = arith.index_cast %get3A_1861 : i32 to index
      %get3A_1864 = arith.index_cast %get3A_1862 : i32 to index
      %get3A_1865 = arith.constant 16 : index
      %get3A_1866 = tpu.vector_load %arg10[%get3A_1863, %get3A_1864, %get3A_1865] {strides = array<i32>} : memref<4x32x128xf32, #tpu.memory_space<vmem>>, vector<16xf32>,
      %get3A_1867 = arith.constant 0 : i32
      %get3A_1868 = arith.constant 25 : i32
      %get3A_1869 = arith.index_cast %get3A_1867 : i32 to index
      %get3A_1870 = arith.index_cast %get3A_1868 : i32 to index
      %get3A_1871 = arith.constant 64 : index
      %get3A_1872 = tpu.vector_load %arg10[%get3A_1869, %get3A_1870, %get3A_1871] {strides = array<i32>} : memref<4x32x128xf32, #tpu.memory_space<vmem>>, vector<16xf32>,
      %mul3A_1873 = arith.mulf %get3A_1866, %get3A_1872 : vector<16xf32>
      %add3A_1874 = arith.addf %add3A_1860, %mul3A_1873 : vector<16xf32>
      %get3A_1875 = arith.constant 0 : i32
      %get3A_1876 = arith.constant 5 : i32
      %get3A_1877 = arith.index_cast %get3A_1875 : i32 to index
      %get3A_1878 = arith.index_cast %get3A_1876 : i32 to index
      %get3A_1879 = arith.constant 96 : index
      %get3A_1880 = tpu.vector_load %arg10[%get3A_1877, %get3A_1878, %get3A_1879] {strides = array<i32>} : memref<4x32x128xf32, #tpu.memory_space<vmem>>, vector<16xf32>,
      %get3A_1881 = arith.constant 0 : i32
      %get3A_1882 = arith.constant 6 : i32
      %get3A_1883 = arith.index_cast %get3A_1881 : i32 to index
      %get3A_1884 = arith.index_cast %get3A_1882 : i32 to index
      %get3A_1885 = arith.constant 80 : index
      %get3A_1886 = tpu.vector_load %arg10[%get3A_1883, %get3A_1884, %get3A_1885] {strides = array<i32>} : memref<4x32x128xf32, #tpu.memory_space<vmem>>, vector<16xf32>,
      %mul3A_1887 = arith.mulf %get3A_1880, %get3A_1886 : vector<16xf32>
      %add3A_1888 = arith.addf %add3A_1874, %mul3A_1887 : vector<16xf32>
      %get3A_1889 = arith.constant 0 : i32
      %get3A_1890 = arith.constant 5 : i32
      %get3A_1891 = arith.index_cast %get3A_1889 : i32 to index
      %get3A_1892 = arith.index_cast %get3A_1890 : i32 to index
      %get3A_1893 = arith.constant 112 : index
      %get3A_1894 = tpu.vector_load %arg10[%get3A_1891, %get3A_1892, %get3A_1893] {strides = array<i32>} : memref<4x32x128xf32, #tpu.memory_space<vmem>>, vector<16xf32>,
      %get3A_1895 = arith.constant 0 : i32
      %get3A_1896 = arith.constant 7 : i32
      %get3A_1897 = arith.index_cast %get3A_1895 : i32 to index
      %get3A_1898 = arith.index_cast %get3A_1896 : i32 to index
      %get3A_1899 = arith.constant 80 : index
      %get3A_1900 = tpu.vector_load %arg10[%get3A_1897, %get3A_1898, %get3A_1899] {strides = array<i32>} : memref<4x32x128xf32, #tpu.memory_space<vmem>>, vector<16xf32>,
      %mul3A_1901 = arith.mulf %get3A_1894, %get3A_1900 : vector<16xf32>
      %add3A_1902 = arith.addf %add3A_1888, %mul3A_1901 : vector<16xf32>
      %get3A_1903 = arith.constant 1 : i32
      %get3A_1904 = arith.constant 5 : i32
      %get3A_1905 = arith.index_cast %get3A_1903 : i32 to index
      %get3A_1906 = arith.index_cast %get3A_1904 : i32 to index
      %get3A_1907 = arith.constant 0 : index
      %get3A_1908 = tpu.vector_load %arg10[%get3A_1905, %get3A_1906, %get3A_1907] {strides = array<i32>} : memref<4x32x128xf32, #tpu.memory_space<vmem>>, vector<16xf32>,
      %get3A_1909 = arith.constant 0 : i32
      %get3A_1910 = arith.constant 8 : i32
      %get3A_1911 = arith.index_cast %get3A_1909 : i32 to index
      %get3A_1912 = arith.index_cast %get3A_1910 : i32 to index
      %get3A_1913 = arith.constant 80 : index
      %get3A_1914 = tpu.vector_load %arg10[%get3A_1911, %get3A_1912, %get3A_1913] {strides = array<i32>} : memref<4x32x128xf32, #tpu.memory_space<vmem>>, vector<16xf32>,
      %mul3A_1915 = arith.mulf %get3A_1908, %get3A_1914 : vector<16xf32>
      %add3A_1916 = arith.addf %add3A_1902, %mul3A_1915 : vector<16xf32>
      %get3A_1917 = arith.constant 1 : i32
      %get3A_1918 = arith.constant 5 : i32
      %get3A_1919 = arith.index_cast %get3A_1917 : i32 to index
      %get3A_1920 = arith.index_cast %get3A_1918 : i32 to index
      %get3A_1921 = arith.constant 16 : index
      %get3A_1922 = tpu.vector_load %arg10[%get3A_1919, %get3A_1920, %get3A_1921] {strides = array<i32>} : memref<4x32x128xf32, #tpu.memory_space<vmem>>, vector<16xf32>,
      %get3A_1923 = arith.constant 0 : i32
      %get3A_1924 = arith.constant 9 : i32
      %get3A_1925 = arith.index_cast %get3A_1923 : i32 to index
      %get3A_1926 = arith.index_cast %get3A_1924 : i32 to index
      %get3A_1927 = arith.constant 80 : index
      %get3A_1928 = tpu.vector_load %arg10[%get3A_1925, %get3A_1926, %get3A_1927] {strides = array<i32>} : memref<4x32x128xf32, #tpu.memory_space<vmem>>, vector<16xf32>,
      %mul3A_1929 = arith.mulf %get3A_1922, %get3A_1928 : vector<16xf32>
      %add3A_1930 = arith.addf %add3A_1916, %mul3A_1929 : vector<16xf32>
      %get3A_1931 = arith.constant 1 : i32
      %get3A_1932 = arith.constant 5 : i32
      %get3A_1933 = arith.index_cast %get3A_1931 : i32 to index
      %get3A_1934 = arith.index_cast %get3A_1932 : i32 to index
      %get3A_1935 = arith.constant 32 : index
      %get3A_1936 = tpu.vector_load %arg10[%get3A_1933, %get3A_1934, %get3A_1935] {strides = array<i32>} : memref<4x32x128xf32, #tpu.memory_space<vmem>>, vector<16xf32>,
      %get3A_1937 = arith.constant 0 : i32
      %get3A_1938 = arith.constant 10 : i32
      %get3A_1939 = arith.index_cast %get3A_1937 : i32 to index
      %get3A_1940 = arith.index_cast %get3A_1938 : i32 to index
      %get3A_1941 = arith.constant 80 : index
      %get3A_1942 = tpu.vector_load %arg10[%get3A_1939, %get3A_1940, %get3A_1941] {strides = array<i32>} : memref<4x32x128xf32, #tpu.memory_space<vmem>>, vector<16xf32>,
      %mul3A_1943 = arith.mulf %get3A_1936, %get3A_1942 : vector<16xf32>
      %add3A_1944 = arith.addf %add3A_1930, %mul3A_1943 : vector<16xf32>
      %get3A_1945 = arith.constant 1 : i32
      %get3A_1946 = arith.constant 5 : i32
      %get3A_1947 = arith.index_cast %get3A_1945 : i32 to index
      %get3A_1948 = arith.index_cast %get3A_1946 : i32 to index
      %get3A_1949 = arith.constant 48 : index
      %get3A_1950 = tpu.vector_load %arg10[%get3A_1947, %get3A_1948, %get3A_1949] {strides = array<i32>} : memref<4x32x128xf32, #tpu.memory_space<vmem>>, vector<16xf32>,
      %get3A_1951 = arith.constant 0 : i32
      %get3A_1952 = arith.constant 11 : i32
      %get3A_1953 = arith.index_cast %get3A_1951 : i32 to index
      %get3A_1954 = arith.index_cast %get3A_1952 : i32 to index
      %get3A_1955 = arith.constant 80 : index
      %get3A_1956 = tpu.vector_load %arg10[%get3A_1953, %get3A_1954, %get3A_1955] {strides = array<i32>} : memref<4x32x128xf32, #tpu.memory_space<vmem>>, vector<16xf32>,
      %mul3A_1957 = arith.mulf %get3A_1950, %get3A_1956 : vector<16xf32>
      %add3A_1958 = arith.addf %add3A_1944, %mul3A_1957 : vector<16xf32>
      %get3A_1959 = arith.constant 1 : i32
      %get3A_1960 = arith.constant 5 : i32
      %get3A_1961 = arith.index_cast %get3A_1959 : i32 to index
      %get3A_1962 = arith.index_cast %get3A_1960 : i32 to index
      %get3A_1963 = arith.constant 64 : index
      %get3A_1964 = tpu.vector_load %arg10[%get3A_1961, %get3A_1962, %get3A_1963] {strides = array<i32>} : memref<4x32x128xf32, #tpu.memory_space<vmem>>, vector<16xf32>,
      %get3A_1965 = arith.constant 0 : i32
      %get3A_1966 = arith.constant 12 : i32
      %get3A_1967 = arith.index_cast %get3A_1965 : i32 to index
      %get3A_1968 = arith.index_cast %get3A_1966 : i32 to index
      %get3A_1969 = arith.constant 80 : index
      %get3A_1970 = tpu.vector_load %arg10[%get3A_1967, %get3A_1968, %get3A_1969] {strides = array<i32>} : memref<4x32x128xf32, #tpu.memory_space<vmem>>, vector<16xf32>,
      %mul3A_1971 = arith.mulf %get3A_1964, %get3A_1970 : vector<16xf32>
      %add3A_1972 = arith.addf %add3A_1958, %mul3A_1971 : vector<16xf32>
      %get3A_1973 = arith.constant 1 : i32
      %get3A_1974 = arith.constant 5 : i32
      %get3A_1975 = arith.index_cast %get3A_1973 : i32 to index
      %get3A_1976 = arith.index_cast %get3A_1974 : i32 to index
      %get3A_1977 = arith.constant 80 : index
      %get3A_1978 = tpu.vector_load %arg10[%get3A_1975, %get3A_1976, %get3A_1977] {strides = array<i32>} : memref<4x32x128xf32, #tpu.memory_space<vmem>>, vector<16xf32>,
      %get3A_1979 = arith.constant 0 : i32
      %get3A_1980 = arith.constant 13 : i32
      %get3A_1981 = arith.index_cast %get3A_1979 : i32 to index
      %get3A_1982 = arith.index_cast %get3A_1980 : i32 to index
      %get3A_1983 = arith.constant 80 : index
      %get3A_1984 = tpu.vector_load %arg10[%get3A_1981, %get3A_1982, %get3A_1983] {strides = array<i32>} : memref<4x32x128xf32, #tpu.memory_space<vmem>>, vector<16xf32>,
      %mul3A_1985 = arith.mulf %get3A_1978, %get3A_1984 : vector<16xf32>
      %add3A_1986 = arith.addf %add3A_1972, %mul3A_1985 : vector<16xf32>
      %get3A_1987 = arith.constant 1 : i32
      %get3A_1988 = arith.constant 5 : i32
      %get3A_1989 = arith.index_cast %get3A_1987 : i32 to index
      %get3A_1990 = arith.index_cast %get3A_1988 : i32 to index
      %get3A_1991 = arith.constant 96 : index
      %get3A_1992 = tpu.vector_load %arg10[%get3A_1989, %get3A_1990, %get3A_1991] {strides = array<i32>} : memref<4x32x128xf32, #tpu.memory_space<vmem>>, vector<16xf32>,
      %get3A_1993 = arith.constant 0 : i32
      %get3A_1994 = arith.constant 14 : i32
      %get3A_1995 = arith.index_cast %get3A_1993 : i32 to index
      %get3A_1996 = arith.index_cast %get3A_1994 : i32 to index
      %get3A_1997 = arith.constant 80 : index
      %get3A_1998 = tpu.vector_load %arg10[%get3A_1995, %get3A_1996, %get3A_1997] {strides = array<i32>} : memref<4x32x128xf32, #tpu.memory_space<vmem>>, vector<16xf32>,
      %mul3A_1999 = arith.mulf %get3A_1992, %get3A_1998 : vector<16xf32>
      %add3A_2000 = arith.addf %add3A_1986, %mul3A_1999 : vector<16xf32>
      %get3A_2001 = arith.constant 1 : i32
      %get3A_2002 = arith.constant 5 : i32
      %get3A_2003 = arith.index_cast %get3A_2001 : i32 to index
      %get3A_2004 = arith.index_cast %get3A_2002 : i32 to index
      %get3A_2005 = arith.constant 112 : index
      %get3A_2006 = tpu.vector_load %arg10[%get3A_2003, %get3A_2004, %get3A_2005] {strides = array<i32>} : memref<4x32x128xf32, #tpu.memory_space<vmem>>, vector<16xf32>,
      %get3A_2007 = arith.constant 0 : i32
      %get3A_2008 = arith.constant 15 : i32
      %get3A_2009 = arith.index_cast %get3A_2007 : i32 to index
      %get3A_2010 = arith.index_cast %get3A_2008 : i32 to index
      %get3A_2011 = arith.constant 80 : index
      %get3A_2012 = tpu.vector_load %arg10[%get3A_2009, %get3A_2010, %get3A_2011] {strides = array<i32>} : memref<4x32x128xf32, #tpu.memory_space<vmem>>, vector<16xf32>,
      %mul3A_2013 = arith.mulf %get3A_2006, %get3A_2012 : vector<16xf32>
      %add3A_2014 = arith.addf %add3A_2000, %mul3A_2013 : vector<16xf32>
      %get3A_2015 = arith.constant 2 : i32
      %get3A_2016 = arith.constant 5 : i32
      %get3A_2017 = arith.index_cast %get3A_2015 : i32 to index
      %get3A_2018 = arith.index_cast %get3A_2016 : i32 to index
      %get3A_2019 = arith.constant 0 : index
      %get3A_2020 = tpu.vector_load %arg10[%get3A_2017, %get3A_2018, %get3A_2019] {strides = array<i32>} : memref<4x32x128xf32, #tpu.memory_space<vmem>>, vector<16xf32>,
      %get3A_2021 = arith.constant 0 : i32
      %get3A_2022 = arith.constant 16 : i32
      %get3A_2023 = arith.index_cast %get3A_2021 : i32 to index
      %get3A_2024 = arith.index_cast %get3A_2022 : i32 to index
      %get3A_2025 = arith.constant 80 : index
      %get3A_2026 = tpu.vector_load %arg10[%get3A_2023, %get3A_2024, %get3A_2025] {strides = array<i32>} : memref<4x32x128xf32, #tpu.memory_space<vmem>>, vector<16xf32>,
      %mul3A_2027 = arith.mulf %get3A_2020, %get3A_2026 : vector<16xf32>
      %add3A_2028 = arith.addf %add3A_2014, %mul3A_2027 : vector<16xf32>
      %get3A_2029 = arith.constant 2 : i32
      %get3A_2030 = arith.constant 5 : i32
      %get3A_2031 = arith.index_cast %get3A_2029 : i32 to index
      %get3A_2032 = arith.index_cast %get3A_2030 : i32 to index
      %get3A_2033 = arith.constant 16 : index
      %get3A_2034 = tpu.vector_load %arg10[%get3A_2031, %get3A_2032, %get3A_2033] {strides = array<i32>} : memref<4x32x128xf32, #tpu.memory_space<vmem>>, vector<16xf32>,
      %get3A_2035 = arith.constant 0 : i32
      %get3A_2036 = arith.constant 17 : i32
      %get3A_2037 = arith.index_cast %get3A_2035 : i32 to index
      %get3A_2038 = arith.index_cast %get3A_2036 : i32 to index
      %get3A_2039 = arith.constant 80 : index
      %get3A_2040 = tpu.vector_load %arg10[%get3A_2037, %get3A_2038, %get3A_2039] {strides = array<i32>} : memref<4x32x128xf32, #tpu.memory_space<vmem>>, vector<16xf32>,
      %mul3A_2041 = arith.mulf %get3A_2034, %get3A_2040 : vector<16xf32>
      %add3A_2042 = arith.addf %add3A_2028, %mul3A_2041 : vector<16xf32>
      %get3A_2043 = arith.constant 2 : i32
      %get3A_2044 = arith.constant 5 : i32
      %get3A_2045 = arith.index_cast %get3A_2043 : i32 to index
      %get3A_2046 = arith.index_cast %get3A_2044 : i32 to index
      %get3A_2047 = arith.constant 32 : index
      %get3A_2048 = tpu.vector_load %arg10[%get3A_2045, %get3A_2046, %get3A_2047] {strides = array<i32>} : memref<4x32x128xf32, #tpu.memory_space<vmem>>, vector<16xf32>,
      %get3A_2049 = arith.constant 0 : i32
      %get3A_2050 = arith.constant 18 : i32
      %get3A_2051 = arith.index_cast %get3A_2049 : i32 to index
      %get3A_2052 = arith.index_cast %get3A_2050 : i32 to index
      %get3A_2053 = arith.constant 80 : index
      %get3A_2054 = tpu.vector_load %arg10[%get3A_2051, %get3A_2052, %get3A_2053] {strides = array<i32>} : memref<4x32x128xf32, #tpu.memory_space<vmem>>, vector<16xf32>,
      %mul3A_2055 = arith.mulf %get3A_2048, %get3A_2054 : vector<16xf32>
      %add3A_2056 = arith.addf %add3A_2042, %mul3A_2055 : vector<16xf32>
      %get3A_2057 = arith.constant 2 : i32
      %get3A_2058 = arith.constant 5 : i32
      %get3A_2059 = arith.index_cast %get3A_2057 : i32 to index
      %get3A_2060 = arith.index_cast %get3A_2058 : i32 to index
      %get3A_2061 = arith.constant 48 : index
      %get3A_2062 = tpu.vector_load %arg10[%get3A_2059, %get3A_2060, %get3A_2061] {strides = array<i32>} : memref<4x32x128xf32, #tpu.memory_space<vmem>>, vector<16xf32>,
      %get3A_2063 = arith.constant 0 : i32
      %get3A_2064 = arith.constant 19 : i32
      %get3A_2065 = arith.index_cast %get3A_2063 : i32 to index
      %get3A_2066 = arith.index_cast %get3A_2064 : i32 to index
      %get3A_2067 = arith.constant 80 : index
      %get3A_2068 = tpu.vector_load %arg10[%get3A_2065, %get3A_2066, %get3A_2067] {strides = array<i32>} : memref<4x32x128xf32, #tpu.memory_space<vmem>>, vector<16xf32>,
      %mul3A_2069 = arith.mulf %get3A_2062, %get3A_2068 : vector<16xf32>
      %add3A_2070 = arith.addf %add3A_2056, %mul3A_2069 : vector<16xf32>
      %get3A_2071 = arith.constant 2 : i32
      %get3A_2072 = arith.constant 5 : i32
      %get3A_2073 = arith.index_cast %get3A_2071 : i32 to index
      %get3A_2074 = arith.index_cast %get3A_2072 : i32 to index
      %get3A_2075 = arith.constant 64 : index
      %get3A_2076 = tpu.vector_load %arg10[%get3A_2073, %get3A_2074, %get3A_2075] {strides = array<i32>} : memref<4x32x128xf32, #tpu.memory_space<vmem>>, vector<16xf32>,
      %get3A_2077 = arith.constant 0 : i32
      %get3A_2078 = arith.constant 20 : i32
      %get3A_2079 = arith.index_cast %get3A_2077 : i32 to index
      %get3A_2080 = arith.index_cast %get3A_2078 : i32 to index
      %get3A_2081 = arith.constant 80 : index
      %get3A_2082 = tpu.vector_load %arg10[%get3A_2079, %get3A_2080, %get3A_2081] {strides = array<i32>} : memref<4x32x128xf32, #tpu.memory_space<vmem>>, vector<16xf32>,
      %mul3A_2083 = arith.mulf %get3A_2076, %get3A_2082 : vector<16xf32>
      %add3A_2084 = arith.addf %add3A_2070, %mul3A_2083 : vector<16xf32>
      %get3A_2085 = arith.constant 2 : i32
      %get3A_2086 = arith.constant 5 : i32
      %get3A_2087 = arith.index_cast %get3A_2085 : i32 to index
      %get3A_2088 = arith.index_cast %get3A_2086 : i32 to index
      %get3A_2089 = arith.constant 80 : index
      %get3A_2090 = tpu.vector_load %arg10[%get3A_2087, %get3A_2088, %get3A_2089] {strides = array<i32>} : memref<4x32x128xf32, #tpu.memory_space<vmem>>, vector<16xf32>,
      %get3A_2091 = arith.constant 0 : i32
      %get3A_2092 = arith.constant 21 : i32
      %get3A_2093 = arith.index_cast %get3A_2091 : i32 to index
      %get3A_2094 = arith.index_cast %get3A_2092 : i32 to index
      %get3A_2095 = arith.constant 80 : index
      %get3A_2096 = tpu.vector_load %arg10[%get3A_2093, %get3A_2094, %get3A_2095] {strides = array<i32>} : memref<4x32x128xf32, #tpu.memory_space<vmem>>, vector<16xf32>,
      %mul3A_2097 = arith.mulf %get3A_2090, %get3A_2096 : vector<16xf32>
      %add3A_2098 = arith.addf %add3A_2084, %mul3A_2097 : vector<16xf32>
      %get3A_2099 = arith.constant 2 : i32
      %get3A_2100 = arith.constant 5 : i32
      %get3A_2101 = arith.index_cast %get3A_2099 : i32 to index
      %get3A_2102 = arith.index_cast %get3A_2100 : i32 to index
      %get3A_2103 = arith.constant 96 : index
      %get3A_2104 = tpu.vector_load %arg10[%get3A_2101, %get3A_2102, %get3A_2103] {strides = array<i32>} : memref<4x32x128xf32, #tpu.memory_space<vmem>>, vector<16xf32>,
      %get3A_2105 = arith.constant 0 : i32
      %get3A_2106 = arith.constant 22 : i32
      %get3A_2107 = arith.index_cast %get3A_2105 : i32 to index
      %get3A_2108 = arith.index_cast %get3A_2106 : i32 to index
      %get3A_2109 = arith.constant 80 : index
      %get3A_2110 = tpu.vector_load %arg10[%get3A_2107, %get3A_2108, %get3A_2109] {strides = array<i32>} : memref<4x32x128xf32, #tpu.memory_space<vmem>>, vector<16xf32>,
      %mul3A_2111 = arith.mulf %get3A_2104, %get3A_2110 : vector<16xf32>
      %add3A_2112 = arith.addf %add3A_2098, %mul3A_2111 : vector<16xf32>
      %get3A_2113 = arith.constant 2 : i32
      %get3A_2114 = arith.constant 5 : i32
      %get3A_2115 = arith.index_cast %get3A_2113 : i32 to index
      %get3A_2116 = arith.index_cast %get3A_2114 : i32 to index
      %get3A_2117 = arith.constant 112 : index
      %get3A_2118 = tpu.vector_load %arg10[%get3A_2115, %get3A_2116, %get3A_2117] {strides = array<i32>} : memref<4x32x128xf32, #tpu.memory_space<vmem>>, vector<16xf32>,
      %get3A_2119 = arith.constant 0 : i32
      %get3A_2120 = arith.constant 23 : i32
      %get3A_2121 = arith.index_cast %get3A_2119 : i32 to index
      %get3A_2122 = arith.index_cast %get3A_2120 : i32 to index
      %get3A_2123 = arith.constant 80 : index
      %get3A_2124 = tpu.vector_load %arg10[%get3A_2121, %get3A_2122, %get3A_2123] {strides = array<i32>} : memref<4x32x128xf32, #tpu.memory_space<vmem>>, vector<16xf32>,
      %mul3A_2125 = arith.mulf %get3A_2118, %get3A_2124 : vector<16xf32>
      %add3A_2126 = arith.addf %add3A_2112, %mul3A_2125 : vector<16xf32>
      %get3A_2127 = arith.constant 3 : i32
      %get3A_2128 = arith.constant 5 : i32
      %get3A_2129 = arith.index_cast %get3A_2127 : i32 to index
      %get3A_2130 = arith.index_cast %get3A_2128 : i32 to index
      %get3A_2131 = arith.constant 0 : index
      %get3A_2132 = tpu.vector_load %arg10[%get3A_2129, %get3A_2130, %get3A_2131] {strides = array<i32>} : memref<4x32x128xf32, #tpu.memory_space<vmem>>, vector<16xf32>,
      %get3A_2133 = arith.constant 0 : i32
      %get3A_2134 = arith.constant 24 : i32
      %get3A_2135 = arith.index_cast %get3A_2133 : i32 to index
      %get3A_2136 = arith.index_cast %get3A_2134 : i32 to index
      %get3A_2137 = arith.constant 80 : index
      %get3A_2138 = tpu.vector_load %arg10[%get3A_2135, %get3A_2136, %get3A_2137] {strides = array<i32>} : memref<4x32x128xf32, #tpu.memory_space<vmem>>, vector<16xf32>,
      %mul3A_2139 = arith.mulf %get3A_2132, %get3A_2138 : vector<16xf32>
      %add3A_2140 = arith.addf %add3A_2126, %mul3A_2139 : vector<16xf32>
      %get3A_2141 = arith.constant 3 : i32
      %get3A_2142 = arith.constant 5 : i32
      %get3A_2143 = arith.index_cast %get3A_2141 : i32 to index
      %get3A_2144 = arith.index_cast %get3A_2142 : i32 to index
      %get3A_2145 = arith.constant 16 : index
      %get3A_2146 = tpu.vector_load %arg10[%get3A_2143, %get3A_2144, %get3A_2145] {strides = array<i32>} : memref<4x32x128xf32, #tpu.memory_space<vmem>>, vector<16xf32>,
      %get3A_2147 = arith.constant 0 : i32
      %get3A_2148 = arith.constant 25 : i32
      %get3A_2149 = arith.index_cast %get3A_2147 : i32 to index
      %get3A_2150 = arith.index_cast %get3A_2148 : i32 to index
      %get3A_2151 = arith.constant 80 : index
      %get3A_2152 = tpu.vector_load %arg10[%get3A_2149, %get3A_2150, %get3A_2151] {strides = array<i32>} : memref<4x32x128xf32, #tpu.memory_space<vmem>>, vector<16xf32>,
      %mul3A_2153 = arith.mulf %get3A_2146, %get3A_2152 : vector<16xf32>
      %add3A_2154 = arith.addf %add3A_2140, %mul3A_2153 : vector<16xf32>
      %get3A_2155 = arith.constant 0 : i32
      %get3A_2156 = arith.constant 6 : i32
      %get3A_2157 = arith.index_cast %get3A_2155 : i32 to index
      %get3A_2158 = arith.index_cast %get3A_2156 : i32 to index
      %get3A_2159 = arith.constant 112 : index
      %get3A_2160 = tpu.vector_load %arg10[%get3A_2157, %get3A_2158, %get3A_2159] {strides = array<i32>} : memref<4x32x128xf32, #tpu.memory_space<vmem>>, vector<16xf32>,
      %get3A_2161 = arith.constant 0 : i32
      %get3A_2162 = arith.constant 7 : i32
      %get3A_2163 = arith.index_cast %get3A_2161 : i32 to index
      %get3A_2164 = arith.index_cast %get3A_2162 : i32 to index
      %get3A_2165 = arith.constant 96 : index
      %get3A_2166 = tpu.vector_load %arg10[%get3A_2163, %get3A_2164, %get3A_2165] {strides = array<i32>} : memref<4x32x128xf32, #tpu.memory_space<vmem>>, vector<16xf32>,
      %mul3A_2167 = arith.mulf %get3A_2160, %get3A_2166 : vector<16xf32>
      %add3A_2168 = arith.addf %add3A_2154, %mul3A_2167 : vector<16xf32>
      %get3A_2169 = arith.constant 1 : i32
      %get3A_2170 = arith.constant 6 : i32
      %get3A_2171 = arith.index_cast %get3A_2169 : i32 to index
      %get3A_2172 = arith.index_cast %get3A_2170 : i32 to index
      %get3A_2173 = arith.constant 0 : index
      %get3A_2174 = tpu.vector_load %arg10[%get3A_2171, %get3A_2172, %get3A_2173] {strides = array<i32>} : memref<4x32x128xf32, #tpu.memory_space<vmem>>, vector<16xf32>,
      %get3A_2175 = arith.constant 0 : i32
      %get3A_2176 = arith.constant 8 : i32
      %get3A_2177 = arith.index_cast %get3A_2175 : i32 to index
      %get3A_2178 = arith.index_cast %get3A_2176 : i32 to index
      %get3A_2179 = arith.constant 96 : index
      %get3A_2180 = tpu.vector_load %arg10[%get3A_2177, %get3A_2178, %get3A_2179] {strides = array<i32>} : memref<4x32x128xf32, #tpu.memory_space<vmem>>, vector<16xf32>,
      %mul3A_2181 = arith.mulf %get3A_2174, %get3A_2180 : vector<16xf32>
      %add3A_2182 = arith.addf %add3A_2168, %mul3A_2181 : vector<16xf32>
      %get3A_2183 = arith.constant 1 : i32
      %get3A_2184 = arith.constant 6 : i32
      %get3A_2185 = arith.index_cast %get3A_2183 : i32 to index
      %get3A_2186 = arith.index_cast %get3A_2184 : i32 to index
      %get3A_2187 = arith.constant 16 : index
      %get3A_2188 = tpu.vector_load %arg10[%get3A_2185, %get3A_2186, %get3A_2187] {strides = array<i32>} : memref<4x32x128xf32, #tpu.memory_space<vmem>>, vector<16xf32>,
      %get3A_2189 = arith.constant 0 : i32
      %get3A_2190 = arith.constant 9 : i32
      %get3A_2191 = arith.index_cast %get3A_2189 : i32 to index
      %get3A_2192 = arith.index_cast %get3A_2190 : i32 to index
      %get3A_2193 = arith.constant 96 : index
      %get3A_2194 = tpu.vector_load %arg10[%get3A_2191, %get3A_2192, %get3A_2193] {strides = array<i32>} : memref<4x32x128xf32, #tpu.memory_space<vmem>>, vector<16xf32>,
      %mul3A_2195 = arith.mulf %get3A_2188, %get3A_2194 : vector<16xf32>
      %add3A_2196 = arith.addf %add3A_2182, %mul3A_2195 : vector<16xf32>
      %get3A_2197 = arith.constant 1 : i32
      %get3A_2198 = arith.constant 6 : i32
      %get3A_2199 = arith.index_cast %get3A_2197 : i32 to index
      %get3A_2200 = arith.index_cast %get3A_2198 : i32 to index
      %get3A_2201 = arith.constant 32 : index
      %get3A_2202 = tpu.vector_load %arg10[%get3A_2199, %get3A_2200, %get3A_2201] {strides = array<i32>} : memref<4x32x128xf32, #tpu.memory_space<vmem>>, vector<16xf32>,
      %get3A_2203 = arith.constant 0 : i32
      %get3A_2204 = arith.constant 10 : i32
      %get3A_2205 = arith.index_cast %get3A_2203 : i32 to index
      %get3A_2206 = arith.index_cast %get3A_2204 : i32 to index
      %get3A_2207 = arith.constant 96 : index
      %get3A_2208 = tpu.vector_load %arg10[%get3A_2205, %get3A_2206, %get3A_2207] {strides = array<i32>} : memref<4x32x128xf32, #tpu.memory_space<vmem>>, vector<16xf32>,
      %mul3A_2209 = arith.mulf %get3A_2202, %get3A_2208 : vector<16xf32>
      %add3A_2210 = arith.addf %add3A_2196, %mul3A_2209 : vector<16xf32>
      %get3A_2211 = arith.constant 1 : i32
      %get3A_2212 = arith.constant 6 : i32
      %get3A_2213 = arith.index_cast %get3A_2211 : i32 to index
      %get3A_2214 = arith.index_cast %get3A_2212 : i32 to index
      %get3A_2215 = arith.constant 48 : index
      %get3A_2216 = tpu.vector_load %arg10[%get3A_2213, %get3A_2214, %get3A_2215] {strides = array<i32>} : memref<4x32x128xf32, #tpu.memory_space<vmem>>, vector<16xf32>,
      %get3A_2217 = arith.constant 0 : i32
      %get3A_2218 = arith.constant 11 : i32
      %get3A_2219 = arith.index_cast %get3A_2217 : i32 to index
      %get3A_2220 = arith.index_cast %get3A_2218 : i32 to index
      %get3A_2221 = arith.constant 96 : index
      %get3A_2222 = tpu.vector_load %arg10[%get3A_2219, %get3A_2220, %get3A_2221] {strides = array<i32>} : memref<4x32x128xf32, #tpu.memory_space<vmem>>, vector<16xf32>,
      %mul3A_2223 = arith.mulf %get3A_2216, %get3A_2222 : vector<16xf32>
      %add3A_2224 = arith.addf %add3A_2210, %mul3A_2223 : vector<16xf32>
      %get3A_2225 = arith.constant 1 : i32
      %get3A_2226 = arith.constant 6 : i32
      %get3A_2227 = arith.index_cast %get3A_2225 : i32 to index
      %get3A_2228 = arith.index_cast %get3A_2226 : i32 to index
      %get3A_2229 = arith.constant 64 : index
      %get3A_2230 = tpu.vector_load %arg10[%get3A_2227, %get3A_2228, %get3A_2229] {strides = array<i32>} : memref<4x32x128xf32, #tpu.memory_space<vmem>>, vector<16xf32>,
      %get3A_2231 = arith.constant 0 : i32
      %get3A_2232 = arith.constant 12 : i32
      %get3A_2233 = arith.index_cast %get3A_2231 : i32 to index
      %get3A_2234 = arith.index_cast %get3A_2232 : i32 to index
      %get3A_2235 = arith.constant 96 : index
      %get3A_2236 = tpu.vector_load %arg10[%get3A_2233, %get3A_2234, %get3A_2235] {strides = array<i32>} : memref<4x32x128xf32, #tpu.memory_space<vmem>>, vector<16xf32>,
      %mul3A_2237 = arith.mulf %get3A_2230, %get3A_2236 : vector<16xf32>
      %add3A_2238 = arith.addf %add3A_2224, %mul3A_2237 : vector<16xf32>
      %get3A_2239 = arith.constant 1 : i32
      %get3A_2240 = arith.constant 6 : i32
      %get3A_2241 = arith.index_cast %get3A_2239 : i32 to index
      %get3A_2242 = arith.index_cast %get3A_2240 : i32 to index
      %get3A_2243 = arith.constant 80 : index
      %get3A_2244 = tpu.vector_load %arg10[%get3A_2241, %get3A_2242, %get3A_2243] {strides = array<i32>} : memref<4x32x128xf32, #tpu.memory_space<vmem>>, vector<16xf32>,
      %get3A_2245 = arith.constant 0 : i32
      %get3A_2246 = arith.constant 13 : i32
      %get3A_2247 = arith.index_cast %get3A_2245 : i32 to index
      %get3A_2248 = arith.index_cast %get3A_2246 : i32 to index
      %get3A_2249 = arith.constant 96 : index
      %get3A_2250 = tpu.vector_load %arg10[%get3A_2247, %get3A_2248, %get3A_2249] {strides = array<i32>} : memref<4x32x128xf32, #tpu.memory_space<vmem>>, vector<16xf32>,
      %mul3A_2251 = arith.mulf %get3A_2244, %get3A_2250 : vector<16xf32>
      %add3A_2252 = arith.addf %add3A_2238, %mul3A_2251 : vector<16xf32>
      %get3A_2253 = arith.constant 1 : i32
      %get3A_2254 = arith.constant 6 : i32
      %get3A_2255 = arith.index_cast %get3A_2253 : i32 to index
      %get3A_2256 = arith.index_cast %get3A_2254 : i32 to index
      %get3A_2257 = arith.constant 96 : index
      %get3A_2258 = tpu.vector_load %arg10[%get3A_2255, %get3A_2256, %get3A_2257] {strides = array<i32>} : memref<4x32x128xf32, #tpu.memory_space<vmem>>, vector<16xf32>,
      %get3A_2259 = arith.constant 0 : i32
      %get3A_2260 = arith.constant 14 : i32
      %get3A_2261 = arith.index_cast %get3A_2259 : i32 to index
      %get3A_2262 = arith.index_cast %get3A_2260 : i32 to index
      %get3A_2263 = arith.constant 96 : index
      %get3A_2264 = tpu.vector_load %arg10[%get3A_2261, %get3A_2262, %get3A_2263] {strides = array<i32>} : memref<4x32x128xf32, #tpu.memory_space<vmem>>, vector<16xf32>,
      %mul3A_2265 = arith.mulf %get3A_2258, %get3A_2264 : vector<16xf32>
      %add3A_2266 = arith.addf %add3A_2252, %mul3A_2265 : vector<16xf32>
      %get3A_2267 = arith.constant 1 : i32
      %get3A_2268 = arith.constant 6 : i32
      %get3A_2269 = arith.index_cast %get3A_2267 : i32 to index
      %get3A_2270 = arith.index_cast %get3A_2268 : i32 to index
      %get3A_2271 = arith.constant 112 : index
      %get3A_2272 = tpu.vector_load %arg10[%get3A_2269, %get3A_2270, %get3A_2271] {strides = array<i32>} : memref<4x32x128xf32, #tpu.memory_space<vmem>>, vector<16xf32>,
      %get3A_2273 = arith.constant 0 : i32
      %get3A_2274 = arith.constant 15 : i32
      %get3A_2275 = arith.index_cast %get3A_2273 : i32 to index
      %get3A_2276 = arith.index_cast %get3A_2274 : i32 to index
      %get3A_2277 = arith.constant 96 : index
      %get3A_2278 = tpu.vector_load %arg10[%get3A_2275, %get3A_2276, %get3A_2277] {strides = array<i32>} : memref<4x32x128xf32, #tpu.memory_space<vmem>>, vector<16xf32>,
      %mul3A_2279 = arith.mulf %get3A_2272, %get3A_2278 : vector<16xf32>
      %add3A_2280 = arith.addf %add3A_2266, %mul3A_2279 : vector<16xf32>
      %get3A_2281 = arith.constant 2 : i32
      %get3A_2282 = arith.constant 6 : i32
      %get3A_2283 = arith.index_cast %get3A_2281 : i32 to index
      %get3A_2284 = arith.index_cast %get3A_2282 : i32 to index
      %get3A_2285 = arith.constant 0 : index
      %get3A_2286 = tpu.vector_load %arg10[%get3A_2283, %get3A_2284, %get3A_2285] {strides = array<i32>} : memref<4x32x128xf32, #tpu.memory_space<vmem>>, vector<16xf32>,
      %get3A_2287 = arith.constant 0 : i32
      %get3A_2288 = arith.constant 16 : i32
      %get3A_2289 = arith.index_cast %get3A_2287 : i32 to index
      %get3A_2290 = arith.index_cast %get3A_2288 : i32 to index
      %get3A_2291 = arith.constant 96 : index
      %get3A_2292 = tpu.vector_load %arg10[%get3A_2289, %get3A_2290, %get3A_2291] {strides = array<i32>} : memref<4x32x128xf32, #tpu.memory_space<vmem>>, vector<16xf32>,
      %mul3A_2293 = arith.mulf %get3A_2286, %get3A_2292 : vector<16xf32>
      %add3A_2294 = arith.addf %add3A_2280, %mul3A_2293 : vector<16xf32>
      %get3A_2295 = arith.constant 2 : i32
      %get3A_2296 = arith.constant 6 : i32
      %get3A_2297 = arith.index_cast %get3A_2295 : i32 to index
      %get3A_2298 = arith.index_cast %get3A_2296 : i32 to index
      %get3A_2299 = arith.constant 16 : index
      %get3A_2300 = tpu.vector_load %arg10[%get3A_2297, %get3A_2298, %get3A_2299] {strides = array<i32>} : memref<4x32x128xf32, #tpu.memory_space<vmem>>, vector<16xf32>,
      %get3A_2301 = arith.constant 0 : i32
      %get3A_2302 = arith.constant 17 : i32
      %get3A_2303 = arith.index_cast %get3A_2301 : i32 to index
      %get3A_2304 = arith.index_cast %get3A_2302 : i32 to index
      %get3A_2305 = arith.constant 96 : index
      %get3A_2306 = tpu.vector_load %arg10[%get3A_2303, %get3A_2304, %get3A_2305] {strides = array<i32>} : memref<4x32x128xf32, #tpu.memory_space<vmem>>, vector<16xf32>,
      %mul3A_2307 = arith.mulf %get3A_2300, %get3A_2306 : vector<16xf32>
      %add3A_2308 = arith.addf %add3A_2294, %mul3A_2307 : vector<16xf32>
      %get3A_2309 = arith.constant 2 : i32
      %get3A_2310 = arith.constant 6 : i32
      %get3A_2311 = arith.index_cast %get3A_2309 : i32 to index
      %get3A_2312 = arith.index_cast %get3A_2310 : i32 to index
      %get3A_2313 = arith.constant 32 : index
      %get3A_2314 = tpu.vector_load %arg10[%get3A_2311, %get3A_2312, %get3A_2313] {strides = array<i32>} : memref<4x32x128xf32, #tpu.memory_space<vmem>>, vector<16xf32>,
      %get3A_2315 = arith.constant 0 : i32
      %get3A_2316 = arith.constant 18 : i32
      %get3A_2317 = arith.index_cast %get3A_2315 : i32 to index
      %get3A_2318 = arith.index_cast %get3A_2316 : i32 to index
      %get3A_2319 = arith.constant 96 : index
      %get3A_2320 = tpu.vector_load %arg10[%get3A_2317, %get3A_2318, %get3A_2319] {strides = array<i32>} : memref<4x32x128xf32, #tpu.memory_space<vmem>>, vector<16xf32>,
      %mul3A_2321 = arith.mulf %get3A_2314, %get3A_2320 : vector<16xf32>
      %add3A_2322 = arith.addf %add3A_2308, %mul3A_2321 : vector<16xf32>
      %get3A_2323 = arith.constant 2 : i32
      %get3A_2324 = arith.constant 6 : i32
      %get3A_2325 = arith.index_cast %get3A_2323 : i32 to index
      %get3A_2326 = arith.index_cast %get3A_2324 : i32 to index
      %get3A_2327 = arith.constant 48 : index
      %get3A_2328 = tpu.vector_load %arg10[%get3A_2325, %get3A_2326, %get3A_2327] {strides = array<i32>} : memref<4x32x128xf32, #tpu.memory_space<vmem>>, vector<16xf32>,
      %get3A_2329 = arith.constant 0 : i32
      %get3A_2330 = arith.constant 19 : i32
      %get3A_2331 = arith.index_cast %get3A_2329 : i32 to index
      %get3A_2332 = arith.index_cast %get3A_2330 : i32 to index
      %get3A_2333 = arith.constant 96 : index
      %get3A_2334 = tpu.vector_load %arg10[%get3A_2331, %get3A_2332, %get3A_2333] {strides = array<i32>} : memref<4x32x128xf32, #tpu.memory_space<vmem>>, vector<16xf32>,
      %mul3A_2335 = arith.mulf %get3A_2328, %get3A_2334 : vector<16xf32>
      %add3A_2336 = arith.addf %add3A_2322, %mul3A_2335 : vector<16xf32>
      %get3A_2337 = arith.constant 2 : i32
      %get3A_2338 = arith.constant 6 : i32
      %get3A_2339 = arith.index_cast %get3A_2337 : i32 to index
      %get3A_2340 = arith.index_cast %get3A_2338 : i32 to index
      %get3A_2341 = arith.constant 64 : index
      %get3A_2342 = tpu.vector_load %arg10[%get3A_2339, %get3A_2340, %get3A_2341] {strides = array<i32>} : memref<4x32x128xf32, #tpu.memory_space<vmem>>, vector<16xf32>,
      %get3A_2343 = arith.constant 0 : i32
      %get3A_2344 = arith.constant 20 : i32
      %get3A_2345 = arith.index_cast %get3A_2343 : i32 to index
      %get3A_2346 = arith.index_cast %get3A_2344 : i32 to index
      %get3A_2347 = arith.constant 96 : index
      %get3A_2348 = tpu.vector_load %arg10[%get3A_2345, %get3A_2346, %get3A_2347] {strides = array<i32>} : memref<4x32x128xf32, #tpu.memory_space<vmem>>, vector<16xf32>,
      %mul3A_2349 = arith.mulf %get3A_2342, %get3A_2348 : vector<16xf32>
      %add3A_2350 = arith.addf %add3A_2336, %mul3A_2349 : vector<16xf32>
      %get3A_2351 = arith.constant 2 : i32
      %get3A_2352 = arith.constant 6 : i32
      %get3A_2353 = arith.index_cast %get3A_2351 : i32 to index
      %get3A_2354 = arith.index_cast %get3A_2352 : i32 to index
      %get3A_2355 = arith.constant 80 : index
      %get3A_2356 = tpu.vector_load %arg10[%get3A_2353, %get3A_2354, %get3A_2355] {strides = array<i32>} : memref<4x32x128xf32, #tpu.memory_space<vmem>>, vector<16xf32>,
      %get3A_2357 = arith.constant 0 : i32
      %get3A_2358 = arith.constant 21 : i32
      %get3A_2359 = arith.index_cast %get3A_2357 : i32 to index
      %get3A_2360 = arith.index_cast %get3A_2358 : i32 to index
      %get3A_2361 = arith.constant 96 : index
      %get3A_2362 = tpu.vector_load %arg10[%get3A_2359, %get3A_2360, %get3A_2361] {strides = array<i32>} : memref<4x32x128xf32, #tpu.memory_space<vmem>>, vector<16xf32>,
      %mul3A_2363 = arith.mulf %get3A_2356, %get3A_2362 : vector<16xf32>
      %add3A_2364 = arith.addf %add3A_2350, %mul3A_2363 : vector<16xf32>
      %get3A_2365 = arith.constant 2 : i32
      %get3A_2366 = arith.constant 6 : i32
      %get3A_2367 = arith.index_cast %get3A_2365 : i32 to index
      %get3A_2368 = arith.index_cast %get3A_2366 : i32 to index
      %get3A_2369 = arith.constant 96 : index
      %get3A_2370 = tpu.vector_load %arg10[%get3A_2367, %get3A_2368, %get3A_2369] {strides = array<i32>} : memref<4x32x128xf32, #tpu.memory_space<vmem>>, vector<16xf32>,
      %get3A_2371 = arith.constant 0 : i32
      %get3A_2372 = arith.constant 22 : i32
      %get3A_2373 = arith.index_cast %get3A_2371 : i32 to index
      %get3A_2374 = arith.index_cast %get3A_2372 : i32 to index
      %get3A_2375 = arith.constant 96 : index
      %get3A_2376 = tpu.vector_load %arg10[%get3A_2373, %get3A_2374, %get3A_2375] {strides = array<i32>} : memref<4x32x128xf32, #tpu.memory_space<vmem>>, vector<16xf32>,
      %mul3A_2377 = arith.mulf %get3A_2370, %get3A_2376 : vector<16xf32>
      %add3A_2378 = arith.addf %add3A_2364, %mul3A_2377 : vector<16xf32>
      %get3A_2379 = arith.constant 2 : i32
      %get3A_2380 = arith.constant 6 : i32
      %get3A_2381 = arith.index_cast %get3A_2379 : i32 to index
      %get3A_2382 = arith.index_cast %get3A_2380 : i32 to index
      %get3A_2383 = arith.constant 112 : index
      %get3A_2384 = tpu.vector_load %arg10[%get3A_2381, %get3A_2382, %get3A_2383] {strides = array<i32>} : memref<4x32x128xf32, #tpu.memory_space<vmem>>, vector<16xf32>,
      %get3A_2385 = arith.constant 0 : i32
      %get3A_2386 = arith.constant 23 : i32
      %get3A_2387 = arith.index_cast %get3A_2385 : i32 to index
      %get3A_2388 = arith.index_cast %get3A_2386 : i32 to index
      %get3A_2389 = arith.constant 96 : index
      %get3A_2390 = tpu.vector_load %arg10[%get3A_2387, %get3A_2388, %get3A_2389] {strides = array<i32>} : memref<4x32x128xf32, #tpu.memory_space<vmem>>, vector<16xf32>,
      %mul3A_2391 = arith.mulf %get3A_2384, %get3A_2390 : vector<16xf32>
      %add3A_2392 = arith.addf %add3A_2378, %mul3A_2391 : vector<16xf32>
      %get3A_2393 = arith.constant 3 : i32
      %get3A_2394 = arith.constant 6 : i32
      %get3A_2395 = arith.index_cast %get3A_2393 : i32 to index
      %get3A_2396 = arith.index_cast %get3A_2394 : i32 to index
      %get3A_2397 = arith.constant 0 : index
      %get3A_2398 = tpu.vector_load %arg10[%get3A_2395, %get3A_2396, %get3A_2397] {strides = array<i32>} : memref<4x32x128xf32, #tpu.memory_space<vmem>>, vector<16xf32>,
      %get3A_2399 = arith.constant 0 : i32
      %get3A_2400 = arith.constant 24 : i32
      %get3A_2401 = arith.index_cast %get3A_2399 : i32 to index
      %get3A_2402 = arith.index_cast %get3A_2400 : i32 to index
      %get3A_2403 = arith.constant 96 : index
      %get3A_2404 = tpu.vector_load %arg10[%get3A_2401, %get3A_2402, %get3A_2403] {strides = array<i32>} : memref<4x32x128xf32, #tpu.memory_space<vmem>>, vector<16xf32>,
      %mul3A_2405 = arith.mulf %get3A_2398, %get3A_2404 : vector<16xf32>
      %add3A_2406 = arith.addf %add3A_2392, %mul3A_2405 : vector<16xf32>
      %get3A_2407 = arith.constant 3 : i32
      %get3A_2408 = arith.constant 6 : i32
      %get3A_2409 = arith.index_cast %get3A_2407 : i32 to index
      %get3A_2410 = arith.index_cast %get3A_2408 : i32 to index
      %get3A_2411 = arith.constant 16 : index
      %get3A_2412 = tpu.vector_load %arg10[%get3A_2409, %get3A_2410, %get3A_2411] {strides = array<i32>} : memref<4x32x128xf32, #tpu.memory_space<vmem>>, vector<16xf32>,
      %get3A_2413 = arith.constant 0 : i32
      %get3A_2414 = arith.constant 25 : i32
      %get3A_2415 = arith.index_cast %get3A_2413 : i32 to index
      %get3A_2416 = arith.index_cast %get3A_2414 : i32 to index
      %get3A_2417 = arith.constant 96 : index
      %get3A_2418 = tpu.vector_load %arg10[%get3A_2415, %get3A_2416, %get3A_2417] {strides = array<i32>} : memref<4x32x128xf32, #tpu.memory_space<vmem>>, vector<16xf32>,
      %mul3A_2419 = arith.mulf %get3A_2412, %get3A_2418 : vector<16xf32>
      %add3A_2420 = arith.addf %add3A_2406, %mul3A_2419 : vector<16xf32>
      %get3A_2421 = arith.constant 1 : i32
      %get3A_2422 = arith.constant 7 : i32
      %get3A_2423 = arith.index_cast %get3A_2421 : i32 to index
      %get3A_2424 = arith.index_cast %get3A_2422 : i32 to index
      %get3A_2425 = arith.constant 0 : index
      %get3A_2426 = tpu.vector_load %arg10[%get3A_2423, %get3A_2424, %get3A_2425] {strides = array<i32>} : memref<4x32x128xf32, #tpu.memory_space<vmem>>, vector<16xf32>,
      %get3A_2427 = arith.constant 0 : i32
      %get3A_2428 = arith.constant 8 : i32
      %get3A_2429 = arith.index_cast %get3A_2427 : i32 to index
      %get3A_2430 = arith.index_cast %get3A_2428 : i32 to index
      %get3A_2431 = arith.constant 112 : index
      %get3A_2432 = tpu.vector_load %arg10[%get3A_2429, %get3A_2430, %get3A_2431] {strides = array<i32>} : memref<4x32x128xf32, #tpu.memory_space<vmem>>, vector<16xf32>,
      %mul3A_2433 = arith.mulf %get3A_2426, %get3A_2432 : vector<16xf32>
      %add3A_2434 = arith.addf %add3A_2420, %mul3A_2433 : vector<16xf32>
      %get3A_2435 = arith.constant 1 : i32
      %get3A_2436 = arith.constant 7 : i32
      %get3A_2437 = arith.index_cast %get3A_2435 : i32 to index
      %get3A_2438 = arith.index_cast %get3A_2436 : i32 to index
      %get3A_2439 = arith.constant 16 : index
      %get3A_2440 = tpu.vector_load %arg10[%get3A_2437, %get3A_2438, %get3A_2439] {strides = array<i32>} : memref<4x32x128xf32, #tpu.memory_space<vmem>>, vector<16xf32>,
      %get3A_2441 = arith.constant 0 : i32
      %get3A_2442 = arith.constant 9 : i32
      %get3A_2443 = arith.index_cast %get3A_2441 : i32 to index
      %get3A_2444 = arith.index_cast %get3A_2442 : i32 to index
      %get3A_2445 = arith.constant 112 : index
      %get3A_2446 = tpu.vector_load %arg10[%get3A_2443, %get3A_2444, %get3A_2445] {strides = array<i32>} : memref<4x32x128xf32, #tpu.memory_space<vmem>>, vector<16xf32>,
      %mul3A_2447 = arith.mulf %get3A_2440, %get3A_2446 : vector<16xf32>
      %add3A_2448 = arith.addf %add3A_2434, %mul3A_2447 : vector<16xf32>
      %get3A_2449 = arith.constant 1 : i32
      %get3A_2450 = arith.constant 7 : i32
      %get3A_2451 = arith.index_cast %get3A_2449 : i32 to index
      %get3A_2452 = arith.index_cast %get3A_2450 : i32 to index
      %get3A_2453 = arith.constant 32 : index
      %get3A_2454 = tpu.vector_load %arg10[%get3A_2451, %get3A_2452, %get3A_2453] {strides = array<i32>} : memref<4x32x128xf32, #tpu.memory_space<vmem>>, vector<16xf32>,
      %get3A_2455 = arith.constant 0 : i32
      %get3A_2456 = arith.constant 10 : i32
      %get3A_2457 = arith.index_cast %get3A_2455 : i32 to index
      %get3A_2458 = arith.index_cast %get3A_2456 : i32 to index
      %get3A_2459 = arith.constant 112 : index
      %get3A_2460 = tpu.vector_load %arg10[%get3A_2457, %get3A_2458, %get3A_2459] {strides = array<i32>} : memref<4x32x128xf32, #tpu.memory_space<vmem>>, vector<16xf32>,
      %mul3A_2461 = arith.mulf %get3A_2454, %get3A_2460 : vector<16xf32>
      %add3A_2462 = arith.addf %add3A_2448, %mul3A_2461 : vector<16xf32>
      %get3A_2463 = arith.constant 1 : i32
      %get3A_2464 = arith.constant 7 : i32
      %get3A_2465 = arith.index_cast %get3A_2463 : i32 to index
      %get3A_2466 = arith.index_cast %get3A_2464 : i32 to index
      %get3A_2467 = arith.constant 48 : index
      %get3A_2468 = tpu.vector_load %arg10[%get3A_2465, %get3A_2466, %get3A_2467] {strides = array<i32>} : memref<4x32x128xf32, #tpu.memory_space<vmem>>, vector<16xf32>,
      %get3A_2469 = arith.constant 0 : i32
      %get3A_2470 = arith.constant 11 : i32
      %get3A_2471 = arith.index_cast %get3A_2469 : i32 to index
      %get3A_2472 = arith.index_cast %get3A_2470 : i32 to index
      %get3A_2473 = arith.constant 112 : index
      %get3A_2474 = tpu.vector_load %arg10[%get3A_2471, %get3A_2472, %get3A_2473] {strides = array<i32>} : memref<4x32x128xf32, #tpu.memory_space<vmem>>, vector<16xf32>,
      %mul3A_2475 = arith.mulf %get3A_2468, %get3A_2474 : vector<16xf32>
      %add3A_2476 = arith.addf %add3A_2462, %mul3A_2475 : vector<16xf32>
      %get3A_2477 = arith.constant 1 : i32
      %get3A_2478 = arith.constant 7 : i32
      %get3A_2479 = arith.index_cast %get3A_2477 : i32 to index
      %get3A_2480 = arith.index_cast %get3A_2478 : i32 to index
      %get3A_2481 = arith.constant 64 : index
      %get3A_2482 = tpu.vector_load %arg10[%get3A_2479, %get3A_2480, %get3A_2481] {strides = array<i32>} : memref<4x32x128xf32, #tpu.memory_space<vmem>>, vector<16xf32>,
      %get3A_2483 = arith.constant 0 : i32
      %get3A_2484 = arith.constant 12 : i32
      %get3A_2485 = arith.index_cast %get3A_2483 : i32 to index
      %get3A_2486 = arith.index_cast %get3A_2484 : i32 to index
      %get3A_2487 = arith.constant 112 : index
      %get3A_2488 = tpu.vector_load %arg10[%get3A_2485, %get3A_2486, %get3A_2487] {strides = array<i32>} : memref<4x32x128xf32, #tpu.memory_space<vmem>>, vector<16xf32>,
      %mul3A_2489 = arith.mulf %get3A_2482, %get3A_2488 : vector<16xf32>
      %add3A_2490 = arith.addf %add3A_2476, %mul3A_2489 : vector<16xf32>
      %get3A_2491 = arith.constant 1 : i32
      %get3A_2492 = arith.constant 7 : i32
      %get3A_2493 = arith.index_cast %get3A_2491 : i32 to index
      %get3A_2494 = arith.index_cast %get3A_2492 : i32 to index
      %get3A_2495 = arith.constant 80 : index
      %get3A_2496 = tpu.vector_load %arg10[%get3A_2493, %get3A_2494, %get3A_2495] {strides = array<i32>} : memref<4x32x128xf32, #tpu.memory_space<vmem>>, vector<16xf32>,
      %get3A_2497 = arith.constant 0 : i32
      %get3A_2498 = arith.constant 13 : i32
      %get3A_2499 = arith.index_cast %get3A_2497 : i32 to index
      %get3A_2500 = arith.index_cast %get3A_2498 : i32 to index
      %get3A_2501 = arith.constant 112 : index
      %get3A_2502 = tpu.vector_load %arg10[%get3A_2499, %get3A_2500, %get3A_2501] {strides = array<i32>} : memref<4x32x128xf32, #tpu.memory_space<vmem>>, vector<16xf32>,
      %mul3A_2503 = arith.mulf %get3A_2496, %get3A_2502 : vector<16xf32>
      %add3A_2504 = arith.addf %add3A_2490, %mul3A_2503 : vector<16xf32>
      %get3A_2505 = arith.constant 1 : i32
      %get3A_2506 = arith.constant 7 : i32
      %get3A_2507 = arith.index_cast %get3A_2505 : i32 to index
      %get3A_2508 = arith.index_cast %get3A_2506 : i32 to index
      %get3A_2509 = arith.constant 96 : index
      %get3A_2510 = tpu.vector_load %arg10[%get3A_2507, %get3A_2508, %get3A_2509] {strides = array<i32>} : memref<4x32x128xf32, #tpu.memory_space<vmem>>, vector<16xf32>,
      %get3A_2511 = arith.constant 0 : i32
      %get3A_2512 = arith.constant 14 : i32
      %get3A_2513 = arith.index_cast %get3A_2511 : i32 to index
      %get3A_2514 = arith.index_cast %get3A_2512 : i32 to index
      %get3A_2515 = arith.constant 112 : index
      %get3A_2516 = tpu.vector_load %arg10[%get3A_2513, %get3A_2514, %get3A_2515] {strides = array<i32>} : memref<4x32x128xf32, #tpu.memory_space<vmem>>, vector<16xf32>,
      %mul3A_2517 = arith.mulf %get3A_2510, %get3A_2516 : vector<16xf32>
      %add3A_2518 = arith.addf %add3A_2504, %mul3A_2517 : vector<16xf32>
      %get3A_2519 = arith.constant 1 : i32
      %get3A_2520 = arith.constant 7 : i32
      %get3A_2521 = arith.index_cast %get3A_2519 : i32 to index
      %get3A_2522 = arith.index_cast %get3A_2520 : i32 to index
      %get3A_2523 = arith.constant 112 : index
      %get3A_2524 = tpu.vector_load %arg10[%get3A_2521, %get3A_2522, %get3A_2523] {strides = array<i32>} : memref<4x32x128xf32, #tpu.memory_space<vmem>>, vector<16xf32>,
      %get3A_2525 = arith.constant 0 : i32
      %get3A_2526 = arith.constant 15 : i32
      %get3A_2527 = arith.index_cast %get3A_2525 : i32 to index
      %get3A_2528 = arith.index_cast %get3A_2526 : i32 to index
      %get3A_2529 = arith.constant 112 : index
      %get3A_2530 = tpu.vector_load %arg10[%get3A_2527, %get3A_2528, %get3A_2529] {strides = array<i32>} : memref<4x32x128xf32, #tpu.memory_space<vmem>>, vector<16xf32>,
      %mul3A_2531 = arith.mulf %get3A_2524, %get3A_2530 : vector<16xf32>
      %add3A_2532 = arith.addf %add3A_2518, %mul3A_2531 : vector<16xf32>
      %get3A_2533 = arith.constant 2 : i32
      %get3A_2534 = arith.constant 7 : i32
      %get3A_2535 = arith.index_cast %get3A_2533 : i32 to index
      %get3A_2536 = arith.index_cast %get3A_2534 : i32 to index
      %get3A_2537 = arith.constant 0 : index
      %get3A_2538 = tpu.vector_load %arg10[%get3A_2535, %get3A_2536, %get3A_2537] {strides = array<i32>} : memref<4x32x128xf32, #tpu.memory_space<vmem>>, vector<16xf32>,
      %get3A_2539 = arith.constant 0 : i32
      %get3A_2540 = arith.constant 16 : i32
      %get3A_2541 = arith.index_cast %get3A_2539 : i32 to index
      %get3A_2542 = arith.index_cast %get3A_2540 : i32 to index
      %get3A_2543 = arith.constant 112 : index
      %get3A_2544 = tpu.vector_load %arg10[%get3A_2541, %get3A_2542, %get3A_2543] {strides = array<i32>} : memref<4x32x128xf32, #tpu.memory_space<vmem>>, vector<16xf32>,
      %mul3A_2545 = arith.mulf %get3A_2538, %get3A_2544 : vector<16xf32>
      %add3A_2546 = arith.addf %add3A_2532, %mul3A_2545 : vector<16xf32>
      %get3A_2547 = arith.constant 2 : i32
      %get3A_2548 = arith.constant 7 : i32
      %get3A_2549 = arith.index_cast %get3A_2547 : i32 to index
      %get3A_2550 = arith.index_cast %get3A_2548 : i32 to index
      %get3A_2551 = arith.constant 16 : index
      %get3A_2552 = tpu.vector_load %arg10[%get3A_2549, %get3A_2550, %get3A_2551] {strides = array<i32>} : memref<4x32x128xf32, #tpu.memory_space<vmem>>, vector<16xf32>,
      %get3A_2553 = arith.constant 0 : i32
      %get3A_2554 = arith.constant 17 : i32
      %get3A_2555 = arith.index_cast %get3A_2553 : i32 to index
      %get3A_2556 = arith.index_cast %get3A_2554 : i32 to index
      %get3A_2557 = arith.constant 112 : index
      %get3A_2558 = tpu.vector_load %arg10[%get3A_2555, %get3A_2556, %get3A_2557] {strides = array<i32>} : memref<4x32x128xf32, #tpu.memory_space<vmem>>, vector<16xf32>,
      %mul3A_2559 = arith.mulf %get3A_2552, %get3A_2558 : vector<16xf32>
      %add3A_2560 = arith.addf %add3A_2546, %mul3A_2559 : vector<16xf32>
      %get3A_2561 = arith.constant 2 : i32
      %get3A_2562 = arith.constant 7 : i32
      %get3A_2563 = arith.index_cast %get3A_2561 : i32 to index
      %get3A_2564 = arith.index_cast %get3A_2562 : i32 to index
      %get3A_2565 = arith.constant 32 : index
      %get3A_2566 = tpu.vector_load %arg10[%get3A_2563, %get3A_2564, %get3A_2565] {strides = array<i32>} : memref<4x32x128xf32, #tpu.memory_space<vmem>>, vector<16xf32>,
      %get3A_2567 = arith.constant 0 : i32
      %get3A_2568 = arith.constant 18 : i32
      %get3A_2569 = arith.index_cast %get3A_2567 : i32 to index
      %get3A_2570 = arith.index_cast %get3A_2568 : i32 to index
      %get3A_2571 = arith.constant 112 : index
      %get3A_2572 = tpu.vector_load %arg10[%get3A_2569, %get3A_2570, %get3A_2571] {strides = array<i32>} : memref<4x32x128xf32, #tpu.memory_space<vmem>>, vector<16xf32>,
      %mul3A_2573 = arith.mulf %get3A_2566, %get3A_2572 : vector<16xf32>
      %add3A_2574 = arith.addf %add3A_2560, %mul3A_2573 : vector<16xf32>
      %get3A_2575 = arith.constant 2 : i32
      %get3A_2576 = arith.constant 7 : i32
      %get3A_2577 = arith.index_cast %get3A_2575 : i32 to index
      %get3A_2578 = arith.index_cast %get3A_2576 : i32 to index
      %get3A_2579 = arith.constant 48 : index
      %get3A_2580 = tpu.vector_load %arg10[%get3A_2577, %get3A_2578, %get3A_2579] {strides = array<i32>} : memref<4x32x128xf32, #tpu.memory_space<vmem>>, vector<16xf32>,
      %get3A_2581 = arith.constant 0 : i32
      %get3A_2582 = arith.constant 19 : i32
      %get3A_2583 = arith.index_cast %get3A_2581 : i32 to index
      %get3A_2584 = arith.index_cast %get3A_2582 : i32 to index
      %get3A_2585 = arith.constant 112 : index
      %get3A_2586 = tpu.vector_load %arg10[%get3A_2583, %get3A_2584, %get3A_2585] {strides = array<i32>} : memref<4x32x128xf32, #tpu.memory_space<vmem>>, vector<16xf32>,
      %mul3A_2587 = arith.mulf %get3A_2580, %get3A_2586 : vector<16xf32>
      %add3A_2588 = arith.addf %add3A_2574, %mul3A_2587 : vector<16xf32>
      %get3A_2589 = arith.constant 2 : i32
      %get3A_2590 = arith.constant 7 : i32
      %get3A_2591 = arith.index_cast %get3A_2589 : i32 to index
      %get3A_2592 = arith.index_cast %get3A_2590 : i32 to index
      %get3A_2593 = arith.constant 64 : index
      %get3A_2594 = tpu.vector_load %arg10[%get3A_2591, %get3A_2592, %get3A_2593] {strides = array<i32>} : memref<4x32x128xf32, #tpu.memory_space<vmem>>, vector<16xf32>,
      %get3A_2595 = arith.constant 0 : i32
      %get3A_2596 = arith.constant 20 : i32
      %get3A_2597 = arith.index_cast %get3A_2595 : i32 to index
      %get3A_2598 = arith.index_cast %get3A_2596 : i32 to index
      %get3A_2599 = arith.constant 112 : index
      %get3A_2600 = tpu.vector_load %arg10[%get3A_2597, %get3A_2598, %get3A_2599] {strides = array<i32>} : memref<4x32x128xf32, #tpu.memory_space<vmem>>, vector<16xf32>,
      %mul3A_2601 = arith.mulf %get3A_2594, %get3A_2600 : vector<16xf32>
      %add3A_2602 = arith.addf %add3A_2588, %mul3A_2601 : vector<16xf32>
      %get3A_2603 = arith.constant 2 : i32
      %get3A_2604 = arith.constant 7 : i32
      %get3A_2605 = arith.index_cast %get3A_2603 : i32 to index
      %get3A_2606 = arith.index_cast %get3A_2604 : i32 to index
      %get3A_2607 = arith.constant 80 : index
      %get3A_2608 = tpu.vector_load %arg10[%get3A_2605, %get3A_2606, %get3A_2607] {strides = array<i32>} : memref<4x32x128xf32, #tpu.memory_space<vmem>>, vector<16xf32>,
      %get3A_2609 = arith.constant 0 : i32
      %get3A_2610 = arith.constant 21 : i32
      %get3A_2611 = arith.index_cast %get3A_2609 : i32 to index
      %get3A_2612 = arith.index_cast %get3A_2610 : i32 to index
      %get3A_2613 = arith.constant 112 : index
      %get3A_2614 = tpu.vector_load %arg10[%get3A_2611, %get3A_2612, %get3A_2613] {strides = array<i32>} : memref<4x32x128xf32, #tpu.memory_space<vmem>>, vector<16xf32>,
      %mul3A_2615 = arith.mulf %get3A_2608, %get3A_2614 : vector<16xf32>
      %add3A_2616 = arith.addf %add3A_2602, %mul3A_2615 : vector<16xf32>
      %get3A_2617 = arith.constant 2 : i32
      %get3A_2618 = arith.constant 7 : i32
      %get3A_2619 = arith.index_cast %get3A_2617 : i32 to index
      %get3A_2620 = arith.index_cast %get3A_2618 : i32 to index
      %get3A_2621 = arith.constant 96 : index
      %get3A_2622 = tpu.vector_load %arg10[%get3A_2619, %get3A_2620, %get3A_2621] {strides = array<i32>} : memref<4x32x128xf32, #tpu.memory_space<vmem>>, vector<16xf32>,
      %get3A_2623 = arith.constant 0 : i32
      %get3A_2624 = arith.constant 22 : i32
      %get3A_2625 = arith.index_cast %get3A_2623 : i32 to index
      %get3A_2626 = arith.index_cast %get3A_2624 : i32 to index
      %get3A_2627 = arith.constant 112 : index
      %get3A_2628 = tpu.vector_load %arg10[%get3A_2625, %get3A_2626, %get3A_2627] {strides = array<i32>} : memref<4x32x128xf32, #tpu.memory_space<vmem>>, vector<16xf32>,
      %mul3A_2629 = arith.mulf %get3A_2622, %get3A_2628 : vector<16xf32>
      %add3A_2630 = arith.addf %add3A_2616, %mul3A_2629 : vector<16xf32>
      %get3A_2631 = arith.constant 2 : i32
      %get3A_2632 = arith.constant 7 : i32
      %get3A_2633 = arith.index_cast %get3A_2631 : i32 to index
      %get3A_2634 = arith.index_cast %get3A_2632 : i32 to index
      %get3A_2635 = arith.constant 112 : index
      %get3A_2636 = tpu.vector_load %arg10[%get3A_2633, %get3A_2634, %get3A_2635] {strides = array<i32>} : memref<4x32x128xf32, #tpu.memory_space<vmem>>, vector<16xf32>,
      %get3A_2637 = arith.constant 0 : i32
      %get3A_2638 = arith.constant 23 : i32
      %get3A_2639 = arith.index_cast %get3A_2637 : i32 to index
      %get3A_2640 = arith.index_cast %get3A_2638 : i32 to index
      %get3A_2641 = arith.constant 112 : index
      %get3A_2642 = tpu.vector_load %arg10[%get3A_2639, %get3A_2640, %get3A_2641] {strides = array<i32>} : memref<4x32x128xf32, #tpu.memory_space<vmem>>, vector<16xf32>,
      %mul3A_2643 = arith.mulf %get3A_2636, %get3A_2642 : vector<16xf32>
      %add3A_2644 = arith.addf %add3A_2630, %mul3A_2643 : vector<16xf32>
      %get3A_2645 = arith.constant 3 : i32
      %get3A_2646 = arith.constant 7 : i32
      %get3A_2647 = arith.index_cast %get3A_2645 : i32 to index
      %get3A_2648 = arith.index_cast %get3A_2646 : i32 to index
      %get3A_2649 = arith.constant 0 : index
      %get3A_2650 = tpu.vector_load %arg10[%get3A_2647, %get3A_2648, %get3A_2649] {strides = array<i32>} : memref<4x32x128xf32, #tpu.memory_space<vmem>>, vector<16xf32>,
      %get3A_2651 = arith.constant 0 : i32
      %get3A_2652 = arith.constant 24 : i32
      %get3A_2653 = arith.index_cast %get3A_2651 : i32 to index
      %get3A_2654 = arith.index_cast %get3A_2652 : i32 to index
      %get3A_2655 = arith.constant 112 : index
      %get3A_2656 = tpu.vector_load %arg10[%get3A_2653, %get3A_2654, %get3A_2655] {strides = array<i32>} : memref<4x32x128xf32, #tpu.memory_space<vmem>>, vector<16xf32>,
      %mul3A_2657 = arith.mulf %get3A_2650, %get3A_2656 : vector<16xf32>
      %add3A_2658 = arith.addf %add3A_2644, %mul3A_2657 : vector<16xf32>
      %get3A_2659 = arith.constant 3 : i32
      %get3A_2660 = arith.constant 7 : i32
      %get3A_2661 = arith.index_cast %get3A_2659 : i32 to index
      %get3A_2662 = arith.index_cast %get3A_2660 : i32 to index
      %get3A_2663 = arith.constant 16 : index
      %get3A_2664 = tpu.vector_load %arg10[%get3A_2661, %get3A_2662, %get3A_2663] {strides = array<i32>} : memref<4x32x128xf32, #tpu.memory_space<vmem>>, vector<16xf32>,
      %get3A_2665 = arith.constant 0 : i32
      %get3A_2666 = arith.constant 25 : i32
      %get3A_2667 = arith.index_cast %get3A_2665 : i32 to index
      %get3A_2668 = arith.index_cast %get3A_2666 : i32 to index
      %get3A_2669 = arith.constant 112 : index
      %get3A_2670 = tpu.vector_load %arg10[%get3A_2667, %get3A_2668, %get3A_2669] {strides = array<i32>} : memref<4x32x128xf32, #tpu.memory_space<vmem>>, vector<16xf32>,
      %mul3A_2671 = arith.mulf %get3A_2664, %get3A_2670 : vector<16xf32>
      %add3A_2672 = arith.addf %add3A_2658, %mul3A_2671 : vector<16xf32>
      %get3A_2673 = arith.constant 1 : i32
      %get3A_2674 = arith.constant 8 : i32
      %get3A_2675 = arith.index_cast %get3A_2673 : i32 to index
      %get3A_2676 = arith.index_cast %get3A_2674 : i32 to index
      %get3A_2677 = arith.constant 16 : index
      %get3A_2678 = tpu.vector_load %arg10[%get3A_2675, %get3A_2676, %get3A_2677] {strides = array<i32>} : memref<4x32x128xf32, #tpu.memory_space<vmem>>, vector<16xf32>,
      %get3A_2679 = arith.constant 1 : i32
      %get3A_2680 = arith.constant 9 : i32
      %get3A_2681 = arith.index_cast %get3A_2679 : i32 to index
      %get3A_2682 = arith.index_cast %get3A_2680 : i32 to index
      %get3A_2683 = arith.constant 0 : index
      %get3A_2684 = tpu.vector_load %arg10[%get3A_2681, %get3A_2682, %get3A_2683] {strides = array<i32>} : memref<4x32x128xf32, #tpu.memory_space<vmem>>, vector<16xf32>,
      %mul3A_2685 = arith.mulf %get3A_2678, %get3A_2684 : vector<16xf32>
      %add3A_2686 = arith.addf %add3A_2672, %mul3A_2685 : vector<16xf32>
      %get3A_2687 = arith.constant 1 : i32
      %get3A_2688 = arith.constant 8 : i32
      %get3A_2689 = arith.index_cast %get3A_2687 : i32 to index
      %get3A_2690 = arith.index_cast %get3A_2688 : i32 to index
      %get3A_2691 = arith.constant 32 : index
      %get3A_2692 = tpu.vector_load %arg10[%get3A_2689, %get3A_2690, %get3A_2691] {strides = array<i32>} : memref<4x32x128xf32, #tpu.memory_space<vmem>>, vector<16xf32>,
      %get3A_2693 = arith.constant 1 : i32
      %get3A_2694 = arith.constant 10 : i32
      %get3A_2695 = arith.index_cast %get3A_2693 : i32 to index
      %get3A_2696 = arith.index_cast %get3A_2694 : i32 to index
      %get3A_2697 = arith.constant 0 : index
      %get3A_2698 = tpu.vector_load %arg10[%get3A_2695, %get3A_2696, %get3A_2697] {strides = array<i32>} : memref<4x32x128xf32, #tpu.memory_space<vmem>>, vector<16xf32>,
      %mul3A_2699 = arith.mulf %get3A_2692, %get3A_2698 : vector<16xf32>
      %add3A_2700 = arith.addf %add3A_2686, %mul3A_2699 : vector<16xf32>
      %get3A_2701 = arith.constant 1 : i32
      %get3A_2702 = arith.constant 8 : i32
      %get3A_2703 = arith.index_cast %get3A_2701 : i32 to index
      %get3A_2704 = arith.index_cast %get3A_2702 : i32 to index
      %get3A_2705 = arith.constant 48 : index
      %get3A_2706 = tpu.vector_load %arg10[%get3A_2703, %get3A_2704, %get3A_2705] {strides = array<i32>} : memref<4x32x128xf32, #tpu.memory_space<vmem>>, vector<16xf32>,
      %get3A_2707 = arith.constant 1 : i32
      %get3A_2708 = arith.constant 11 : i32
      %get3A_2709 = arith.index_cast %get3A_2707 : i32 to index
      %get3A_2710 = arith.index_cast %get3A_2708 : i32 to index
      %get3A_2711 = arith.constant 0 : index
      %get3A_2712 = tpu.vector_load %arg10[%get3A_2709, %get3A_2710, %get3A_2711] {strides = array<i32>} : memref<4x32x128xf32, #tpu.memory_space<vmem>>, vector<16xf32>,
      %mul3A_2713 = arith.mulf %get3A_2706, %get3A_2712 : vector<16xf32>
      %add3A_2714 = arith.addf %add3A_2700, %mul3A_2713 : vector<16xf32>
      %get3A_2715 = arith.constant 1 : i32
      %get3A_2716 = arith.constant 8 : i32
      %get3A_2717 = arith.index_cast %get3A_2715 : i32 to index
      %get3A_2718 = arith.index_cast %get3A_2716 : i32 to index
      %get3A_2719 = arith.constant 64 : index
      %get3A_2720 = tpu.vector_load %arg10[%get3A_2717, %get3A_2718, %get3A_2719] {strides = array<i32>} : memref<4x32x128xf32, #tpu.memory_space<vmem>>, vector<16xf32>,
      %get3A_2721 = arith.constant 1 : i32
      %get3A_2722 = arith.constant 12 : i32
      %get3A_2723 = arith.index_cast %get3A_2721 : i32 to index
      %get3A_2724 = arith.index_cast %get3A_2722 : i32 to index
      %get3A_2725 = arith.constant 0 : index
      %get3A_2726 = tpu.vector_load %arg10[%get3A_2723, %get3A_2724, %get3A_2725] {strides = array<i32>} : memref<4x32x128xf32, #tpu.memory_space<vmem>>, vector<16xf32>,
      %mul3A_2727 = arith.mulf %get3A_2720, %get3A_2726 : vector<16xf32>
      %add3A_2728 = arith.addf %add3A_2714, %mul3A_2727 : vector<16xf32>
      %get3A_2729 = arith.constant 1 : i32
      %get3A_2730 = arith.constant 8 : i32
      %get3A_2731 = arith.index_cast %get3A_2729 : i32 to index
      %get3A_2732 = arith.index_cast %get3A_2730 : i32 to index
      %get3A_2733 = arith.constant 80 : index
      %get3A_2734 = tpu.vector_load %arg10[%get3A_2731, %get3A_2732, %get3A_2733] {strides = array<i32>} : memref<4x32x128xf32, #tpu.memory_space<vmem>>, vector<16xf32>,
      %get3A_2735 = arith.constant 1 : i32
      %get3A_2736 = arith.constant 13 : i32
      %get3A_2737 = arith.index_cast %get3A_2735 : i32 to index
      %get3A_2738 = arith.index_cast %get3A_2736 : i32 to index
      %get3A_2739 = arith.constant 0 : index
      %get3A_2740 = tpu.vector_load %arg10[%get3A_2737, %get3A_2738, %get3A_2739] {strides = array<i32>} : memref<4x32x128xf32, #tpu.memory_space<vmem>>, vector<16xf32>,
      %mul3A_2741 = arith.mulf %get3A_2734, %get3A_2740 : vector<16xf32>
      %add3A_2742 = arith.addf %add3A_2728, %mul3A_2741 : vector<16xf32>
      %get3A_2743 = arith.constant 1 : i32
      %get3A_2744 = arith.constant 8 : i32
      %get3A_2745 = arith.index_cast %get3A_2743 : i32 to index
      %get3A_2746 = arith.index_cast %get3A_2744 : i32 to index
      %get3A_2747 = arith.constant 96 : index
      %get3A_2748 = tpu.vector_load %arg10[%get3A_2745, %get3A_2746, %get3A_2747] {strides = array<i32>} : memref<4x32x128xf32, #tpu.memory_space<vmem>>, vector<16xf32>,
      %get3A_2749 = arith.constant 1 : i32
      %get3A_2750 = arith.constant 14 : i32
      %get3A_2751 = arith.index_cast %get3A_2749 : i32 to index
      %get3A_2752 = arith.index_cast %get3A_2750 : i32 to index
      %get3A_2753 = arith.constant 0 : index
      %get3A_2754 = tpu.vector_load %arg10[%get3A_2751, %get3A_2752, %get3A_2753] {strides = array<i32>} : memref<4x32x128xf32, #tpu.memory_space<vmem>>, vector<16xf32>,
      %mul3A_2755 = arith.mulf %get3A_2748, %get3A_2754 : vector<16xf32>
      %add3A_2756 = arith.addf %add3A_2742, %mul3A_2755 : vector<16xf32>
      %get3A_2757 = arith.constant 1 : i32
      %get3A_2758 = arith.constant 8 : i32
      %get3A_2759 = arith.index_cast %get3A_2757 : i32 to index
      %get3A_2760 = arith.index_cast %get3A_2758 : i32 to index
      %get3A_2761 = arith.constant 112 : index
      %get3A_2762 = tpu.vector_load %arg10[%get3A_2759, %get3A_2760, %get3A_2761] {strides = array<i32>} : memref<4x32x128xf32, #tpu.memory_space<vmem>>, vector<16xf32>,
      %get3A_2763 = arith.constant 1 : i32
      %get3A_2764 = arith.constant 15 : i32
      %get3A_2765 = arith.index_cast %get3A_2763 : i32 to index
      %get3A_2766 = arith.index_cast %get3A_2764 : i32 to index
      %get3A_2767 = arith.constant 0 : index
      %get3A_2768 = tpu.vector_load %arg10[%get3A_2765, %get3A_2766, %get3A_2767] {strides = array<i32>} : memref<4x32x128xf32, #tpu.memory_space<vmem>>, vector<16xf32>,
      %mul3A_2769 = arith.mulf %get3A_2762, %get3A_2768 : vector<16xf32>
      %add3A_2770 = arith.addf %add3A_2756, %mul3A_2769 : vector<16xf32>
      %get3A_2771 = arith.constant 2 : i32
      %get3A_2772 = arith.constant 8 : i32
      %get3A_2773 = arith.index_cast %get3A_2771 : i32 to index
      %get3A_2774 = arith.index_cast %get3A_2772 : i32 to index
      %get3A_2775 = arith.constant 0 : index
      %get3A_2776 = tpu.vector_load %arg10[%get3A_2773, %get3A_2774, %get3A_2775] {strides = array<i32>} : memref<4x32x128xf32, #tpu.memory_space<vmem>>, vector<16xf32>,
      %get3A_2777 = arith.constant 1 : i32
      %get3A_2778 = arith.constant 16 : i32
      %get3A_2779 = arith.index_cast %get3A_2777 : i32 to index
      %get3A_2780 = arith.index_cast %get3A_2778 : i32 to index
      %get3A_2781 = arith.constant 0 : index
      %get3A_2782 = tpu.vector_load %arg10[%get3A_2779, %get3A_2780, %get3A_2781] {strides = array<i32>} : memref<4x32x128xf32, #tpu.memory_space<vmem>>, vector<16xf32>,
      %mul3A_2783 = arith.mulf %get3A_2776, %get3A_2782 : vector<16xf32>
      %add3A_2784 = arith.addf %add3A_2770, %mul3A_2783 : vector<16xf32>
      %get3A_2785 = arith.constant 2 : i32
      %get3A_2786 = arith.constant 8 : i32
      %get3A_2787 = arith.index_cast %get3A_2785 : i32 to index
      %get3A_2788 = arith.index_cast %get3A_2786 : i32 to index
      %get3A_2789 = arith.constant 16 : index
      %get3A_2790 = tpu.vector_load %arg10[%get3A_2787, %get3A_2788, %get3A_2789] {strides = array<i32>} : memref<4x32x128xf32, #tpu.memory_space<vmem>>, vector<16xf32>,
      %get3A_2791 = arith.constant 1 : i32
      %get3A_2792 = arith.constant 17 : i32
      %get3A_2793 = arith.index_cast %get3A_2791 : i32 to index
      %get3A_2794 = arith.index_cast %get3A_2792 : i32 to index
      %get3A_2795 = arith.constant 0 : index
      %get3A_2796 = tpu.vector_load %arg10[%get3A_2793, %get3A_2794, %get3A_2795] {strides = array<i32>} : memref<4x32x128xf32, #tpu.memory_space<vmem>>, vector<16xf32>,
      %mul3A_2797 = arith.mulf %get3A_2790, %get3A_2796 : vector<16xf32>
      %add3A_2798 = arith.addf %add3A_2784, %mul3A_2797 : vector<16xf32>
      %get3A_2799 = arith.constant 2 : i32
      %get3A_2800 = arith.constant 8 : i32
      %get3A_2801 = arith.index_cast %get3A_2799 : i32 to index
      %get3A_2802 = arith.index_cast %get3A_2800 : i32 to index
      %get3A_2803 = arith.constant 32 : index
      %get3A_2804 = tpu.vector_load %arg10[%get3A_2801, %get3A_2802, %get3A_2803] {strides = array<i32>} : memref<4x32x128xf32, #tpu.memory_space<vmem>>, vector<16xf32>,
      %get3A_2805 = arith.constant 1 : i32
      %get3A_2806 = arith.constant 18 : i32
      %get3A_2807 = arith.index_cast %get3A_2805 : i32 to index
      %get3A_2808 = arith.index_cast %get3A_2806 : i32 to index
      %get3A_2809 = arith.constant 0 : index
      %get3A_2810 = tpu.vector_load %arg10[%get3A_2807, %get3A_2808, %get3A_2809] {strides = array<i32>} : memref<4x32x128xf32, #tpu.memory_space<vmem>>, vector<16xf32>,
      %mul3A_2811 = arith.mulf %get3A_2804, %get3A_2810 : vector<16xf32>
      %add3A_2812 = arith.addf %add3A_2798, %mul3A_2811 : vector<16xf32>
      %get3A_2813 = arith.constant 2 : i32
      %get3A_2814 = arith.constant 8 : i32
      %get3A_2815 = arith.index_cast %get3A_2813 : i32 to index
      %get3A_2816 = arith.index_cast %get3A_2814 : i32 to index
      %get3A_2817 = arith.constant 48 : index
      %get3A_2818 = tpu.vector_load %arg10[%get3A_2815, %get3A_2816, %get3A_2817] {strides = array<i32>} : memref<4x32x128xf32, #tpu.memory_space<vmem>>, vector<16xf32>,
      %get3A_2819 = arith.constant 1 : i32
      %get3A_2820 = arith.constant 19 : i32
      %get3A_2821 = arith.index_cast %get3A_2819 : i32 to index
      %get3A_2822 = arith.index_cast %get3A_2820 : i32 to index
      %get3A_2823 = arith.constant 0 : index
      %get3A_2824 = tpu.vector_load %arg10[%get3A_2821, %get3A_2822, %get3A_2823] {strides = array<i32>} : memref<4x32x128xf32, #tpu.memory_space<vmem>>, vector<16xf32>,
      %mul3A_2825 = arith.mulf %get3A_2818, %get3A_2824 : vector<16xf32>
      %add3A_2826 = arith.addf %add3A_2812, %mul3A_2825 : vector<16xf32>
      %get3A_2827 = arith.constant 2 : i32
      %get3A_2828 = arith.constant 8 : i32
      %get3A_2829 = arith.index_cast %get3A_2827 : i32 to index
      %get3A_2830 = arith.index_cast %get3A_2828 : i32 to index
      %get3A_2831 = arith.constant 64 : index
      %get3A_2832 = tpu.vector_load %arg10[%get3A_2829, %get3A_2830, %get3A_2831] {strides = array<i32>} : memref<4x32x128xf32, #tpu.memory_space<vmem>>, vector<16xf32>,
      %get3A_2833 = arith.constant 1 : i32
      %get3A_2834 = arith.constant 20 : i32
      %get3A_2835 = arith.index_cast %get3A_2833 : i32 to index
      %get3A_2836 = arith.index_cast %get3A_2834 : i32 to index
      %get3A_2837 = arith.constant 0 : index
      %get3A_2838 = tpu.vector_load %arg10[%get3A_2835, %get3A_2836, %get3A_2837] {strides = array<i32>} : memref<4x32x128xf32, #tpu.memory_space<vmem>>, vector<16xf32>,
      %mul3A_2839 = arith.mulf %get3A_2832, %get3A_2838 : vector<16xf32>
      %add3A_2840 = arith.addf %add3A_2826, %mul3A_2839 : vector<16xf32>
      %get3A_2841 = arith.constant 2 : i32
      %get3A_2842 = arith.constant 8 : i32
      %get3A_2843 = arith.index_cast %get3A_2841 : i32 to index
      %get3A_2844 = arith.index_cast %get3A_2842 : i32 to index
      %get3A_2845 = arith.constant 80 : index
      %get3A_2846 = tpu.vector_load %arg10[%get3A_2843, %get3A_2844, %get3A_2845] {strides = array<i32>} : memref<4x32x128xf32, #tpu.memory_space<vmem>>, vector<16xf32>,
      %get3A_2847 = arith.constant 1 : i32
      %get3A_2848 = arith.constant 21 : i32
      %get3A_2849 = arith.index_cast %get3A_2847 : i32 to index
      %get3A_2850 = arith.index_cast %get3A_2848 : i32 to index
      %get3A_2851 = arith.constant 0 : index
      %get3A_2852 = tpu.vector_load %arg10[%get3A_2849, %get3A_2850, %get3A_2851] {strides = array<i32>} : memref<4x32x128xf32, #tpu.memory_space<vmem>>, vector<16xf32>,
      %mul3A_2853 = arith.mulf %get3A_2846, %get3A_2852 : vector<16xf32>
      %add3A_2854 = arith.addf %add3A_2840, %mul3A_2853 : vector<16xf32>
      %get3A_2855 = arith.constant 2 : i32
      %get3A_2856 = arith.constant 8 : i32
      %get3A_2857 = arith.index_cast %get3A_2855 : i32 to index
      %get3A_2858 = arith.index_cast %get3A_2856 : i32 to index
      %get3A_2859 = arith.constant 96 : index
      %get3A_2860 = tpu.vector_load %arg10[%get3A_2857, %get3A_2858, %get3A_2859] {strides = array<i32>} : memref<4x32x128xf32, #tpu.memory_space<vmem>>, vector<16xf32>,
      %get3A_2861 = arith.constant 1 : i32
      %get3A_2862 = arith.constant 22 : i32
      %get3A_2863 = arith.index_cast %get3A_2861 : i32 to index
      %get3A_2864 = arith.index_cast %get3A_2862 : i32 to index
      %get3A_2865 = arith.constant 0 : index
      %get3A_2866 = tpu.vector_load %arg10[%get3A_2863, %get3A_2864, %get3A_2865] {strides = array<i32>} : memref<4x32x128xf32, #tpu.memory_space<vmem>>, vector<16xf32>,
      %mul3A_2867 = arith.mulf %get3A_2860, %get3A_2866 : vector<16xf32>
      %add3A_2868 = arith.addf %add3A_2854, %mul3A_2867 : vector<16xf32>
      %get3A_2869 = arith.constant 2 : i32
      %get3A_2870 = arith.constant 8 : i32
      %get3A_2871 = arith.index_cast %get3A_2869 : i32 to index
      %get3A_2872 = arith.index_cast %get3A_2870 : i32 to index
      %get3A_2873 = arith.constant 112 : index
      %get3A_2874 = tpu.vector_load %arg10[%get3A_2871, %get3A_2872, %get3A_2873] {strides = array<i32>} : memref<4x32x128xf32, #tpu.memory_space<vmem>>, vector<16xf32>,
      %get3A_2875 = arith.constant 1 : i32
      %get3A_2876 = arith.constant 23 : i32
      %get3A_2877 = arith.index_cast %get3A_2875 : i32 to index
      %get3A_2878 = arith.index_cast %get3A_2876 : i32 to index
      %get3A_2879 = arith.constant 0 : index
      %get3A_2880 = tpu.vector_load %arg10[%get3A_2877, %get3A_2878, %get3A_2879] {strides = array<i32>} : memref<4x32x128xf32, #tpu.memory_space<vmem>>, vector<16xf32>,
      %mul3A_2881 = arith.mulf %get3A_2874, %get3A_2880 : vector<16xf32>
      %add3A_2882 = arith.addf %add3A_2868, %mul3A_2881 : vector<16xf32>
      %get3A_2883 = arith.constant 3 : i32
      %get3A_2884 = arith.constant 8 : i32
      %get3A_2885 = arith.index_cast %get3A_2883 : i32 to index
      %get3A_2886 = arith.index_cast %get3A_2884 : i32 to index
      %get3A_2887 = arith.constant 0 : index
      %get3A_2888 = tpu.vector_load %arg10[%get3A_2885, %get3A_2886, %get3A_2887] {strides = array<i32>} : memref<4x32x128xf32, #tpu.memory_space<vmem>>, vector<16xf32>,
      %get3A_2889 = arith.constant 1 : i32
      %get3A_2890 = arith.constant 24 : i32
      %get3A_2891 = arith.index_cast %get3A_2889 : i32 to index
      %get3A_2892 = arith.index_cast %get3A_2890 : i32 to index
      %get3A_2893 = arith.constant 0 : index
      %get3A_2894 = tpu.vector_load %arg10[%get3A_2891, %get3A_2892, %get3A_2893] {strides = array<i32>} : memref<4x32x128xf32, #tpu.memory_space<vmem>>, vector<16xf32>,
      %mul3A_2895 = arith.mulf %get3A_2888, %get3A_2894 : vector<16xf32>
      %add3A_2896 = arith.addf %add3A_2882, %mul3A_2895 : vector<16xf32>
      %get3A_2897 = arith.constant 3 : i32
      %get3A_2898 = arith.constant 8 : i32
      %get3A_2899 = arith.index_cast %get3A_2897 : i32 to index
      %get3A_2900 = arith.index_cast %get3A_2898 : i32 to index
      %get3A_2901 = arith.constant 16 : index
      %get3A_2902 = tpu.vector_load %arg10[%get3A_2899, %get3A_2900, %get3A_2901] {strides = array<i32>} : memref<4x32x128xf32, #tpu.memory_space<vmem>>, vector<16xf32>,
      %get3A_2903 = arith.constant 1 : i32
      %get3A_2904 = arith.constant 25 : i32
      %get3A_2905 = arith.index_cast %get3A_2903 : i32 to index
      %get3A_2906 = arith.index_cast %get3A_2904 : i32 to index
      %get3A_2907 = arith.constant 0 : index
      %get3A_2908 = tpu.vector_load %arg10[%get3A_2905, %get3A_2906, %get3A_2907] {strides = array<i32>} : memref<4x32x128xf32, #tpu.memory_space<vmem>>, vector<16xf32>,
      %mul3A_2909 = arith.mulf %get3A_2902, %get3A_2908 : vector<16xf32>
      %add3A_2910 = arith.addf %add3A_2896, %mul3A_2909 : vector<16xf32>
      %get3A_2911 = arith.constant 1 : i32
      %get3A_2912 = arith.constant 9 : i32
      %get3A_2913 = arith.index_cast %get3A_2911 : i32 to index
      %get3A_2914 = arith.index_cast %get3A_2912 : i32 to index
      %get3A_2915 = arith.constant 32 : index
      %get3A_2916 = tpu.vector_load %arg10[%get3A_2913, %get3A_2914, %get3A_2915] {strides = array<i32>} : memref<4x32x128xf32, #tpu.memory_space<vmem>>, vector<16xf32>,
      %get3A_2917 = arith.constant 1 : i32
      %get3A_2918 = arith.constant 10 : i32
      %get3A_2919 = arith.index_cast %get3A_2917 : i32 to index
      %get3A_2920 = arith.index_cast %get3A_2918 : i32 to index
      %get3A_2921 = arith.constant 16 : index
      %get3A_2922 = tpu.vector_load %arg10[%get3A_2919, %get3A_2920, %get3A_2921] {strides = array<i32>} : memref<4x32x128xf32, #tpu.memory_space<vmem>>, vector<16xf32>,
      %mul3A_2923 = arith.mulf %get3A_2916, %get3A_2922 : vector<16xf32>
      %add3A_2924 = arith.addf %add3A_2910, %mul3A_2923 : vector<16xf32>
      %get3A_2925 = arith.constant 1 : i32
      %get3A_2926 = arith.constant 9 : i32
      %get3A_2927 = arith.index_cast %get3A_2925 : i32 to index
      %get3A_2928 = arith.index_cast %get3A_2926 : i32 to index
      %get3A_2929 = arith.constant 48 : index
      %get3A_2930 = tpu.vector_load %arg10[%get3A_2927, %get3A_2928, %get3A_2929] {strides = array<i32>} : memref<4x32x128xf32, #tpu.memory_space<vmem>>, vector<16xf32>,
      %get3A_2931 = arith.constant 1 : i32
      %get3A_2932 = arith.constant 11 : i32
      %get3A_2933 = arith.index_cast %get3A_2931 : i32 to index
      %get3A_2934 = arith.index_cast %get3A_2932 : i32 to index
      %get3A_2935 = arith.constant 16 : index
      %get3A_2936 = tpu.vector_load %arg10[%get3A_2933, %get3A_2934, %get3A_2935] {strides = array<i32>} : memref<4x32x128xf32, #tpu.memory_space<vmem>>, vector<16xf32>,
      %mul3A_2937 = arith.mulf %get3A_2930, %get3A_2936 : vector<16xf32>
      %add3A_2938 = arith.addf %add3A_2924, %mul3A_2937 : vector<16xf32>
      %get3A_2939 = arith.constant 1 : i32
      %get3A_2940 = arith.constant 9 : i32
      %get3A_2941 = arith.index_cast %get3A_2939 : i32 to index
      %get3A_2942 = arith.index_cast %get3A_2940 : i32 to index
      %get3A_2943 = arith.constant 64 : index
      %get3A_2944 = tpu.vector_load %arg10[%get3A_2941, %get3A_2942, %get3A_2943] {strides = array<i32>} : memref<4x32x128xf32, #tpu.memory_space<vmem>>, vector<16xf32>,
      %get3A_2945 = arith.constant 1 : i32
      %get3A_2946 = arith.constant 12 : i32
      %get3A_2947 = arith.index_cast %get3A_2945 : i32 to index
      %get3A_2948 = arith.index_cast %get3A_2946 : i32 to index
      %get3A_2949 = arith.constant 16 : index
      %get3A_2950 = tpu.vector_load %arg10[%get3A_2947, %get3A_2948, %get3A_2949] {strides = array<i32>} : memref<4x32x128xf32, #tpu.memory_space<vmem>>, vector<16xf32>,
      %mul3A_2951 = arith.mulf %get3A_2944, %get3A_2950 : vector<16xf32>
      %add3A_2952 = arith.addf %add3A_2938, %mul3A_2951 : vector<16xf32>
      %get3A_2953 = arith.constant 1 : i32
      %get3A_2954 = arith.constant 9 : i32
      %get3A_2955 = arith.index_cast %get3A_2953 : i32 to index
      %get3A_2956 = arith.index_cast %get3A_2954 : i32 to index
      %get3A_2957 = arith.constant 80 : index
      %get3A_2958 = tpu.vector_load %arg10[%get3A_2955, %get3A_2956, %get3A_2957] {strides = array<i32>} : memref<4x32x128xf32, #tpu.memory_space<vmem>>, vector<16xf32>,
      %get3A_2959 = arith.constant 1 : i32
      %get3A_2960 = arith.constant 13 : i32
      %get3A_2961 = arith.index_cast %get3A_2959 : i32 to index
      %get3A_2962 = arith.index_cast %get3A_2960 : i32 to index
      %get3A_2963 = arith.constant 16 : index
      %get3A_2964 = tpu.vector_load %arg10[%get3A_2961, %get3A_2962, %get3A_2963] {strides = array<i32>} : memref<4x32x128xf32, #tpu.memory_space<vmem>>, vector<16xf32>,
      %mul3A_2965 = arith.mulf %get3A_2958, %get3A_2964 : vector<16xf32>
      %add3A_2966 = arith.addf %add3A_2952, %mul3A_2965 : vector<16xf32>
      %get3A_2967 = arith.constant 1 : i32
      %get3A_2968 = arith.constant 9 : i32
      %get3A_2969 = arith.index_cast %get3A_2967 : i32 to index
      %get3A_2970 = arith.index_cast %get3A_2968 : i32 to index
      %get3A_2971 = arith.constant 96 : index
      %get3A_2972 = tpu.vector_load %arg10[%get3A_2969, %get3A_2970, %get3A_2971] {strides = array<i32>} : memref<4x32x128xf32, #tpu.memory_space<vmem>>, vector<16xf32>,
      %get3A_2973 = arith.constant 1 : i32
      %get3A_2974 = arith.constant 14 : i32
      %get3A_2975 = arith.index_cast %get3A_2973 : i32 to index
      %get3A_2976 = arith.index_cast %get3A_2974 : i32 to index
      %get3A_2977 = arith.constant 16 : index
      %get3A_2978 = tpu.vector_load %arg10[%get3A_2975, %get3A_2976, %get3A_2977] {strides = array<i32>} : memref<4x32x128xf32, #tpu.memory_space<vmem>>, vector<16xf32>,
      %mul3A_2979 = arith.mulf %get3A_2972, %get3A_2978 : vector<16xf32>
      %add3A_2980 = arith.addf %add3A_2966, %mul3A_2979 : vector<16xf32>
      %get3A_2981 = arith.constant 1 : i32
      %get3A_2982 = arith.constant 9 : i32
      %get3A_2983 = arith.index_cast %get3A_2981 : i32 to index
      %get3A_2984 = arith.index_cast %get3A_2982 : i32 to index
      %get3A_2985 = arith.constant 112 : index
      %get3A_2986 = tpu.vector_load %arg10[%get3A_2983, %get3A_2984, %get3A_2985] {strides = array<i32>} : memref<4x32x128xf32, #tpu.memory_space<vmem>>, vector<16xf32>,
      %get3A_2987 = arith.constant 1 : i32
      %get3A_2988 = arith.constant 15 : i32
      %get3A_2989 = arith.index_cast %get3A_2987 : i32 to index
      %get3A_2990 = arith.index_cast %get3A_2988 : i32 to index
      %get3A_2991 = arith.constant 16 : index
      %get3A_2992 = tpu.vector_load %arg10[%get3A_2989, %get3A_2990, %get3A_2991] {strides = array<i32>} : memref<4x32x128xf32, #tpu.memory_space<vmem>>, vector<16xf32>,
      %mul3A_2993 = arith.mulf %get3A_2986, %get3A_2992 : vector<16xf32>
      %add3A_2994 = arith.addf %add3A_2980, %mul3A_2993 : vector<16xf32>
      %get3A_2995 = arith.constant 2 : i32
      %get3A_2996 = arith.constant 9 : i32
      %get3A_2997 = arith.index_cast %get3A_2995 : i32 to index
      %get3A_2998 = arith.index_cast %get3A_2996 : i32 to index
      %get3A_2999 = arith.constant 0 : index
      %get3A_3000 = tpu.vector_load %arg10[%get3A_2997, %get3A_2998, %get3A_2999] {strides = array<i32>} : memref<4x32x128xf32, #tpu.memory_space<vmem>>, vector<16xf32>,
      %get3A_3001 = arith.constant 1 : i32
      %get3A_3002 = arith.constant 16 : i32
      %get3A_3003 = arith.index_cast %get3A_3001 : i32 to index
      %get3A_3004 = arith.index_cast %get3A_3002 : i32 to index
      %get3A_3005 = arith.constant 16 : index
      %get3A_3006 = tpu.vector_load %arg10[%get3A_3003, %get3A_3004, %get3A_3005] {strides = array<i32>} : memref<4x32x128xf32, #tpu.memory_space<vmem>>, vector<16xf32>,
      %mul3A_3007 = arith.mulf %get3A_3000, %get3A_3006 : vector<16xf32>
      %add3A_3008 = arith.addf %add3A_2994, %mul3A_3007 : vector<16xf32>
      %get3A_3009 = arith.constant 2 : i32
      %get3A_3010 = arith.constant 9 : i32
      %get3A_3011 = arith.index_cast %get3A_3009 : i32 to index
      %get3A_3012 = arith.index_cast %get3A_3010 : i32 to index
      %get3A_3013 = arith.constant 16 : index
      %get3A_3014 = tpu.vector_load %arg10[%get3A_3011, %get3A_3012, %get3A_3013] {strides = array<i32>} : memref<4x32x128xf32, #tpu.memory_space<vmem>>, vector<16xf32>,
      %get3A_3015 = arith.constant 1 : i32
      %get3A_3016 = arith.constant 17 : i32
      %get3A_3017 = arith.index_cast %get3A_3015 : i32 to index
      %get3A_3018 = arith.index_cast %get3A_3016 : i32 to index
      %get3A_3019 = arith.constant 16 : index
      %get3A_3020 = tpu.vector_load %arg10[%get3A_3017, %get3A_3018, %get3A_3019] {strides = array<i32>} : memref<4x32x128xf32, #tpu.memory_space<vmem>>, vector<16xf32>,
      %mul3A_3021 = arith.mulf %get3A_3014, %get3A_3020 : vector<16xf32>
      %add3A_3022 = arith.addf %add3A_3008, %mul3A_3021 : vector<16xf32>
      %get3A_3023 = arith.constant 2 : i32
      %get3A_3024 = arith.constant 9 : i32
      %get3A_3025 = arith.index_cast %get3A_3023 : i32 to index
      %get3A_3026 = arith.index_cast %get3A_3024 : i32 to index
      %get3A_3027 = arith.constant 32 : index
      %get3A_3028 = tpu.vector_load %arg10[%get3A_3025, %get3A_3026, %get3A_3027] {strides = array<i32>} : memref<4x32x128xf32, #tpu.memory_space<vmem>>, vector<16xf32>,
      %get3A_3029 = arith.constant 1 : i32
      %get3A_3030 = arith.constant 18 : i32
      %get3A_3031 = arith.index_cast %get3A_3029 : i32 to index
      %get3A_3032 = arith.index_cast %get3A_3030 : i32 to index
      %get3A_3033 = arith.constant 16 : index
      %get3A_3034 = tpu.vector_load %arg10[%get3A_3031, %get3A_3032, %get3A_3033] {strides = array<i32>} : memref<4x32x128xf32, #tpu.memory_space<vmem>>, vector<16xf32>,
      %mul3A_3035 = arith.mulf %get3A_3028, %get3A_3034 : vector<16xf32>
      %add3A_3036 = arith.addf %add3A_3022, %mul3A_3035 : vector<16xf32>
      %get3A_3037 = arith.constant 2 : i32
      %get3A_3038 = arith.constant 9 : i32
      %get3A_3039 = arith.index_cast %get3A_3037 : i32 to index
      %get3A_3040 = arith.index_cast %get3A_3038 : i32 to index
      %get3A_3041 = arith.constant 48 : index
      %get3A_3042 = tpu.vector_load %arg10[%get3A_3039, %get3A_3040, %get3A_3041] {strides = array<i32>} : memref<4x32x128xf32, #tpu.memory_space<vmem>>, vector<16xf32>,
      %get3A_3043 = arith.constant 1 : i32
      %get3A_3044 = arith.constant 19 : i32
      %get3A_3045 = arith.index_cast %get3A_3043 : i32 to index
      %get3A_3046 = arith.index_cast %get3A_3044 : i32 to index
      %get3A_3047 = arith.constant 16 : index
      %get3A_3048 = tpu.vector_load %arg10[%get3A_3045, %get3A_3046, %get3A_3047] {strides = array<i32>} : memref<4x32x128xf32, #tpu.memory_space<vmem>>, vector<16xf32>,
      %mul3A_3049 = arith.mulf %get3A_3042, %get3A_3048 : vector<16xf32>
      %add3A_3050 = arith.addf %add3A_3036, %mul3A_3049 : vector<16xf32>
      %get3A_3051 = arith.constant 2 : i32
      %get3A_3052 = arith.constant 9 : i32
      %get3A_3053 = arith.index_cast %get3A_3051 : i32 to index
      %get3A_3054 = arith.index_cast %get3A_3052 : i32 to index
      %get3A_3055 = arith.constant 64 : index
      %get3A_3056 = tpu.vector_load %arg10[%get3A_3053, %get3A_3054, %get3A_3055] {strides = array<i32>} : memref<4x32x128xf32, #tpu.memory_space<vmem>>, vector<16xf32>,
      %get3A_3057 = arith.constant 1 : i32
      %get3A_3058 = arith.constant 20 : i32
      %get3A_3059 = arith.index_cast %get3A_3057 : i32 to index
      %get3A_3060 = arith.index_cast %get3A_3058 : i32 to index
      %get3A_3061 = arith.constant 16 : index
      %get3A_3062 = tpu.vector_load %arg10[%get3A_3059, %get3A_3060, %get3A_3061] {strides = array<i32>} : memref<4x32x128xf32, #tpu.memory_space<vmem>>, vector<16xf32>,
      %mul3A_3063 = arith.mulf %get3A_3056, %get3A_3062 : vector<16xf32>
      %add3A_3064 = arith.addf %add3A_3050, %mul3A_3063 : vector<16xf32>
      %get3A_3065 = arith.constant 2 : i32
      %get3A_3066 = arith.constant 9 : i32
      %get3A_3067 = arith.index_cast %get3A_3065 : i32 to index
      %get3A_3068 = arith.index_cast %get3A_3066 : i32 to index
      %get3A_3069 = arith.constant 80 : index
      %get3A_3070 = tpu.vector_load %arg10[%get3A_3067, %get3A_3068, %get3A_3069] {strides = array<i32>} : memref<4x32x128xf32, #tpu.memory_space<vmem>>, vector<16xf32>,
      %get3A_3071 = arith.constant 1 : i32
      %get3A_3072 = arith.constant 21 : i32
      %get3A_3073 = arith.index_cast %get3A_3071 : i32 to index
      %get3A_3074 = arith.index_cast %get3A_3072 : i32 to index
      %get3A_3075 = arith.constant 16 : index
      %get3A_3076 = tpu.vector_load %arg10[%get3A_3073, %get3A_3074, %get3A_3075] {strides = array<i32>} : memref<4x32x128xf32, #tpu.memory_space<vmem>>, vector<16xf32>,
      %mul3A_3077 = arith.mulf %get3A_3070, %get3A_3076 : vector<16xf32>
      %add3A_3078 = arith.addf %add3A_3064, %mul3A_3077 : vector<16xf32>
      %get3A_3079 = arith.constant 2 : i32
      %get3A_3080 = arith.constant 9 : i32
      %get3A_3081 = arith.index_cast %get3A_3079 : i32 to index
      %get3A_3082 = arith.index_cast %get3A_3080 : i32 to index
      %get3A_3083 = arith.constant 96 : index
      %get3A_3084 = tpu.vector_load %arg10[%get3A_3081, %get3A_3082, %get3A_3083] {strides = array<i32>} : memref<4x32x128xf32, #tpu.memory_space<vmem>>, vector<16xf32>,
      %get3A_3085 = arith.constant 1 : i32
      %get3A_3086 = arith.constant 22 : i32
      %get3A_3087 = arith.index_cast %get3A_3085 : i32 to index
      %get3A_3088 = arith.index_cast %get3A_3086 : i32 to index
      %get3A_3089 = arith.constant 16 : index
      %get3A_3090 = tpu.vector_load %arg10[%get3A_3087, %get3A_3088, %get3A_3089] {strides = array<i32>} : memref<4x32x128xf32, #tpu.memory_space<vmem>>, vector<16xf32>,
      %mul3A_3091 = arith.mulf %get3A_3084, %get3A_3090 : vector<16xf32>
      %add3A_3092 = arith.addf %add3A_3078, %mul3A_3091 : vector<16xf32>
      %get3A_3093 = arith.constant 2 : i32
      %get3A_3094 = arith.constant 9 : i32
      %get3A_3095 = arith.index_cast %get3A_3093 : i32 to index
      %get3A_3096 = arith.index_cast %get3A_3094 : i32 to index
      %get3A_3097 = arith.constant 112 : index
      %get3A_3098 = tpu.vector_load %arg10[%get3A_3095, %get3A_3096, %get3A_3097] {strides = array<i32>} : memref<4x32x128xf32, #tpu.memory_space<vmem>>, vector<16xf32>,
      %get3A_3099 = arith.constant 1 : i32
      %get3A_3100 = arith.constant 23 : i32
      %get3A_3101 = arith.index_cast %get3A_3099 : i32 to index
      %get3A_3102 = arith.index_cast %get3A_3100 : i32 to index
      %get3A_3103 = arith.constant 16 : index
      %get3A_3104 = tpu.vector_load %arg10[%get3A_3101, %get3A_3102, %get3A_3103] {strides = array<i32>} : memref<4x32x128xf32, #tpu.memory_space<vmem>>, vector<16xf32>,
      %mul3A_3105 = arith.mulf %get3A_3098, %get3A_3104 : vector<16xf32>
      %add3A_3106 = arith.addf %add3A_3092, %mul3A_3105 : vector<16xf32>
      %get3A_3107 = arith.constant 3 : i32
      %get3A_3108 = arith.constant 9 : i32
      %get3A_3109 = arith.index_cast %get3A_3107 : i32 to index
      %get3A_3110 = arith.index_cast %get3A_3108 : i32 to index
      %get3A_3111 = arith.constant 0 : index
      %get3A_3112 = tpu.vector_load %arg10[%get3A_3109, %get3A_3110, %get3A_3111] {strides = array<i32>} : memref<4x32x128xf32, #tpu.memory_space<vmem>>, vector<16xf32>,
      %get3A_3113 = arith.constant 1 : i32
      %get3A_3114 = arith.constant 24 : i32
      %get3A_3115 = arith.index_cast %get3A_3113 : i32 to index
      %get3A_3116 = arith.index_cast %get3A_3114 : i32 to index
      %get3A_3117 = arith.constant 16 : index
      %get3A_3118 = tpu.vector_load %arg10[%get3A_3115, %get3A_3116, %get3A_3117] {strides = array<i32>} : memref<4x32x128xf32, #tpu.memory_space<vmem>>, vector<16xf32>,
      %mul3A_3119 = arith.mulf %get3A_3112, %get3A_3118 : vector<16xf32>
      %add3A_3120 = arith.addf %add3A_3106, %mul3A_3119 : vector<16xf32>
      %get3A_3121 = arith.constant 3 : i32
      %get3A_3122 = arith.constant 9 : i32
      %get3A_3123 = arith.index_cast %get3A_3121 : i32 to index
      %get3A_3124 = arith.index_cast %get3A_3122 : i32 to index
      %get3A_3125 = arith.constant 16 : index
      %get3A_3126 = tpu.vector_load %arg10[%get3A_3123, %get3A_3124, %get3A_3125] {strides = array<i32>} : memref<4x32x128xf32, #tpu.memory_space<vmem>>, vector<16xf32>,
      %get3A_3127 = arith.constant 1 : i32
      %get3A_3128 = arith.constant 25 : i32
      %get3A_3129 = arith.index_cast %get3A_3127 : i32 to index
      %get3A_3130 = arith.index_cast %get3A_3128 : i32 to index
      %get3A_3131 = arith.constant 16 : index
      %get3A_3132 = tpu.vector_load %arg10[%get3A_3129, %get3A_3130, %get3A_3131] {strides = array<i32>} : memref<4x32x128xf32, #tpu.memory_space<vmem>>, vector<16xf32>,
      %mul3A_3133 = arith.mulf %get3A_3126, %get3A_3132 : vector<16xf32>
      %add3A_3134 = arith.addf %add3A_3120, %mul3A_3133 : vector<16xf32>
      %get3A_3135 = arith.constant 1 : i32
      %get3A_3136 = arith.constant 10 : i32
      %get3A_3137 = arith.index_cast %get3A_3135 : i32 to index
      %get3A_3138 = arith.index_cast %get3A_3136 : i32 to index
      %get3A_3139 = arith.constant 48 : index
      %get3A_3140 = tpu.vector_load %arg10[%get3A_3137, %get3A_3138, %get3A_3139] {strides = array<i32>} : memref<4x32x128xf32, #tpu.memory_space<vmem>>, vector<16xf32>,
      %get3A_3141 = arith.constant 1 : i32
      %get3A_3142 = arith.constant 11 : i32
      %get3A_3143 = arith.index_cast %get3A_3141 : i32 to index
      %get3A_3144 = arith.index_cast %get3A_3142 : i32 to index
      %get3A_3145 = arith.constant 32 : index
      %get3A_3146 = tpu.vector_load %arg10[%get3A_3143, %get3A_3144, %get3A_3145] {strides = array<i32>} : memref<4x32x128xf32, #tpu.memory_space<vmem>>, vector<16xf32>,
      %mul3A_3147 = arith.mulf %get3A_3140, %get3A_3146 : vector<16xf32>
      %add3A_3148 = arith.addf %add3A_3134, %mul3A_3147 : vector<16xf32>
      %get3A_3149 = arith.constant 1 : i32
      %get3A_3150 = arith.constant 10 : i32
      %get3A_3151 = arith.index_cast %get3A_3149 : i32 to index
      %get3A_3152 = arith.index_cast %get3A_3150 : i32 to index
      %get3A_3153 = arith.constant 64 : index
      %get3A_3154 = tpu.vector_load %arg10[%get3A_3151, %get3A_3152, %get3A_3153] {strides = array<i32>} : memref<4x32x128xf32, #tpu.memory_space<vmem>>, vector<16xf32>,
      %get3A_3155 = arith.constant 1 : i32
      %get3A_3156 = arith.constant 12 : i32
      %get3A_3157 = arith.index_cast %get3A_3155 : i32 to index
      %get3A_3158 = arith.index_cast %get3A_3156 : i32 to index
      %get3A_3159 = arith.constant 32 : index
      %get3A_3160 = tpu.vector_load %arg10[%get3A_3157, %get3A_3158, %get3A_3159] {strides = array<i32>} : memref<4x32x128xf32, #tpu.memory_space<vmem>>, vector<16xf32>,
      %mul3A_3161 = arith.mulf %get3A_3154, %get3A_3160 : vector<16xf32>
      %add3A_3162 = arith.addf %add3A_3148, %mul3A_3161 : vector<16xf32>
      %get3A_3163 = arith.constant 1 : i32
      %get3A_3164 = arith.constant 10 : i32
      %get3A_3165 = arith.index_cast %get3A_3163 : i32 to index
      %get3A_3166 = arith.index_cast %get3A_3164 : i32 to index
      %get3A_3167 = arith.constant 80 : index
      %get3A_3168 = tpu.vector_load %arg10[%get3A_3165, %get3A_3166, %get3A_3167] {strides = array<i32>} : memref<4x32x128xf32, #tpu.memory_space<vmem>>, vector<16xf32>,
      %get3A_3169 = arith.constant 1 : i32
      %get3A_3170 = arith.constant 13 : i32
      %get3A_3171 = arith.index_cast %get3A_3169 : i32 to index
      %get3A_3172 = arith.index_cast %get3A_3170 : i32 to index
      %get3A_3173 = arith.constant 32 : index
      %get3A_3174 = tpu.vector_load %arg10[%get3A_3171, %get3A_3172, %get3A_3173] {strides = array<i32>} : memref<4x32x128xf32, #tpu.memory_space<vmem>>, vector<16xf32>,
      %mul3A_3175 = arith.mulf %get3A_3168, %get3A_3174 : vector<16xf32>
      %add3A_3176 = arith.addf %add3A_3162, %mul3A_3175 : vector<16xf32>
      %get3A_3177 = arith.constant 1 : i32
      %get3A_3178 = arith.constant 10 : i32
      %get3A_3179 = arith.index_cast %get3A_3177 : i32 to index
      %get3A_3180 = arith.index_cast %get3A_3178 : i32 to index
      %get3A_3181 = arith.constant 96 : index
      %get3A_3182 = tpu.vector_load %arg10[%get3A_3179, %get3A_3180, %get3A_3181] {strides = array<i32>} : memref<4x32x128xf32, #tpu.memory_space<vmem>>, vector<16xf32>,
      %get3A_3183 = arith.constant 1 : i32
      %get3A_3184 = arith.constant 14 : i32
      %get3A_3185 = arith.index_cast %get3A_3183 : i32 to index
      %get3A_3186 = arith.index_cast %get3A_3184 : i32 to index
      %get3A_3187 = arith.constant 32 : index
      %get3A_3188 = tpu.vector_load %arg10[%get3A_3185, %get3A_3186, %get3A_3187] {strides = array<i32>} : memref<4x32x128xf32, #tpu.memory_space<vmem>>, vector<16xf32>,
      %mul3A_3189 = arith.mulf %get3A_3182, %get3A_3188 : vector<16xf32>
      %add3A_3190 = arith.addf %add3A_3176, %mul3A_3189 : vector<16xf32>
      %get3A_3191 = arith.constant 1 : i32
      %get3A_3192 = arith.constant 10 : i32
      %get3A_3193 = arith.index_cast %get3A_3191 : i32 to index
      %get3A_3194 = arith.index_cast %get3A_3192 : i32 to index
      %get3A_3195 = arith.constant 112 : index
      %get3A_3196 = tpu.vector_load %arg10[%get3A_3193, %get3A_3194, %get3A_3195] {strides = array<i32>} : memref<4x32x128xf32, #tpu.memory_space<vmem>>, vector<16xf32>,
      %get3A_3197 = arith.constant 1 : i32
      %get3A_3198 = arith.constant 15 : i32
      %get3A_3199 = arith.index_cast %get3A_3197 : i32 to index
      %get3A_3200 = arith.index_cast %get3A_3198 : i32 to index
      %get3A_3201 = arith.constant 32 : index
      %get3A_3202 = tpu.vector_load %arg10[%get3A_3199, %get3A_3200, %get3A_3201] {strides = array<i32>} : memref<4x32x128xf32, #tpu.memory_space<vmem>>, vector<16xf32>,
      %mul3A_3203 = arith.mulf %get3A_3196, %get3A_3202 : vector<16xf32>
      %add3A_3204 = arith.addf %add3A_3190, %mul3A_3203 : vector<16xf32>
      %get3A_3205 = arith.constant 2 : i32
      %get3A_3206 = arith.constant 10 : i32
      %get3A_3207 = arith.index_cast %get3A_3205 : i32 to index
      %get3A_3208 = arith.index_cast %get3A_3206 : i32 to index
      %get3A_3209 = arith.constant 0 : index
      %get3A_3210 = tpu.vector_load %arg10[%get3A_3207, %get3A_3208, %get3A_3209] {strides = array<i32>} : memref<4x32x128xf32, #tpu.memory_space<vmem>>, vector<16xf32>,
      %get3A_3211 = arith.constant 1 : i32
      %get3A_3212 = arith.constant 16 : i32
      %get3A_3213 = arith.index_cast %get3A_3211 : i32 to index
      %get3A_3214 = arith.index_cast %get3A_3212 : i32 to index
      %get3A_3215 = arith.constant 32 : index
      %get3A_3216 = tpu.vector_load %arg10[%get3A_3213, %get3A_3214, %get3A_3215] {strides = array<i32>} : memref<4x32x128xf32, #tpu.memory_space<vmem>>, vector<16xf32>,
      %mul3A_3217 = arith.mulf %get3A_3210, %get3A_3216 : vector<16xf32>
      %add3A_3218 = arith.addf %add3A_3204, %mul3A_3217 : vector<16xf32>
      %get3A_3219 = arith.constant 2 : i32
      %get3A_3220 = arith.constant 10 : i32
      %get3A_3221 = arith.index_cast %get3A_3219 : i32 to index
      %get3A_3222 = arith.index_cast %get3A_3220 : i32 to index
      %get3A_3223 = arith.constant 16 : index
      %get3A_3224 = tpu.vector_load %arg10[%get3A_3221, %get3A_3222, %get3A_3223] {strides = array<i32>} : memref<4x32x128xf32, #tpu.memory_space<vmem>>, vector<16xf32>,
      %get3A_3225 = arith.constant 1 : i32
      %get3A_3226 = arith.constant 17 : i32
      %get3A_3227 = arith.index_cast %get3A_3225 : i32 to index
      %get3A_3228 = arith.index_cast %get3A_3226 : i32 to index
      %get3A_3229 = arith.constant 32 : index
      %get3A_3230 = tpu.vector_load %arg10[%get3A_3227, %get3A_3228, %get3A_3229] {strides = array<i32>} : memref<4x32x128xf32, #tpu.memory_space<vmem>>, vector<16xf32>,
      %mul3A_3231 = arith.mulf %get3A_3224, %get3A_3230 : vector<16xf32>
      %add3A_3232 = arith.addf %add3A_3218, %mul3A_3231 : vector<16xf32>
      %get3A_3233 = arith.constant 2 : i32
      %get3A_3234 = arith.constant 10 : i32
      %get3A_3235 = arith.index_cast %get3A_3233 : i32 to index
      %get3A_3236 = arith.index_cast %get3A_3234 : i32 to index
      %get3A_3237 = arith.constant 32 : index
      %get3A_3238 = tpu.vector_load %arg10[%get3A_3235, %get3A_3236, %get3A_3237] {strides = array<i32>} : memref<4x32x128xf32, #tpu.memory_space<vmem>>, vector<16xf32>,
      %get3A_3239 = arith.constant 1 : i32
      %get3A_3240 = arith.constant 18 : i32
      %get3A_3241 = arith.index_cast %get3A_3239 : i32 to index
      %get3A_3242 = arith.index_cast %get3A_3240 : i32 to index
      %get3A_3243 = arith.constant 32 : index
      %get3A_3244 = tpu.vector_load %arg10[%get3A_3241, %get3A_3242, %get3A_3243] {strides = array<i32>} : memref<4x32x128xf32, #tpu.memory_space<vmem>>, vector<16xf32>,
      %mul3A_3245 = arith.mulf %get3A_3238, %get3A_3244 : vector<16xf32>
      %add3A_3246 = arith.addf %add3A_3232, %mul3A_3245 : vector<16xf32>
      %get3A_3247 = arith.constant 2 : i32
      %get3A_3248 = arith.constant 10 : i32
      %get3A_3249 = arith.index_cast %get3A_3247 : i32 to index
      %get3A_3250 = arith.index_cast %get3A_3248 : i32 to index
      %get3A_3251 = arith.constant 48 : index
      %get3A_3252 = tpu.vector_load %arg10[%get3A_3249, %get3A_3250, %get3A_3251] {strides = array<i32>} : memref<4x32x128xf32, #tpu.memory_space<vmem>>, vector<16xf32>,
      %get3A_3253 = arith.constant 1 : i32
      %get3A_3254 = arith.constant 19 : i32
      %get3A_3255 = arith.index_cast %get3A_3253 : i32 to index
      %get3A_3256 = arith.index_cast %get3A_3254 : i32 to index
      %get3A_3257 = arith.constant 32 : index
      %get3A_3258 = tpu.vector_load %arg10[%get3A_3255, %get3A_3256, %get3A_3257] {strides = array<i32>} : memref<4x32x128xf32, #tpu.memory_space<vmem>>, vector<16xf32>,
      %mul3A_3259 = arith.mulf %get3A_3252, %get3A_3258 : vector<16xf32>
      %add3A_3260 = arith.addf %add3A_3246, %mul3A_3259 : vector<16xf32>
      %get3A_3261 = arith.constant 2 : i32
      %get3A_3262 = arith.constant 10 : i32
      %get3A_3263 = arith.index_cast %get3A_3261 : i32 to index
      %get3A_3264 = arith.index_cast %get3A_3262 : i32 to index
      %get3A_3265 = arith.constant 64 : index
      %get3A_3266 = tpu.vector_load %arg10[%get3A_3263, %get3A_3264, %get3A_3265] {strides = array<i32>} : memref<4x32x128xf32, #tpu.memory_space<vmem>>, vector<16xf32>,
      %get3A_3267 = arith.constant 1 : i32
      %get3A_3268 = arith.constant 20 : i32
      %get3A_3269 = arith.index_cast %get3A_3267 : i32 to index
      %get3A_3270 = arith.index_cast %get3A_3268 : i32 to index
      %get3A_3271 = arith.constant 32 : index
      %get3A_3272 = tpu.vector_load %arg10[%get3A_3269, %get3A_3270, %get3A_3271] {strides = array<i32>} : memref<4x32x128xf32, #tpu.memory_space<vmem>>, vector<16xf32>,
      %mul3A_3273 = arith.mulf %get3A_3266, %get3A_3272 : vector<16xf32>
      %add3A_3274 = arith.addf %add3A_3260, %mul3A_3273 : vector<16xf32>
      %get3A_3275 = arith.constant 2 : i32
      %get3A_3276 = arith.constant 10 : i32
      %get3A_3277 = arith.index_cast %get3A_3275 : i32 to index
      %get3A_3278 = arith.index_cast %get3A_3276 : i32 to index
      %get3A_3279 = arith.constant 80 : index
      %get3A_3280 = tpu.vector_load %arg10[%get3A_3277, %get3A_3278, %get3A_3279] {strides = array<i32>} : memref<4x32x128xf32, #tpu.memory_space<vmem>>, vector<16xf32>,
      %get3A_3281 = arith.constant 1 : i32
      %get3A_3282 = arith.constant 21 : i32
      %get3A_3283 = arith.index_cast %get3A_3281 : i32 to index
      %get3A_3284 = arith.index_cast %get3A_3282 : i32 to index
      %get3A_3285 = arith.constant 32 : index
      %get3A_3286 = tpu.vector_load %arg10[%get3A_3283, %get3A_3284, %get3A_3285] {strides = array<i32>} : memref<4x32x128xf32, #tpu.memory_space<vmem>>, vector<16xf32>,
      %mul3A_3287 = arith.mulf %get3A_3280, %get3A_3286 : vector<16xf32>
      %add3A_3288 = arith.addf %add3A_3274, %mul3A_3287 : vector<16xf32>
      %get3A_3289 = arith.constant 2 : i32
      %get3A_3290 = arith.constant 10 : i32
      %get3A_3291 = arith.index_cast %get3A_3289 : i32 to index
      %get3A_3292 = arith.index_cast %get3A_3290 : i32 to index
      %get3A_3293 = arith.constant 96 : index
      %get3A_3294 = tpu.vector_load %arg10[%get3A_3291, %get3A_3292, %get3A_3293] {strides = array<i32>} : memref<4x32x128xf32, #tpu.memory_space<vmem>>, vector<16xf32>,
      %get3A_3295 = arith.constant 1 : i32
      %get3A_3296 = arith.constant 22 : i32
      %get3A_3297 = arith.index_cast %get3A_3295 : i32 to index
      %get3A_3298 = arith.index_cast %get3A_3296 : i32 to index
      %get3A_3299 = arith.constant 32 : index
      %get3A_3300 = tpu.vector_load %arg10[%get3A_3297, %get3A_3298, %get3A_3299] {strides = array<i32>} : memref<4x32x128xf32, #tpu.memory_space<vmem>>, vector<16xf32>,
      %mul3A_3301 = arith.mulf %get3A_3294, %get3A_3300 : vector<16xf32>
      %add3A_3302 = arith.addf %add3A_3288, %mul3A_3301 : vector<16xf32>
      %get3A_3303 = arith.constant 2 : i32
      %get3A_3304 = arith.constant 10 : i32
      %get3A_3305 = arith.index_cast %get3A_3303 : i32 to index
      %get3A_3306 = arith.index_cast %get3A_3304 : i32 to index
      %get3A_3307 = arith.constant 112 : index
      %get3A_3308 = tpu.vector_load %arg10[%get3A_3305, %get3A_3306, %get3A_3307] {strides = array<i32>} : memref<4x32x128xf32, #tpu.memory_space<vmem>>, vector<16xf32>,
      %get3A_3309 = arith.constant 1 : i32
      %get3A_3310 = arith.constant 23 : i32
      %get3A_3311 = arith.index_cast %get3A_3309 : i32 to index
      %get3A_3312 = arith.index_cast %get3A_3310 : i32 to index
      %get3A_3313 = arith.constant 32 : index
      %get3A_3314 = tpu.vector_load %arg10[%get3A_3311, %get3A_3312, %get3A_3313] {strides = array<i32>} : memref<4x32x128xf32, #tpu.memory_space<vmem>>, vector<16xf32>,
      %mul3A_3315 = arith.mulf %get3A_3308, %get3A_3314 : vector<16xf32>
      %add3A_3316 = arith.addf %add3A_3302, %mul3A_3315 : vector<16xf32>
      %get3A_3317 = arith.constant 3 : i32
      %get3A_3318 = arith.constant 10 : i32
      %get3A_3319 = arith.index_cast %get3A_3317 : i32 to index
      %get3A_3320 = arith.index_cast %get3A_3318 : i32 to index
      %get3A_3321 = arith.constant 0 : index
      %get3A_3322 = tpu.vector_load %arg10[%get3A_3319, %get3A_3320, %get3A_3321] {strides = array<i32>} : memref<4x32x128xf32, #tpu.memory_space<vmem>>, vector<16xf32>,
      %get3A_3323 = arith.constant 1 : i32
      %get3A_3324 = arith.constant 24 : i32
      %get3A_3325 = arith.index_cast %get3A_3323 : i32 to index
      %get3A_3326 = arith.index_cast %get3A_3324 : i32 to index
      %get3A_3327 = arith.constant 32 : index
      %get3A_3328 = tpu.vector_load %arg10[%get3A_3325, %get3A_3326, %get3A_3327] {strides = array<i32>} : memref<4x32x128xf32, #tpu.memory_space<vmem>>, vector<16xf32>,
      %mul3A_3329 = arith.mulf %get3A_3322, %get3A_3328 : vector<16xf32>
      %add3A_3330 = arith.addf %add3A_3316, %mul3A_3329 : vector<16xf32>
      %get3A_3331 = arith.constant 3 : i32
      %get3A_3332 = arith.constant 10 : i32
      %get3A_3333 = arith.index_cast %get3A_3331 : i32 to index
      %get3A_3334 = arith.index_cast %get3A_3332 : i32 to index
      %get3A_3335 = arith.constant 16 : index
      %get3A_3336 = tpu.vector_load %arg10[%get3A_3333, %get3A_3334, %get3A_3335] {strides = array<i32>} : memref<4x32x128xf32, #tpu.memory_space<vmem>>, vector<16xf32>,
      %get3A_3337 = arith.constant 1 : i32
      %get3A_3338 = arith.constant 25 : i32
      %get3A_3339 = arith.index_cast %get3A_3337 : i32 to index
      %get3A_3340 = arith.index_cast %get3A_3338 : i32 to index
      %get3A_3341 = arith.constant 32 : index
      %get3A_3342 = tpu.vector_load %arg10[%get3A_3339, %get3A_3340, %get3A_3341] {strides = array<i32>} : memref<4x32x128xf32, #tpu.memory_space<vmem>>, vector<16xf32>,
      %mul3A_3343 = arith.mulf %get3A_3336, %get3A_3342 : vector<16xf32>
      %add3A_3344 = arith.addf %add3A_3330, %mul3A_3343 : vector<16xf32>
      %get3A_3345 = arith.constant 1 : i32
      %get3A_3346 = arith.constant 11 : i32
      %get3A_3347 = arith.index_cast %get3A_3345 : i32 to index
      %get3A_3348 = arith.index_cast %get3A_3346 : i32 to index
      %get3A_3349 = arith.constant 64 : index
      %get3A_3350 = tpu.vector_load %arg10[%get3A_3347, %get3A_3348, %get3A_3349] {strides = array<i32>} : memref<4x32x128xf32, #tpu.memory_space<vmem>>, vector<16xf32>,
      %get3A_3351 = arith.constant 1 : i32
      %get3A_3352 = arith.constant 12 : i32
      %get3A_3353 = arith.index_cast %get3A_3351 : i32 to index
      %get3A_3354 = arith.index_cast %get3A_3352 : i32 to index
      %get3A_3355 = arith.constant 48 : index
      %get3A_3356 = tpu.vector_load %arg10[%get3A_3353, %get3A_3354, %get3A_3355] {strides = array<i32>} : memref<4x32x128xf32, #tpu.memory_space<vmem>>, vector<16xf32>,
      %mul3A_3357 = arith.mulf %get3A_3350, %get3A_3356 : vector<16xf32>
      %add3A_3358 = arith.addf %add3A_3344, %mul3A_3357 : vector<16xf32>
      %get3A_3359 = arith.constant 1 : i32
      %get3A_3360 = arith.constant 11 : i32
      %get3A_3361 = arith.index_cast %get3A_3359 : i32 to index
      %get3A_3362 = arith.index_cast %get3A_3360 : i32 to index
      %get3A_3363 = arith.constant 80 : index
      %get3A_3364 = tpu.vector_load %arg10[%get3A_3361, %get3A_3362, %get3A_3363] {strides = array<i32>} : memref<4x32x128xf32, #tpu.memory_space<vmem>>, vector<16xf32>,
      %get3A_3365 = arith.constant 1 : i32
      %get3A_3366 = arith.constant 13 : i32
      %get3A_3367 = arith.index_cast %get3A_3365 : i32 to index
      %get3A_3368 = arith.index_cast %get3A_3366 : i32 to index
      %get3A_3369 = arith.constant 48 : index
      %get3A_3370 = tpu.vector_load %arg10[%get3A_3367, %get3A_3368, %get3A_3369] {strides = array<i32>} : memref<4x32x128xf32, #tpu.memory_space<vmem>>, vector<16xf32>,
      %mul3A_3371 = arith.mulf %get3A_3364, %get3A_3370 : vector<16xf32>
      %add3A_3372 = arith.addf %add3A_3358, %mul3A_3371 : vector<16xf32>
      %get3A_3373 = arith.constant 1 : i32
      %get3A_3374 = arith.constant 11 : i32
      %get3A_3375 = arith.index_cast %get3A_3373 : i32 to index
      %get3A_3376 = arith.index_cast %get3A_3374 : i32 to index
      %get3A_3377 = arith.constant 96 : index
      %get3A_3378 = tpu.vector_load %arg10[%get3A_3375, %get3A_3376, %get3A_3377] {strides = array<i32>} : memref<4x32x128xf32, #tpu.memory_space<vmem>>, vector<16xf32>,
      %get3A_3379 = arith.constant 1 : i32
      %get3A_3380 = arith.constant 14 : i32
      %get3A_3381 = arith.index_cast %get3A_3379 : i32 to index
      %get3A_3382 = arith.index_cast %get3A_3380 : i32 to index
      %get3A_3383 = arith.constant 48 : index
      %get3A_3384 = tpu.vector_load %arg10[%get3A_3381, %get3A_3382, %get3A_3383] {strides = array<i32>} : memref<4x32x128xf32, #tpu.memory_space<vmem>>, vector<16xf32>,
      %mul3A_3385 = arith.mulf %get3A_3378, %get3A_3384 : vector<16xf32>
      %add3A_3386 = arith.addf %add3A_3372, %mul3A_3385 : vector<16xf32>
      %get3A_3387 = arith.constant 1 : i32
      %get3A_3388 = arith.constant 11 : i32
      %get3A_3389 = arith.index_cast %get3A_3387 : i32 to index
      %get3A_3390 = arith.index_cast %get3A_3388 : i32 to index
      %get3A_3391 = arith.constant 112 : index
      %get3A_3392 = tpu.vector_load %arg10[%get3A_3389, %get3A_3390, %get3A_3391] {strides = array<i32>} : memref<4x32x128xf32, #tpu.memory_space<vmem>>, vector<16xf32>,
      %get3A_3393 = arith.constant 1 : i32
      %get3A_3394 = arith.constant 15 : i32
      %get3A_3395 = arith.index_cast %get3A_3393 : i32 to index
      %get3A_3396 = arith.index_cast %get3A_3394 : i32 to index
      %get3A_3397 = arith.constant 48 : index
      %get3A_3398 = tpu.vector_load %arg10[%get3A_3395, %get3A_3396, %get3A_3397] {strides = array<i32>} : memref<4x32x128xf32, #tpu.memory_space<vmem>>, vector<16xf32>,
      %mul3A_3399 = arith.mulf %get3A_3392, %get3A_3398 : vector<16xf32>
      %add3A_3400 = arith.addf %add3A_3386, %mul3A_3399 : vector<16xf32>
      %get3A_3401 = arith.constant 2 : i32
      %get3A_3402 = arith.constant 11 : i32
      %get3A_3403 = arith.index_cast %get3A_3401 : i32 to index
      %get3A_3404 = arith.index_cast %get3A_3402 : i32 to index
      %get3A_3405 = arith.constant 0 : index
      %get3A_3406 = tpu.vector_load %arg10[%get3A_3403, %get3A_3404, %get3A_3405] {strides = array<i32>} : memref<4x32x128xf32, #tpu.memory_space<vmem>>, vector<16xf32>,
      %get3A_3407 = arith.constant 1 : i32
      %get3A_3408 = arith.constant 16 : i32
      %get3A_3409 = arith.index_cast %get3A_3407 : i32 to index
      %get3A_3410 = arith.index_cast %get3A_3408 : i32 to index
      %get3A_3411 = arith.constant 48 : index
      %get3A_3412 = tpu.vector_load %arg10[%get3A_3409, %get3A_3410, %get3A_3411] {strides = array<i32>} : memref<4x32x128xf32, #tpu.memory_space<vmem>>, vector<16xf32>,
      %mul3A_3413 = arith.mulf %get3A_3406, %get3A_3412 : vector<16xf32>
      %add3A_3414 = arith.addf %add3A_3400, %mul3A_3413 : vector<16xf32>
      %get3A_3415 = arith.constant 2 : i32
      %get3A_3416 = arith.constant 11 : i32
      %get3A_3417 = arith.index_cast %get3A_3415 : i32 to index
      %get3A_3418 = arith.index_cast %get3A_3416 : i32 to index
      %get3A_3419 = arith.constant 16 : index
      %get3A_3420 = tpu.vector_load %arg10[%get3A_3417, %get3A_3418, %get3A_3419] {strides = array<i32>} : memref<4x32x128xf32, #tpu.memory_space<vmem>>, vector<16xf32>,
      %get3A_3421 = arith.constant 1 : i32
      %get3A_3422 = arith.constant 17 : i32
      %get3A_3423 = arith.index_cast %get3A_3421 : i32 to index
      %get3A_3424 = arith.index_cast %get3A_3422 : i32 to index
      %get3A_3425 = arith.constant 48 : index
      %get3A_3426 = tpu.vector_load %arg10[%get3A_3423, %get3A_3424, %get3A_3425] {strides = array<i32>} : memref<4x32x128xf32, #tpu.memory_space<vmem>>, vector<16xf32>,
      %mul3A_3427 = arith.mulf %get3A_3420, %get3A_3426 : vector<16xf32>
      %add3A_3428 = arith.addf %add3A_3414, %mul3A_3427 : vector<16xf32>
      %get3A_3429 = arith.constant 2 : i32
      %get3A_3430 = arith.constant 11 : i32
      %get3A_3431 = arith.index_cast %get3A_3429 : i32 to index
      %get3A_3432 = arith.index_cast %get3A_3430 : i32 to index
      %get3A_3433 = arith.constant 32 : index
      %get3A_3434 = tpu.vector_load %arg10[%get3A_3431, %get3A_3432, %get3A_3433] {strides = array<i32>} : memref<4x32x128xf32, #tpu.memory_space<vmem>>, vector<16xf32>,
      %get3A_3435 = arith.constant 1 : i32
      %get3A_3436 = arith.constant 18 : i32
      %get3A_3437 = arith.index_cast %get3A_3435 : i32 to index
      %get3A_3438 = arith.index_cast %get3A_3436 : i32 to index
      %get3A_3439 = arith.constant 48 : index
      %get3A_3440 = tpu.vector_load %arg10[%get3A_3437, %get3A_3438, %get3A_3439] {strides = array<i32>} : memref<4x32x128xf32, #tpu.memory_space<vmem>>, vector<16xf32>,
      %mul3A_3441 = arith.mulf %get3A_3434, %get3A_3440 : vector<16xf32>
      %add3A_3442 = arith.addf %add3A_3428, %mul3A_3441 : vector<16xf32>
      %get3A_3443 = arith.constant 2 : i32
      %get3A_3444 = arith.constant 11 : i32
      %get3A_3445 = arith.index_cast %get3A_3443 : i32 to index
      %get3A_3446 = arith.index_cast %get3A_3444 : i32 to index
      %get3A_3447 = arith.constant 48 : index
      %get3A_3448 = tpu.vector_load %arg10[%get3A_3445, %get3A_3446, %get3A_3447] {strides = array<i32>} : memref<4x32x128xf32, #tpu.memory_space<vmem>>, vector<16xf32>,
      %get3A_3449 = arith.constant 1 : i32
      %get3A_3450 = arith.constant 19 : i32
      %get3A_3451 = arith.index_cast %get3A_3449 : i32 to index
      %get3A_3452 = arith.index_cast %get3A_3450 : i32 to index
      %get3A_3453 = arith.constant 48 : index
      %get3A_3454 = tpu.vector_load %arg10[%get3A_3451, %get3A_3452, %get3A_3453] {strides = array<i32>} : memref<4x32x128xf32, #tpu.memory_space<vmem>>, vector<16xf32>,
      %mul3A_3455 = arith.mulf %get3A_3448, %get3A_3454 : vector<16xf32>
      %add3A_3456 = arith.addf %add3A_3442, %mul3A_3455 : vector<16xf32>
      %get3A_3457 = arith.constant 2 : i32
      %get3A_3458 = arith.constant 11 : i32
      %get3A_3459 = arith.index_cast %get3A_3457 : i32 to index
      %get3A_3460 = arith.index_cast %get3A_3458 : i32 to index
      %get3A_3461 = arith.constant 64 : index
      %get3A_3462 = tpu.vector_load %arg10[%get3A_3459, %get3A_3460, %get3A_3461] {strides = array<i32>} : memref<4x32x128xf32, #tpu.memory_space<vmem>>, vector<16xf32>,
      %get3A_3463 = arith.constant 1 : i32
      %get3A_3464 = arith.constant 20 : i32
      %get3A_3465 = arith.index_cast %get3A_3463 : i32 to index
      %get3A_3466 = arith.index_cast %get3A_3464 : i32 to index
      %get3A_3467 = arith.constant 48 : index
      %get3A_3468 = tpu.vector_load %arg10[%get3A_3465, %get3A_3466, %get3A_3467] {strides = array<i32>} : memref<4x32x128xf32, #tpu.memory_space<vmem>>, vector<16xf32>,
      %mul3A_3469 = arith.mulf %get3A_3462, %get3A_3468 : vector<16xf32>
      %add3A_3470 = arith.addf %add3A_3456, %mul3A_3469 : vector<16xf32>
      %get3A_3471 = arith.constant 2 : i32
      %get3A_3472 = arith.constant 11 : i32
      %get3A_3473 = arith.index_cast %get3A_3471 : i32 to index
      %get3A_3474 = arith.index_cast %get3A_3472 : i32 to index
      %get3A_3475 = arith.constant 80 : index
      %get3A_3476 = tpu.vector_load %arg10[%get3A_3473, %get3A_3474, %get3A_3475] {strides = array<i32>} : memref<4x32x128xf32, #tpu.memory_space<vmem>>, vector<16xf32>,
      %get3A_3477 = arith.constant 1 : i32
      %get3A_3478 = arith.constant 21 : i32
      %get3A_3479 = arith.index_cast %get3A_3477 : i32 to index
      %get3A_3480 = arith.index_cast %get3A_3478 : i32 to index
      %get3A_3481 = arith.constant 48 : index
      %get3A_3482 = tpu.vector_load %arg10[%get3A_3479, %get3A_3480, %get3A_3481] {strides = array<i32>} : memref<4x32x128xf32, #tpu.memory_space<vmem>>, vector<16xf32>,
      %mul3A_3483 = arith.mulf %get3A_3476, %get3A_3482 : vector<16xf32>
      %add3A_3484 = arith.addf %add3A_3470, %mul3A_3483 : vector<16xf32>
      %get3A_3485 = arith.constant 2 : i32
      %get3A_3486 = arith.constant 11 : i32
      %get3A_3487 = arith.index_cast %get3A_3485 : i32 to index
      %get3A_3488 = arith.index_cast %get3A_3486 : i32 to index
      %get3A_3489 = arith.constant 96 : index
      %get3A_3490 = tpu.vector_load %arg10[%get3A_3487, %get3A_3488, %get3A_3489] {strides = array<i32>} : memref<4x32x128xf32, #tpu.memory_space<vmem>>, vector<16xf32>,
      %get3A_3491 = arith.constant 1 : i32
      %get3A_3492 = arith.constant 22 : i32
      %get3A_3493 = arith.index_cast %get3A_3491 : i32 to index
      %get3A_3494 = arith.index_cast %get3A_3492 : i32 to index
      %get3A_3495 = arith.constant 48 : index
      %get3A_3496 = tpu.vector_load %arg10[%get3A_3493, %get3A_3494, %get3A_3495] {strides = array<i32>} : memref<4x32x128xf32, #tpu.memory_space<vmem>>, vector<16xf32>,
      %mul3A_3497 = arith.mulf %get3A_3490, %get3A_3496 : vector<16xf32>
      %add3A_3498 = arith.addf %add3A_3484, %mul3A_3497 : vector<16xf32>
      %get3A_3499 = arith.constant 2 : i32
      %get3A_3500 = arith.constant 11 : i32
      %get3A_3501 = arith.index_cast %get3A_3499 : i32 to index
      %get3A_3502 = arith.index_cast %get3A_3500 : i32 to index
      %get3A_3503 = arith.constant 112 : index
      %get3A_3504 = tpu.vector_load %arg10[%get3A_3501, %get3A_3502, %get3A_3503] {strides = array<i32>} : memref<4x32x128xf32, #tpu.memory_space<vmem>>, vector<16xf32>,
      %get3A_3505 = arith.constant 1 : i32
      %get3A_3506 = arith.constant 23 : i32
      %get3A_3507 = arith.index_cast %get3A_3505 : i32 to index
      %get3A_3508 = arith.index_cast %get3A_3506 : i32 to index
      %get3A_3509 = arith.constant 48 : index
      %get3A_3510 = tpu.vector_load %arg10[%get3A_3507, %get3A_3508, %get3A_3509] {strides = array<i32>} : memref<4x32x128xf32, #tpu.memory_space<vmem>>, vector<16xf32>,
      %mul3A_3511 = arith.mulf %get3A_3504, %get3A_3510 : vector<16xf32>
      %add3A_3512 = arith.addf %add3A_3498, %mul3A_3511 : vector<16xf32>
      %get3A_3513 = arith.constant 3 : i32
      %get3A_3514 = arith.constant 11 : i32
      %get3A_3515 = arith.index_cast %get3A_3513 : i32 to index
      %get3A_3516 = arith.index_cast %get3A_3514 : i32 to index
      %get3A_3517 = arith.constant 0 : index
      %get3A_3518 = tpu.vector_load %arg10[%get3A_3515, %get3A_3516, %get3A_3517] {strides = array<i32>} : memref<4x32x128xf32, #tpu.memory_space<vmem>>, vector<16xf32>,
      %get3A_3519 = arith.constant 1 : i32
      %get3A_3520 = arith.constant 24 : i32
      %get3A_3521 = arith.index_cast %get3A_3519 : i32 to index
      %get3A_3522 = arith.index_cast %get3A_3520 : i32 to index
      %get3A_3523 = arith.constant 48 : index
      %get3A_3524 = tpu.vector_load %arg10[%get3A_3521, %get3A_3522, %get3A_3523] {strides = array<i32>} : memref<4x32x128xf32, #tpu.memory_space<vmem>>, vector<16xf32>,
      %mul3A_3525 = arith.mulf %get3A_3518, %get3A_3524 : vector<16xf32>
      %add3A_3526 = arith.addf %add3A_3512, %mul3A_3525 : vector<16xf32>
      %get3A_3527 = arith.constant 3 : i32
      %get3A_3528 = arith.constant 11 : i32
      %get3A_3529 = arith.index_cast %get3A_3527 : i32 to index
      %get3A_3530 = arith.index_cast %get3A_3528 : i32 to index
      %get3A_3531 = arith.constant 16 : index
      %get3A_3532 = tpu.vector_load %arg10[%get3A_3529, %get3A_3530, %get3A_3531] {strides = array<i32>} : memref<4x32x128xf32, #tpu.memory_space<vmem>>, vector<16xf32>,
      %get3A_3533 = arith.constant 1 : i32
      %get3A_3534 = arith.constant 25 : i32
      %get3A_3535 = arith.index_cast %get3A_3533 : i32 to index
      %get3A_3536 = arith.index_cast %get3A_3534 : i32 to index
      %get3A_3537 = arith.constant 48 : index
      %get3A_3538 = tpu.vector_load %arg10[%get3A_3535, %get3A_3536, %get3A_3537] {strides = array<i32>} : memref<4x32x128xf32, #tpu.memory_space<vmem>>, vector<16xf32>,
      %mul3A_3539 = arith.mulf %get3A_3532, %get3A_3538 : vector<16xf32>
      %add3A_3540 = arith.addf %add3A_3526, %mul3A_3539 : vector<16xf32>
      %get3A_3541 = arith.constant 1 : i32
      %get3A_3542 = arith.constant 12 : i32
      %get3A_3543 = arith.index_cast %get3A_3541 : i32 to index
      %get3A_3544 = arith.index_cast %get3A_3542 : i32 to index
      %get3A_3545 = arith.constant 80 : index
      %get3A_3546 = tpu.vector_load %arg10[%get3A_3543, %get3A_3544, %get3A_3545] {strides = array<i32>} : memref<4x32x128xf32, #tpu.memory_space<vmem>>, vector<16xf32>,
      %get3A_3547 = arith.constant 1 : i32
      %get3A_3548 = arith.constant 13 : i32
      %get3A_3549 = arith.index_cast %get3A_3547 : i32 to index
      %get3A_3550 = arith.index_cast %get3A_3548 : i32 to index
      %get3A_3551 = arith.constant 64 : index
      %get3A_3552 = tpu.vector_load %arg10[%get3A_3549, %get3A_3550, %get3A_3551] {strides = array<i32>} : memref<4x32x128xf32, #tpu.memory_space<vmem>>, vector<16xf32>,
      %mul3A_3553 = arith.mulf %get3A_3546, %get3A_3552 : vector<16xf32>
      %add3A_3554 = arith.addf %add3A_3540, %mul3A_3553 : vector<16xf32>
      %get3A_3555 = arith.constant 1 : i32
      %get3A_3556 = arith.constant 12 : i32
      %get3A_3557 = arith.index_cast %get3A_3555 : i32 to index
      %get3A_3558 = arith.index_cast %get3A_3556 : i32 to index
      %get3A_3559 = arith.constant 96 : index
      %get3A_3560 = tpu.vector_load %arg10[%get3A_3557, %get3A_3558, %get3A_3559] {strides = array<i32>} : memref<4x32x128xf32, #tpu.memory_space<vmem>>, vector<16xf32>,
      %get3A_3561 = arith.constant 1 : i32
      %get3A_3562 = arith.constant 14 : i32
      %get3A_3563 = arith.index_cast %get3A_3561 : i32 to index
      %get3A_3564 = arith.index_cast %get3A_3562 : i32 to index
      %get3A_3565 = arith.constant 64 : index
      %get3A_3566 = tpu.vector_load %arg10[%get3A_3563, %get3A_3564, %get3A_3565] {strides = array<i32>} : memref<4x32x128xf32, #tpu.memory_space<vmem>>, vector<16xf32>,
      %mul3A_3567 = arith.mulf %get3A_3560, %get3A_3566 : vector<16xf32>
      %add3A_3568 = arith.addf %add3A_3554, %mul3A_3567 : vector<16xf32>
      %get3A_3569 = arith.constant 1 : i32
      %get3A_3570 = arith.constant 12 : i32
      %get3A_3571 = arith.index_cast %get3A_3569 : i32 to index
      %get3A_3572 = arith.index_cast %get3A_3570 : i32 to index
      %get3A_3573 = arith.constant 112 : index
      %get3A_3574 = tpu.vector_load %arg10[%get3A_3571, %get3A_3572, %get3A_3573] {strides = array<i32>} : memref<4x32x128xf32, #tpu.memory_space<vmem>>, vector<16xf32>,
      %get3A_3575 = arith.constant 1 : i32
      %get3A_3576 = arith.constant 15 : i32
      %get3A_3577 = arith.index_cast %get3A_3575 : i32 to index
      %get3A_3578 = arith.index_cast %get3A_3576 : i32 to index
      %get3A_3579 = arith.constant 64 : index
      %get3A_3580 = tpu.vector_load %arg10[%get3A_3577, %get3A_3578, %get3A_3579] {strides = array<i32>} : memref<4x32x128xf32, #tpu.memory_space<vmem>>, vector<16xf32>,
      %mul3A_3581 = arith.mulf %get3A_3574, %get3A_3580 : vector<16xf32>
      %add3A_3582 = arith.addf %add3A_3568, %mul3A_3581 : vector<16xf32>
      %get3A_3583 = arith.constant 2 : i32
      %get3A_3584 = arith.constant 12 : i32
      %get3A_3585 = arith.index_cast %get3A_3583 : i32 to index
      %get3A_3586 = arith.index_cast %get3A_3584 : i32 to index
      %get3A_3587 = arith.constant 0 : index
      %get3A_3588 = tpu.vector_load %arg10[%get3A_3585, %get3A_3586, %get3A_3587] {strides = array<i32>} : memref<4x32x128xf32, #tpu.memory_space<vmem>>, vector<16xf32>,
      %get3A_3589 = arith.constant 1 : i32
      %get3A_3590 = arith.constant 16 : i32
      %get3A_3591 = arith.index_cast %get3A_3589 : i32 to index
      %get3A_3592 = arith.index_cast %get3A_3590 : i32 to index
      %get3A_3593 = arith.constant 64 : index
      %get3A_3594 = tpu.vector_load %arg10[%get3A_3591, %get3A_3592, %get3A_3593] {strides = array<i32>} : memref<4x32x128xf32, #tpu.memory_space<vmem>>, vector<16xf32>,
      %mul3A_3595 = arith.mulf %get3A_3588, %get3A_3594 : vector<16xf32>
      %add3A_3596 = arith.addf %add3A_3582, %mul3A_3595 : vector<16xf32>
      %get3A_3597 = arith.constant 2 : i32
      %get3A_3598 = arith.constant 12 : i32
      %get3A_3599 = arith.index_cast %get3A_3597 : i32 to index
      %get3A_3600 = arith.index_cast %get3A_3598 : i32 to index
      %get3A_3601 = arith.constant 16 : index
      %get3A_3602 = tpu.vector_load %arg10[%get3A_3599, %get3A_3600, %get3A_3601] {strides = array<i32>} : memref<4x32x128xf32, #tpu.memory_space<vmem>>, vector<16xf32>,
      %get3A_3603 = arith.constant 1 : i32
      %get3A_3604 = arith.constant 17 : i32
      %get3A_3605 = arith.index_cast %get3A_3603 : i32 to index
      %get3A_3606 = arith.index_cast %get3A_3604 : i32 to index
      %get3A_3607 = arith.constant 64 : index
      %get3A_3608 = tpu.vector_load %arg10[%get3A_3605, %get3A_3606, %get3A_3607] {strides = array<i32>} : memref<4x32x128xf32, #tpu.memory_space<vmem>>, vector<16xf32>,
      %mul3A_3609 = arith.mulf %get3A_3602, %get3A_3608 : vector<16xf32>
      %add3A_3610 = arith.addf %add3A_3596, %mul3A_3609 : vector<16xf32>
      %get3A_3611 = arith.constant 2 : i32
      %get3A_3612 = arith.constant 12 : i32
      %get3A_3613 = arith.index_cast %get3A_3611 : i32 to index
      %get3A_3614 = arith.index_cast %get3A_3612 : i32 to index
      %get3A_3615 = arith.constant 32 : index
      %get3A_3616 = tpu.vector_load %arg10[%get3A_3613, %get3A_3614, %get3A_3615] {strides = array<i32>} : memref<4x32x128xf32, #tpu.memory_space<vmem>>, vector<16xf32>,
      %get3A_3617 = arith.constant 1 : i32
      %get3A_3618 = arith.constant 18 : i32
      %get3A_3619 = arith.index_cast %get3A_3617 : i32 to index
      %get3A_3620 = arith.index_cast %get3A_3618 : i32 to index
      %get3A_3621 = arith.constant 64 : index
      %get3A_3622 = tpu.vector_load %arg10[%get3A_3619, %get3A_3620, %get3A_3621] {strides = array<i32>} : memref<4x32x128xf32, #tpu.memory_space<vmem>>, vector<16xf32>,
      %mul3A_3623 = arith.mulf %get3A_3616, %get3A_3622 : vector<16xf32>
      %add3A_3624 = arith.addf %add3A_3610, %mul3A_3623 : vector<16xf32>
      %get3A_3625 = arith.constant 2 : i32
      %get3A_3626 = arith.constant 12 : i32
      %get3A_3627 = arith.index_cast %get3A_3625 : i32 to index
      %get3A_3628 = arith.index_cast %get3A_3626 : i32 to index
      %get3A_3629 = arith.constant 48 : index
      %get3A_3630 = tpu.vector_load %arg10[%get3A_3627, %get3A_3628, %get3A_3629] {strides = array<i32>} : memref<4x32x128xf32, #tpu.memory_space<vmem>>, vector<16xf32>,
      %get3A_3631 = arith.constant 1 : i32
      %get3A_3632 = arith.constant 19 : i32
      %get3A_3633 = arith.index_cast %get3A_3631 : i32 to index
      %get3A_3634 = arith.index_cast %get3A_3632 : i32 to index
      %get3A_3635 = arith.constant 64 : index
      %get3A_3636 = tpu.vector_load %arg10[%get3A_3633, %get3A_3634, %get3A_3635] {strides = array<i32>} : memref<4x32x128xf32, #tpu.memory_space<vmem>>, vector<16xf32>,
      %mul3A_3637 = arith.mulf %get3A_3630, %get3A_3636 : vector<16xf32>
      %add3A_3638 = arith.addf %add3A_3624, %mul3A_3637 : vector<16xf32>
      %get3A_3639 = arith.constant 2 : i32
      %get3A_3640 = arith.constant 12 : i32
      %get3A_3641 = arith.index_cast %get3A_3639 : i32 to index
      %get3A_3642 = arith.index_cast %get3A_3640 : i32 to index
      %get3A_3643 = arith.constant 64 : index
      %get3A_3644 = tpu.vector_load %arg10[%get3A_3641, %get3A_3642, %get3A_3643] {strides = array<i32>} : memref<4x32x128xf32, #tpu.memory_space<vmem>>, vector<16xf32>,
      %get3A_3645 = arith.constant 1 : i32
      %get3A_3646 = arith.constant 20 : i32
      %get3A_3647 = arith.index_cast %get3A_3645 : i32 to index
      %get3A_3648 = arith.index_cast %get3A_3646 : i32 to index
      %get3A_3649 = arith.constant 64 : index
      %get3A_3650 = tpu.vector_load %arg10[%get3A_3647, %get3A_3648, %get3A_3649] {strides = array<i32>} : memref<4x32x128xf32, #tpu.memory_space<vmem>>, vector<16xf32>,
      %mul3A_3651 = arith.mulf %get3A_3644, %get3A_3650 : vector<16xf32>
      %add3A_3652 = arith.addf %add3A_3638, %mul3A_3651 : vector<16xf32>
      %get3A_3653 = arith.constant 2 : i32
      %get3A_3654 = arith.constant 12 : i32
      %get3A_3655 = arith.index_cast %get3A_3653 : i32 to index
      %get3A_3656 = arith.index_cast %get3A_3654 : i32 to index
      %get3A_3657 = arith.constant 80 : index
      %get3A_3658 = tpu.vector_load %arg10[%get3A_3655, %get3A_3656, %get3A_3657] {strides = array<i32>} : memref<4x32x128xf32, #tpu.memory_space<vmem>>, vector<16xf32>,
      %get3A_3659 = arith.constant 1 : i32
      %get3A_3660 = arith.constant 21 : i32
      %get3A_3661 = arith.index_cast %get3A_3659 : i32 to index
      %get3A_3662 = arith.index_cast %get3A_3660 : i32 to index
      %get3A_3663 = arith.constant 64 : index
      %get3A_3664 = tpu.vector_load %arg10[%get3A_3661, %get3A_3662, %get3A_3663] {strides = array<i32>} : memref<4x32x128xf32, #tpu.memory_space<vmem>>, vector<16xf32>,
      %mul3A_3665 = arith.mulf %get3A_3658, %get3A_3664 : vector<16xf32>
      %add3A_3666 = arith.addf %add3A_3652, %mul3A_3665 : vector<16xf32>
      %get3A_3667 = arith.constant 2 : i32
      %get3A_3668 = arith.constant 12 : i32
      %get3A_3669 = arith.index_cast %get3A_3667 : i32 to index
      %get3A_3670 = arith.index_cast %get3A_3668 : i32 to index
      %get3A_3671 = arith.constant 96 : index
      %get3A_3672 = tpu.vector_load %arg10[%get3A_3669, %get3A_3670, %get3A_3671] {strides = array<i32>} : memref<4x32x128xf32, #tpu.memory_space<vmem>>, vector<16xf32>,
      %get3A_3673 = arith.constant 1 : i32
      %get3A_3674 = arith.constant 22 : i32
      %get3A_3675 = arith.index_cast %get3A_3673 : i32 to index
      %get3A_3676 = arith.index_cast %get3A_3674 : i32 to index
      %get3A_3677 = arith.constant 64 : index
      %get3A_3678 = tpu.vector_load %arg10[%get3A_3675, %get3A_3676, %get3A_3677] {strides = array<i32>} : memref<4x32x128xf32, #tpu.memory_space<vmem>>, vector<16xf32>,
      %mul3A_3679 = arith.mulf %get3A_3672, %get3A_3678 : vector<16xf32>
      %add3A_3680 = arith.addf %add3A_3666, %mul3A_3679 : vector<16xf32>
      %get3A_3681 = arith.constant 2 : i32
      %get3A_3682 = arith.constant 12 : i32
      %get3A_3683 = arith.index_cast %get3A_3681 : i32 to index
      %get3A_3684 = arith.index_cast %get3A_3682 : i32 to index
      %get3A_3685 = arith.constant 112 : index
      %get3A_3686 = tpu.vector_load %arg10[%get3A_3683, %get3A_3684, %get3A_3685] {strides = array<i32>} : memref<4x32x128xf32, #tpu.memory_space<vmem>>, vector<16xf32>,
      %get3A_3687 = arith.constant 1 : i32
      %get3A_3688 = arith.constant 23 : i32
      %get3A_3689 = arith.index_cast %get3A_3687 : i32 to index
      %get3A_3690 = arith.index_cast %get3A_3688 : i32 to index
      %get3A_3691 = arith.constant 64 : index
      %get3A_3692 = tpu.vector_load %arg10[%get3A_3689, %get3A_3690, %get3A_3691] {strides = array<i32>} : memref<4x32x128xf32, #tpu.memory_space<vmem>>, vector<16xf32>,
      %mul3A_3693 = arith.mulf %get3A_3686, %get3A_3692 : vector<16xf32>
      %add3A_3694 = arith.addf %add3A_3680, %mul3A_3693 : vector<16xf32>
      %get3A_3695 = arith.constant 3 : i32
      %get3A_3696 = arith.constant 12 : i32
      %get3A_3697 = arith.index_cast %get3A_3695 : i32 to index
      %get3A_3698 = arith.index_cast %get3A_3696 : i32 to index
      %get3A_3699 = arith.constant 0 : index
      %get3A_3700 = tpu.vector_load %arg10[%get3A_3697, %get3A_3698, %get3A_3699] {strides = array<i32>} : memref<4x32x128xf32, #tpu.memory_space<vmem>>, vector<16xf32>,
      %get3A_3701 = arith.constant 1 : i32
      %get3A_3702 = arith.constant 24 : i32
      %get3A_3703 = arith.index_cast %get3A_3701 : i32 to index
      %get3A_3704 = arith.index_cast %get3A_3702 : i32 to index
      %get3A_3705 = arith.constant 64 : index
      %get3A_3706 = tpu.vector_load %arg10[%get3A_3703, %get3A_3704, %get3A_3705] {strides = array<i32>} : memref<4x32x128xf32, #tpu.memory_space<vmem>>, vector<16xf32>,
      %mul3A_3707 = arith.mulf %get3A_3700, %get3A_3706 : vector<16xf32>
      %add3A_3708 = arith.addf %add3A_3694, %mul3A_3707 : vector<16xf32>
      %get3A_3709 = arith.constant 3 : i32
      %get3A_3710 = arith.constant 12 : i32
      %get3A_3711 = arith.index_cast %get3A_3709 : i32 to index
      %get3A_3712 = arith.index_cast %get3A_3710 : i32 to index
      %get3A_3713 = arith.constant 16 : index
      %get3A_3714 = tpu.vector_load %arg10[%get3A_3711, %get3A_3712, %get3A_3713] {strides = array<i32>} : memref<4x32x128xf32, #tpu.memory_space<vmem>>, vector<16xf32>,
      %get3A_3715 = arith.constant 1 : i32
      %get3A_3716 = arith.constant 25 : i32
      %get3A_3717 = arith.index_cast %get3A_3715 : i32 to index
      %get3A_3718 = arith.index_cast %get3A_3716 : i32 to index
      %get3A_3719 = arith.constant 64 : index
      %get3A_3720 = tpu.vector_load %arg10[%get3A_3717, %get3A_3718, %get3A_3719] {strides = array<i32>} : memref<4x32x128xf32, #tpu.memory_space<vmem>>, vector<16xf32>,
      %mul3A_3721 = arith.mulf %get3A_3714, %get3A_3720 : vector<16xf32>
      %add3A_3722 = arith.addf %add3A_3708, %mul3A_3721 : vector<16xf32>
      %get3A_3723 = arith.constant 1 : i32
      %get3A_3724 = arith.constant 13 : i32
      %get3A_3725 = arith.index_cast %get3A_3723 : i32 to index
      %get3A_3726 = arith.index_cast %get3A_3724 : i32 to index
      %get3A_3727 = arith.constant 96 : index
      %get3A_3728 = tpu.vector_load %arg10[%get3A_3725, %get3A_3726, %get3A_3727] {strides = array<i32>} : memref<4x32x128xf32, #tpu.memory_space<vmem>>, vector<16xf32>,
      %get3A_3729 = arith.constant 1 : i32
      %get3A_3730 = arith.constant 14 : i32
      %get3A_3731 = arith.index_cast %get3A_3729 : i32 to index
      %get3A_3732 = arith.index_cast %get3A_3730 : i32 to index
      %get3A_3733 = arith.constant 80 : index
      %get3A_3734 = tpu.vector_load %arg10[%get3A_3731, %get3A_3732, %get3A_3733] {strides = array<i32>} : memref<4x32x128xf32, #tpu.memory_space<vmem>>, vector<16xf32>,
      %mul3A_3735 = arith.mulf %get3A_3728, %get3A_3734 : vector<16xf32>
      %add3A_3736 = arith.addf %add3A_3722, %mul3A_3735 : vector<16xf32>
      %get3A_3737 = arith.constant 1 : i32
      %get3A_3738 = arith.constant 13 : i32
      %get3A_3739 = arith.index_cast %get3A_3737 : i32 to index
      %get3A_3740 = arith.index_cast %get3A_3738 : i32 to index
      %get3A_3741 = arith.constant 112 : index
      %get3A_3742 = tpu.vector_load %arg10[%get3A_3739, %get3A_3740, %get3A_3741] {strides = array<i32>} : memref<4x32x128xf32, #tpu.memory_space<vmem>>, vector<16xf32>,
      %get3A_3743 = arith.constant 1 : i32
      %get3A_3744 = arith.constant 15 : i32
      %get3A_3745 = arith.index_cast %get3A_3743 : i32 to index
      %get3A_3746 = arith.index_cast %get3A_3744 : i32 to index
      %get3A_3747 = arith.constant 80 : index
      %get3A_3748 = tpu.vector_load %arg10[%get3A_3745, %get3A_3746, %get3A_3747] {strides = array<i32>} : memref<4x32x128xf32, #tpu.memory_space<vmem>>, vector<16xf32>,
      %mul3A_3749 = arith.mulf %get3A_3742, %get3A_3748 : vector<16xf32>
      %add3A_3750 = arith.addf %add3A_3736, %mul3A_3749 : vector<16xf32>
      %get3A_3751 = arith.constant 2 : i32
      %get3A_3752 = arith.constant 13 : i32
      %get3A_3753 = arith.index_cast %get3A_3751 : i32 to index
      %get3A_3754 = arith.index_cast %get3A_3752 : i32 to index
      %get3A_3755 = arith.constant 0 : index
      %get3A_3756 = tpu.vector_load %arg10[%get3A_3753, %get3A_3754, %get3A_3755] {strides = array<i32>} : memref<4x32x128xf32, #tpu.memory_space<vmem>>, vector<16xf32>,
      %get3A_3757 = arith.constant 1 : i32
      %get3A_3758 = arith.constant 16 : i32
      %get3A_3759 = arith.index_cast %get3A_3757 : i32 to index
      %get3A_3760 = arith.index_cast %get3A_3758 : i32 to index
      %get3A_3761 = arith.constant 80 : index
      %get3A_3762 = tpu.vector_load %arg10[%get3A_3759, %get3A_3760, %get3A_3761] {strides = array<i32>} : memref<4x32x128xf32, #tpu.memory_space<vmem>>, vector<16xf32>,
      %mul3A_3763 = arith.mulf %get3A_3756, %get3A_3762 : vector<16xf32>
      %add3A_3764 = arith.addf %add3A_3750, %mul3A_3763 : vector<16xf32>
      %get3A_3765 = arith.constant 2 : i32
      %get3A_3766 = arith.constant 13 : i32
      %get3A_3767 = arith.index_cast %get3A_3765 : i32 to index
      %get3A_3768 = arith.index_cast %get3A_3766 : i32 to index
      %get3A_3769 = arith.constant 16 : index
      %get3A_3770 = tpu.vector_load %arg10[%get3A_3767, %get3A_3768, %get3A_3769] {strides = array<i32>} : memref<4x32x128xf32, #tpu.memory_space<vmem>>, vector<16xf32>,
      %get3A_3771 = arith.constant 1 : i32
      %get3A_3772 = arith.constant 17 : i32
      %get3A_3773 = arith.index_cast %get3A_3771 : i32 to index
      %get3A_3774 = arith.index_cast %get3A_3772 : i32 to index
      %get3A_3775 = arith.constant 80 : index
      %get3A_3776 = tpu.vector_load %arg10[%get3A_3773, %get3A_3774, %get3A_3775] {strides = array<i32>} : memref<4x32x128xf32, #tpu.memory_space<vmem>>, vector<16xf32>,
      %mul3A_3777 = arith.mulf %get3A_3770, %get3A_3776 : vector<16xf32>
      %add3A_3778 = arith.addf %add3A_3764, %mul3A_3777 : vector<16xf32>
      %get3A_3779 = arith.constant 2 : i32
      %get3A_3780 = arith.constant 13 : i32
      %get3A_3781 = arith.index_cast %get3A_3779 : i32 to index
      %get3A_3782 = arith.index_cast %get3A_3780 : i32 to index
      %get3A_3783 = arith.constant 32 : index
      %get3A_3784 = tpu.vector_load %arg10[%get3A_3781, %get3A_3782, %get3A_3783] {strides = array<i32>} : memref<4x32x128xf32, #tpu.memory_space<vmem>>, vector<16xf32>,
      %get3A_3785 = arith.constant 1 : i32
      %get3A_3786 = arith.constant 18 : i32
      %get3A_3787 = arith.index_cast %get3A_3785 : i32 to index
      %get3A_3788 = arith.index_cast %get3A_3786 : i32 to index
      %get3A_3789 = arith.constant 80 : index
      %get3A_3790 = tpu.vector_load %arg10[%get3A_3787, %get3A_3788, %get3A_3789] {strides = array<i32>} : memref<4x32x128xf32, #tpu.memory_space<vmem>>, vector<16xf32>,
      %mul3A_3791 = arith.mulf %get3A_3784, %get3A_3790 : vector<16xf32>
      %add3A_3792 = arith.addf %add3A_3778, %mul3A_3791 : vector<16xf32>
      %get3A_3793 = arith.constant 2 : i32
      %get3A_3794 = arith.constant 13 : i32
      %get3A_3795 = arith.index_cast %get3A_3793 : i32 to index
      %get3A_3796 = arith.index_cast %get3A_3794 : i32 to index
      %get3A_3797 = arith.constant 48 : index
      %get3A_3798 = tpu.vector_load %arg10[%get3A_3795, %get3A_3796, %get3A_3797] {strides = array<i32>} : memref<4x32x128xf32, #tpu.memory_space<vmem>>, vector<16xf32>,
      %get3A_3799 = arith.constant 1 : i32
      %get3A_3800 = arith.constant 19 : i32
      %get3A_3801 = arith.index_cast %get3A_3799 : i32 to index
      %get3A_3802 = arith.index_cast %get3A_3800 : i32 to index
      %get3A_3803 = arith.constant 80 : index
      %get3A_3804 = tpu.vector_load %arg10[%get3A_3801, %get3A_3802, %get3A_3803] {strides = array<i32>} : memref<4x32x128xf32, #tpu.memory_space<vmem>>, vector<16xf32>,
      %mul3A_3805 = arith.mulf %get3A_3798, %get3A_3804 : vector<16xf32>
      %add3A_3806 = arith.addf %add3A_3792, %mul3A_3805 : vector<16xf32>
      %get3A_3807 = arith.constant 2 : i32
      %get3A_3808 = arith.constant 13 : i32
      %get3A_3809 = arith.index_cast %get3A_3807 : i32 to index
      %get3A_3810 = arith.index_cast %get3A_3808 : i32 to index
      %get3A_3811 = arith.constant 64 : index
      %get3A_3812 = tpu.vector_load %arg10[%get3A_3809, %get3A_3810, %get3A_3811] {strides = array<i32>} : memref<4x32x128xf32, #tpu.memory_space<vmem>>, vector<16xf32>,
      %get3A_3813 = arith.constant 1 : i32
      %get3A_3814 = arith.constant 20 : i32
      %get3A_3815 = arith.index_cast %get3A_3813 : i32 to index
      %get3A_3816 = arith.index_cast %get3A_3814 : i32 to index
      %get3A_3817 = arith.constant 80 : index
      %get3A_3818 = tpu.vector_load %arg10[%get3A_3815, %get3A_3816, %get3A_3817] {strides = array<i32>} : memref<4x32x128xf32, #tpu.memory_space<vmem>>, vector<16xf32>,
      %mul3A_3819 = arith.mulf %get3A_3812, %get3A_3818 : vector<16xf32>
      %add3A_3820 = arith.addf %add3A_3806, %mul3A_3819 : vector<16xf32>
      %get3A_3821 = arith.constant 2 : i32
      %get3A_3822 = arith.constant 13 : i32
      %get3A_3823 = arith.index_cast %get3A_3821 : i32 to index
      %get3A_3824 = arith.index_cast %get3A_3822 : i32 to index
      %get3A_3825 = arith.constant 80 : index
      %get3A_3826 = tpu.vector_load %arg10[%get3A_3823, %get3A_3824, %get3A_3825] {strides = array<i32>} : memref<4x32x128xf32, #tpu.memory_space<vmem>>, vector<16xf32>,
      %get3A_3827 = arith.constant 1 : i32
      %get3A_3828 = arith.constant 21 : i32
      %get3A_3829 = arith.index_cast %get3A_3827 : i32 to index
      %get3A_3830 = arith.index_cast %get3A_3828 : i32 to index
      %get3A_3831 = arith.constant 80 : index
      %get3A_3832 = tpu.vector_load %arg10[%get3A_3829, %get3A_3830, %get3A_3831] {strides = array<i32>} : memref<4x32x128xf32, #tpu.memory_space<vmem>>, vector<16xf32>,
      %mul3A_3833 = arith.mulf %get3A_3826, %get3A_3832 : vector<16xf32>
      %add3A_3834 = arith.addf %add3A_3820, %mul3A_3833 : vector<16xf32>
      %get3A_3835 = arith.constant 2 : i32
      %get3A_3836 = arith.constant 13 : i32
      %get3A_3837 = arith.index_cast %get3A_3835 : i32 to index
      %get3A_3838 = arith.index_cast %get3A_3836 : i32 to index
      %get3A_3839 = arith.constant 96 : index
      %get3A_3840 = tpu.vector_load %arg10[%get3A_3837, %get3A_3838, %get3A_3839] {strides = array<i32>} : memref<4x32x128xf32, #tpu.memory_space<vmem>>, vector<16xf32>,
      %get3A_3841 = arith.constant 1 : i32
      %get3A_3842 = arith.constant 22 : i32
      %get3A_3843 = arith.index_cast %get3A_3841 : i32 to index
      %get3A_3844 = arith.index_cast %get3A_3842 : i32 to index
      %get3A_3845 = arith.constant 80 : index
      %get3A_3846 = tpu.vector_load %arg10[%get3A_3843, %get3A_3844, %get3A_3845] {strides = array<i32>} : memref<4x32x128xf32, #tpu.memory_space<vmem>>, vector<16xf32>,
      %mul3A_3847 = arith.mulf %get3A_3840, %get3A_3846 : vector<16xf32>
      %add3A_3848 = arith.addf %add3A_3834, %mul3A_3847 : vector<16xf32>
      %get3A_3849 = arith.constant 2 : i32
      %get3A_3850 = arith.constant 13 : i32
      %get3A_3851 = arith.index_cast %get3A_3849 : i32 to index
      %get3A_3852 = arith.index_cast %get3A_3850 : i32 to index
      %get3A_3853 = arith.constant 112 : index
      %get3A_3854 = tpu.vector_load %arg10[%get3A_3851, %get3A_3852, %get3A_3853] {strides = array<i32>} : memref<4x32x128xf32, #tpu.memory_space<vmem>>, vector<16xf32>,
      %get3A_3855 = arith.constant 1 : i32
      %get3A_3856 = arith.constant 23 : i32
      %get3A_3857 = arith.index_cast %get3A_3855 : i32 to index
      %get3A_3858 = arith.index_cast %get3A_3856 : i32 to index
      %get3A_3859 = arith.constant 80 : index
      %get3A_3860 = tpu.vector_load %arg10[%get3A_3857, %get3A_3858, %get3A_3859] {strides = array<i32>} : memref<4x32x128xf32, #tpu.memory_space<vmem>>, vector<16xf32>,
      %mul3A_3861 = arith.mulf %get3A_3854, %get3A_3860 : vector<16xf32>
      %add3A_3862 = arith.addf %add3A_3848, %mul3A_3861 : vector<16xf32>
      %get3A_3863 = arith.constant 3 : i32
      %get3A_3864 = arith.constant 13 : i32
      %get3A_3865 = arith.index_cast %get3A_3863 : i32 to index
      %get3A_3866 = arith.index_cast %get3A_3864 : i32 to index
      %get3A_3867 = arith.constant 0 : index
      %get3A_3868 = tpu.vector_load %arg10[%get3A_3865, %get3A_3866, %get3A_3867] {strides = array<i32>} : memref<4x32x128xf32, #tpu.memory_space<vmem>>, vector<16xf32>,
      %get3A_3869 = arith.constant 1 : i32
      %get3A_3870 = arith.constant 24 : i32
      %get3A_3871 = arith.index_cast %get3A_3869 : i32 to index
      %get3A_3872 = arith.index_cast %get3A_3870 : i32 to index
      %get3A_3873 = arith.constant 80 : index
      %get3A_3874 = tpu.vector_load %arg10[%get3A_3871, %get3A_3872, %get3A_3873] {strides = array<i32>} : memref<4x32x128xf32, #tpu.memory_space<vmem>>, vector<16xf32>,
      %mul3A_3875 = arith.mulf %get3A_3868, %get3A_3874 : vector<16xf32>
      %add3A_3876 = arith.addf %add3A_3862, %mul3A_3875 : vector<16xf32>
      %get3A_3877 = arith.constant 3 : i32
      %get3A_3878 = arith.constant 13 : i32
      %get3A_3879 = arith.index_cast %get3A_3877 : i32 to index
      %get3A_3880 = arith.index_cast %get3A_3878 : i32 to index
      %get3A_3881 = arith.constant 16 : index
      %get3A_3882 = tpu.vector_load %arg10[%get3A_3879, %get3A_3880, %get3A_3881] {strides = array<i32>} : memref<4x32x128xf32, #tpu.memory_space<vmem>>, vector<16xf32>,
      %get3A_3883 = arith.constant 1 : i32
      %get3A_3884 = arith.constant 25 : i32
      %get3A_3885 = arith.index_cast %get3A_3883 : i32 to index
      %get3A_3886 = arith.index_cast %get3A_3884 : i32 to index
      %get3A_3887 = arith.constant 80 : index
      %get3A_3888 = tpu.vector_load %arg10[%get3A_3885, %get3A_3886, %get3A_3887] {strides = array<i32>} : memref<4x32x128xf32, #tpu.memory_space<vmem>>, vector<16xf32>,
      %mul3A_3889 = arith.mulf %get3A_3882, %get3A_3888 : vector<16xf32>
      %add3A_3890 = arith.addf %add3A_3876, %mul3A_3889 : vector<16xf32>
      %get3A_3891 = arith.constant 1 : i32
      %get3A_3892 = arith.constant 14 : i32
      %get3A_3893 = arith.index_cast %get3A_3891 : i32 to index
      %get3A_3894 = arith.index_cast %get3A_3892 : i32 to index
      %get3A_3895 = arith.constant 112 : index
      %get3A_3896 = tpu.vector_load %arg10[%get3A_3893, %get3A_3894, %get3A_3895] {strides = array<i32>} : memref<4x32x128xf32, #tpu.memory_space<vmem>>, vector<16xf32>,
      %get3A_3897 = arith.constant 1 : i32
      %get3A_3898 = arith.constant 15 : i32
      %get3A_3899 = arith.index_cast %get3A_3897 : i32 to index
      %get3A_3900 = arith.index_cast %get3A_3898 : i32 to index
      %get3A_3901 = arith.constant 96 : index
      %get3A_3902 = tpu.vector_load %arg10[%get3A_3899, %get3A_3900, %get3A_3901] {strides = array<i32>} : memref<4x32x128xf32, #tpu.memory_space<vmem>>, vector<16xf32>,
      %mul3A_3903 = arith.mulf %get3A_3896, %get3A_3902 : vector<16xf32>
      %add3A_3904 = arith.addf %add3A_3890, %mul3A_3903 : vector<16xf32>
      %get3A_3905 = arith.constant 2 : i32
      %get3A_3906 = arith.constant 14 : i32
      %get3A_3907 = arith.index_cast %get3A_3905 : i32 to index
      %get3A_3908 = arith.index_cast %get3A_3906 : i32 to index
      %get3A_3909 = arith.constant 0 : index
      %get3A_3910 = tpu.vector_load %arg10[%get3A_3907, %get3A_3908, %get3A_3909] {strides = array<i32>} : memref<4x32x128xf32, #tpu.memory_space<vmem>>, vector<16xf32>,
      %get3A_3911 = arith.constant 1 : i32
      %get3A_3912 = arith.constant 16 : i32
      %get3A_3913 = arith.index_cast %get3A_3911 : i32 to index
      %get3A_3914 = arith.index_cast %get3A_3912 : i32 to index
      %get3A_3915 = arith.constant 96 : index
      %get3A_3916 = tpu.vector_load %arg10[%get3A_3913, %get3A_3914, %get3A_3915] {strides = array<i32>} : memref<4x32x128xf32, #tpu.memory_space<vmem>>, vector<16xf32>,
      %mul3A_3917 = arith.mulf %get3A_3910, %get3A_3916 : vector<16xf32>
      %add3A_3918 = arith.addf %add3A_3904, %mul3A_3917 : vector<16xf32>
      %get3A_3919 = arith.constant 2 : i32
      %get3A_3920 = arith.constant 14 : i32
      %get3A_3921 = arith.index_cast %get3A_3919 : i32 to index
      %get3A_3922 = arith.index_cast %get3A_3920 : i32 to index
      %get3A_3923 = arith.constant 16 : index
      %get3A_3924 = tpu.vector_load %arg10[%get3A_3921, %get3A_3922, %get3A_3923] {strides = array<i32>} : memref<4x32x128xf32, #tpu.memory_space<vmem>>, vector<16xf32>,
      %get3A_3925 = arith.constant 1 : i32
      %get3A_3926 = arith.constant 17 : i32
      %get3A_3927 = arith.index_cast %get3A_3925 : i32 to index
      %get3A_3928 = arith.index_cast %get3A_3926 : i32 to index
      %get3A_3929 = arith.constant 96 : index
      %get3A_3930 = tpu.vector_load %arg10[%get3A_3927, %get3A_3928, %get3A_3929] {strides = array<i32>} : memref<4x32x128xf32, #tpu.memory_space<vmem>>, vector<16xf32>,
      %mul3A_3931 = arith.mulf %get3A_3924, %get3A_3930 : vector<16xf32>
      %add3A_3932 = arith.addf %add3A_3918, %mul3A_3931 : vector<16xf32>
      %get3A_3933 = arith.constant 2 : i32
      %get3A_3934 = arith.constant 14 : i32
      %get3A_3935 = arith.index_cast %get3A_3933 : i32 to index
      %get3A_3936 = arith.index_cast %get3A_3934 : i32 to index
      %get3A_3937 = arith.constant 32 : index
      %get3A_3938 = tpu.vector_load %arg10[%get3A_3935, %get3A_3936, %get3A_3937] {strides = array<i32>} : memref<4x32x128xf32, #tpu.memory_space<vmem>>, vector<16xf32>,
      %get3A_3939 = arith.constant 1 : i32
      %get3A_3940 = arith.constant 18 : i32
      %get3A_3941 = arith.index_cast %get3A_3939 : i32 to index
      %get3A_3942 = arith.index_cast %get3A_3940 : i32 to index
      %get3A_3943 = arith.constant 96 : index
      %get3A_3944 = tpu.vector_load %arg10[%get3A_3941, %get3A_3942, %get3A_3943] {strides = array<i32>} : memref<4x32x128xf32, #tpu.memory_space<vmem>>, vector<16xf32>,
      %mul3A_3945 = arith.mulf %get3A_3938, %get3A_3944 : vector<16xf32>
      %add3A_3946 = arith.addf %add3A_3932, %mul3A_3945 : vector<16xf32>
      %get3A_3947 = arith.constant 2 : i32
      %get3A_3948 = arith.constant 14 : i32
      %get3A_3949 = arith.index_cast %get3A_3947 : i32 to index
      %get3A_3950 = arith.index_cast %get3A_3948 : i32 to index
      %get3A_3951 = arith.constant 48 : index
      %get3A_3952 = tpu.vector_load %arg10[%get3A_3949, %get3A_3950, %get3A_3951] {strides = array<i32>} : memref<4x32x128xf32, #tpu.memory_space<vmem>>, vector<16xf32>,
      %get3A_3953 = arith.constant 1 : i32
      %get3A_3954 = arith.constant 19 : i32
      %get3A_3955 = arith.index_cast %get3A_3953 : i32 to index
      %get3A_3956 = arith.index_cast %get3A_3954 : i32 to index
      %get3A_3957 = arith.constant 96 : index
      %get3A_3958 = tpu.vector_load %arg10[%get3A_3955, %get3A_3956, %get3A_3957] {strides = array<i32>} : memref<4x32x128xf32, #tpu.memory_space<vmem>>, vector<16xf32>,
      %mul3A_3959 = arith.mulf %get3A_3952, %get3A_3958 : vector<16xf32>
      %add3A_3960 = arith.addf %add3A_3946, %mul3A_3959 : vector<16xf32>
      %get3A_3961 = arith.constant 2 : i32
      %get3A_3962 = arith.constant 14 : i32
      %get3A_3963 = arith.index_cast %get3A_3961 : i32 to index
      %get3A_3964 = arith.index_cast %get3A_3962 : i32 to index
      %get3A_3965 = arith.constant 64 : index
      %get3A_3966 = tpu.vector_load %arg10[%get3A_3963, %get3A_3964, %get3A_3965] {strides = array<i32>} : memref<4x32x128xf32, #tpu.memory_space<vmem>>, vector<16xf32>,
      %get3A_3967 = arith.constant 1 : i32
      %get3A_3968 = arith.constant 20 : i32
      %get3A_3969 = arith.index_cast %get3A_3967 : i32 to index
      %get3A_3970 = arith.index_cast %get3A_3968 : i32 to index
      %get3A_3971 = arith.constant 96 : index
      %get3A_3972 = tpu.vector_load %arg10[%get3A_3969, %get3A_3970, %get3A_3971] {strides = array<i32>} : memref<4x32x128xf32, #tpu.memory_space<vmem>>, vector<16xf32>,
      %mul3A_3973 = arith.mulf %get3A_3966, %get3A_3972 : vector<16xf32>
      %add3A_3974 = arith.addf %add3A_3960, %mul3A_3973 : vector<16xf32>
      %get3A_3975 = arith.constant 2 : i32
      %get3A_3976 = arith.constant 14 : i32
      %get3A_3977 = arith.index_cast %get3A_3975 : i32 to index
      %get3A_3978 = arith.index_cast %get3A_3976 : i32 to index
      %get3A_3979 = arith.constant 80 : index
      %get3A_3980 = tpu.vector_load %arg10[%get3A_3977, %get3A_3978, %get3A_3979] {strides = array<i32>} : memref<4x32x128xf32, #tpu.memory_space<vmem>>, vector<16xf32>,
      %get3A_3981 = arith.constant 1 : i32
      %get3A_3982 = arith.constant 21 : i32
      %get3A_3983 = arith.index_cast %get3A_3981 : i32 to index
      %get3A_3984 = arith.index_cast %get3A_3982 : i32 to index
      %get3A_3985 = arith.constant 96 : index
      %get3A_3986 = tpu.vector_load %arg10[%get3A_3983, %get3A_3984, %get3A_3985] {strides = array<i32>} : memref<4x32x128xf32, #tpu.memory_space<vmem>>, vector<16xf32>,
      %mul3A_3987 = arith.mulf %get3A_3980, %get3A_3986 : vector<16xf32>
      %add3A_3988 = arith.addf %add3A_3974, %mul3A_3987 : vector<16xf32>
      %get3A_3989 = arith.constant 2 : i32
      %get3A_3990 = arith.constant 14 : i32
      %get3A_3991 = arith.index_cast %get3A_3989 : i32 to index
      %get3A_3992 = arith.index_cast %get3A_3990 : i32 to index
      %get3A_3993 = arith.constant 96 : index
      %get3A_3994 = tpu.vector_load %arg10[%get3A_3991, %get3A_3992, %get3A_3993] {strides = array<i32>} : memref<4x32x128xf32, #tpu.memory_space<vmem>>, vector<16xf32>,
      %get3A_3995 = arith.constant 1 : i32
      %get3A_3996 = arith.constant 22 : i32
      %get3A_3997 = arith.index_cast %get3A_3995 : i32 to index
      %get3A_3998 = arith.index_cast %get3A_3996 : i32 to index
      %get3A_3999 = arith.constant 96 : index
      %get3A_4000 = tpu.vector_load %arg10[%get3A_3997, %get3A_3998, %get3A_3999] {strides = array<i32>} : memref<4x32x128xf32, #tpu.memory_space<vmem>>, vector<16xf32>,
      %mul3A_4001 = arith.mulf %get3A_3994, %get3A_4000 : vector<16xf32>
      %add3A_4002 = arith.addf %add3A_3988, %mul3A_4001 : vector<16xf32>
      %get3A_4003 = arith.constant 2 : i32
      %get3A_4004 = arith.constant 14 : i32
      %get3A_4005 = arith.index_cast %get3A_4003 : i32 to index
      %get3A_4006 = arith.index_cast %get3A_4004 : i32 to index
      %get3A_4007 = arith.constant 112 : index
      %get3A_4008 = tpu.vector_load %arg10[%get3A_4005, %get3A_4006, %get3A_4007] {strides = array<i32>} : memref<4x32x128xf32, #tpu.memory_space<vmem>>, vector<16xf32>,
      %get3A_4009 = arith.constant 1 : i32
      %get3A_4010 = arith.constant 23 : i32
      %get3A_4011 = arith.index_cast %get3A_4009 : i32 to index
      %get3A_4012 = arith.index_cast %get3A_4010 : i32 to index
      %get3A_4013 = arith.constant 96 : index
      %get3A_4014 = tpu.vector_load %arg10[%get3A_4011, %get3A_4012, %get3A_4013] {strides = array<i32>} : memref<4x32x128xf32, #tpu.memory_space<vmem>>, vector<16xf32>,
      %mul3A_4015 = arith.mulf %get3A_4008, %get3A_4014 : vector<16xf32>
      %add3A_4016 = arith.addf %add3A_4002, %mul3A_4015 : vector<16xf32>
      %get3A_4017 = arith.constant 3 : i32
      %get3A_4018 = arith.constant 14 : i32
      %get3A_4019 = arith.index_cast %get3A_4017 : i32 to index
      %get3A_4020 = arith.index_cast %get3A_4018 : i32 to index
      %get3A_4021 = arith.constant 0 : index
      %get3A_4022 = tpu.vector_load %arg10[%get3A_4019, %get3A_4020, %get3A_4021] {strides = array<i32>} : memref<4x32x128xf32, #tpu.memory_space<vmem>>, vector<16xf32>,
      %get3A_4023 = arith.constant 1 : i32
      %get3A_4024 = arith.constant 24 : i32
      %get3A_4025 = arith.index_cast %get3A_4023 : i32 to index
      %get3A_4026 = arith.index_cast %get3A_4024 : i32 to index
      %get3A_4027 = arith.constant 96 : index
      %get3A_4028 = tpu.vector_load %arg10[%get3A_4025, %get3A_4026, %get3A_4027] {strides = array<i32>} : memref<4x32x128xf32, #tpu.memory_space<vmem>>, vector<16xf32>,
      %mul3A_4029 = arith.mulf %get3A_4022, %get3A_4028 : vector<16xf32>
      %add3A_4030 = arith.addf %add3A_4016, %mul3A_4029 : vector<16xf32>
      %get3A_4031 = arith.constant 3 : i32
      %get3A_4032 = arith.constant 14 : i32
      %get3A_4033 = arith.index_cast %get3A_4031 : i32 to index
      %get3A_4034 = arith.index_cast %get3A_4032 : i32 to index
      %get3A_4035 = arith.constant 16 : index
      %get3A_4036 = tpu.vector_load %arg10[%get3A_4033, %get3A_4034, %get3A_4035] {strides = array<i32>} : memref<4x32x128xf32, #tpu.memory_space<vmem>>, vector<16xf32>,
      %get3A_4037 = arith.constant 1 : i32
      %get3A_4038 = arith.constant 25 : i32
      %get3A_4039 = arith.index_cast %get3A_4037 : i32 to index
      %get3A_4040 = arith.index_cast %get3A_4038 : i32 to index
      %get3A_4041 = arith.constant 96 : index
      %get3A_4042 = tpu.vector_load %arg10[%get3A_4039, %get3A_4040, %get3A_4041] {strides = array<i32>} : memref<4x32x128xf32, #tpu.memory_space<vmem>>, vector<16xf32>,
      %mul3A_4043 = arith.mulf %get3A_4036, %get3A_4042 : vector<16xf32>
      %add3A_4044 = arith.addf %add3A_4030, %mul3A_4043 : vector<16xf32>
      %get3A_4045 = arith.constant 2 : i32
      %get3A_4046 = arith.constant 15 : i32
      %get3A_4047 = arith.index_cast %get3A_4045 : i32 to index
      %get3A_4048 = arith.index_cast %get3A_4046 : i32 to index
      %get3A_4049 = arith.constant 0 : index
      %get3A_4050 = tpu.vector_load %arg10[%get3A_4047, %get3A_4048, %get3A_4049] {strides = array<i32>} : memref<4x32x128xf32, #tpu.memory_space<vmem>>, vector<16xf32>,
      %get3A_4051 = arith.constant 1 : i32
      %get3A_4052 = arith.constant 16 : i32
      %get3A_4053 = arith.index_cast %get3A_4051 : i32 to index
      %get3A_4054 = arith.index_cast %get3A_4052 : i32 to index
      %get3A_4055 = arith.constant 112 : index
      %get3A_4056 = tpu.vector_load %arg10[%get3A_4053, %get3A_4054, %get3A_4055] {strides = array<i32>} : memref<4x32x128xf32, #tpu.memory_space<vmem>>, vector<16xf32>,
      %mul3A_4057 = arith.mulf %get3A_4050, %get3A_4056 : vector<16xf32>
      %add3A_4058 = arith.addf %add3A_4044, %mul3A_4057 : vector<16xf32>
      %get3A_4059 = arith.constant 2 : i32
      %get3A_4060 = arith.constant 15 : i32
      %get3A_4061 = arith.index_cast %get3A_4059 : i32 to index
      %get3A_4062 = arith.index_cast %get3A_4060 : i32 to index
      %get3A_4063 = arith.constant 16 : index
      %get3A_4064 = tpu.vector_load %arg10[%get3A_4061, %get3A_4062, %get3A_4063] {strides = array<i32>} : memref<4x32x128xf32, #tpu.memory_space<vmem>>, vector<16xf32>,
      %get3A_4065 = arith.constant 1 : i32
      %get3A_4066 = arith.constant 17 : i32
      %get3A_4067 = arith.index_cast %get3A_4065 : i32 to index
      %get3A_4068 = arith.index_cast %get3A_4066 : i32 to index
      %get3A_4069 = arith.constant 112 : index
      %get3A_4070 = tpu.vector_load %arg10[%get3A_4067, %get3A_4068, %get3A_4069] {strides = array<i32>} : memref<4x32x128xf32, #tpu.memory_space<vmem>>, vector<16xf32>,
      %mul3A_4071 = arith.mulf %get3A_4064, %get3A_4070 : vector<16xf32>
      %add3A_4072 = arith.addf %add3A_4058, %mul3A_4071 : vector<16xf32>
      %get3A_4073 = arith.constant 2 : i32
      %get3A_4074 = arith.constant 15 : i32
      %get3A_4075 = arith.index_cast %get3A_4073 : i32 to index
      %get3A_4076 = arith.index_cast %get3A_4074 : i32 to index
      %get3A_4077 = arith.constant 32 : index
      %get3A_4078 = tpu.vector_load %arg10[%get3A_4075, %get3A_4076, %get3A_4077] {strides = array<i32>} : memref<4x32x128xf32, #tpu.memory_space<vmem>>, vector<16xf32>,
      %get3A_4079 = arith.constant 1 : i32
      %get3A_4080 = arith.constant 18 : i32
      %get3A_4081 = arith.index_cast %get3A_4079 : i32 to index
      %get3A_4082 = arith.index_cast %get3A_4080 : i32 to index
      %get3A_4083 = arith.constant 112 : index
      %get3A_4084 = tpu.vector_load %arg10[%get3A_4081, %get3A_4082, %get3A_4083] {strides = array<i32>} : memref<4x32x128xf32, #tpu.memory_space<vmem>>, vector<16xf32>,
      %mul3A_4085 = arith.mulf %get3A_4078, %get3A_4084 : vector<16xf32>
      %add3A_4086 = arith.addf %add3A_4072, %mul3A_4085 : vector<16xf32>
      %get3A_4087 = arith.constant 2 : i32
      %get3A_4088 = arith.constant 15 : i32
      %get3A_4089 = arith.index_cast %get3A_4087 : i32 to index
      %get3A_4090 = arith.index_cast %get3A_4088 : i32 to index
      %get3A_4091 = arith.constant 48 : index
      %get3A_4092 = tpu.vector_load %arg10[%get3A_4089, %get3A_4090, %get3A_4091] {strides = array<i32>} : memref<4x32x128xf32, #tpu.memory_space<vmem>>, vector<16xf32>,
      %get3A_4093 = arith.constant 1 : i32
      %get3A_4094 = arith.constant 19 : i32
      %get3A_4095 = arith.index_cast %get3A_4093 : i32 to index
      %get3A_4096 = arith.index_cast %get3A_4094 : i32 to index
      %get3A_4097 = arith.constant 112 : index
      %get3A_4098 = tpu.vector_load %arg10[%get3A_4095, %get3A_4096, %get3A_4097] {strides = array<i32>} : memref<4x32x128xf32, #tpu.memory_space<vmem>>, vector<16xf32>,
      %mul3A_4099 = arith.mulf %get3A_4092, %get3A_4098 : vector<16xf32>
      %add3A_4100 = arith.addf %add3A_4086, %mul3A_4099 : vector<16xf32>
      %get3A_4101 = arith.constant 2 : i32
      %get3A_4102 = arith.constant 15 : i32
      %get3A_4103 = arith.index_cast %get3A_4101 : i32 to index
      %get3A_4104 = arith.index_cast %get3A_4102 : i32 to index
      %get3A_4105 = arith.constant 64 : index
      %get3A_4106 = tpu.vector_load %arg10[%get3A_4103, %get3A_4104, %get3A_4105] {strides = array<i32>} : memref<4x32x128xf32, #tpu.memory_space<vmem>>, vector<16xf32>,
      %get3A_4107 = arith.constant 1 : i32
      %get3A_4108 = arith.constant 20 : i32
      %get3A_4109 = arith.index_cast %get3A_4107 : i32 to index
      %get3A_4110 = arith.index_cast %get3A_4108 : i32 to index
      %get3A_4111 = arith.constant 112 : index
      %get3A_4112 = tpu.vector_load %arg10[%get3A_4109, %get3A_4110, %get3A_4111] {strides = array<i32>} : memref<4x32x128xf32, #tpu.memory_space<vmem>>, vector<16xf32>,
      %mul3A_4113 = arith.mulf %get3A_4106, %get3A_4112 : vector<16xf32>
      %add3A_4114 = arith.addf %add3A_4100, %mul3A_4113 : vector<16xf32>
      %get3A_4115 = arith.constant 2 : i32
      %get3A_4116 = arith.constant 15 : i32
      %get3A_4117 = arith.index_cast %get3A_4115 : i32 to index
      %get3A_4118 = arith.index_cast %get3A_4116 : i32 to index
      %get3A_4119 = arith.constant 80 : index
      %get3A_4120 = tpu.vector_load %arg10[%get3A_4117, %get3A_4118, %get3A_4119] {strides = array<i32>} : memref<4x32x128xf32, #tpu.memory_space<vmem>>, vector<16xf32>,
      %get3A_4121 = arith.constant 1 : i32
      %get3A_4122 = arith.constant 21 : i32
      %get3A_4123 = arith.index_cast %get3A_4121 : i32 to index
      %get3A_4124 = arith.index_cast %get3A_4122 : i32 to index
      %get3A_4125 = arith.constant 112 : index
      %get3A_4126 = tpu.vector_load %arg10[%get3A_4123, %get3A_4124, %get3A_4125] {strides = array<i32>} : memref<4x32x128xf32, #tpu.memory_space<vmem>>, vector<16xf32>,
      %mul3A_4127 = arith.mulf %get3A_4120, %get3A_4126 : vector<16xf32>
      %add3A_4128 = arith.addf %add3A_4114, %mul3A_4127 : vector<16xf32>
      %get3A_4129 = arith.constant 2 : i32
      %get3A_4130 = arith.constant 15 : i32
      %get3A_4131 = arith.index_cast %get3A_4129 : i32 to index
      %get3A_4132 = arith.index_cast %get3A_4130 : i32 to index
      %get3A_4133 = arith.constant 96 : index
      %get3A_4134 = tpu.vector_load %arg10[%get3A_4131, %get3A_4132, %get3A_4133] {strides = array<i32>} : memref<4x32x128xf32, #tpu.memory_space<vmem>>, vector<16xf32>,
      %get3A_4135 = arith.constant 1 : i32
      %get3A_4136 = arith.constant 22 : i32
      %get3A_4137 = arith.index_cast %get3A_4135 : i32 to index
      %get3A_4138 = arith.index_cast %get3A_4136 : i32 to index
      %get3A_4139 = arith.constant 112 : index
      %get3A_4140 = tpu.vector_load %arg10[%get3A_4137, %get3A_4138, %get3A_4139] {strides = array<i32>} : memref<4x32x128xf32, #tpu.memory_space<vmem>>, vector<16xf32>,
      %mul3A_4141 = arith.mulf %get3A_4134, %get3A_4140 : vector<16xf32>
      %add3A_4142 = arith.addf %add3A_4128, %mul3A_4141 : vector<16xf32>
      %get3A_4143 = arith.constant 2 : i32
      %get3A_4144 = arith.constant 15 : i32
      %get3A_4145 = arith.index_cast %get3A_4143 : i32 to index
      %get3A_4146 = arith.index_cast %get3A_4144 : i32 to index
      %get3A_4147 = arith.constant 112 : index
      %get3A_4148 = tpu.vector_load %arg10[%get3A_4145, %get3A_4146, %get3A_4147] {strides = array<i32>} : memref<4x32x128xf32, #tpu.memory_space<vmem>>, vector<16xf32>,
      %get3A_4149 = arith.constant 1 : i32
      %get3A_4150 = arith.constant 23 : i32
      %get3A_4151 = arith.index_cast %get3A_4149 : i32 to index
      %get3A_4152 = arith.index_cast %get3A_4150 : i32 to index
      %get3A_4153 = arith.constant 112 : index
      %get3A_4154 = tpu.vector_load %arg10[%get3A_4151, %get3A_4152, %get3A_4153] {strides = array<i32>} : memref<4x32x128xf32, #tpu.memory_space<vmem>>, vector<16xf32>,
      %mul3A_4155 = arith.mulf %get3A_4148, %get3A_4154 : vector<16xf32>
      %add3A_4156 = arith.addf %add3A_4142, %mul3A_4155 : vector<16xf32>
      %get3A_4157 = arith.constant 3 : i32
      %get3A_4158 = arith.constant 15 : i32
      %get3A_4159 = arith.index_cast %get3A_4157 : i32 to index
      %get3A_4160 = arith.index_cast %get3A_4158 : i32 to index
      %get3A_4161 = arith.constant 0 : index
      %get3A_4162 = tpu.vector_load %arg10[%get3A_4159, %get3A_4160, %get3A_4161] {strides = array<i32>} : memref<4x32x128xf32, #tpu.memory_space<vmem>>, vector<16xf32>,
      %get3A_4163 = arith.constant 1 : i32
      %get3A_4164 = arith.constant 24 : i32
      %get3A_4165 = arith.index_cast %get3A_4163 : i32 to index
      %get3A_4166 = arith.index_cast %get3A_4164 : i32 to index
      %get3A_4167 = arith.constant 112 : index
      %get3A_4168 = tpu.vector_load %arg10[%get3A_4165, %get3A_4166, %get3A_4167] {strides = array<i32>} : memref<4x32x128xf32, #tpu.memory_space<vmem>>, vector<16xf32>,
      %mul3A_4169 = arith.mulf %get3A_4162, %get3A_4168 : vector<16xf32>
      %add3A_4170 = arith.addf %add3A_4156, %mul3A_4169 : vector<16xf32>
      %get3A_4171 = arith.constant 3 : i32
      %get3A_4172 = arith.constant 15 : i32
      %get3A_4173 = arith.index_cast %get3A_4171 : i32 to index
      %get3A_4174 = arith.index_cast %get3A_4172 : i32 to index
      %get3A_4175 = arith.constant 16 : index
      %get3A_4176 = tpu.vector_load %arg10[%get3A_4173, %get3A_4174, %get3A_4175] {strides = array<i32>} : memref<4x32x128xf32, #tpu.memory_space<vmem>>, vector<16xf32>,
      %get3A_4177 = arith.constant 1 : i32
      %get3A_4178 = arith.constant 25 : i32
      %get3A_4179 = arith.index_cast %get3A_4177 : i32 to index
      %get3A_4180 = arith.index_cast %get3A_4178 : i32 to index
      %get3A_4181 = arith.constant 112 : index
      %get3A_4182 = tpu.vector_load %arg10[%get3A_4179, %get3A_4180, %get3A_4181] {strides = array<i32>} : memref<4x32x128xf32, #tpu.memory_space<vmem>>, vector<16xf32>,
      %mul3A_4183 = arith.mulf %get3A_4176, %get3A_4182 : vector<16xf32>
      %add3A_4184 = arith.addf %add3A_4170, %mul3A_4183 : vector<16xf32>
      %get3A_4185 = arith.constant 2 : i32
      %get3A_4186 = arith.constant 16 : i32
      %get3A_4187 = arith.index_cast %get3A_4185 : i32 to index
      %get3A_4188 = arith.index_cast %get3A_4186 : i32 to index
      %get3A_4189 = arith.constant 16 : index
      %get3A_4190 = tpu.vector_load %arg10[%get3A_4187, %get3A_4188, %get3A_4189] {strides = array<i32>} : memref<4x32x128xf32, #tpu.memory_space<vmem>>, vector<16xf32>,
      %get3A_4191 = arith.constant 2 : i32
      %get3A_4192 = arith.constant 17 : i32
      %get3A_4193 = arith.index_cast %get3A_4191 : i32 to index
      %get3A_4194 = arith.index_cast %get3A_4192 : i32 to index
      %get3A_4195 = arith.constant 0 : index
      %get3A_4196 = tpu.vector_load %arg10[%get3A_4193, %get3A_4194, %get3A_4195] {strides = array<i32>} : memref<4x32x128xf32, #tpu.memory_space<vmem>>, vector<16xf32>,
      %mul3A_4197 = arith.mulf %get3A_4190, %get3A_4196 : vector<16xf32>
      %add3A_4198 = arith.addf %add3A_4184, %mul3A_4197 : vector<16xf32>
      %get3A_4199 = arith.constant 2 : i32
      %get3A_4200 = arith.constant 16 : i32
      %get3A_4201 = arith.index_cast %get3A_4199 : i32 to index
      %get3A_4202 = arith.index_cast %get3A_4200 : i32 to index
      %get3A_4203 = arith.constant 32 : index
      %get3A_4204 = tpu.vector_load %arg10[%get3A_4201, %get3A_4202, %get3A_4203] {strides = array<i32>} : memref<4x32x128xf32, #tpu.memory_space<vmem>>, vector<16xf32>,
      %get3A_4205 = arith.constant 2 : i32
      %get3A_4206 = arith.constant 18 : i32
      %get3A_4207 = arith.index_cast %get3A_4205 : i32 to index
      %get3A_4208 = arith.index_cast %get3A_4206 : i32 to index
      %get3A_4209 = arith.constant 0 : index
      %get3A_4210 = tpu.vector_load %arg10[%get3A_4207, %get3A_4208, %get3A_4209] {strides = array<i32>} : memref<4x32x128xf32, #tpu.memory_space<vmem>>, vector<16xf32>,
      %mul3A_4211 = arith.mulf %get3A_4204, %get3A_4210 : vector<16xf32>
      %add3A_4212 = arith.addf %add3A_4198, %mul3A_4211 : vector<16xf32>
      %get3A_4213 = arith.constant 2 : i32
      %get3A_4214 = arith.constant 16 : i32
      %get3A_4215 = arith.index_cast %get3A_4213 : i32 to index
      %get3A_4216 = arith.index_cast %get3A_4214 : i32 to index
      %get3A_4217 = arith.constant 48 : index
      %get3A_4218 = tpu.vector_load %arg10[%get3A_4215, %get3A_4216, %get3A_4217] {strides = array<i32>} : memref<4x32x128xf32, #tpu.memory_space<vmem>>, vector<16xf32>,
      %get3A_4219 = arith.constant 2 : i32
      %get3A_4220 = arith.constant 19 : i32
      %get3A_4221 = arith.index_cast %get3A_4219 : i32 to index
      %get3A_4222 = arith.index_cast %get3A_4220 : i32 to index
      %get3A_4223 = arith.constant 0 : index
      %get3A_4224 = tpu.vector_load %arg10[%get3A_4221, %get3A_4222, %get3A_4223] {strides = array<i32>} : memref<4x32x128xf32, #tpu.memory_space<vmem>>, vector<16xf32>,
      %mul3A_4225 = arith.mulf %get3A_4218, %get3A_4224 : vector<16xf32>
      %add3A_4226 = arith.addf %add3A_4212, %mul3A_4225 : vector<16xf32>
      %get3A_4227 = arith.constant 2 : i32
      %get3A_4228 = arith.constant 16 : i32
      %get3A_4229 = arith.index_cast %get3A_4227 : i32 to index
      %get3A_4230 = arith.index_cast %get3A_4228 : i32 to index
      %get3A_4231 = arith.constant 64 : index
      %get3A_4232 = tpu.vector_load %arg10[%get3A_4229, %get3A_4230, %get3A_4231] {strides = array<i32>} : memref<4x32x128xf32, #tpu.memory_space<vmem>>, vector<16xf32>,
      %get3A_4233 = arith.constant 2 : i32
      %get3A_4234 = arith.constant 20 : i32
      %get3A_4235 = arith.index_cast %get3A_4233 : i32 to index
      %get3A_4236 = arith.index_cast %get3A_4234 : i32 to index
      %get3A_4237 = arith.constant 0 : index
      %get3A_4238 = tpu.vector_load %arg10[%get3A_4235, %get3A_4236, %get3A_4237] {strides = array<i32>} : memref<4x32x128xf32, #tpu.memory_space<vmem>>, vector<16xf32>,
      %mul3A_4239 = arith.mulf %get3A_4232, %get3A_4238 : vector<16xf32>
      %add3A_4240 = arith.addf %add3A_4226, %mul3A_4239 : vector<16xf32>
      %get3A_4241 = arith.constant 2 : i32
      %get3A_4242 = arith.constant 16 : i32
      %get3A_4243 = arith.index_cast %get3A_4241 : i32 to index
      %get3A_4244 = arith.index_cast %get3A_4242 : i32 to index
      %get3A_4245 = arith.constant 80 : index
      %get3A_4246 = tpu.vector_load %arg10[%get3A_4243, %get3A_4244, %get3A_4245] {strides = array<i32>} : memref<4x32x128xf32, #tpu.memory_space<vmem>>, vector<16xf32>,
      %get3A_4247 = arith.constant 2 : i32
      %get3A_4248 = arith.constant 21 : i32
      %get3A_4249 = arith.index_cast %get3A_4247 : i32 to index
      %get3A_4250 = arith.index_cast %get3A_4248 : i32 to index
      %get3A_4251 = arith.constant 0 : index
      %get3A_4252 = tpu.vector_load %arg10[%get3A_4249, %get3A_4250, %get3A_4251] {strides = array<i32>} : memref<4x32x128xf32, #tpu.memory_space<vmem>>, vector<16xf32>,
      %mul3A_4253 = arith.mulf %get3A_4246, %get3A_4252 : vector<16xf32>
      %add3A_4254 = arith.addf %add3A_4240, %mul3A_4253 : vector<16xf32>
      %get3A_4255 = arith.constant 2 : i32
      %get3A_4256 = arith.constant 16 : i32
      %get3A_4257 = arith.index_cast %get3A_4255 : i32 to index
      %get3A_4258 = arith.index_cast %get3A_4256 : i32 to index
      %get3A_4259 = arith.constant 96 : index
      %get3A_4260 = tpu.vector_load %arg10[%get3A_4257, %get3A_4258, %get3A_4259] {strides = array<i32>} : memref<4x32x128xf32, #tpu.memory_space<vmem>>, vector<16xf32>,
      %get3A_4261 = arith.constant 2 : i32
      %get3A_4262 = arith.constant 22 : i32
      %get3A_4263 = arith.index_cast %get3A_4261 : i32 to index
      %get3A_4264 = arith.index_cast %get3A_4262 : i32 to index
      %get3A_4265 = arith.constant 0 : index
      %get3A_4266 = tpu.vector_load %arg10[%get3A_4263, %get3A_4264, %get3A_4265] {strides = array<i32>} : memref<4x32x128xf32, #tpu.memory_space<vmem>>, vector<16xf32>,
      %mul3A_4267 = arith.mulf %get3A_4260, %get3A_4266 : vector<16xf32>
      %add3A_4268 = arith.addf %add3A_4254, %mul3A_4267 : vector<16xf32>
      %get3A_4269 = arith.constant 2 : i32
      %get3A_4270 = arith.constant 16 : i32
      %get3A_4271 = arith.index_cast %get3A_4269 : i32 to index
      %get3A_4272 = arith.index_cast %get3A_4270 : i32 to index
      %get3A_4273 = arith.constant 112 : index
      %get3A_4274 = tpu.vector_load %arg10[%get3A_4271, %get3A_4272, %get3A_4273] {strides = array<i32>} : memref<4x32x128xf32, #tpu.memory_space<vmem>>, vector<16xf32>,
      %get3A_4275 = arith.constant 2 : i32
      %get3A_4276 = arith.constant 23 : i32
      %get3A_4277 = arith.index_cast %get3A_4275 : i32 to index
      %get3A_4278 = arith.index_cast %get3A_4276 : i32 to index
      %get3A_4279 = arith.constant 0 : index
      %get3A_4280 = tpu.vector_load %arg10[%get3A_4277, %get3A_4278, %get3A_4279] {strides = array<i32>} : memref<4x32x128xf32, #tpu.memory_space<vmem>>, vector<16xf32>,
      %mul3A_4281 = arith.mulf %get3A_4274, %get3A_4280 : vector<16xf32>
      %add3A_4282 = arith.addf %add3A_4268, %mul3A_4281 : vector<16xf32>
      %get3A_4283 = arith.constant 3 : i32
      %get3A_4284 = arith.constant 16 : i32
      %get3A_4285 = arith.index_cast %get3A_4283 : i32 to index
      %get3A_4286 = arith.index_cast %get3A_4284 : i32 to index
      %get3A_4287 = arith.constant 0 : index
      %get3A_4288 = tpu.vector_load %arg10[%get3A_4285, %get3A_4286, %get3A_4287] {strides = array<i32>} : memref<4x32x128xf32, #tpu.memory_space<vmem>>, vector<16xf32>,
      %get3A_4289 = arith.constant 2 : i32
      %get3A_4290 = arith.constant 24 : i32
      %get3A_4291 = arith.index_cast %get3A_4289 : i32 to index
      %get3A_4292 = arith.index_cast %get3A_4290 : i32 to index
      %get3A_4293 = arith.constant 0 : index
      %get3A_4294 = tpu.vector_load %arg10[%get3A_4291, %get3A_4292, %get3A_4293] {strides = array<i32>} : memref<4x32x128xf32, #tpu.memory_space<vmem>>, vector<16xf32>,
      %mul3A_4295 = arith.mulf %get3A_4288, %get3A_4294 : vector<16xf32>
      %add3A_4296 = arith.addf %add3A_4282, %mul3A_4295 : vector<16xf32>
      %get3A_4297 = arith.constant 3 : i32
      %get3A_4298 = arith.constant 16 : i32
      %get3A_4299 = arith.index_cast %get3A_4297 : i32 to index
      %get3A_4300 = arith.index_cast %get3A_4298 : i32 to index
      %get3A_4301 = arith.constant 16 : index
      %get3A_4302 = tpu.vector_load %arg10[%get3A_4299, %get3A_4300, %get3A_4301] {strides = array<i32>} : memref<4x32x128xf32, #tpu.memory_space<vmem>>, vector<16xf32>,
      %get3A_4303 = arith.constant 2 : i32
      %get3A_4304 = arith.constant 25 : i32
      %get3A_4305 = arith.index_cast %get3A_4303 : i32 to index
      %get3A_4306 = arith.index_cast %get3A_4304 : i32 to index
      %get3A_4307 = arith.constant 0 : index
      %get3A_4308 = tpu.vector_load %arg10[%get3A_4305, %get3A_4306, %get3A_4307] {strides = array<i32>} : memref<4x32x128xf32, #tpu.memory_space<vmem>>, vector<16xf32>,
      %mul3A_4309 = arith.mulf %get3A_4302, %get3A_4308 : vector<16xf32>
      %add3A_4310 = arith.addf %add3A_4296, %mul3A_4309 : vector<16xf32>
      %get3A_4311 = arith.constant 2 : i32
      %get3A_4312 = arith.constant 17 : i32
      %get3A_4313 = arith.index_cast %get3A_4311 : i32 to index
      %get3A_4314 = arith.index_cast %get3A_4312 : i32 to index
      %get3A_4315 = arith.constant 32 : index
      %get3A_4316 = tpu.vector_load %arg10[%get3A_4313, %get3A_4314, %get3A_4315] {strides = array<i32>} : memref<4x32x128xf32, #tpu.memory_space<vmem>>, vector<16xf32>,
      %get3A_4317 = arith.constant 2 : i32
      %get3A_4318 = arith.constant 18 : i32
      %get3A_4319 = arith.index_cast %get3A_4317 : i32 to index
      %get3A_4320 = arith.index_cast %get3A_4318 : i32 to index
      %get3A_4321 = arith.constant 16 : index
      %get3A_4322 = tpu.vector_load %arg10[%get3A_4319, %get3A_4320, %get3A_4321] {strides = array<i32>} : memref<4x32x128xf32, #tpu.memory_space<vmem>>, vector<16xf32>,
      %mul3A_4323 = arith.mulf %get3A_4316, %get3A_4322 : vector<16xf32>
      %add3A_4324 = arith.addf %add3A_4310, %mul3A_4323 : vector<16xf32>
      %get3A_4325 = arith.constant 2 : i32
      %get3A_4326 = arith.constant 17 : i32
      %get3A_4327 = arith.index_cast %get3A_4325 : i32 to index
      %get3A_4328 = arith.index_cast %get3A_4326 : i32 to index
      %get3A_4329 = arith.constant 48 : index
      %get3A_4330 = tpu.vector_load %arg10[%get3A_4327, %get3A_4328, %get3A_4329] {strides = array<i32>} : memref<4x32x128xf32, #tpu.memory_space<vmem>>, vector<16xf32>,
      %get3A_4331 = arith.constant 2 : i32
      %get3A_4332 = arith.constant 19 : i32
      %get3A_4333 = arith.index_cast %get3A_4331 : i32 to index
      %get3A_4334 = arith.index_cast %get3A_4332 : i32 to index
      %get3A_4335 = arith.constant 16 : index
      %get3A_4336 = tpu.vector_load %arg10[%get3A_4333, %get3A_4334, %get3A_4335] {strides = array<i32>} : memref<4x32x128xf32, #tpu.memory_space<vmem>>, vector<16xf32>,
      %mul3A_4337 = arith.mulf %get3A_4330, %get3A_4336 : vector<16xf32>
      %add3A_4338 = arith.addf %add3A_4324, %mul3A_4337 : vector<16xf32>
      %get3A_4339 = arith.constant 2 : i32
      %get3A_4340 = arith.constant 17 : i32
      %get3A_4341 = arith.index_cast %get3A_4339 : i32 to index
      %get3A_4342 = arith.index_cast %get3A_4340 : i32 to index
      %get3A_4343 = arith.constant 64 : index
      %get3A_4344 = tpu.vector_load %arg10[%get3A_4341, %get3A_4342, %get3A_4343] {strides = array<i32>} : memref<4x32x128xf32, #tpu.memory_space<vmem>>, vector<16xf32>,
      %get3A_4345 = arith.constant 2 : i32
      %get3A_4346 = arith.constant 20 : i32
      %get3A_4347 = arith.index_cast %get3A_4345 : i32 to index
      %get3A_4348 = arith.index_cast %get3A_4346 : i32 to index
      %get3A_4349 = arith.constant 16 : index
      %get3A_4350 = tpu.vector_load %arg10[%get3A_4347, %get3A_4348, %get3A_4349] {strides = array<i32>} : memref<4x32x128xf32, #tpu.memory_space<vmem>>, vector<16xf32>,
      %mul3A_4351 = arith.mulf %get3A_4344, %get3A_4350 : vector<16xf32>
      %add3A_4352 = arith.addf %add3A_4338, %mul3A_4351 : vector<16xf32>
      %get3A_4353 = arith.constant 2 : i32
      %get3A_4354 = arith.constant 17 : i32
      %get3A_4355 = arith.index_cast %get3A_4353 : i32 to index
      %get3A_4356 = arith.index_cast %get3A_4354 : i32 to index
      %get3A_4357 = arith.constant 80 : index
      %get3A_4358 = tpu.vector_load %arg10[%get3A_4355, %get3A_4356, %get3A_4357] {strides = array<i32>} : memref<4x32x128xf32, #tpu.memory_space<vmem>>, vector<16xf32>,
      %get3A_4359 = arith.constant 2 : i32
      %get3A_4360 = arith.constant 21 : i32
      %get3A_4361 = arith.index_cast %get3A_4359 : i32 to index
      %get3A_4362 = arith.index_cast %get3A_4360 : i32 to index
      %get3A_4363 = arith.constant 16 : index
      %get3A_4364 = tpu.vector_load %arg10[%get3A_4361, %get3A_4362, %get3A_4363] {strides = array<i32>} : memref<4x32x128xf32, #tpu.memory_space<vmem>>, vector<16xf32>,
      %mul3A_4365 = arith.mulf %get3A_4358, %get3A_4364 : vector<16xf32>
      %add3A_4366 = arith.addf %add3A_4352, %mul3A_4365 : vector<16xf32>
      %get3A_4367 = arith.constant 2 : i32
      %get3A_4368 = arith.constant 17 : i32
      %get3A_4369 = arith.index_cast %get3A_4367 : i32 to index
      %get3A_4370 = arith.index_cast %get3A_4368 : i32 to index
      %get3A_4371 = arith.constant 96 : index
      %get3A_4372 = tpu.vector_load %arg10[%get3A_4369, %get3A_4370, %get3A_4371] {strides = array<i32>} : memref<4x32x128xf32, #tpu.memory_space<vmem>>, vector<16xf32>,
      %get3A_4373 = arith.constant 2 : i32
      %get3A_4374 = arith.constant 22 : i32
      %get3A_4375 = arith.index_cast %get3A_4373 : i32 to index
      %get3A_4376 = arith.index_cast %get3A_4374 : i32 to index
      %get3A_4377 = arith.constant 16 : index
      %get3A_4378 = tpu.vector_load %arg10[%get3A_4375, %get3A_4376, %get3A_4377] {strides = array<i32>} : memref<4x32x128xf32, #tpu.memory_space<vmem>>, vector<16xf32>,
      %mul3A_4379 = arith.mulf %get3A_4372, %get3A_4378 : vector<16xf32>
      %add3A_4380 = arith.addf %add3A_4366, %mul3A_4379 : vector<16xf32>
      %get3A_4381 = arith.constant 2 : i32
      %get3A_4382 = arith.constant 17 : i32
      %get3A_4383 = arith.index_cast %get3A_4381 : i32 to index
      %get3A_4384 = arith.index_cast %get3A_4382 : i32 to index
      %get3A_4385 = arith.constant 112 : index
      %get3A_4386 = tpu.vector_load %arg10[%get3A_4383, %get3A_4384, %get3A_4385] {strides = array<i32>} : memref<4x32x128xf32, #tpu.memory_space<vmem>>, vector<16xf32>,
      %get3A_4387 = arith.constant 2 : i32
      %get3A_4388 = arith.constant 23 : i32
      %get3A_4389 = arith.index_cast %get3A_4387 : i32 to index
      %get3A_4390 = arith.index_cast %get3A_4388 : i32 to index
      %get3A_4391 = arith.constant 16 : index
      %get3A_4392 = tpu.vector_load %arg10[%get3A_4389, %get3A_4390, %get3A_4391] {strides = array<i32>} : memref<4x32x128xf32, #tpu.memory_space<vmem>>, vector<16xf32>,
      %mul3A_4393 = arith.mulf %get3A_4386, %get3A_4392 : vector<16xf32>
      %add3A_4394 = arith.addf %add3A_4380, %mul3A_4393 : vector<16xf32>
      %get3A_4395 = arith.constant 3 : i32
      %get3A_4396 = arith.constant 17 : i32
      %get3A_4397 = arith.index_cast %get3A_4395 : i32 to index
      %get3A_4398 = arith.index_cast %get3A_4396 : i32 to index
      %get3A_4399 = arith.constant 0 : index
      %get3A_4400 = tpu.vector_load %arg10[%get3A_4397, %get3A_4398, %get3A_4399] {strides = array<i32>} : memref<4x32x128xf32, #tpu.memory_space<vmem>>, vector<16xf32>,
      %get3A_4401 = arith.constant 2 : i32
      %get3A_4402 = arith.constant 24 : i32
      %get3A_4403 = arith.index_cast %get3A_4401 : i32 to index
      %get3A_4404 = arith.index_cast %get3A_4402 : i32 to index
      %get3A_4405 = arith.constant 16 : index
      %get3A_4406 = tpu.vector_load %arg10[%get3A_4403, %get3A_4404, %get3A_4405] {strides = array<i32>} : memref<4x32x128xf32, #tpu.memory_space<vmem>>, vector<16xf32>,
      %mul3A_4407 = arith.mulf %get3A_4400, %get3A_4406 : vector<16xf32>
      %add3A_4408 = arith.addf %add3A_4394, %mul3A_4407 : vector<16xf32>
      %get3A_4409 = arith.constant 3 : i32
      %get3A_4410 = arith.constant 17 : i32
      %get3A_4411 = arith.index_cast %get3A_4409 : i32 to index
      %get3A_4412 = arith.index_cast %get3A_4410 : i32 to index
      %get3A_4413 = arith.constant 16 : index
      %get3A_4414 = tpu.vector_load %arg10[%get3A_4411, %get3A_4412, %get3A_4413] {strides = array<i32>} : memref<4x32x128xf32, #tpu.memory_space<vmem>>, vector<16xf32>,
      %get3A_4415 = arith.constant 2 : i32
      %get3A_4416 = arith.constant 25 : i32
      %get3A_4417 = arith.index_cast %get3A_4415 : i32 to index
      %get3A_4418 = arith.index_cast %get3A_4416 : i32 to index
      %get3A_4419 = arith.constant 16 : index
      %get3A_4420 = tpu.vector_load %arg10[%get3A_4417, %get3A_4418, %get3A_4419] {strides = array<i32>} : memref<4x32x128xf32, #tpu.memory_space<vmem>>, vector<16xf32>,
      %mul3A_4421 = arith.mulf %get3A_4414, %get3A_4420 : vector<16xf32>
      %add3A_4422 = arith.addf %add3A_4408, %mul3A_4421 : vector<16xf32>
      %get3A_4423 = arith.constant 2 : i32
      %get3A_4424 = arith.constant 18 : i32
      %get3A_4425 = arith.index_cast %get3A_4423 : i32 to index
      %get3A_4426 = arith.index_cast %get3A_4424 : i32 to index
      %get3A_4427 = arith.constant 48 : index
      %get3A_4428 = tpu.vector_load %arg10[%get3A_4425, %get3A_4426, %get3A_4427] {strides = array<i32>} : memref<4x32x128xf32, #tpu.memory_space<vmem>>, vector<16xf32>,
      %get3A_4429 = arith.constant 2 : i32
      %get3A_4430 = arith.constant 19 : i32
      %get3A_4431 = arith.index_cast %get3A_4429 : i32 to index
      %get3A_4432 = arith.index_cast %get3A_4430 : i32 to index
      %get3A_4433 = arith.constant 32 : index
      %get3A_4434 = tpu.vector_load %arg10[%get3A_4431, %get3A_4432, %get3A_4433] {strides = array<i32>} : memref<4x32x128xf32, #tpu.memory_space<vmem>>, vector<16xf32>,
      %mul3A_4435 = arith.mulf %get3A_4428, %get3A_4434 : vector<16xf32>
      %add3A_4436 = arith.addf %add3A_4422, %mul3A_4435 : vector<16xf32>
      %get3A_4437 = arith.constant 2 : i32
      %get3A_4438 = arith.constant 18 : i32
      %get3A_4439 = arith.index_cast %get3A_4437 : i32 to index
      %get3A_4440 = arith.index_cast %get3A_4438 : i32 to index
      %get3A_4441 = arith.constant 64 : index
      %get3A_4442 = tpu.vector_load %arg10[%get3A_4439, %get3A_4440, %get3A_4441] {strides = array<i32>} : memref<4x32x128xf32, #tpu.memory_space<vmem>>, vector<16xf32>,
      %get3A_4443 = arith.constant 2 : i32
      %get3A_4444 = arith.constant 20 : i32
      %get3A_4445 = arith.index_cast %get3A_4443 : i32 to index
      %get3A_4446 = arith.index_cast %get3A_4444 : i32 to index
      %get3A_4447 = arith.constant 32 : index
      %get3A_4448 = tpu.vector_load %arg10[%get3A_4445, %get3A_4446, %get3A_4447] {strides = array<i32>} : memref<4x32x128xf32, #tpu.memory_space<vmem>>, vector<16xf32>,
      %mul3A_4449 = arith.mulf %get3A_4442, %get3A_4448 : vector<16xf32>
      %add3A_4450 = arith.addf %add3A_4436, %mul3A_4449 : vector<16xf32>
      %get3A_4451 = arith.constant 2 : i32
      %get3A_4452 = arith.constant 18 : i32
      %get3A_4453 = arith.index_cast %get3A_4451 : i32 to index
      %get3A_4454 = arith.index_cast %get3A_4452 : i32 to index
      %get3A_4455 = arith.constant 80 : index
      %get3A_4456 = tpu.vector_load %arg10[%get3A_4453, %get3A_4454, %get3A_4455] {strides = array<i32>} : memref<4x32x128xf32, #tpu.memory_space<vmem>>, vector<16xf32>,
      %get3A_4457 = arith.constant 2 : i32
      %get3A_4458 = arith.constant 21 : i32
      %get3A_4459 = arith.index_cast %get3A_4457 : i32 to index
      %get3A_4460 = arith.index_cast %get3A_4458 : i32 to index
      %get3A_4461 = arith.constant 32 : index
      %get3A_4462 = tpu.vector_load %arg10[%get3A_4459, %get3A_4460, %get3A_4461] {strides = array<i32>} : memref<4x32x128xf32, #tpu.memory_space<vmem>>, vector<16xf32>,
      %mul3A_4463 = arith.mulf %get3A_4456, %get3A_4462 : vector<16xf32>
      %add3A_4464 = arith.addf %add3A_4450, %mul3A_4463 : vector<16xf32>
      %get3A_4465 = arith.constant 2 : i32
      %get3A_4466 = arith.constant 18 : i32
      %get3A_4467 = arith.index_cast %get3A_4465 : i32 to index
      %get3A_4468 = arith.index_cast %get3A_4466 : i32 to index
      %get3A_4469 = arith.constant 96 : index
      %get3A_4470 = tpu.vector_load %arg10[%get3A_4467, %get3A_4468, %get3A_4469] {strides = array<i32>} : memref<4x32x128xf32, #tpu.memory_space<vmem>>, vector<16xf32>,
      %get3A_4471 = arith.constant 2 : i32
      %get3A_4472 = arith.constant 22 : i32
      %get3A_4473 = arith.index_cast %get3A_4471 : i32 to index
      %get3A_4474 = arith.index_cast %get3A_4472 : i32 to index
      %get3A_4475 = arith.constant 32 : index
      %get3A_4476 = tpu.vector_load %arg10[%get3A_4473, %get3A_4474, %get3A_4475] {strides = array<i32>} : memref<4x32x128xf32, #tpu.memory_space<vmem>>, vector<16xf32>,
      %mul3A_4477 = arith.mulf %get3A_4470, %get3A_4476 : vector<16xf32>
      %add3A_4478 = arith.addf %add3A_4464, %mul3A_4477 : vector<16xf32>
      %get3A_4479 = arith.constant 2 : i32
      %get3A_4480 = arith.constant 18 : i32
      %get3A_4481 = arith.index_cast %get3A_4479 : i32 to index
      %get3A_4482 = arith.index_cast %get3A_4480 : i32 to index
      %get3A_4483 = arith.constant 112 : index
      %get3A_4484 = tpu.vector_load %arg10[%get3A_4481, %get3A_4482, %get3A_4483] {strides = array<i32>} : memref<4x32x128xf32, #tpu.memory_space<vmem>>, vector<16xf32>,
      %get3A_4485 = arith.constant 2 : i32
      %get3A_4486 = arith.constant 23 : i32
      %get3A_4487 = arith.index_cast %get3A_4485 : i32 to index
      %get3A_4488 = arith.index_cast %get3A_4486 : i32 to index
      %get3A_4489 = arith.constant 32 : index
      %get3A_4490 = tpu.vector_load %arg10[%get3A_4487, %get3A_4488, %get3A_4489] {strides = array<i32>} : memref<4x32x128xf32, #tpu.memory_space<vmem>>, vector<16xf32>,
      %mul3A_4491 = arith.mulf %get3A_4484, %get3A_4490 : vector<16xf32>
      %add3A_4492 = arith.addf %add3A_4478, %mul3A_4491 : vector<16xf32>
      %get3A_4493 = arith.constant 3 : i32
      %get3A_4494 = arith.constant 18 : i32
      %get3A_4495 = arith.index_cast %get3A_4493 : i32 to index
      %get3A_4496 = arith.index_cast %get3A_4494 : i32 to index
      %get3A_4497 = arith.constant 0 : index
      %get3A_4498 = tpu.vector_load %arg10[%get3A_4495, %get3A_4496, %get3A_4497] {strides = array<i32>} : memref<4x32x128xf32, #tpu.memory_space<vmem>>, vector<16xf32>,
      %get3A_4499 = arith.constant 2 : i32
      %get3A_4500 = arith.constant 24 : i32
      %get3A_4501 = arith.index_cast %get3A_4499 : i32 to index
      %get3A_4502 = arith.index_cast %get3A_4500 : i32 to index
      %get3A_4503 = arith.constant 32 : index
      %get3A_4504 = tpu.vector_load %arg10[%get3A_4501, %get3A_4502, %get3A_4503] {strides = array<i32>} : memref<4x32x128xf32, #tpu.memory_space<vmem>>, vector<16xf32>,
      %mul3A_4505 = arith.mulf %get3A_4498, %get3A_4504 : vector<16xf32>
      %add3A_4506 = arith.addf %add3A_4492, %mul3A_4505 : vector<16xf32>
      %get3A_4507 = arith.constant 3 : i32
      %get3A_4508 = arith.constant 18 : i32
      %get3A_4509 = arith.index_cast %get3A_4507 : i32 to index
      %get3A_4510 = arith.index_cast %get3A_4508 : i32 to index
      %get3A_4511 = arith.constant 16 : index
      %get3A_4512 = tpu.vector_load %arg10[%get3A_4509, %get3A_4510, %get3A_4511] {strides = array<i32>} : memref<4x32x128xf32, #tpu.memory_space<vmem>>, vector<16xf32>,
      %get3A_4513 = arith.constant 2 : i32
      %get3A_4514 = arith.constant 25 : i32
      %get3A_4515 = arith.index_cast %get3A_4513 : i32 to index
      %get3A_4516 = arith.index_cast %get3A_4514 : i32 to index
      %get3A_4517 = arith.constant 32 : index
      %get3A_4518 = tpu.vector_load %arg10[%get3A_4515, %get3A_4516, %get3A_4517] {strides = array<i32>} : memref<4x32x128xf32, #tpu.memory_space<vmem>>, vector<16xf32>,
      %mul3A_4519 = arith.mulf %get3A_4512, %get3A_4518 : vector<16xf32>
      %add3A_4520 = arith.addf %add3A_4506, %mul3A_4519 : vector<16xf32>
      %get3A_4521 = arith.constant 2 : i32
      %get3A_4522 = arith.constant 19 : i32
      %get3A_4523 = arith.index_cast %get3A_4521 : i32 to index
      %get3A_4524 = arith.index_cast %get3A_4522 : i32 to index
      %get3A_4525 = arith.constant 64 : index
      %get3A_4526 = tpu.vector_load %arg10[%get3A_4523, %get3A_4524, %get3A_4525] {strides = array<i32>} : memref<4x32x128xf32, #tpu.memory_space<vmem>>, vector<16xf32>,
      %get3A_4527 = arith.constant 2 : i32
      %get3A_4528 = arith.constant 20 : i32
      %get3A_4529 = arith.index_cast %get3A_4527 : i32 to index
      %get3A_4530 = arith.index_cast %get3A_4528 : i32 to index
      %get3A_4531 = arith.constant 48 : index
      %get3A_4532 = tpu.vector_load %arg10[%get3A_4529, %get3A_4530, %get3A_4531] {strides = array<i32>} : memref<4x32x128xf32, #tpu.memory_space<vmem>>, vector<16xf32>,
      %mul3A_4533 = arith.mulf %get3A_4526, %get3A_4532 : vector<16xf32>
      %add3A_4534 = arith.addf %add3A_4520, %mul3A_4533 : vector<16xf32>
      %get3A_4535 = arith.constant 2 : i32
      %get3A_4536 = arith.constant 19 : i32
      %get3A_4537 = arith.index_cast %get3A_4535 : i32 to index
      %get3A_4538 = arith.index_cast %get3A_4536 : i32 to index
      %get3A_4539 = arith.constant 80 : index
      %get3A_4540 = tpu.vector_load %arg10[%get3A_4537, %get3A_4538, %get3A_4539] {strides = array<i32>} : memref<4x32x128xf32, #tpu.memory_space<vmem>>, vector<16xf32>,
      %get3A_4541 = arith.constant 2 : i32
      %get3A_4542 = arith.constant 21 : i32
      %get3A_4543 = arith.index_cast %get3A_4541 : i32 to index
      %get3A_4544 = arith.index_cast %get3A_4542 : i32 to index
      %get3A_4545 = arith.constant 48 : index
      %get3A_4546 = tpu.vector_load %arg10[%get3A_4543, %get3A_4544, %get3A_4545] {strides = array<i32>} : memref<4x32x128xf32, #tpu.memory_space<vmem>>, vector<16xf32>,
      %mul3A_4547 = arith.mulf %get3A_4540, %get3A_4546 : vector<16xf32>
      %add3A_4548 = arith.addf %add3A_4534, %mul3A_4547 : vector<16xf32>
      %get3A_4549 = arith.constant 2 : i32
      %get3A_4550 = arith.constant 19 : i32
      %get3A_4551 = arith.index_cast %get3A_4549 : i32 to index
      %get3A_4552 = arith.index_cast %get3A_4550 : i32 to index
      %get3A_4553 = arith.constant 96 : index
      %get3A_4554 = tpu.vector_load %arg10[%get3A_4551, %get3A_4552, %get3A_4553] {strides = array<i32>} : memref<4x32x128xf32, #tpu.memory_space<vmem>>, vector<16xf32>,
      %get3A_4555 = arith.constant 2 : i32
      %get3A_4556 = arith.constant 22 : i32
      %get3A_4557 = arith.index_cast %get3A_4555 : i32 to index
      %get3A_4558 = arith.index_cast %get3A_4556 : i32 to index
      %get3A_4559 = arith.constant 48 : index
      %get3A_4560 = tpu.vector_load %arg10[%get3A_4557, %get3A_4558, %get3A_4559] {strides = array<i32>} : memref<4x32x128xf32, #tpu.memory_space<vmem>>, vector<16xf32>,
      %mul3A_4561 = arith.mulf %get3A_4554, %get3A_4560 : vector<16xf32>
      %add3A_4562 = arith.addf %add3A_4548, %mul3A_4561 : vector<16xf32>
      %get3A_4563 = arith.constant 2 : i32
      %get3A_4564 = arith.constant 19 : i32
      %get3A_4565 = arith.index_cast %get3A_4563 : i32 to index
      %get3A_4566 = arith.index_cast %get3A_4564 : i32 to index
      %get3A_4567 = arith.constant 112 : index
      %get3A_4568 = tpu.vector_load %arg10[%get3A_4565, %get3A_4566, %get3A_4567] {strides = array<i32>} : memref<4x32x128xf32, #tpu.memory_space<vmem>>, vector<16xf32>,
      %get3A_4569 = arith.constant 2 : i32
      %get3A_4570 = arith.constant 23 : i32
      %get3A_4571 = arith.index_cast %get3A_4569 : i32 to index
      %get3A_4572 = arith.index_cast %get3A_4570 : i32 to index
      %get3A_4573 = arith.constant 48 : index
      %get3A_4574 = tpu.vector_load %arg10[%get3A_4571, %get3A_4572, %get3A_4573] {strides = array<i32>} : memref<4x32x128xf32, #tpu.memory_space<vmem>>, vector<16xf32>,
      %mul3A_4575 = arith.mulf %get3A_4568, %get3A_4574 : vector<16xf32>
      %add3A_4576 = arith.addf %add3A_4562, %mul3A_4575 : vector<16xf32>
      %get3A_4577 = arith.constant 3 : i32
      %get3A_4578 = arith.constant 19 : i32
      %get3A_4579 = arith.index_cast %get3A_4577 : i32 to index
      %get3A_4580 = arith.index_cast %get3A_4578 : i32 to index
      %get3A_4581 = arith.constant 0 : index
      %get3A_4582 = tpu.vector_load %arg10[%get3A_4579, %get3A_4580, %get3A_4581] {strides = array<i32>} : memref<4x32x128xf32, #tpu.memory_space<vmem>>, vector<16xf32>,
      %get3A_4583 = arith.constant 2 : i32
      %get3A_4584 = arith.constant 24 : i32
      %get3A_4585 = arith.index_cast %get3A_4583 : i32 to index
      %get3A_4586 = arith.index_cast %get3A_4584 : i32 to index
      %get3A_4587 = arith.constant 48 : index
      %get3A_4588 = tpu.vector_load %arg10[%get3A_4585, %get3A_4586, %get3A_4587] {strides = array<i32>} : memref<4x32x128xf32, #tpu.memory_space<vmem>>, vector<16xf32>,
      %mul3A_4589 = arith.mulf %get3A_4582, %get3A_4588 : vector<16xf32>
      %add3A_4590 = arith.addf %add3A_4576, %mul3A_4589 : vector<16xf32>
      %get3A_4591 = arith.constant 3 : i32
      %get3A_4592 = arith.constant 19 : i32
      %get3A_4593 = arith.index_cast %get3A_4591 : i32 to index
      %get3A_4594 = arith.index_cast %get3A_4592 : i32 to index
      %get3A_4595 = arith.constant 16 : index
      %get3A_4596 = tpu.vector_load %arg10[%get3A_4593, %get3A_4594, %get3A_4595] {strides = array<i32>} : memref<4x32x128xf32, #tpu.memory_space<vmem>>, vector<16xf32>,
      %get3A_4597 = arith.constant 2 : i32
      %get3A_4598 = arith.constant 25 : i32
      %get3A_4599 = arith.index_cast %get3A_4597 : i32 to index
      %get3A_4600 = arith.index_cast %get3A_4598 : i32 to index
      %get3A_4601 = arith.constant 48 : index
      %get3A_4602 = tpu.vector_load %arg10[%get3A_4599, %get3A_4600, %get3A_4601] {strides = array<i32>} : memref<4x32x128xf32, #tpu.memory_space<vmem>>, vector<16xf32>,
      %mul3A_4603 = arith.mulf %get3A_4596, %get3A_4602 : vector<16xf32>
      %add3A_4604 = arith.addf %add3A_4590, %mul3A_4603 : vector<16xf32>
      %get3A_4605 = arith.constant 2 : i32
      %get3A_4606 = arith.constant 20 : i32
      %get3A_4607 = arith.index_cast %get3A_4605 : i32 to index
      %get3A_4608 = arith.index_cast %get3A_4606 : i32 to index
      %get3A_4609 = arith.constant 80 : index
      %get3A_4610 = tpu.vector_load %arg10[%get3A_4607, %get3A_4608, %get3A_4609] {strides = array<i32>} : memref<4x32x128xf32, #tpu.memory_space<vmem>>, vector<16xf32>,
      %get3A_4611 = arith.constant 2 : i32
      %get3A_4612 = arith.constant 21 : i32
      %get3A_4613 = arith.index_cast %get3A_4611 : i32 to index
      %get3A_4614 = arith.index_cast %get3A_4612 : i32 to index
      %get3A_4615 = arith.constant 64 : index
      %get3A_4616 = tpu.vector_load %arg10[%get3A_4613, %get3A_4614, %get3A_4615] {strides = array<i32>} : memref<4x32x128xf32, #tpu.memory_space<vmem>>, vector<16xf32>,
      %mul3A_4617 = arith.mulf %get3A_4610, %get3A_4616 : vector<16xf32>
      %add3A_4618 = arith.addf %add3A_4604, %mul3A_4617 : vector<16xf32>
      %get3A_4619 = arith.constant 2 : i32
      %get3A_4620 = arith.constant 20 : i32
      %get3A_4621 = arith.index_cast %get3A_4619 : i32 to index
      %get3A_4622 = arith.index_cast %get3A_4620 : i32 to index
      %get3A_4623 = arith.constant 96 : index
      %get3A_4624 = tpu.vector_load %arg10[%get3A_4621, %get3A_4622, %get3A_4623] {strides = array<i32>} : memref<4x32x128xf32, #tpu.memory_space<vmem>>, vector<16xf32>,
      %get3A_4625 = arith.constant 2 : i32
      %get3A_4626 = arith.constant 22 : i32
      %get3A_4627 = arith.index_cast %get3A_4625 : i32 to index
      %get3A_4628 = arith.index_cast %get3A_4626 : i32 to index
      %get3A_4629 = arith.constant 64 : index
      %get3A_4630 = tpu.vector_load %arg10[%get3A_4627, %get3A_4628, %get3A_4629] {strides = array<i32>} : memref<4x32x128xf32, #tpu.memory_space<vmem>>, vector<16xf32>,
      %mul3A_4631 = arith.mulf %get3A_4624, %get3A_4630 : vector<16xf32>
      %add3A_4632 = arith.addf %add3A_4618, %mul3A_4631 : vector<16xf32>
      %get3A_4633 = arith.constant 2 : i32
      %get3A_4634 = arith.constant 20 : i32
      %get3A_4635 = arith.index_cast %get3A_4633 : i32 to index
      %get3A_4636 = arith.index_cast %get3A_4634 : i32 to index
      %get3A_4637 = arith.constant 112 : index
      %get3A_4638 = tpu.vector_load %arg10[%get3A_4635, %get3A_4636, %get3A_4637] {strides = array<i32>} : memref<4x32x128xf32, #tpu.memory_space<vmem>>, vector<16xf32>,
      %get3A_4639 = arith.constant 2 : i32
      %get3A_4640 = arith.constant 23 : i32
      %get3A_4641 = arith.index_cast %get3A_4639 : i32 to index
      %get3A_4642 = arith.index_cast %get3A_4640 : i32 to index
      %get3A_4643 = arith.constant 64 : index
      %get3A_4644 = tpu.vector_load %arg10[%get3A_4641, %get3A_4642, %get3A_4643] {strides = array<i32>} : memref<4x32x128xf32, #tpu.memory_space<vmem>>, vector<16xf32>,
      %mul3A_4645 = arith.mulf %get3A_4638, %get3A_4644 : vector<16xf32>
      %add3A_4646 = arith.addf %add3A_4632, %mul3A_4645 : vector<16xf32>
      %get3A_4647 = arith.constant 3 : i32
      %get3A_4648 = arith.constant 20 : i32
      %get3A_4649 = arith.index_cast %get3A_4647 : i32 to index
      %get3A_4650 = arith.index_cast %get3A_4648 : i32 to index
      %get3A_4651 = arith.constant 0 : index
      %get3A_4652 = tpu.vector_load %arg10[%get3A_4649, %get3A_4650, %get3A_4651] {strides = array<i32>} : memref<4x32x128xf32, #tpu.memory_space<vmem>>, vector<16xf32>,
      %get3A_4653 = arith.constant 2 : i32
      %get3A_4654 = arith.constant 24 : i32
      %get3A_4655 = arith.index_cast %get3A_4653 : i32 to index
      %get3A_4656 = arith.index_cast %get3A_4654 : i32 to index
      %get3A_4657 = arith.constant 64 : index
      %get3A_4658 = tpu.vector_load %arg10[%get3A_4655, %get3A_4656, %get3A_4657] {strides = array<i32>} : memref<4x32x128xf32, #tpu.memory_space<vmem>>, vector<16xf32>,
      %mul3A_4659 = arith.mulf %get3A_4652, %get3A_4658 : vector<16xf32>
      %add3A_4660 = arith.addf %add3A_4646, %mul3A_4659 : vector<16xf32>
      %get3A_4661 = arith.constant 3 : i32
      %get3A_4662 = arith.constant 20 : i32
      %get3A_4663 = arith.index_cast %get3A_4661 : i32 to index
      %get3A_4664 = arith.index_cast %get3A_4662 : i32 to index
      %get3A_4665 = arith.constant 16 : index
      %get3A_4666 = tpu.vector_load %arg10[%get3A_4663, %get3A_4664, %get3A_4665] {strides = array<i32>} : memref<4x32x128xf32, #tpu.memory_space<vmem>>, vector<16xf32>,
      %get3A_4667 = arith.constant 2 : i32
      %get3A_4668 = arith.constant 25 : i32
      %get3A_4669 = arith.index_cast %get3A_4667 : i32 to index
      %get3A_4670 = arith.index_cast %get3A_4668 : i32 to index
      %get3A_4671 = arith.constant 64 : index
      %get3A_4672 = tpu.vector_load %arg10[%get3A_4669, %get3A_4670, %get3A_4671] {strides = array<i32>} : memref<4x32x128xf32, #tpu.memory_space<vmem>>, vector<16xf32>,
      %mul3A_4673 = arith.mulf %get3A_4666, %get3A_4672 : vector<16xf32>
      %add3A_4674 = arith.addf %add3A_4660, %mul3A_4673 : vector<16xf32>
      %get3A_4675 = arith.constant 2 : i32
      %get3A_4676 = arith.constant 21 : i32
      %get3A_4677 = arith.index_cast %get3A_4675 : i32 to index
      %get3A_4678 = arith.index_cast %get3A_4676 : i32 to index
      %get3A_4679 = arith.constant 96 : index
      %get3A_4680 = tpu.vector_load %arg10[%get3A_4677, %get3A_4678, %get3A_4679] {strides = array<i32>} : memref<4x32x128xf32, #tpu.memory_space<vmem>>, vector<16xf32>,
      %get3A_4681 = arith.constant 2 : i32
      %get3A_4682 = arith.constant 22 : i32
      %get3A_4683 = arith.index_cast %get3A_4681 : i32 to index
      %get3A_4684 = arith.index_cast %get3A_4682 : i32 to index
      %get3A_4685 = arith.constant 80 : index
      %get3A_4686 = tpu.vector_load %arg10[%get3A_4683, %get3A_4684, %get3A_4685] {strides = array<i32>} : memref<4x32x128xf32, #tpu.memory_space<vmem>>, vector<16xf32>,
      %mul3A_4687 = arith.mulf %get3A_4680, %get3A_4686 : vector<16xf32>
      %add3A_4688 = arith.addf %add3A_4674, %mul3A_4687 : vector<16xf32>
      %get3A_4689 = arith.constant 2 : i32
      %get3A_4690 = arith.constant 21 : i32
      %get3A_4691 = arith.index_cast %get3A_4689 : i32 to index
      %get3A_4692 = arith.index_cast %get3A_4690 : i32 to index
      %get3A_4693 = arith.constant 112 : index
      %get3A_4694 = tpu.vector_load %arg10[%get3A_4691, %get3A_4692, %get3A_4693] {strides = array<i32>} : memref<4x32x128xf32, #tpu.memory_space<vmem>>, vector<16xf32>,
      %get3A_4695 = arith.constant 2 : i32
      %get3A_4696 = arith.constant 23 : i32
      %get3A_4697 = arith.index_cast %get3A_4695 : i32 to index
      %get3A_4698 = arith.index_cast %get3A_4696 : i32 to index
      %get3A_4699 = arith.constant 80 : index
      %get3A_4700 = tpu.vector_load %arg10[%get3A_4697, %get3A_4698, %get3A_4699] {strides = array<i32>} : memref<4x32x128xf32, #tpu.memory_space<vmem>>, vector<16xf32>,
      %mul3A_4701 = arith.mulf %get3A_4694, %get3A_4700 : vector<16xf32>
      %add3A_4702 = arith.addf %add3A_4688, %mul3A_4701 : vector<16xf32>
      %get3A_4703 = arith.constant 3 : i32
      %get3A_4704 = arith.constant 21 : i32
      %get3A_4705 = arith.index_cast %get3A_4703 : i32 to index
      %get3A_4706 = arith.index_cast %get3A_4704 : i32 to index
      %get3A_4707 = arith.constant 0 : index
      %get3A_4708 = tpu.vector_load %arg10[%get3A_4705, %get3A_4706, %get3A_4707] {strides = array<i32>} : memref<4x32x128xf32, #tpu.memory_space<vmem>>, vector<16xf32>,
      %get3A_4709 = arith.constant 2 : i32
      %get3A_4710 = arith.constant 24 : i32
      %get3A_4711 = arith.index_cast %get3A_4709 : i32 to index
      %get3A_4712 = arith.index_cast %get3A_4710 : i32 to index
      %get3A_4713 = arith.constant 80 : index
      %get3A_4714 = tpu.vector_load %arg10[%get3A_4711, %get3A_4712, %get3A_4713] {strides = array<i32>} : memref<4x32x128xf32, #tpu.memory_space<vmem>>, vector<16xf32>,
      %mul3A_4715 = arith.mulf %get3A_4708, %get3A_4714 : vector<16xf32>
      %add3A_4716 = arith.addf %add3A_4702, %mul3A_4715 : vector<16xf32>
      %get3A_4717 = arith.constant 3 : i32
      %get3A_4718 = arith.constant 21 : i32
      %get3A_4719 = arith.index_cast %get3A_4717 : i32 to index
      %get3A_4720 = arith.index_cast %get3A_4718 : i32 to index
      %get3A_4721 = arith.constant 16 : index
      %get3A_4722 = tpu.vector_load %arg10[%get3A_4719, %get3A_4720, %get3A_4721] {strides = array<i32>} : memref<4x32x128xf32, #tpu.memory_space<vmem>>, vector<16xf32>,
      %get3A_4723 = arith.constant 2 : i32
      %get3A_4724 = arith.constant 25 : i32
      %get3A_4725 = arith.index_cast %get3A_4723 : i32 to index
      %get3A_4726 = arith.index_cast %get3A_4724 : i32 to index
      %get3A_4727 = arith.constant 80 : index
      %get3A_4728 = tpu.vector_load %arg10[%get3A_4725, %get3A_4726, %get3A_4727] {strides = array<i32>} : memref<4x32x128xf32, #tpu.memory_space<vmem>>, vector<16xf32>,
      %mul3A_4729 = arith.mulf %get3A_4722, %get3A_4728 : vector<16xf32>
      %add3A_4730 = arith.addf %add3A_4716, %mul3A_4729 : vector<16xf32>
      %get3A_4731 = arith.constant 2 : i32
      %get3A_4732 = arith.constant 22 : i32
      %get3A_4733 = arith.index_cast %get3A_4731 : i32 to index
      %get3A_4734 = arith.index_cast %get3A_4732 : i32 to index
      %get3A_4735 = arith.constant 112 : index
      %get3A_4736 = tpu.vector_load %arg10[%get3A_4733, %get3A_4734, %get3A_4735] {strides = array<i32>} : memref<4x32x128xf32, #tpu.memory_space<vmem>>, vector<16xf32>,
      %get3A_4737 = arith.constant 2 : i32
      %get3A_4738 = arith.constant 23 : i32
      %get3A_4739 = arith.index_cast %get3A_4737 : i32 to index
      %get3A_4740 = arith.index_cast %get3A_4738 : i32 to index
      %get3A_4741 = arith.constant 96 : index
      %get3A_4742 = tpu.vector_load %arg10[%get3A_4739, %get3A_4740, %get3A_4741] {strides = array<i32>} : memref<4x32x128xf32, #tpu.memory_space<vmem>>, vector<16xf32>,
      %mul3A_4743 = arith.mulf %get3A_4736, %get3A_4742 : vector<16xf32>
      %add3A_4744 = arith.addf %add3A_4730, %mul3A_4743 : vector<16xf32>
      %get3A_4745 = arith.constant 3 : i32
      %get3A_4746 = arith.constant 22 : i32
      %get3A_4747 = arith.index_cast %get3A_4745 : i32 to index
      %get3A_4748 = arith.index_cast %get3A_4746 : i32 to index
      %get3A_4749 = arith.constant 0 : index
      %get3A_4750 = tpu.vector_load %arg10[%get3A_4747, %get3A_4748, %get3A_4749] {strides = array<i32>} : memref<4x32x128xf32, #tpu.memory_space<vmem>>, vector<16xf32>,
      %get3A_4751 = arith.constant 2 : i32
      %get3A_4752 = arith.constant 24 : i32
      %get3A_4753 = arith.index_cast %get3A_4751 : i32 to index
      %get3A_4754 = arith.index_cast %get3A_4752 : i32 to index
      %get3A_4755 = arith.constant 96 : index
      %get3A_4756 = tpu.vector_load %arg10[%get3A_4753, %get3A_4754, %get3A_4755] {strides = array<i32>} : memref<4x32x128xf32, #tpu.memory_space<vmem>>, vector<16xf32>,
      %mul3A_4757 = arith.mulf %get3A_4750, %get3A_4756 : vector<16xf32>
      %add3A_4758 = arith.addf %add3A_4744, %mul3A_4757 : vector<16xf32>
      %get3A_4759 = arith.constant 3 : i32
      %get3A_4760 = arith.constant 22 : i32
      %get3A_4761 = arith.index_cast %get3A_4759 : i32 to index
      %get3A_4762 = arith.index_cast %get3A_4760 : i32 to index
      %get3A_4763 = arith.constant 16 : index
      %get3A_4764 = tpu.vector_load %arg10[%get3A_4761, %get3A_4762, %get3A_4763] {strides = array<i32>} : memref<4x32x128xf32, #tpu.memory_space<vmem>>, vector<16xf32>,
      %get3A_4765 = arith.constant 2 : i32
      %get3A_4766 = arith.constant 25 : i32
      %get3A_4767 = arith.index_cast %get3A_4765 : i32 to index
      %get3A_4768 = arith.index_cast %get3A_4766 : i32 to index
      %get3A_4769 = arith.constant 96 : index
      %get3A_4770 = tpu.vector_load %arg10[%get3A_4767, %get3A_4768, %get3A_4769] {strides = array<i32>} : memref<4x32x128xf32, #tpu.memory_space<vmem>>, vector<16xf32>,
      %mul3A_4771 = arith.mulf %get3A_4764, %get3A_4770 : vector<16xf32>
      %add3A_4772 = arith.addf %add3A_4758, %mul3A_4771 : vector<16xf32>
      %get3A_4773 = arith.constant 3 : i32
      %get3A_4774 = arith.constant 23 : i32
      %get3A_4775 = arith.index_cast %get3A_4773 : i32 to index
      %get3A_4776 = arith.index_cast %get3A_4774 : i32 to index
      %get3A_4777 = arith.constant 0 : index
      %get3A_4778 = tpu.vector_load %arg10[%get3A_4775, %get3A_4776, %get3A_4777] {strides = array<i32>} : memref<4x32x128xf32, #tpu.memory_space<vmem>>, vector<16xf32>,
      %get3A_4779 = arith.constant 2 : i32
      %get3A_4780 = arith.constant 24 : i32
      %get3A_4781 = arith.index_cast %get3A_4779 : i32 to index
      %get3A_4782 = arith.index_cast %get3A_4780 : i32 to index
      %get3A_4783 = arith.constant 112 : index
      %get3A_4784 = tpu.vector_load %arg10[%get3A_4781, %get3A_4782, %get3A_4783] {strides = array<i32>} : memref<4x32x128xf32, #tpu.memory_space<vmem>>, vector<16xf32>,
      %mul3A_4785 = arith.mulf %get3A_4778, %get3A_4784 : vector<16xf32>
      %add3A_4786 = arith.addf %add3A_4772, %mul3A_4785 : vector<16xf32>
      %get3A_4787 = arith.constant 3 : i32
      %get3A_4788 = arith.constant 23 : i32
      %get3A_4789 = arith.index_cast %get3A_4787 : i32 to index
      %get3A_4790 = arith.index_cast %get3A_4788 : i32 to index
      %get3A_4791 = arith.constant 16 : index
      %get3A_4792 = tpu.vector_load %arg10[%get3A_4789, %get3A_4790, %get3A_4791] {strides = array<i32>} : memref<4x32x128xf32, #tpu.memory_space<vmem>>, vector<16xf32>,
      %get3A_4793 = arith.constant 2 : i32
      %get3A_4794 = arith.constant 25 : i32
      %get3A_4795 = arith.index_cast %get3A_4793 : i32 to index
      %get3A_4796 = arith.index_cast %get3A_4794 : i32 to index
      %get3A_4797 = arith.constant 112 : index
      %get3A_4798 = tpu.vector_load %arg10[%get3A_4795, %get3A_4796, %get3A_4797] {strides = array<i32>} : memref<4x32x128xf32, #tpu.memory_space<vmem>>, vector<16xf32>,
      %mul3A_4799 = arith.mulf %get3A_4792, %get3A_4798 : vector<16xf32>
      %add3A_4800 = arith.addf %add3A_4786, %mul3A_4799 : vector<16xf32>
      %get3A_4801 = arith.constant 3 : i32
      %get3A_4802 = arith.constant 24 : i32
      %get3A_4803 = arith.index_cast %get3A_4801 : i32 to index
      %get3A_4804 = arith.index_cast %get3A_4802 : i32 to index
      %get3A_4805 = arith.constant 16 : index
      %get3A_4806 = tpu.vector_load %arg10[%get3A_4803, %get3A_4804, %get3A_4805] {strides = array<i32>} : memref<4x32x128xf32, #tpu.memory_space<vmem>>, vector<16xf32>,
      %get3A_4807 = arith.constant 3 : i32
      %get3A_4808 = arith.constant 25 : i32
      %get3A_4809 = arith.index_cast %get3A_4807 : i32 to index
      %get3A_4810 = arith.index_cast %get3A_4808 : i32 to index
      %get3A_4811 = arith.constant 0 : index
      %get3A_4812 = tpu.vector_load %arg10[%get3A_4809, %get3A_4810, %get3A_4811] {strides = array<i32>} : memref<4x32x128xf32, #tpu.memory_space<vmem>>, vector<16xf32>,
      %mul3A_4813 = arith.mulf %get3A_4806, %get3A_4812 : vector<16xf32>
      %add3A_4814 = arith.addf %add3A_4800, %mul3A_4813 : vector<16xf32>
      %mul3A_4815 = arith.constant 16 : i32
      %mul3A_4816 = arith.muli %add3A_13, %mul3A_4815 : i32
      %swap3A_4817 = arith.index_cast %mul3A_4816 : i32 to index
      %swap3A_4818 = tpu.vector_load %arg11[%swap3A_4817] {strides = array<i32>} : memref<2048xf32, #tpu.memory_space<vmem>>, vector<16xf32>,
      tpu.vector_store %arg11[%swap3A_4817], %add3A_4814 {strides = array<i32>} : memref<2048xf32, #tpu.memory_space<vmem>>, vector<16xf32>,
    }
    %scan3A_6 = arith.constant 128 : i32
    %mul3A_7 = arith.constant 16 : i32
    %mul3A_8 = arith.muli %mul3A_2, %mul3A_7 : i32
    "tpu.region"() ({
      %run_scoped3A = tpu.sem_alloc : memref<!tpu.dma_semaphore, #tpu.memory_space<semaphore_mem>>
      %dma_start3A = tpu.memref_slice %arg7[%mul3A_8] : memref<65536xf32, #tpu.memory_space<hbm>> -> memref<2048xf32, #tpu.memory_space<hbm>>
      %dma_start3A_9 = tpu.memref_slice %arg7[%mul3A_8] : memref<65536xf32, #tpu.memory_space<hbm>> -> memref<2048xf32, #tpu.memory_space<hbm>>
      tpu.enqueue_dma source(%arg11 : memref<2048xf32, #tpu.memory_space<vmem>>) target(%dma_start3A_9 : memref<2048xf32, #tpu.memory_space<hbm>>) target_semaphore(%run_scoped3A : memref<!tpu.dma_semaphore, #tpu.memory_space<semaphore_mem>>)
      %dma_wait3A = tpu.memref_slice %arg7[%mul3A_8] : memref<65536xf32, #tpu.memory_space<hbm>> -> memref<2048xf32, #tpu.memory_space<hbm>>
      %dma_wait3A_10 = tpu.memref_slice %arg7[%mul3A_8] : memref<65536xf32, #tpu.memory_space<hbm>> -> memref<2048xf32, #tpu.memory_space<hbm>>
      tpu.wait_dma2 semaphore(%run_scoped3A : memref<!tpu.dma_semaphore, #tpu.memory_space<semaphore_mem>>) src(%arg11 : memref<2048xf32, #tpu.memory_space<vmem>>) dst(%dma_wait3A_10 : memref<2048xf32, #tpu.memory_space<hbm>>)
      tpu.yield
    }) : () -> ()
    return
  }
}

module attributes {stable_mosaic.version = 14 : i64} {
  func.func @body(%arg0: memref<4096x16xf32, #tpu.memory_space<vmem>>, %arg1: memref<1xf32, #tpu.memory_space<vmem>>, %arg2: memref<4096xf32, #tpu.memory_space<vmem>>) attributes {dimension_semantics = [], scalar_prefetch = 0 : i64, scratch_operands = 0 : i64, tpu.core_type = #tpu.core_type<tc>} {
    %get3A = arith.constant 0 : index
    %get3A_0 = arith.constant 0 : index
    %get3A_1 = vector.load %arg0[%get3A, %get3A_0] : memref<4096x16xf32, #tpu.memory_space<vmem>>, vector<4096x16xf32>
    %reduce_sum3A = arith.constant dense<0.000000e+00> : vector<4096xf32>
    %reduce_sum3A_2 = vector.multi_reduction <add>, %get3A_1, %reduce_sum3A [1] : vector<4096x16xf32> to vector<4096xf32>
    %get3A_3 = arith.constant 0 : index
    %get3A_4 = vector.load %arg1[%get3A_3] : memref<1xf32, #tpu.memory_space<vmem>>, vector<1xf32>
    %get3A_5 = vector.extract %get3A_4[0] : f32 from vector<1xf32>
    %add3A = vector.broadcast %get3A_5 : f32 to vector<4096xf32>
    %add3A_6 = arith.addf %reduce_sum3A_2, %add3A : vector<4096xf32>
    %logistic3A = arith.negf %add3A_6 : vector<4096xf32>
    %logistic3A_7 = math.exp %logistic3A : vector<4096xf32>
    %logistic3A_8 = arith.constant 1.000000e+00 : f32
    %logistic3A_9 = vector.broadcast %logistic3A_8 : f32 to vector<4096xf32>
    %logistic3A_10 = arith.addf %logistic3A_9, %logistic3A_7 : vector<4096xf32>
    %logistic3A_11 = arith.divf %logistic3A_9, %logistic3A_10 : vector<4096xf32>
    %swap3A = arith.constant 0 : index
    %swap3A_12 = vector.load %arg2[%swap3A] : memref<4096xf32, #tpu.memory_space<vmem>>, vector<4096xf32>
    tpu.vector_store %arg2[%swap3A], %logistic3A_11 {strides = array<i32>} : memref<4096xf32, #tpu.memory_space<vmem>>, vector<4096xf32>,
    return
  }
}

</mosaic_0001>

<sc_bundles>
// kernel: kernel.4.cloned.1.call-start
scs
__scs_entry_jumppad:
0x0: {  	(pc) =	sbr.rel $0x88, $3  }
0x1: {  	(tag) =	ssettag $0x0;
	lr =	simm.s32 $0x1  }
0x2: {  	[smem:$0x3F9D] =	sst lr;
	_ =	strace $0xD0000000  }
0x3: {  	_ = 	snop  }
0x4: {  	_ = 	snop  }
0x5: {  	_ = 	snop  }
0x6: {  	_ = 	snop  }
0x7: {  	_ = 	snop  }
__scs_overlays_trampoline_lowered:
0x8: {  	[smem:$0x3FAC] =	sst s0  }
0x9: {  	[smem:$0x3FAD] =	sst s1  }
0xa: {  	[smem:$0x3FAE] =	sst s2  }
0xb: {  	[smem:$0x3FAF] =	sst s3  }
0xc: {  	[smem:$0x3FB0] =	sst s4  }
0xd: {  	[smem:$0x3FB1] =	sst s5  }
0xe: {  	[smem:$0x3FB2] =	sst s6  }
0xf: {  	[smem:$0x3FB3] =	sst s7  }
0x10: {  	[smem:$0x3FB4] =	sst s8  }
0x11: {  	[smem:$0x3FB5] =	sst s9;
	s0 =	simm.s32 @!p0 $0x0  }
0x12: {  	s1 =	sld [smem:$0x3F9B];
	s0 =	simm.s32 @p0 $0x1  }
0x13: {  	[smem:$0x3FB6] =	sst s0;
	s0 =	simm.s32 @!p1 $0x0  }
0x14: {  	s2 =	sld [smem:$0x3F9A];
	s0 =	simm.s32 @p1 $0x1  }
0x15: {  	[smem:$0x3FB7] =	sst s0;
	s0 =	simm.s32 @!p2 $0x0  }
0x16: {  	s3 =	sld [smem:$0x3FDB];
	s0 =	simm.s32 @p2 $0x1  }
0x17: {  	s4 =	simm.s32 $0x1BF5;
	[smem:$0x3FB9] =	sst s0  }
0x18: {  	s0 =	sld [smem:$0x3F9C];
	_ =	swait.ge [sflag:s4], $0x0  }
0x19: {  	s7 =	sld [smem:$0x3F9D]  }
0x1a: {  	s8 =	sadd.s32 $0xFFFFE003, lr  }
0x1b: {  	s9 =	sadd.s32 $0xFFFFFEF7, lr;
	s5 =	simm.s32 $0xFFFFFFFF;
	p2 =	slt.u32 s8, $0xFFFFF086  }
0x1c: {  	p1 =	slt.u32 s9, $0xF7A;
	s5 =	simm.s32 @!p2 $0x0  }
0x1d: {  	s5 =	simm.s32 @p1 $0x1;
	p0 =	seq.s32 s7, s2  }
0x1e: {  	s7 =	smul.u32 @!p0 $0xF7A, s2;
	p2 =	seq.s32 @!p0 s5, $0x0  }
0x1f: {  	s9 =	smul.u32 $0xF7A, s1;
	s8 =	simm.s32 @!p0 $0x1BF5;
	p2 =	por !p2, p0  }
0x20: {  	[sflag:s8] =	ssyncset.s32 @!p0 $0xFFFFF086;
	s6 =	sadd.s32 @!p0 s3, s7;
	s7 =	simm.s32 @!p0 $0x108  }
0x21: {  	s3 =	sadd.s32 s3, s9;
	s6 =	sadd.s32 @!p0 $0x88, s6;
	s7 =	simm.s32 @p2 $0x1082  }
0x22: {  	[simem:s7], [sflag:s8] =	dma.local @!p0 [hbm:s6], $0xF7A  }
0x23: {  	s9 =	sor.u32 $0xD0000000, s2;
	s6 =	simm.s32 $0x108;
	_ =	swait.ge @!p0 [sflag:s8], $0x0  }
0x24: {  	s3 =	sadd.s32 $0x88, s3;
	s6 =	simm.s32 @!p1 $0x1082;
	[sflag:s4] =	ssyncset.s32 $0xFFFFF086  }
0x25: {  	[simem:s6], [sflag:s4] =	dma.local [hbm:s3], $0xF7A  }
0x26: {  	[smem:$0x3F9D] =	sst s1;
	(tag) =	ssettag s2;
	_ =	strace s9  }
0x27: {  	s1 =	sld [smem:$0x3FAD]  }
0x28: {  	s2 =	sld [smem:$0x3FAE]  }
0x29: {  	s4 =	sld [smem:$0x3FB0]  }
0x2a: {  	p0 =	seq.s32 s5, $0x0;
	s5 =	sld [smem:$0x3FB1]  }
0x2b: {  	s6 =	sld [smem:$0x3FB2]  }
0x2c: {  	s7 =	sld [smem:$0x3FB3]  }
0x2d: {  	s3 =	simm.s32 $0x108;
	s8 =	sld [smem:$0x3FB4]  }
0x2e: {  	s3 =	simm.s32 @!p0 $0x1082;
	s9 =	sld [smem:$0x3FB5]  }
0x2f: {  	lr =	sadd.s32 s0, s3;
	s0 =	sld [smem:$0x3FAC]  }
0x30: {  	s3 =	sld [smem:$0x3FAF]  }
0x31: {  	[smem:$0x3FB8] =	sst s10  }
0x32: {  	s10 =	sld [smem:$0x3FB6];
	_ =	sdelay $0x3  }
0x33: {  	p0 =	seq.s32 s10, $0x1;
	s10 =	sld [smem:$0x3FB8];
	_ =	sdelay $0x3  }
0x34: {  	[smem:$0x3FB8] =	sst s10  }
0x35: {  	s10 =	sld [smem:$0x3FB7];
	_ =	sdelay $0x3  }
0x36: {  	p1 =	seq.s32 s10, $0x1;
	s10 =	sld [smem:$0x3FB8];
	_ =	sdelay $0x3  }
0x37: {  	[smem:$0x3FB8] =	sst s10  }
0x38: {  	s10 =	sld [smem:$0x3FB9]  }
0x39: {  	_ = 	snop;
	(pc) =	sbr.ind lr, $3  }
0x3a: {  	_ = 	snop  }
0x3b: {  	_ = 	snop  }
0x3c: {  	p2 =	seq.s32 s10, $0x1;
	s10 =	sld [smem:$0x3FB8]  }
0x3d: {  	_ =	shalt  }
0x3e: {  	_ =	shalt  }
0x3f: {  	_ =	shalt  }
0x40: {  	_ =	shalt  }
0x41: {  	_ =	shalt  }
0x42: {  	_ =	shalt  }
0x43: {  	_ =	shalt  }
0x44: {  	_ =	shalt  }
0x45: {  	_ =	shalt  }
0x46: {  	_ =	shalt  }
0x47: {  	_ =	shalt  }
0x48: {  	_ =	shalt  }
0x49: {  	_ =	shalt  }
0x4a: {  	_ =	shalt  }
0x4b: {  	_ =	shalt  }
0x4c: {  	_ =	shalt  }
0x4d: {  	_ =	shalt  }
0x4e: {  	_ =	shalt  }
0x4f: {  	_ =	shalt  }
0x50: {  	_ =	shalt  }
0x51: {  	_ =	shalt  }
0x52: {  	_ =	shalt  }
0x53: {  	_ =	shalt  }
0x54: {  	_ =	shalt  }
0x55: {  	_ =	shalt  }
0x56: {  	_ =	shalt  }
0x57: {  	_ =	shalt  }
0x58: {  	_ =	shalt  }
0x59: {  	_ =	shalt  }
0x5a: {  	_ =	shalt  }
0x5b: {  	_ =	shalt  }
0x5c: {  	_ =	shalt  }
0x5d: {  	_ =	shalt  }
0x5e: {  	_ =	shalt  }
0x5f: {  	_ =	shalt  }
0x60: {  	_ =	shalt  }
0x61: {  	_ =	shalt  }
0x62: {  	_ =	shalt  }
0x63: {  	_ =	shalt  }
0x64: {  	_ =	shalt  }
0x65: {  	_ =	shalt  }
0x66: {  	_ =	shalt  }
0x67: {  	_ =	shalt  }
0x68: {  	_ =	shalt  }
0x69: {  	_ =	shalt  }
0x6a: {  	_ =	shalt  }
0x6b: {  	_ =	shalt  }
0x6c: {  	_ =	shalt  }
0x6d: {  	_ =	shalt  }
0x6e: {  	_ =	shalt  }
0x6f: {  	_ =	shalt  }
0x70: {  	_ =	shalt  }
0x71: {  	_ =	shalt  }
0x72: {  	_ =	shalt  }
0x73: {  	_ =	shalt  }
0x74: {  	_ =	shalt  }
0x75: {  	_ =	shalt  }
0x76: {  	_ =	shalt  }
0x77: {  	_ =	shalt  }
0x78: {  	_ =	shalt  }
0x79: {  	_ =	shalt  }
0x7a: {  	_ =	shalt  }
0x7b: {  	_ =	shalt  }
0x7c: {  	_ =	shalt  }
0x7d: {  	_ =	shalt  }
0x7e: {  	_ =	shalt  }
0x7f: {  	_ =	shalt  }
0x80: {  	_ =	shalt  }
0x81: {  	_ =	shalt  }
0x82: {  	_ =	shalt  }
0x83: {  	_ =	shalt  }
0x84: {  	_ =	shalt  }
0x85: {  	_ =	shalt  }
0x86: {  	_ =	shalt  }
0x87: {  	_ =	shalt  }
.Lfunc_end0:
.L_simem_size_0:
called_computation.3_lowered:
.L_overlay_start_0:
0x88: {  	s2 =	sld [smem:$0x3FD9]  }
0x89: {  	s3 =	sld [smem:$0x3FFE];
	_ =	sdelay $0x1  }
0x8a: {  	s1 =	srdreg.scid  }
0x8b: {  	s0 =	sand.u32 $0x1, s1  }
0x8c: {  	s16 =	sshll.u32 s0, $0xA;
	s2 =	sadd.s32 s3, s2  }
0x8d: {  	s2 =	sadd.s32 s2, s16  }
0x8e: {  	[smem:$0x3FC4] =	sst s2  }
0x8f: {  	_ = 	snop  }
0x90: {  	(tm) =	ssettm $0x1  }
0x91: {  	s17 =	sld [smem:$0x3FFB];
	_ =	sdelay $0x3  }
0x92: {  	_ =	strace s17  }
0x93: {  	s2 =	sld [smem:$0x3FFC];
	_ =	sdelay $0x3  }
0x94: {  	_ =	strace s2  }
0x95: {  	s2 =	sld [smem:$0x3FFD];
	_ =	sdelay $0x3  }
0x96: {  	_ =	strace s2  }
0x97: {  	_ =	strace $0x8FFFFFFF  }
0x98: {  	s18 =	sld [smem:$0x3FDB];
	_ =	sdelay $0x1  }
0x99: {  	s19 =	simm.s32 $_scs_section_size  }
0x9a: {  	s4 =	simm.s32 $_size__tile_overlayer_lowered;
	s5 =	simm.s32 $_tile_overlayer_lowered  }
0x9b: {  	s22 =	simm.s32 $0x1BFF;
	s21 =	sshll.u32 s5, $0x1;
	s2 =	sadd.s32 s19, s18  }
0x9c: {  	s6 =	simm.s32 $0x0;
	s20 =	sshll.u32 s4, $0x1;
	s4 =	sadd.s32 s21, s2  }
0x9d: {  	[timem:s6], [sflag:s22] =	dma.local [hbm:s4], s20  }
0x9e: {  	_ =	swait.ge [sflag:s22], s20  }
0x9f: {  	s3 =	ssub.s32 $0x0, s20;
	[sflag:s22] =	ssyncset.done $0x0  }
0xa0: {  	[sflag:s22] =	ssyncadd.s32 s3;
	_ =	sdelay $0x1  }
0xa1: {  	s23 =	simm.s32 $0x1B8B  }
0xa2: {  	_ =	swait.ge [sflag:s23], $0x1  }
0xa3: {  	[sflag:s23] =	ssyncset.done $0x0  }
0xa4: {  	s25 =	simm.s32 $0x1B8E;
	s24 =	sld [smem:$0x3FFE];
	[sflag:s23] =	ssyncadd.s32 $0xFFFFFFFF  }
0xa5: {  	s26 =	simm.s32 $execute0_lowered;
	[smem:$0x3FD2] =	sst s25  }
0xa6: {  	s4 =	sshll.u32 s26, $0x1;
	_ =	strace $0x8000004F;
	[dreg:$0x1] =	wrdreg $0xFFFFFFFF  }
0xa7: {  	s28 =	simm.s32 $_size_execute0_lowered;
	s2 =	sadd.s32 s2, s4;
	[dreg:$0x0] =	wrdreg $0x0  }
0xa8: {  	s4 =	sshll.u32 s28, $0x1;
	[dreg:$0x2] =	wrdreg s2  }
0xa9: {  	[dreg:$0x3] =	wrdreg s4  }
0xaa: {  	[dreg:$0x4] =	wrdreg $0xC0  }
0xab: {  	_ =	task [dreg:s6], $0x5FFFF  }
0xac: {  	[dreg:$0x1] =	wrdreg $0xFFFFFFFF  }
0xad: {  	[dreg:$0x0] =	wrdreg $0x60  }
0xae: {  	[dreg:$0x2] =	wrdreg s24  }
0xaf: {  	[dreg:$0x3] =	wrdreg $0x9  }
0xb0: {  	_ =	task.clear_ibuf [dreg:s6], $0x4FFFF;
	_ =	strace $0x9000004F  }
0xb1: {  	s29 =	simm.s32 $0x9;
	_ =	strace $0x80000051  }
0xb2: {  	_ =	swait.ge [sflag:s29], $0x1  }
0xb3: {  	[sflag:s29] =	ssyncadd.s32 $0xFFFFFFFF  }
0xb4: {  	_ =	strace $0x90000051  }
0xb5: {  	_ =	sfence  }
0xb6: {  	s30 =	sld [smem:$0x0];
	_ =	sdelay $0x2  }
0xb7: {  	s31 =	sshll.u32 s1, $0xD;
	s1 =	sshrl.u32 s1, $0x2  }
0xb8: {  	s3 =	sand.u32 $0x4000, s31;
	s1 =	sadd.s32 s1, s30  }
0xb9: {  	s0 =	sor.u32 s3, s0;
	s1 =	sshll.u32 s1, $0x11  }
0xba: {  	s0 =	sor.u32 s1, s0  }
0xbb: {  	s0 =	sadd.s32 $0x8F2B, s0  }
0xbc: {  	[sflag:s0] =	ssyncadd.remote.s32 $0x1  }
0xbd: {  	_ =	sfence.sel $0xFFFF  }
0xbe: {  	[dreg:$0x0] =	wrdreg $0xFFFFFFFF;
	(pc) =	sbr.abs _section_cstart, $3  }
0xbf: {  	[dreg:$0x1] =	wrdreg $0xFFFFFFFF  }
0xc0: {  	_ =	task.clear_ibuf [dreg:s6], $0x2FFFF;
	_ =	strace $0x9FFFFFFF  }
0xc1: {  	(tm) =	ssettm $0x7FFFFFFF  }
tec
execute0_lowered:
.L_overlay_start_1:
0x0: {  	(tag) =	ssettag $0x1  }
0x1: {  	s7 =	rddreg [dreg:$0x0]  }
0x2: {  	s0 =	rddreg [dreg:$0x1]  }
0x3: {  	s1 =	simm.s32 $0x0;
	s5 =	srdreg.scid;
	s2 =	stileid.u32  }
0x4: {  	s12 =	simm.s32 $0x2;
	s13 =	simm.s32 $0x20;
	s14 =	simm.s32 $0x1020  }
0x5: {  	s15 =	simm.s32 $0x2020;
	s16 =	simm.s32 $0x3020;
	s17 =	simm.s32 $0x4020  }
0x6: {  	s18 =	simm.s32 $0x1;
	s19 =	simm.s32 $0x5020;
	[smem:$0x7FF] =	sst s1  }
0x7: {  	s20 =	simm.s32 $0x0;
	s3 =	sadd.s32 $0x7A3E00, s7;
	s4 =	sadd.s32 $0x61D400, s7  }
0x8: {  	s8 =	sand.u32 $0x1, s5;
	s9 =	sshll.u32 s2, $0x1;
	s5 =	sadd.s32 $0x496A00, s7  }
0x9: {  	s6 =	sadd.s32 $0xAB5200, s7;
	_ =	strace $0x80000050;
	s9 =	sor.u32 s8, s9  }
0xa: {  	v0 =	vlaneseq.u32;
	s8 =	ssub.s32 $0x2, s8;
	s10 =	sshll.u32 s9, $0x4;
	s9 =	sshll.u32 s9, $0x8  }
0xb: {  	v0 =	vmul.u32 $0x80, v0;
	s31 =	sshrl.u32 s8, $0x1;
	s10 =	sadd.s32 s10, s7;
	s9 =	sadd.s32 s9, s7  }
0xc: {  	s11 =	ssub.s32 s8, s31;
	s7 =	sadd.s32 $0xAB1200, s10;
	s8 =	sadd.s32 $0x92A800, s9  }
0xd: {  	v1 =	vor.u32 $0x800, v0;
	s9 =	smax.u32 s11, $0x1;
	s10 =	simm.s32 $0x80;
	s11 =	simm.s32 $0x1000  }
.LBB2_1:
0xe: {  	[tilespmem:s1], [sflag:$0x2] =	stream.strided.gather [hbm4b:s7+s10], $0x1000, s11, s10, $0x38;
	[tilespmem:$0x5820] =	vst v63  }
0xf: {  	_ =	swait.ge [sflag:s12], $0x1000  }
0x10: {  	[sflag:s12] =	ssyncset.done $0x0  }
0x11: {  	s21 =	simm.s32 $0x5020;
	s22 =	simm.s32 $0x0;
	[sflag:s12] =	ssyncadd.s32 $0xFFFFF000  }
.LBB2_2:
0x12: {  	v2 =	vmov s22  }
0x13: {  	v2 =	vand.u32 $0x7F, v2  }
0x14: {  	v2 =	vbroadcast v2, $0x0;
	_ =	sdelay $0x1  }
0x15: {  	v3 =	vor.u32 v1, v2  }
0x16: {  	v2 =	vor.u32 v0, v2;
	_ =	sdelay $0x3  }
0x17: {  	v3 =	vld.idx.msk [tilespmem:v3+s1+$0x0], $0xffff  }
0x18: {  	v2 =	vld.idx.msk [tilespmem:v2+s1+$0x0], $0xffff;
	_ =	sdelay $0x3  }
0x19: {  	vm0 =	vlt.s32 v3, $0x1869B  }
0x1a: {  	[tilespmem:$0x1000] =	vst v2;
	v2 =	vnsel vm0, $0x1869B, v3  }
0x1b: {  	[tilespmem:$0x1010] =	vst v2  }
0x1c: {  	[tilespmem:s14], [sflag:$0x1] =	stream.indirect.gather [hbm4b:s3+s13], $0x80, s11, s13, $0xb8;
	[tilespmem:$0x5820] =	vst v63  }
0x1d: {  	_ = 	snop  }
0x1e: {  	[tilespmem:s15], [sflag:$0x1] =	stream.indirect.gather [hbm4b:s4+s13], $0x80, s11, s13, $0xb8;
	[tilespmem:$0x5820] =	vst v63  }
0x1f: {  	_ = 	snop  }
0x20: {  	[tilespmem:s16], [sflag:$0x1] =	stream.indirect.gather [hbm4b:s5+s13], $0x80, s11, s13, $0xb8;
	[tilespmem:$0x5820] =	vst v63  }
0x21: {  	_ = 	snop  }
0x22: {  	[tilespmem:s17], [sflag:$0x1] =	stream.indirect.gather [hbm4b:s6+s13], $0x80, s11, s13, $0xb8;
	[tilespmem:$0x5820] =	vst v63  }
0x23: {  	_ =	swait.ge [sflag:s18], $0x1000  }
0x24: {  	[sflag:s18] =	ssyncset.done $0x0  }
0x25: {  	[sflag:s18] =	ssyncadd.s32 $0xFFFFF000  }
0x26: {  	_ =	swait.ge [sflag:s18], $0x1000  }
0x27: {  	[sflag:s18] =	ssyncset.done $0x0  }
0x28: {  	[sflag:s18] =	ssyncadd.s32 $0xFFFFF000  }
0x29: {  	_ =	swait.ge [sflag:s18], $0x1000  }
0x2a: {  	[sflag:s18] =	ssyncset.done $0x0  }
0x2b: {  	[sflag:s18] =	ssyncadd.s32 $0xFFFFF000  }
0x2c: {  	_ =	swait.ge [sflag:s18], $0x1000  }
0x2d: {  	[sflag:s18] =	ssyncset.done $0x0  }
0x2e: {  	[sflag:s18] =	ssyncadd.s32 $0xFFFFF000  }
0x2f: {  	v2 =	vld [tilespmem:$0x4040]  }
0x30: {  	v3 =	vld [tilespmem:$0x40C0];
	_ =	sdelay $0x1  }
0x31: {  	v4 =	vld [tilespmem:$0x4140];
	_ =	sdelay $0x1  }
0x32: {  	v5 =	vld [tilespmem:$0x41C0]  }
0x33: {  	v2 =	vadd.f32 v3, v2  }
0x34: {  	v3 =	vld [tilespmem:$0x4240]  }
0x35: {  	v2 =	vadd.f32 v4, v2  }
0x36: {  	v28 =	vld [tilespmem:$0x42C0]  }
0x37: {  	v2 =	vadd.f32 v5, v2  }
0x38: {  	v29 =	vld [tilespmem:$0x4340]  }
0x39: {  	v2 =	vadd.f32 v3, v2  }
0x3a: {  	v3 =	vld [tilespmem:$0x43C0]  }
0x3b: {  	v2 =	vadd.f32 v28, v2  }
0x3c: {  	v30 =	vld [tilespmem:$0x4440]  }
0x3d: {  	v2 =	vadd.f32 v29, v2  }
0x3e: {  	v31 =	vld [tilespmem:$0x44C0]  }
0x3f: {  	v2 =	vadd.f32 v3, v2  }
0x40: {  	v3 =	vld [tilespmem:$0x4540]  }
0x41: {  	v2 =	vadd.f32 v30, v2  }
0x42: {  	v32 =	vld [tilespmem:$0x45C0]  }
0x43: {  	v2 =	vadd.f32 v31, v2  }
0x44: {  	v33 =	vld [tilespmem:$0x4640]  }
0x45: {  	v2 =	vadd.f32 v3, v2  }
0x46: {  	v3 =	vld [tilespmem:$0x46C0]  }
0x47: {  	v2 =	vadd.f32 v32, v2  }
0x48: {  	v34 =	vld [tilespmem:$0x4740]  }
0x49: {  	v2 =	vadd.f32 v33, v2  }
0x4a: {  	v35 =	vld [tilespmem:$0x47C0]  }
0x4b: {  	v2 =	vadd.f32 v3, v2  }
0x4c: {  	v3 =	vld [tilespmem:$0x4840]  }
0x4d: {  	v2 =	vadd.f32 v34, v2  }
0x4e: {  	v36 =	vld [tilespmem:$0x48C0]  }
0x4f: {  	v2 =	vadd.f32 v35, v2  }
0x50: {  	v37 =	vld [tilespmem:$0x4940]  }
0x51: {  	v2 =	vadd.f32 v3, v2  }
0x52: {  	v3 =	vld [tilespmem:$0x49C0]  }
0x53: {  	v2 =	vadd.f32 v36, v2  }
0x54: {  	v38 =	vld [tilespmem:$0x4A40]  }
0x55: {  	v2 =	vadd.f32 v37, v2  }
0x56: {  	v39 =	vld [tilespmem:$0x4AC0]  }
0x57: {  	v2 =	vadd.f32 v3, v2  }
0x58: {  	v3 =	vld [tilespmem:$0x4B40]  }
0x59: {  	v2 =	vadd.f32 v38, v2  }
0x5a: {  	v40 =	vld [tilespmem:$0x4BC0]  }
0x5b: {  	v41 =	vld [tilespmem:$0x4C40];
	v2 =	vadd.f32 v39, v2  }
0x5c: {  	v6 =	vld [tilespmem:$0x4CC0]  }
0x5d: {  	v7 =	vld [tilespmem:$0x10A0];
	v2 =	vadd.f32 v3, v2  }
0x5e: {  	v3 =	vld [tilespmem:$0x1030]  }
0x5f: {  	v42 =	vld [tilespmem:$0x1040];
	v2 =	vadd.f32 v40, v2  }
0x60: {  	v8 =	vld [tilespmem:$0x1120]  }
0x61: {  	v43 =	vld [tilespmem:$0x1050];
	v2 =	vadd.f32 v41, v2  }
0x62: {  	v9 =	vld [tilespmem:$0x11A0]  }
0x63: {  	v44 =	vld [tilespmem:$0x1060];
	v3 =	vmul.f32 v7, v3;
	v2 =	vadd.f32 v6, v2  }
0x64: {  	v45 =	vld [tilespmem:$0x1220]  }
0x65: {  	v46 =	vld [tilespmem:$0x1070];
	v2 =	vadd.f32 v3, v2;
	v3 =	vmul.f32 v8, v42  }
0x66: {  	v47 =	vld [tilespmem:$0x12A0]  }
0x67: {  	v48 =	vld [tilespmem:$0x1080];
	v2 =	vadd.f32 v3, v2;
	v3 =	vmul.f32 v9, v43  }
0x68: {  	v49 =	vld [tilespmem:$0x1320]  }
0x69: {  	v50 =	vld [tilespmem:$0x1090];
	v2 =	vadd.f32 v3, v2;
	v3 =	vmul.f32 v45, v44  }
0x6a: {  	v51 =	vld [tilespmem:$0x13A0]  }
0x6b: {  	v52 =	vld [tilespmem:$0x2020];
	v2 =	vadd.f32 v3, v2;
	v3 =	vmul.f32 v47, v46  }
0x6c: {  	v53 =	vld [tilespmem:$0x1420]  }
0x6d: {  	v54 =	vld [tilespmem:$0x2030];
	v2 =	vadd.f32 v3, v2;
	v3 =	vmul.f32 v49, v48  }
0x6e: {  	v55 =	vld [tilespmem:$0x14A0]  }
0x6f: {  	v56 =	vld [tilespmem:$0x2040];
	v2 =	vadd.f32 v3, v2;
	v3 =	vmul.f32 v51, v50  }
0x70: {  	v57 =	vld [tilespmem:$0x1520]  }
0x71: {  	v58 =	vld [tilespmem:$0x2050];
	v2 =	vadd.f32 v3, v2;
	v3 =	vmul.f32 v53, v52  }
0x72: {  	v59 =	vld [tilespmem:$0x15A0]  }
0x73: {  	v60 =	vld [tilespmem:$0x2060];
	v2 =	vadd.f32 v3, v2;
	v3 =	vmul.f32 v55, v54  }
0x74: {  	v61 =	vld [tilespmem:$0x1620]  }
0x75: {  	v62 =	vld [tilespmem:$0x2070];
	v2 =	vadd.f32 v3, v2;
	v3 =	vmul.f32 v57, v56  }
0x76: {  	v63 =	vld [tilespmem:$0x16A0]  }
0x77: {  	v12 =	vld [tilespmem:$0x2080];
	v2 =	vadd.f32 v3, v2;
	v3 =	vmul.f32 v59, v58  }
0x78: {  	v13 =	vld [tilespmem:$0x1720]  }
0x79: {  	v14 =	vld [tilespmem:$0x2090];
	v2 =	vadd.f32 v3, v2;
	v3 =	vmul.f32 v61, v60  }
0x7a: {  	v15 =	vld [tilespmem:$0x17A0]  }
0x7b: {  	v16 =	vld [tilespmem:$0x3020];
	v2 =	vadd.f32 v3, v2;
	v3 =	vmul.f32 v63, v62  }
0x7c: {  	v17 =	vld [tilespmem:$0x1820]  }
0x7d: {  	v18 =	vld [tilespmem:$0x3030];
	v2 =	vadd.f32 v3, v2;
	v3 =	vmul.f32 v13, v12  }
0x7e: {  	v19 =	vld [tilespmem:$0x18A0]  }
0x7f: {  	v20 =	vld [tilespmem:$0x3040];
	v2 =	vadd.f32 v3, v2;
	v3 =	vmul.f32 v15, v14  }
0x80: {  	v21 =	vld [tilespmem:$0x1920]  }
0x81: {  	v22 =	vld [tilespmem:$0x3050];
	v2 =	vadd.f32 v3, v2;
	v3 =	vmul.f32 v17, v16  }
0x82: {  	v23 =	vld [tilespmem:$0x19A0]  }
0x83: {  	v24 =	vld [tilespmem:$0x3060];
	v2 =	vadd.f32 v3, v2;
	v3 =	vmul.f32 v19, v18  }
0x84: {  	v25 =	vld [tilespmem:$0x1A20]  }
0x85: {  	v26 =	vld [tilespmem:$0x3070];
	v2 =	vadd.f32 v3, v2;
	v3 =	vmul.f32 v21, v20  }
0x86: {  	v27 =	vld [tilespmem:$0x1AA0]  }
0x87: {  	v28 =	vld [tilespmem:$0x3080];
	v2 =	vadd.f32 v3, v2;
	v3 =	vmul.f32 v23, v22  }
0x88: {  	v29 =	vld [tilespmem:$0x1B20]  }
0x89: {  	v30 =	vld [tilespmem:$0x3090];
	v2 =	vadd.f32 v3, v2;
	v3 =	vmul.f32 v25, v24  }
0x8a: {  	v31 =	vld [tilespmem:$0x1BA0]  }
0x8b: {  	v32 =	vld [tilespmem:$0x4020];
	v2 =	vadd.f32 v3, v2;
	v3 =	vmul.f32 v27, v26  }
0x8c: {  	v33 =	vld [tilespmem:$0x1C20]  }
0x8d: {  	v34 =	vld [tilespmem:$0x4030];
	v2 =	vadd.f32 v3, v2;
	v3 =	vmul.f32 v29, v28  }
0x8e: {  	v35 =	vld [tilespmem:$0x1CA0]  }
0x8f: {  	v36 =	vld [tilespmem:$0x10C0];
	v2 =	vadd.f32 v3, v2;
	v3 =	vmul.f32 v31, v30  }
0x90: {  	v37 =	vld [tilespmem:$0x1130]  }
0x91: {  	v38 =	vld [tilespmem:$0x10D0];
	v2 =	vadd.f32 v3, v2;
	v3 =	vmul.f32 v33, v32  }
0x92: {  	v39 =	vld [tilespmem:$0x11B0]  }
0x93: {  	v40 =	vld [tilespmem:$0x10E0];
	v2 =	vadd.f32 v3, v2;
	v3 =	vmul.f32 v35, v34  }
0x94: {  	v41 =	vld [tilespmem:$0x1230]  }
0x95: {  	v42 =	vld [tilespmem:$0x10F0];
	v2 =	vadd.f32 v3, v2;
	v3 =	vmul.f32 v37, v36  }
0x96: {  	v43 =	vld [tilespmem:$0x12B0]  }
0x97: {  	v44 =	vld [tilespmem:$0x1100];
	v2 =	vadd.f32 v3, v2;
	v3 =	vmul.f32 v39, v38  }
0x98: {  	v45 =	vld [tilespmem:$0x1330]  }
0x99: {  	v46 =	vld [tilespmem:$0x1110];
	v2 =	vadd.f32 v3, v2;
	v3 =	vmul.f32 v41, v40  }
0x9a: {  	v47 =	vld [tilespmem:$0x13B0]  }
0x9b: {  	v48 =	vld [tilespmem:$0x20A0];
	v2 =	vadd.f32 v3, v2;
	v3 =	vmul.f32 v43, v42  }
0x9c: {  	v49 =	vld [tilespmem:$0x1430]  }
0x9d: {  	v50 =	vld [tilespmem:$0x20B0];
	v2 =	vadd.f32 v3, v2;
	v3 =	vmul.f32 v45, v44  }
0x9e: {  	v51 =	vld [tilespmem:$0x14B0]  }
0x9f: {  	v52 =	vld [tilespmem:$0x20C0];
	v2 =	vadd.f32 v3, v2;
	v3 =	vmul.f32 v47, v46  }
0xa0: {  	v53 =	vld [tilespmem:$0x1530]  }
0xa1: {  	v54 =	vld [tilespmem:$0x20D0];
	v2 =	vadd.f32 v3, v2;
	v3 =	vmul.f32 v49, v48  }
0xa2: {  	v55 =	vld [tilespmem:$0x15B0]  }
0xa3: {  	v56 =	vld [tilespmem:$0x20E0];
	v2 =	vadd.f32 v3, v2;
	v3 =	vmul.f32 v51, v50  }
0xa4: {  	v57 =	vld [tilespmem:$0x1630]  }
0xa5: {  	v58 =	vld [tilespmem:$0x20F0];
	v2 =	vadd.f32 v3, v2;
	v3 =	vmul.f32 v53, v52  }
0xa6: {  	v59 =	vld [tilespmem:$0x16B0]  }
0xa7: {  	v60 =	vld [tilespmem:$0x2100];
	v2 =	vadd.f32 v3, v2;
	v3 =	vmul.f32 v55, v54  }
0xa8: {  	v61 =	vld [tilespmem:$0x1730]  }
0xa9: {  	v62 =	vld [tilespmem:$0x2110];
	v2 =	vadd.f32 v3, v2;
	v3 =	vmul.f32 v57, v56  }
0xaa: {  	v63 =	vld [tilespmem:$0x17B0]  }
0xab: {  	v12 =	vld [tilespmem:$0x30A0];
	v2 =	vadd.f32 v3, v2;
	v3 =	vmul.f32 v59, v58  }
0xac: {  	v13 =	vld [tilespmem:$0x1830]  }
0xad: {  	v14 =	vld [tilespmem:$0x30B0];
	v2 =	vadd.f32 v3, v2;
	v3 =	vmul.f32 v61, v60  }
0xae: {  	v15 =	vld [tilespmem:$0x18B0]  }
0xaf: {  	v16 =	vld [tilespmem:$0x30C0];
	v2 =	vadd.f32 v3, v2;
	v3 =	vmul.f32 v63, v62  }
0xb0: {  	v17 =	vld [tilespmem:$0x1930]  }
0xb1: {  	v18 =	vld [tilespmem:$0x30D0];
	v2 =	vadd.f32 v3, v2;
	v3 =	vmul.f32 v13, v12  }
0xb2: {  	v19 =	vld [tilespmem:$0x19B0]  }
0xb3: {  	v20 =	vld [tilespmem:$0x30E0];
	v2 =	vadd.f32 v3, v2;
	v3 =	vmul.f32 v15, v14  }
0xb4: {  	v21 =	vld [tilespmem:$0x1A30]  }
0xb5: {  	v22 =	vld [tilespmem:$0x30F0];
	v2 =	vadd.f32 v3, v2;
	v3 =	vmul.f32 v17, v16  }
0xb6: {  	v23 =	vld [tilespmem:$0x1AB0]  }
0xb7: {  	v24 =	vld [tilespmem:$0x3100];
	v2 =	vadd.f32 v3, v2;
	v3 =	vmul.f32 v19, v18  }
0xb8: {  	v25 =	vld [tilespmem:$0x1B30]  }
0xb9: {  	v26 =	vld [tilespmem:$0x3110];
	v2 =	vadd.f32 v3, v2;
	v3 =	vmul.f32 v21, v20  }
0xba: {  	v27 =	vld [tilespmem:$0x1BB0]  }
0xbb: {  	v28 =	vld [tilespmem:$0x40A0];
	v2 =	vadd.f32 v3, v2;
	v3 =	vmul.f32 v23, v22  }
0xbc: {  	v29 =	vld [tilespmem:$0x1C30]  }
0xbd: {  	v30 =	vld [tilespmem:$0x40B0];
	v2 =	vadd.f32 v3, v2;
	v3 =	vmul.f32 v25, v24  }
0xbe: {  	v31 =	vld [tilespmem:$0x1CB0]  }
0xbf: {  	v32 =	vld [tilespmem:$0x1150];
	v2 =	vadd.f32 v3, v2;
	v3 =	vmul.f32 v27, v26  }
0xc0: {  	v33 =	vld [tilespmem:$0x11C0]  }
0xc1: {  	v34 =	vld [tilespmem:$0x1160];
	v2 =	vadd.f32 v3, v2;
	v3 =	vmul.f32 v29, v28  }
0xc2: {  	v35 =	vld [tilespmem:$0x1240]  }
0xc3: {  	v36 =	vld [tilespmem:$0x1170];
	v2 =	vadd.f32 v3, v2;
	v3 =	vmul.f32 v31, v30  }
0xc4: {  	v37 =	vld [tilespmem:$0x12C0]  }
0xc5: {  	v38 =	vld [tilespmem:$0x1180];
	v2 =	vadd.f32 v3, v2;
	v3 =	vmul.f32 v33, v32  }
0xc6: {  	v39 =	vld [tilespmem:$0x1340]  }
0xc7: {  	v40 =	vld [tilespmem:$0x1190];
	v2 =	vadd.f32 v3, v2;
	v3 =	vmul.f32 v35, v34  }
0xc8: {  	v41 =	vld [tilespmem:$0x13C0]  }
0xc9: {  	v42 =	vld [tilespmem:$0x2120];
	v2 =	vadd.f32 v3, v2;
	v3 =	vmul.f32 v37, v36  }
0xca: {  	v43 =	vld [tilespmem:$0x1440]  }
0xcb: {  	v44 =	vld [tilespmem:$0x2130];
	v2 =	vadd.f32 v3, v2;
	v3 =	vmul.f32 v39, v38  }
0xcc: {  	v45 =	vld [tilespmem:$0x14C0]  }
0xcd: {  	v46 =	vld [tilespmem:$0x2140];
	v2 =	vadd.f32 v3, v2;
	v3 =	vmul.f32 v41, v40  }
0xce: {  	v47 =	vld [tilespmem:$0x1540]  }
0xcf: {  	v48 =	vld [tilespmem:$0x2150];
	v2 =	vadd.f32 v3, v2;
	v3 =	vmul.f32 v43, v42  }
0xd0: {  	v49 =	vld [tilespmem:$0x15C0]  }
0xd1: {  	v50 =	vld [tilespmem:$0x2160];
	v2 =	vadd.f32 v3, v2;
	v3 =	vmul.f32 v45, v44  }
0xd2: {  	v51 =	vld [tilespmem:$0x1640]  }
0xd3: {  	v52 =	vld [tilespmem:$0x2170];
	v2 =	vadd.f32 v3, v2;
	v3 =	vmul.f32 v47, v46  }
0xd4: {  	v53 =	vld [tilespmem:$0x16C0]  }
0xd5: {  	v54 =	vld [tilespmem:$0x2180];
	v2 =	vadd.f32 v3, v2;
	v3 =	vmul.f32 v49, v48  }
0xd6: {  	v55 =	vld [tilespmem:$0x1740]  }
0xd7: {  	v56 =	vld [tilespmem:$0x2190];
	v2 =	vadd.f32 v3, v2;
	v3 =	vmul.f32 v51, v50  }
0xd8: {  	v57 =	vld [tilespmem:$0x17C0]  }
0xd9: {  	v58 =	vld [tilespmem:$0x3120];
	v2 =	vadd.f32 v3, v2;
	v3 =	vmul.f32 v53, v52  }
0xda: {  	v59 =	vld [tilespmem:$0x1840]  }
0xdb: {  	v60 =	vld [tilespmem:$0x3130];
	v2 =	vadd.f32 v3, v2;
	v3 =	vmul.f32 v55, v54  }
0xdc: {  	v61 =	vld [tilespmem:$0x18C0]  }
0xdd: {  	v62 =	vld [tilespmem:$0x3140];
	v2 =	vadd.f32 v3, v2;
	v3 =	vmul.f32 v57, v56  }
0xde: {  	v63 =	vld [tilespmem:$0x1940]  }
0xdf: {  	v12 =	vld [tilespmem:$0x3150];
	v2 =	vadd.f32 v3, v2;
	v3 =	vmul.f32 v59, v58  }
0xe0: {  	v13 =	vld [tilespmem:$0x19C0]  }
0xe1: {  	v14 =	vld [tilespmem:$0x3160];
	v2 =	vadd.f32 v3, v2;
	v3 =	vmul.f32 v61, v60  }
0xe2: {  	v15 =	vld [tilespmem:$0x1A40]  }
0xe3: {  	v16 =	vld [tilespmem:$0x3170];
	v2 =	vadd.f32 v3, v2;
	v3 =	vmul.f32 v63, v62  }
0xe4: {  	v17 =	vld [tilespmem:$0x1AC0]  }
0xe5: {  	v18 =	vld [tilespmem:$0x3180];
	v2 =	vadd.f32 v3, v2;
	v3 =	vmul.f32 v13, v12  }
0xe6: {  	v19 =	vld [tilespmem:$0x1B40]  }
0xe7: {  	v20 =	vld [tilespmem:$0x3190];
	v2 =	vadd.f32 v3, v2;
	v3 =	vmul.f32 v15, v14  }
0xe8: {  	v21 =	vld [tilespmem:$0x1BC0]  }
0xe9: {  	v22 =	vld [tilespmem:$0x4120];
	v2 =	vadd.f32 v3, v2;
	v3 =	vmul.f32 v17, v16  }
0xea: {  	v23 =	vld [tilespmem:$0x1C40]  }
0xeb: {  	v24 =	vld [tilespmem:$0x4130];
	v2 =	vadd.f32 v3, v2;
	v3 =	vmul.f32 v19, v18  }
0xec: {  	v25 =	vld [tilespmem:$0x1CC0]  }
0xed: {  	v26 =	vld [tilespmem:$0x11E0];
	v2 =	vadd.f32 v3, v2;
	v3 =	vmul.f32 v21, v20  }
0xee: {  	v27 =	vld [tilespmem:$0x1250]  }
0xef: {  	v28 =	vld [tilespmem:$0x11F0];
	v2 =	vadd.f32 v3, v2;
	v3 =	vmul.f32 v23, v22  }
0xf0: {  	v29 =	vld [tilespmem:$0x12D0]  }
0xf1: {  	v30 =	vld [tilespmem:$0x1200];
	v2 =	vadd.f32 v3, v2;
	v3 =	vmul.f32 v25, v24  }
0xf2: {  	v31 =	vld [tilespmem:$0x1350]  }
0xf3: {  	v32 =	vld [tilespmem:$0x1210];
	v2 =	vadd.f32 v3, v2;
	v3 =	vmul.f32 v27, v26  }
0xf4: {  	v33 =	vld [tilespmem:$0x13D0]  }
0xf5: {  	v34 =	vld [tilespmem:$0x21A0];
	v2 =	vadd.f32 v3, v2;
	v3 =	vmul.f32 v29, v28  }
0xf6: {  	v35 =	vld [tilespmem:$0x1450]  }
0xf7: {  	v36 =	vld [tilespmem:$0x21B0];
	v2 =	vadd.f32 v3, v2;
	v3 =	vmul.f32 v31, v30  }
0xf8: {  	v37 =	vld [tilespmem:$0x14D0]  }
0xf9: {  	v38 =	vld [tilespmem:$0x21C0];
	v2 =	vadd.f32 v3, v2;
	v3 =	vmul.f32 v33, v32  }
0xfa: {  	v39 =	vld [tilespmem:$0x1550]  }
0xfb: {  	v40 =	vld [tilespmem:$0x21D0];
	v2 =	vadd.f32 v3, v2;
	v3 =	vmul.f32 v35, v34  }
0xfc: {  	v41 =	vld [tilespmem:$0x15D0]  }
0xfd: {  	v42 =	vld [tilespmem:$0x21E0];
	v2 =	vadd.f32 v3, v2;
	v3 =	vmul.f32 v37, v36  }
0xfe: {  	v43 =	vld [tilespmem:$0x1650]  }
0xff: {  	v44 =	vld [tilespmem:$0x21F0];
	v2 =	vadd.f32 v3, v2;
	v3 =	vmul.f32 v39, v38  }
0x100: {  	v45 =	vld [tilespmem:$0x16D0]  }
0x101: {  	v46 =	vld [tilespmem:$0x2200];
	v2 =	vadd.f32 v3, v2;
	v3 =	vmul.f32 v41, v40  }
0x102: {  	v47 =	vld [tilespmem:$0x1750]  }
0x103: {  	v48 =	vld [tilespmem:$0x2210];
	v2 =	vadd.f32 v3, v2;
	v3 =	vmul.f32 v43, v42  }
0x104: {  	v49 =	vld [tilespmem:$0x17D0]  }
0x105: {  	v50 =	vld [tilespmem:$0x31A0];
	v2 =	vadd.f32 v3, v2;
	v3 =	vmul.f32 v45, v44  }
0x106: {  	v51 =	vld [tilespmem:$0x1850]  }
0x107: {  	v52 =	vld [tilespmem:$0x31B0];
	v2 =	vadd.f32 v3, v2;
	v3 =	vmul.f32 v47, v46  }
0x108: {  	v53 =	vld [tilespmem:$0x18D0]  }
0x109: {  	v54 =	vld [tilespmem:$0x31C0];
	v2 =	vadd.f32 v3, v2;
	v3 =	vmul.f32 v49, v48  }
0x10a: {  	v55 =	vld [tilespmem:$0x1950]  }
0x10b: {  	v56 =	vld [tilespmem:$0x31D0];
	v2 =	vadd.f32 v3, v2;
	v3 =	vmul.f32 v51, v50  }
0x10c: {  	v57 =	vld [tilespmem:$0x19D0]  }
0x10d: {  	v58 =	vld [tilespmem:$0x31E0];
	v2 =	vadd.f32 v3, v2;
	v3 =	vmul.f32 v53, v52  }
0x10e: {  	v59 =	vld [tilespmem:$0x1A50]  }
0x10f: {  	v60 =	vld [tilespmem:$0x31F0];
	v2 =	vadd.f32 v3, v2;
	v3 =	vmul.f32 v55, v54  }
0x110: {  	v61 =	vld [tilespmem:$0x1AD0]  }
0x111: {  	v62 =	vld [tilespmem:$0x3200];
	v2 =	vadd.f32 v3, v2;
	v3 =	vmul.f32 v57, v56  }
0x112: {  	v63 =	vld [tilespmem:$0x1B50]  }
0x113: {  	v12 =	vld [tilespmem:$0x3210];
	v2 =	vadd.f32 v3, v2;
	v3 =	vmul.f32 v59, v58  }
0x114: {  	v13 =	vld [tilespmem:$0x1BD0]  }
0x115: {  	v14 =	vld [tilespmem:$0x41A0];
	v2 =	vadd.f32 v3, v2;
	v3 =	vmul.f32 v61, v60  }
0x116: {  	v15 =	vld [tilespmem:$0x1C50]  }
0x117: {  	v16 =	vld [tilespmem:$0x41B0];
	v2 =	vadd.f32 v3, v2;
	v3 =	vmul.f32 v63, v62  }
0x118: {  	v17 =	vld [tilespmem:$0x1CD0]  }
0x119: {  	v18 =	vld [tilespmem:$0x1270];
	v2 =	vadd.f32 v3, v2;
	v3 =	vmul.f32 v13, v12  }
0x11a: {  	v19 =	vld [tilespmem:$0x12E0]  }
0x11b: {  	v20 =	vld [tilespmem:$0x1280];
	v2 =	vadd.f32 v3, v2;
	v3 =	vmul.f32 v15, v14  }
0x11c: {  	v21 =	vld [tilespmem:$0x1360]  }
0x11d: {  	v22 =	vld [tilespmem:$0x1290];
	v2 =	vadd.f32 v3, v2;
	v3 =	vmul.f32 v17, v16  }
0x11e: {  	v23 =	vld [tilespmem:$0x13E0]  }
0x11f: {  	v24 =	vld [tilespmem:$0x2220];
	v2 =	vadd.f32 v3, v2;
	v3 =	vmul.f32 v19, v18  }
0x120: {  	v25 =	vld [tilespmem:$0x1460]  }
0x121: {  	v26 =	vld [tilespmem:$0x2230];
	v2 =	vadd.f32 v3, v2;
	v3 =	vmul.f32 v21, v20  }
0x122: {  	v27 =	vld [tilespmem:$0x14E0]  }
0x123: {  	v28 =	vld [tilespmem:$0x2240];
	v2 =	vadd.f32 v3, v2;
	v3 =	vmul.f32 v23, v22  }
0x124: {  	v29 =	vld [tilespmem:$0x1560]  }
0x125: {  	v30 =	vld [tilespmem:$0x2250];
	v2 =	vadd.f32 v3, v2;
	v3 =	vmul.f32 v25, v24  }
0x126: {  	v31 =	vld [tilespmem:$0x15E0]  }
0x127: {  	v32 =	vld [tilespmem:$0x2260];
	v2 =	vadd.f32 v3, v2;
	v3 =	vmul.f32 v27, v26  }
0x128: {  	v33 =	vld [tilespmem:$0x1660]  }
0x129: {  	v34 =	vld [tilespmem:$0x2270];
	v2 =	vadd.f32 v3, v2;
	v3 =	vmul.f32 v29, v28  }
0x12a: {  	v35 =	vld [tilespmem:$0x16E0]  }
0x12b: {  	v36 =	vld [tilespmem:$0x2280];
	v2 =	vadd.f32 v3, v2;
	v3 =	vmul.f32 v31, v30  }
0x12c: {  	v37 =	vld [tilespmem:$0x1760]  }
0x12d: {  	v38 =	vld [tilespmem:$0x2290];
	v2 =	vadd.f32 v3, v2;
	v3 =	vmul.f32 v33, v32  }
0x12e: {  	v39 =	vld [tilespmem:$0x17E0]  }
0x12f: {  	v40 =	vld [tilespmem:$0x3220];
	v2 =	vadd.f32 v3, v2;
	v3 =	vmul.f32 v35, v34  }
0x130: {  	v41 =	vld [tilespmem:$0x1860]  }
0x131: {  	v42 =	vld [tilespmem:$0x3230];
	v2 =	vadd.f32 v3, v2;
	v3 =	vmul.f32 v37, v36  }
0x132: {  	v43 =	vld [tilespmem:$0x18E0]  }
0x133: {  	v44 =	vld [tilespmem:$0x3240];
	v2 =	vadd.f32 v3, v2;
	v3 =	vmul.f32 v39, v38  }
0x134: {  	v45 =	vld [tilespmem:$0x1960]  }
0x135: {  	v46 =	vld [tilespmem:$0x3250];
	v2 =	vadd.f32 v3, v2;
	v3 =	vmul.f32 v41, v40  }
0x136: {  	v47 =	vld [tilespmem:$0x19E0]  }
0x137: {  	v48 =	vld [tilespmem:$0x3260];
	v2 =	vadd.f32 v3, v2;
	v3 =	vmul.f32 v43, v42  }
0x138: {  	v49 =	vld [tilespmem:$0x1A60]  }
0x139: {  	v50 =	vld [tilespmem:$0x3270];
	v2 =	vadd.f32 v3, v2;
	v3 =	vmul.f32 v45, v44  }
0x13a: {  	v51 =	vld [tilespmem:$0x1AE0]  }
0x13b: {  	v52 =	vld [tilespmem:$0x3280];
	v2 =	vadd.f32 v3, v2;
	v3 =	vmul.f32 v47, v46  }
0x13c: {  	v53 =	vld [tilespmem:$0x1B60]  }
0x13d: {  	v54 =	vld [tilespmem:$0x3290];
	v2 =	vadd.f32 v3, v2;
	v3 =	vmul.f32 v49, v48  }
0x13e: {  	v55 =	vld [tilespmem:$0x1BE0]  }
0x13f: {  	v56 =	vld [tilespmem:$0x4220];
	v2 =	vadd.f32 v3, v2;
	v3 =	vmul.f32 v51, v50  }
0x140: {  	v57 =	vld [tilespmem:$0x1C60]  }
0x141: {  	v58 =	vld [tilespmem:$0x4230];
	v2 =	vadd.f32 v3, v2;
	v3 =	vmul.f32 v53, v52  }
0x142: {  	v59 =	vld [tilespmem:$0x1CE0]  }
0x143: {  	v60 =	vld [tilespmem:$0x1300];
	v2 =	vadd.f32 v3, v2;
	v3 =	vmul.f32 v55, v54  }
0x144: {  	v61 =	vld [tilespmem:$0x1370]  }
0x145: {  	v62 =	vld [tilespmem:$0x1310];
	v2 =	vadd.f32 v3, v2;
	v3 =	vmul.f32 v57, v56  }
0x146: {  	v63 =	vld [tilespmem:$0x13F0]  }
0x147: {  	v12 =	vld [tilespmem:$0x22A0];
	v2 =	vadd.f32 v3, v2;
	v3 =	vmul.f32 v59, v58  }
0x148: {  	v13 =	vld [tilespmem:$0x1470]  }
0x149: {  	v14 =	vld [tilespmem:$0x22B0];
	v2 =	vadd.f32 v3, v2;
	v3 =	vmul.f32 v61, v60  }
0x14a: {  	v15 =	vld [tilespmem:$0x14F0]  }
0x14b: {  	v16 =	vld [tilespmem:$0x22C0];
	v2 =	vadd.f32 v3, v2;
	v3 =	vmul.f32 v63, v62  }
0x14c: {  	v17 =	vld [tilespmem:$0x1570]  }
0x14d: {  	v18 =	vld [tilespmem:$0x22D0];
	v2 =	vadd.f32 v3, v2;
	v3 =	vmul.f32 v13, v12  }
0x14e: {  	v19 =	vld [tilespmem:$0x15F0]  }
0x14f: {  	v20 =	vld [tilespmem:$0x22E0];
	v2 =	vadd.f32 v3, v2;
	v3 =	vmul.f32 v15, v14  }
0x150: {  	v21 =	vld [tilespmem:$0x1670]  }
0x151: {  	v22 =	vld [tilespmem:$0x22F0];
	v2 =	vadd.f32 v3, v2;
	v3 =	vmul.f32 v17, v16  }
0x152: {  	v23 =	vld [tilespmem:$0x16F0]  }
0x153: {  	v24 =	vld [tilespmem:$0x2300];
	v2 =	vadd.f32 v3, v2;
	v3 =	vmul.f32 v19, v18  }
0x154: {  	v25 =	vld [tilespmem:$0x1770]  }
0x155: {  	v26 =	vld [tilespmem:$0x2310];
	v2 =	vadd.f32 v3, v2;
	v3 =	vmul.f32 v21, v20  }
0x156: {  	v27 =	vld [tilespmem:$0x17F0]  }
0x157: {  	v28 =	vld [tilespmem:$0x32A0];
	v2 =	vadd.f32 v3, v2;
	v3 =	vmul.f32 v23, v22  }
0x158: {  	v29 =	vld [tilespmem:$0x1870]  }
0x159: {  	v30 =	vld [tilespmem:$0x32B0];
	v2 =	vadd.f32 v3, v2;
	v3 =	vmul.f32 v25, v24  }
0x15a: {  	v31 =	vld [tilespmem:$0x18F0]  }
0x15b: {  	v32 =	vld [tilespmem:$0x32C0];
	v2 =	vadd.f32 v3, v2;
	v3 =	vmul.f32 v27, v26  }
0x15c: {  	v33 =	vld [tilespmem:$0x1970]  }
0x15d: {  	v34 =	vld [tilespmem:$0x32D0];
	v2 =	vadd.f32 v3, v2;
	v3 =	vmul.f32 v29, v28  }
0x15e: {  	v35 =	vld [tilespmem:$0x19F0]  }
0x15f: {  	v36 =	vld [tilespmem:$0x32E0];
	v2 =	vadd.f32 v3, v2;
	v3 =	vmul.f32 v31, v30  }
0x160: {  	v37 =	vld [tilespmem:$0x1A70]  }
0x161: {  	v38 =	vld [tilespmem:$0x32F0];
	v2 =	vadd.f32 v3, v2;
	v3 =	vmul.f32 v33, v32  }
0x162: {  	v39 =	vld [tilespmem:$0x1AF0]  }
0x163: {  	v40 =	vld [tilespmem:$0x3300];
	v2 =	vadd.f32 v3, v2;
	v3 =	vmul.f32 v35, v34  }
0x164: {  	v41 =	vld [tilespmem:$0x1B70]  }
0x165: {  	v42 =	vld [tilespmem:$0x3310];
	v2 =	vadd.f32 v3, v2;
	v3 =	vmul.f32 v37, v36  }
0x166: {  	v43 =	vld [tilespmem:$0x1BF0]  }
0x167: {  	v44 =	vld [tilespmem:$0x42A0];
	v2 =	vadd.f32 v3, v2;
	v3 =	vmul.f32 v39, v38  }
0x168: {  	v45 =	vld [tilespmem:$0x1C70]  }
0x169: {  	v46 =	vld [tilespmem:$0x42B0];
	v2 =	vadd.f32 v3, v2;
	v3 =	vmul.f32 v41, v40  }
0x16a: {  	v47 =	vld [tilespmem:$0x1CF0]  }
0x16b: {  	v48 =	vld [tilespmem:$0x1390];
	v2 =	vadd.f32 v3, v2;
	v3 =	vmul.f32 v43, v42  }
0x16c: {  	v49 =	vld [tilespmem:$0x1400]  }
0x16d: {  	v50 =	vld [tilespmem:$0x2320];
	v2 =	vadd.f32 v3, v2;
	v3 =	vmul.f32 v45, v44  }
0x16e: {  	v51 =	vld [tilespmem:$0x1480]  }
0x16f: {  	v52 =	vld [tilespmem:$0x2330];
	v2 =	vadd.f32 v3, v2;
	v3 =	vmul.f32 v47, v46  }
0x170: {  	v53 =	vld [tilespmem:$0x1500]  }
0x171: {  	v54 =	vld [tilespmem:$0x2340];
	v2 =	vadd.f32 v3, v2;
	v3 =	vmul.f32 v49, v48  }
0x172: {  	v55 =	vld [tilespmem:$0x1580]  }
0x173: {  	v56 =	vld [tilespmem:$0x2350];
	v2 =	vadd.f32 v3, v2;
	v3 =	vmul.f32 v51, v50  }
0x174: {  	v57 =	vld [tilespmem:$0x1600]  }
0x175: {  	v58 =	vld [tilespmem:$0x2360];
	v2 =	vadd.f32 v3, v2;
	v3 =	vmul.f32 v53, v52  }
0x176: {  	v59 =	vld [tilespmem:$0x1680]  }
0x177: {  	v60 =	vld [tilespmem:$0x2370];
	v2 =	vadd.f32 v3, v2;
	v3 =	vmul.f32 v55, v54  }
0x178: {  	v61 =	vld [tilespmem:$0x1700]  }
0x179: {  	v62 =	vld [tilespmem:$0x2380];
	v2 =	vadd.f32 v3, v2;
	v3 =	vmul.f32 v57, v56  }
0x17a: {  	v63 =	vld [tilespmem:$0x1780]  }
0x17b: {  	v12 =	vld [tilespmem:$0x2390];
	v2 =	vadd.f32 v3, v2;
	v3 =	vmul.f32 v59, v58  }
0x17c: {  	v13 =	vld [tilespmem:$0x1800]  }
0x17d: {  	v14 =	vld [tilespmem:$0x3320];
	v2 =	vadd.f32 v3, v2;
	v3 =	vmul.f32 v61, v60  }
0x17e: {  	v15 =	vld [tilespmem:$0x1880]  }
0x17f: {  	v16 =	vld [tilespmem:$0x3330];
	v2 =	vadd.f32 v3, v2;
	v3 =	vmul.f32 v63, v62  }
0x180: {  	v17 =	vld [tilespmem:$0x1900]  }
0x181: {  	v18 =	vld [tilespmem:$0x3340];
	v2 =	vadd.f32 v3, v2;
	v3 =	vmul.f32 v13, v12  }
0x182: {  	v19 =	vld [tilespmem:$0x1980]  }
0x183: {  	v20 =	vld [tilespmem:$0x3350];
	v2 =	vadd.f32 v3, v2;
	v3 =	vmul.f32 v15, v14  }
0x184: {  	v21 =	vld [tilespmem:$0x1A00]  }
0x185: {  	v22 =	vld [tilespmem:$0x3360];
	v2 =	vadd.f32 v3, v2;
	v3 =	vmul.f32 v17, v16  }
0x186: {  	v23 =	vld [tilespmem:$0x1A80]  }
0x187: {  	v24 =	vld [tilespmem:$0x3370];
	v2 =	vadd.f32 v3, v2;
	v3 =	vmul.f32 v19, v18  }
0x188: {  	v25 =	vld [tilespmem:$0x1B00]  }
0x189: {  	v26 =	vld [tilespmem:$0x3380];
	v2 =	vadd.f32 v3, v2;
	v3 =	vmul.f32 v21, v20  }
0x18a: {  	v27 =	vld [tilespmem:$0x1B80]  }
0x18b: {  	v28 =	vld [tilespmem:$0x3390];
	v2 =	vadd.f32 v3, v2;
	v3 =	vmul.f32 v23, v22  }
0x18c: {  	v29 =	vld [tilespmem:$0x1C00]  }
0x18d: {  	v30 =	vld [tilespmem:$0x4320];
	v2 =	vadd.f32 v3, v2;
	v3 =	vmul.f32 v25, v24  }
0x18e: {  	v31 =	vld [tilespmem:$0x1C80]  }
0x18f: {  	v32 =	vld [tilespmem:$0x4330];
	v2 =	vadd.f32 v3, v2;
	v3 =	vmul.f32 v27, v26  }
0x190: {  	v33 =	vld [tilespmem:$0x1D00]  }
0x191: {  	v34 =	vld [tilespmem:$0x23A0];
	v2 =	vadd.f32 v3, v2;
	v3 =	vmul.f32 v29, v28  }
0x192: {  	v35 =	vld [tilespmem:$0x1490]  }
0x193: {  	v36 =	vld [tilespmem:$0x23B0];
	v2 =	vadd.f32 v3, v2;
	v3 =	vmul.f32 v31, v30  }
0x194: {  	v37 =	vld [tilespmem:$0x1510]  }
0x195: {  	v38 =	vld [tilespmem:$0x23C0];
	v2 =	vadd.f32 v3, v2;
	v3 =	vmul.f32 v33, v32  }
0x196: {  	v39 =	vld [tilespmem:$0x1590]  }
0x197: {  	v40 =	vld [tilespmem:$0x23D0];
	v2 =	vadd.f32 v3, v2;
	v3 =	vmul.f32 v35, v34  }
0x198: {  	v41 =	vld [tilespmem:$0x1610]  }
0x199: {  	v42 =	vld [tilespmem:$0x23E0];
	v2 =	vadd.f32 v3, v2;
	v3 =	vmul.f32 v37, v36  }
0x19a: {  	v43 =	vld [tilespmem:$0x1690]  }
0x19b: {  	v44 =	vld [tilespmem:$0x23F0];
	v2 =	vadd.f32 v3, v2;
	v3 =	vmul.f32 v39, v38  }
0x19c: {  	v45 =	vld [tilespmem:$0x1710]  }
0x19d: {  	v46 =	vld [tilespmem:$0x2400];
	v2 =	vadd.f32 v3, v2;
	v3 =	vmul.f32 v41, v40  }
0x19e: {  	v47 =	vld [tilespmem:$0x1790]  }
0x19f: {  	v48 =	vld [tilespmem:$0x2410];
	v2 =	vadd.f32 v3, v2;
	v3 =	vmul.f32 v43, v42  }
0x1a0: {  	v49 =	vld [tilespmem:$0x1810]  }
0x1a1: {  	v50 =	vld [tilespmem:$0x33A0];
	v2 =	vadd.f32 v3, v2;
	v3 =	vmul.f32 v45, v44  }
0x1a2: {  	v51 =	vld [tilespmem:$0x1890]  }
0x1a3: {  	v52 =	vld [tilespmem:$0x33B0];
	v2 =	vadd.f32 v3, v2;
	v3 =	vmul.f32 v47, v46  }
0x1a4: {  	v53 =	vld [tilespmem:$0x1910]  }
0x1a5: {  	v54 =	vld [tilespmem:$0x33C0];
	v2 =	vadd.f32 v3, v2;
	v3 =	vmul.f32 v49, v48  }
0x1a6: {  	v55 =	vld [tilespmem:$0x1990]  }
0x1a7: {  	v56 =	vld [tilespmem:$0x33D0];
	v2 =	vadd.f32 v3, v2;
	v3 =	vmul.f32 v51, v50  }
0x1a8: {  	v57 =	vld [tilespmem:$0x1A10]  }
0x1a9: {  	v58 =	vld [tilespmem:$0x33E0];
	v2 =	vadd.f32 v3, v2;
	v3 =	vmul.f32 v53, v52  }
0x1aa: {  	v59 =	vld [tilespmem:$0x1A90]  }
0x1ab: {  	v60 =	vld [tilespmem:$0x33F0];
	v2 =	vadd.f32 v3, v2;
	v3 =	vmul.f32 v55, v54  }
0x1ac: {  	v61 =	vld [tilespmem:$0x1B10]  }
0x1ad: {  	v62 =	vld [tilespmem:$0x3400];
	v2 =	vadd.f32 v3, v2;
	v3 =	vmul.f32 v57, v56  }
0x1ae: {  	v63 =	vld [tilespmem:$0x1B90]  }
0x1af: {  	v12 =	vld [tilespmem:$0x3410];
	v2 =	vadd.f32 v3, v2;
	v3 =	vmul.f32 v59, v58  }
0x1b0: {  	v13 =	vld [tilespmem:$0x1C10]  }
0x1b1: {  	v14 =	vld [tilespmem:$0x43A0];
	v2 =	vadd.f32 v3, v2;
	v3 =	vmul.f32 v61, v60  }
0x1b2: {  	v15 =	vld [tilespmem:$0x1C90]  }
0x1b3: {  	v16 =	vld [tilespmem:$0x43B0];
	v2 =	vadd.f32 v3, v2;
	v3 =	vmul.f32 v63, v62  }
0x1b4: {  	v17 =	vld [tilespmem:$0x1D10]  }
0x1b5: {  	v18 =	vld [tilespmem:$0x2430];
	v2 =	vadd.f32 v3, v2;
	v3 =	vmul.f32 v13, v12  }
0x1b6: {  	v19 =	vld [tilespmem:$0x24A0]  }
0x1b7: {  	v20 =	vld [tilespmem:$0x2440];
	v2 =	vadd.f32 v3, v2;
	v3 =	vmul.f32 v15, v14  }
0x1b8: {  	v21 =	vld [tilespmem:$0x2520]  }
0x1b9: {  	v22 =	vld [tilespmem:$0x2450];
	v2 =	vadd.f32 v3, v2;
	v3 =	vmul.f32 v17, v16  }
0x1ba: {  	v23 =	vld [tilespmem:$0x25A0]  }
0x1bb: {  	v24 =	vld [tilespmem:$0x2460];
	v2 =	vadd.f32 v3, v2;
	v3 =	vmul.f32 v19, v18  }
0x1bc: {  	v25 =	vld [tilespmem:$0x2620]  }
0x1bd: {  	v26 =	vld [tilespmem:$0x2470];
	v2 =	vadd.f32 v3, v2;
	v3 =	vmul.f32 v21, v20  }
0x1be: {  	v27 =	vld [tilespmem:$0x26A0]  }
0x1bf: {  	v28 =	vld [tilespmem:$0x2480];
	v2 =	vadd.f32 v3, v2;
	v3 =	vmul.f32 v23, v22  }
0x1c0: {  	v29 =	vld [tilespmem:$0x2720]  }
0x1c1: {  	v30 =	vld [tilespmem:$0x2490];
	v2 =	vadd.f32 v3, v2;
	v3 =	vmul.f32 v25, v24  }
0x1c2: {  	v31 =	vld [tilespmem:$0x27A0]  }
0x1c3: {  	v32 =	vld [tilespmem:$0x3420];
	v2 =	vadd.f32 v3, v2;
	v3 =	vmul.f32 v27, v26  }
0x1c4: {  	v33 =	vld [tilespmem:$0x2820]  }
0x1c5: {  	v34 =	vld [tilespmem:$0x3430];
	v2 =	vadd.f32 v3, v2;
	v3 =	vmul.f32 v29, v28  }
0x1c6: {  	v35 =	vld [tilespmem:$0x28A0]  }
0x1c7: {  	v36 =	vld [tilespmem:$0x3440];
	v2 =	vadd.f32 v3, v2;
	v3 =	vmul.f32 v31, v30  }
0x1c8: {  	v37 =	vld [tilespmem:$0x2920]  }
0x1c9: {  	v38 =	vld [tilespmem:$0x3450];
	v2 =	vadd.f32 v3, v2;
	v3 =	vmul.f32 v33, v32  }
0x1ca: {  	v39 =	vld [tilespmem:$0x29A0]  }
0x1cb: {  	v40 =	vld [tilespmem:$0x3460];
	v2 =	vadd.f32 v3, v2;
	v3 =	vmul.f32 v35, v34  }
0x1cc: {  	v41 =	vld [tilespmem:$0x2A20]  }
0x1cd: {  	v42 =	vld [tilespmem:$0x3470];
	v2 =	vadd.f32 v3, v2;
	v3 =	vmul.f32 v37, v36  }
0x1ce: {  	v43 =	vld [tilespmem:$0x2AA0]  }
0x1cf: {  	v44 =	vld [tilespmem:$0x3480];
	v2 =	vadd.f32 v3, v2;
	v3 =	vmul.f32 v39, v38  }
0x1d0: {  	v45 =	vld [tilespmem:$0x2B20]  }
0x1d1: {  	v46 =	vld [tilespmem:$0x3490];
	v2 =	vadd.f32 v3, v2;
	v3 =	vmul.f32 v41, v40  }
0x1d2: {  	v47 =	vld [tilespmem:$0x2BA0]  }
0x1d3: {  	v48 =	vld [tilespmem:$0x4420];
	v2 =	vadd.f32 v3, v2;
	v3 =	vmul.f32 v43, v42  }
0x1d4: {  	v49 =	vld [tilespmem:$0x2C20]  }
0x1d5: {  	v50 =	vld [tilespmem:$0x4430];
	v2 =	vadd.f32 v3, v2;
	v3 =	vmul.f32 v45, v44  }
0x1d6: {  	v51 =	vld [tilespmem:$0x2CA0]  }
0x1d7: {  	v52 =	vld [tilespmem:$0x24C0];
	v2 =	vadd.f32 v3, v2;
	v3 =	vmul.f32 v47, v46  }
0x1d8: {  	v53 =	vld [tilespmem:$0x2530]  }
0x1d9: {  	v54 =	vld [tilespmem:$0x24D0];
	v2 =	vadd.f32 v3, v2;
	v3 =	vmul.f32 v49, v48  }
0x1da: {  	v55 =	vld [tilespmem:$0x25B0]  }
0x1db: {  	v56 =	vld [tilespmem:$0x24E0];
	v2 =	vadd.f32 v3, v2;
	v3 =	vmul.f32 v51, v50  }
0x1dc: {  	v57 =	vld [tilespmem:$0x2630]  }
0x1dd: {  	v58 =	vld [tilespmem:$0x24F0];
	v2 =	vadd.f32 v3, v2;
	v3 =	vmul.f32 v53, v52  }
0x1de: {  	v59 =	vld [tilespmem:$0x26B0]  }
0x1df: {  	v60 =	vld [tilespmem:$0x2500];
	v2 =	vadd.f32 v3, v2;
	v3 =	vmul.f32 v55, v54  }
0x1e0: {  	v61 =	vld [tilespmem:$0x2730]  }
0x1e1: {  	v62 =	vld [tilespmem:$0x2510];
	v2 =	vadd.f32 v3, v2;
	v3 =	vmul.f32 v57, v56  }
0x1e2: {  	v63 =	vld [tilespmem:$0x27B0]  }
0x1e3: {  	v12 =	vld [tilespmem:$0x34A0];
	v2 =	vadd.f32 v3, v2;
	v3 =	vmul.f32 v59, v58  }
0x1e4: {  	v13 =	vld [tilespmem:$0x2830]  }
0x1e5: {  	v14 =	vld [tilespmem:$0x34B0];
	v2 =	vadd.f32 v3, v2;
	v3 =	vmul.f32 v61, v60  }
0x1e6: {  	v15 =	vld [tilespmem:$0x28B0]  }
0x1e7: {  	v16 =	vld [tilespmem:$0x34C0];
	v2 =	vadd.f32 v3, v2;
	v3 =	vmul.f32 v63, v62  }
0x1e8: {  	v17 =	vld [tilespmem:$0x2930]  }
0x1e9: {  	v18 =	vld [tilespmem:$0x34D0];
	v2 =	vadd.f32 v3, v2;
	v3 =	vmul.f32 v13, v12  }
0x1ea: {  	v19 =	vld [tilespmem:$0x29B0]  }
0x1eb: {  	v20 =	vld [tilespmem:$0x34E0];
	v2 =	vadd.f32 v3, v2;
	v3 =	vmul.f32 v15, v14  }
0x1ec: {  	v21 =	vld [tilespmem:$0x2A30]  }
0x1ed: {  	v22 =	vld [tilespmem:$0x34F0];
	v2 =	vadd.f32 v3, v2;
	v3 =	vmul.f32 v17, v16  }
0x1ee: {  	v23 =	vld [tilespmem:$0x2AB0]  }
0x1ef: {  	v24 =	vld [tilespmem:$0x3500];
	v2 =	vadd.f32 v3, v2;
	v3 =	vmul.f32 v19, v18  }
0x1f0: {  	v25 =	vld [tilespmem:$0x2B30]  }
0x1f1: {  	v26 =	vld [tilespmem:$0x3510];
	v2 =	vadd.f32 v3, v2;
	v3 =	vmul.f32 v21, v20  }
0x1f2: {  	v27 =	vld [tilespmem:$0x2BB0]  }
0x1f3: {  	v28 =	vld [tilespmem:$0x44A0];
	v2 =	vadd.f32 v3, v2;
	v3 =	vmul.f32 v23, v22  }
0x1f4: {  	v29 =	vld [tilespmem:$0x2C30]  }
0x1f5: {  	v30 =	vld [tilespmem:$0x44B0];
	v2 =	vadd.f32 v3, v2;
	v3 =	vmul.f32 v25, v24  }
0x1f6: {  	v31 =	vld [tilespmem:$0x2CB0]  }
0x1f7: {  	v32 =	vld [tilespmem:$0x2550];
	v2 =	vadd.f32 v3, v2;
	v3 =	vmul.f32 v27, v26  }
0x1f8: {  	v33 =	vld [tilespmem:$0x25C0]  }
0x1f9: {  	v34 =	vld [tilespmem:$0x2560];
	v2 =	vadd.f32 v3, v2;
	v3 =	vmul.f32 v29, v28  }
0x1fa: {  	v35 =	vld [tilespmem:$0x2640]  }
0x1fb: {  	v36 =	vld [tilespmem:$0x2570];
	v2 =	vadd.f32 v3, v2;
	v3 =	vmul.f32 v31, v30  }
0x1fc: {  	v37 =	vld [tilespmem:$0x26C0]  }
0x1fd: {  	v38 =	vld [tilespmem:$0x2580];
	v2 =	vadd.f32 v3, v2;
	v3 =	vmul.f32 v33, v32  }
0x1fe: {  	v39 =	vld [tilespmem:$0x2740]  }
0x1ff: {  	v40 =	vld [tilespmem:$0x2590];
	v2 =	vadd.f32 v3, v2;
	v3 =	vmul.f32 v35, v34  }
0x200: {  	v41 =	vld [tilespmem:$0x27C0]  }
0x201: {  	v42 =	vld [tilespmem:$0x3520];
	v2 =	vadd.f32 v3, v2;
	v3 =	vmul.f32 v37, v36  }
0x202: {  	v43 =	vld [tilespmem:$0x2840]  }
0x203: {  	v44 =	vld [tilespmem:$0x3530];
	v2 =	vadd.f32 v3, v2;
	v3 =	vmul.f32 v39, v38  }
0x204: {  	v45 =	vld [tilespmem:$0x28C0]  }
0x205: {  	v46 =	vld [tilespmem:$0x3540];
	v2 =	vadd.f32 v3, v2;
	v3 =	vmul.f32 v41, v40  }
0x206: {  	v47 =	vld [tilespmem:$0x2940]  }
0x207: {  	v48 =	vld [tilespmem:$0x3550];
	v2 =	vadd.f32 v3, v2;
	v3 =	vmul.f32 v43, v42  }
0x208: {  	v49 =	vld [tilespmem:$0x29C0]  }
0x209: {  	v50 =	vld [tilespmem:$0x3560];
	v2 =	vadd.f32 v3, v2;
	v3 =	vmul.f32 v45, v44  }
0x20a: {  	v51 =	vld [tilespmem:$0x2A40]  }
0x20b: {  	v52 =	vld [tilespmem:$0x3570];
	v2 =	vadd.f32 v3, v2;
	v3 =	vmul.f32 v47, v46  }
0x20c: {  	v53 =	vld [tilespmem:$0x2AC0]  }
0x20d: {  	v54 =	vld [tilespmem:$0x3580];
	v2 =	vadd.f32 v3, v2;
	v3 =	vmul.f32 v49, v48  }
0x20e: {  	v55 =	vld [tilespmem:$0x2B40]  }
0x20f: {  	v56 =	vld [tilespmem:$0x3590];
	v2 =	vadd.f32 v3, v2;
	v3 =	vmul.f32 v51, v50  }
0x210: {  	v57 =	vld [tilespmem:$0x2BC0]  }
0x211: {  	v58 =	vld [tilespmem:$0x4520];
	v2 =	vadd.f32 v3, v2;
	v3 =	vmul.f32 v53, v52  }
0x212: {  	v59 =	vld [tilespmem:$0x2C40]  }
0x213: {  	v60 =	vld [tilespmem:$0x4530];
	v2 =	vadd.f32 v3, v2;
	v3 =	vmul.f32 v55, v54  }
0x214: {  	v61 =	vld [tilespmem:$0x2CC0]  }
0x215: {  	v62 =	vld [tilespmem:$0x25E0];
	v2 =	vadd.f32 v3, v2;
	v3 =	vmul.f32 v57, v56  }
0x216: {  	v63 =	vld [tilespmem:$0x2650]  }
0x217: {  	v12 =	vld [tilespmem:$0x25F0];
	v2 =	vadd.f32 v3, v2;
	v3 =	vmul.f32 v59, v58  }
0x218: {  	v13 =	vld [tilespmem:$0x26D0]  }
0x219: {  	v14 =	vld [tilespmem:$0x2600];
	v2 =	vadd.f32 v3, v2;
	v3 =	vmul.f32 v61, v60  }
0x21a: {  	v15 =	vld [tilespmem:$0x2750]  }
0x21b: {  	v16 =	vld [tilespmem:$0x2610];
	v2 =	vadd.f32 v3, v2;
	v3 =	vmul.f32 v63, v62  }
0x21c: {  	v17 =	vld [tilespmem:$0x27D0]  }
0x21d: {  	v18 =	vld [tilespmem:$0x35A0];
	v2 =	vadd.f32 v3, v2;
	v3 =	vmul.f32 v13, v12  }
0x21e: {  	v19 =	vld [tilespmem:$0x2850]  }
0x21f: {  	v20 =	vld [tilespmem:$0x35B0];
	v2 =	vadd.f32 v3, v2;
	v3 =	vmul.f32 v15, v14  }
0x220: {  	v21 =	vld [tilespmem:$0x28D0]  }
0x221: {  	v22 =	vld [tilespmem:$0x35C0];
	v2 =	vadd.f32 v3, v2;
	v3 =	vmul.f32 v17, v16  }
0x222: {  	v23 =	vld [tilespmem:$0x2950]  }
0x223: {  	v24 =	vld [tilespmem:$0x35D0];
	v2 =	vadd.f32 v3, v2;
	v3 =	vmul.f32 v19, v18  }
0x224: {  	v25 =	vld [tilespmem:$0x29D0]  }
0x225: {  	v26 =	vld [tilespmem:$0x35E0];
	v2 =	vadd.f32 v3, v2;
	v3 =	vmul.f32 v21, v20  }
0x226: {  	v27 =	vld [tilespmem:$0x2A50]  }
0x227: {  	v28 =	vld [tilespmem:$0x35F0];
	v2 =	vadd.f32 v3, v2;
	v3 =	vmul.f32 v23, v22  }
0x228: {  	v29 =	vld [tilespmem:$0x2AD0]  }
0x229: {  	v30 =	vld [tilespmem:$0x3600];
	v2 =	vadd.f32 v3, v2;
	v3 =	vmul.f32 v25, v24  }
0x22a: {  	v31 =	vld [tilespmem:$0x2B50]  }
0x22b: {  	v32 =	vld [tilespmem:$0x3610];
	v2 =	vadd.f32 v3, v2;
	v3 =	vmul.f32 v27, v26  }
0x22c: {  	v33 =	vld [tilespmem:$0x2BD0]  }
0x22d: {  	v34 =	vld [tilespmem:$0x45A0];
	v2 =	vadd.f32 v3, v2;
	v3 =	vmul.f32 v29, v28  }
0x22e: {  	v35 =	vld [tilespmem:$0x2C50]  }
0x22f: {  	v36 =	vld [tilespmem:$0x45B0];
	v2 =	vadd.f32 v3, v2;
	v3 =	vmul.f32 v31, v30  }
0x230: {  	v37 =	vld [tilespmem:$0x2CD0]  }
0x231: {  	v38 =	vld [tilespmem:$0x2670];
	v2 =	vadd.f32 v3, v2;
	v3 =	vmul.f32 v33, v32  }
0x232: {  	v39 =	vld [tilespmem:$0x26E0]  }
0x233: {  	v40 =	vld [tilespmem:$0x2680];
	v2 =	vadd.f32 v3, v2;
	v3 =	vmul.f32 v35, v34  }
0x234: {  	v41 =	vld [tilespmem:$0x2760]  }
0x235: {  	v42 =	vld [tilespmem:$0x2690];
	v2 =	vadd.f32 v3, v2;
	v3 =	vmul.f32 v37, v36  }
0x236: {  	v43 =	vld [tilespmem:$0x27E0]  }
0x237: {  	v44 =	vld [tilespmem:$0x3620];
	v2 =	vadd.f32 v3, v2;
	v3 =	vmul.f32 v39, v38  }
0x238: {  	v45 =	vld [tilespmem:$0x2860]  }
0x239: {  	v46 =	vld [tilespmem:$0x3630];
	v2 =	vadd.f32 v3, v2;
	v3 =	vmul.f32 v41, v40  }
0x23a: {  	v47 =	vld [tilespmem:$0x28E0]  }
0x23b: {  	v48 =	vld [tilespmem:$0x3640];
	v2 =	vadd.f32 v3, v2;
	v3 =	vmul.f32 v43, v42  }
0x23c: {  	v49 =	vld [tilespmem:$0x2960]  }
0x23d: {  	v50 =	vld [tilespmem:$0x3650];
	v2 =	vadd.f32 v3, v2;
	v3 =	vmul.f32 v45, v44  }
0x23e: {  	v51 =	vld [tilespmem:$0x29E0]  }
0x23f: {  	v52 =	vld [tilespmem:$0x3660];
	v2 =	vadd.f32 v3, v2;
	v3 =	vmul.f32 v47, v46  }
0x240: {  	v53 =	vld [tilespmem:$0x2A60]  }
0x241: {  	v54 =	vld [tilespmem:$0x3670];
	v2 =	vadd.f32 v3, v2;
	v3 =	vmul.f32 v49, v48  }
0x242: {  	v55 =	vld [tilespmem:$0x2AE0]  }
0x243: {  	v56 =	vld [tilespmem:$0x3680];
	v2 =	vadd.f32 v3, v2;
	v3 =	vmul.f32 v51, v50  }
0x244: {  	v57 =	vld [tilespmem:$0x2B60]  }
0x245: {  	v58 =	vld [tilespmem:$0x3690];
	v2 =	vadd.f32 v3, v2;
	v3 =	vmul.f32 v53, v52  }
0x246: {  	v59 =	vld [tilespmem:$0x2BE0]  }
0x247: {  	v60 =	vld [tilespmem:$0x4620];
	v2 =	vadd.f32 v3, v2;
	v3 =	vmul.f32 v55, v54  }
0x248: {  	v61 =	vld [tilespmem:$0x2C60]  }
0x249: {  	v62 =	vld [tilespmem:$0x4630];
	v2 =	vadd.f32 v3, v2;
	v3 =	vmul.f32 v57, v56  }
0x24a: {  	v63 =	vld [tilespmem:$0x2CE0]  }
0x24b: {  	v12 =	vld [tilespmem:$0x2700];
	v2 =	vadd.f32 v3, v2;
	v3 =	vmul.f32 v59, v58  }
0x24c: {  	v13 =	vld [tilespmem:$0x2770]  }
0x24d: {  	v14 =	vld [tilespmem:$0x2710];
	v2 =	vadd.f32 v3, v2;
	v3 =	vmul.f32 v61, v60  }
0x24e: {  	v15 =	vld [tilespmem:$0x27F0]  }
0x24f: {  	v16 =	vld [tilespmem:$0x36A0];
	v2 =	vadd.f32 v3, v2;
	v3 =	vmul.f32 v63, v62  }
0x250: {  	v17 =	vld [tilespmem:$0x2870]  }
0x251: {  	v18 =	vld [tilespmem:$0x36B0];
	v2 =	vadd.f32 v3, v2;
	v3 =	vmul.f32 v13, v12  }
0x252: {  	v19 =	vld [tilespmem:$0x28F0]  }
0x253: {  	v20 =	vld [tilespmem:$0x36C0];
	v2 =	vadd.f32 v3, v2;
	v3 =	vmul.f32 v15, v14  }
0x254: {  	v21 =	vld [tilespmem:$0x2970]  }
0x255: {  	v22 =	vld [tilespmem:$0x36D0];
	v2 =	vadd.f32 v3, v2;
	v3 =	vmul.f32 v17, v16  }
0x256: {  	v23 =	vld [tilespmem:$0x29F0]  }
0x257: {  	v24 =	vld [tilespmem:$0x36E0];
	v2 =	vadd.f32 v3, v2;
	v3 =	vmul.f32 v19, v18  }
0x258: {  	v25 =	vld [tilespmem:$0x2A70]  }
0x259: {  	v26 =	vld [tilespmem:$0x36F0];
	v2 =	vadd.f32 v3, v2;
	v3 =	vmul.f32 v21, v20  }
0x25a: {  	v27 =	vld [tilespmem:$0x2AF0]  }
0x25b: {  	v28 =	vld [tilespmem:$0x3700];
	v2 =	vadd.f32 v3, v2;
	v3 =	vmul.f32 v23, v22  }
0x25c: {  	v29 =	vld [tilespmem:$0x2B70]  }
0x25d: {  	v30 =	vld [tilespmem:$0x3710];
	v2 =	vadd.f32 v3, v2;
	v3 =	vmul.f32 v25, v24  }
0x25e: {  	v31 =	vld [tilespmem:$0x2BF0]  }
0x25f: {  	v32 =	vld [tilespmem:$0x46A0];
	v2 =	vadd.f32 v3, v2;
	v3 =	vmul.f32 v27, v26  }
0x260: {  	v33 =	vld [tilespmem:$0x2C70]  }
0x261: {  	v34 =	vld [tilespmem:$0x46B0];
	v2 =	vadd.f32 v3, v2;
	v3 =	vmul.f32 v29, v28  }
0x262: {  	v35 =	vld [tilespmem:$0x2CF0]  }
0x263: {  	v36 =	vld [tilespmem:$0x2790];
	v2 =	vadd.f32 v3, v2;
	v3 =	vmul.f32 v31, v30  }
0x264: {  	v37 =	vld [tilespmem:$0x2800]  }
0x265: {  	v38 =	vld [tilespmem:$0x3720];
	v2 =	vadd.f32 v3, v2;
	v3 =	vmul.f32 v33, v32  }
0x266: {  	v39 =	vld [tilespmem:$0x2880]  }
0x267: {  	v40 =	vld [tilespmem:$0x3730];
	v2 =	vadd.f32 v3, v2;
	v3 =	vmul.f32 v35, v34  }
0x268: {  	v41 =	vld [tilespmem:$0x2900]  }
0x269: {  	v42 =	vld [tilespmem:$0x3740];
	v2 =	vadd.f32 v3, v2;
	v3 =	vmul.f32 v37, v36  }
0x26a: {  	v43 =	vld [tilespmem:$0x2980]  }
0x26b: {  	v44 =	vld [tilespmem:$0x3750];
	v2 =	vadd.f32 v3, v2;
	v3 =	vmul.f32 v39, v38  }
0x26c: {  	v45 =	vld [tilespmem:$0x2A00]  }
0x26d: {  	v46 =	vld [tilespmem:$0x3760];
	v2 =	vadd.f32 v3, v2;
	v3 =	vmul.f32 v41, v40  }
0x26e: {  	v47 =	vld [tilespmem:$0x2A80]  }
0x26f: {  	v48 =	vld [tilespmem:$0x3770];
	v2 =	vadd.f32 v3, v2;
	v3 =	vmul.f32 v43, v42  }
0x270: {  	v49 =	vld [tilespmem:$0x2B00]  }
0x271: {  	v50 =	vld [tilespmem:$0x3780];
	v2 =	vadd.f32 v3, v2;
	v3 =	vmul.f32 v45, v44  }
0x272: {  	v51 =	vld [tilespmem:$0x2B80]  }
0x273: {  	v52 =	vld [tilespmem:$0x3790];
	v2 =	vadd.f32 v3, v2;
	v3 =	vmul.f32 v47, v46  }
0x274: {  	v53 =	vld [tilespmem:$0x2C00]  }
0x275: {  	v54 =	vld [tilespmem:$0x4720];
	v2 =	vadd.f32 v3, v2;
	v3 =	vmul.f32 v49, v48  }
0x276: {  	v55 =	vld [tilespmem:$0x2C80]  }
0x277: {  	v56 =	vld [tilespmem:$0x4730];
	v2 =	vadd.f32 v3, v2;
	v3 =	vmul.f32 v51, v50  }
0x278: {  	v57 =	vld [tilespmem:$0x2D00]  }
0x279: {  	v58 =	vld [tilespmem:$0x37A0];
	v2 =	vadd.f32 v3, v2;
	v3 =	vmul.f32 v53, v52  }
0x27a: {  	v59 =	vld [tilespmem:$0x2890]  }
0x27b: {  	v60 =	vld [tilespmem:$0x37B0];
	v2 =	vadd.f32 v3, v2;
	v3 =	vmul.f32 v55, v54  }
0x27c: {  	v61 =	vld [tilespmem:$0x2910]  }
0x27d: {  	v62 =	vld [tilespmem:$0x37C0];
	v2 =	vadd.f32 v3, v2;
	v3 =	vmul.f32 v57, v56  }
0x27e: {  	v63 =	vld [tilespmem:$0x2990]  }
0x27f: {  	v12 =	vld [tilespmem:$0x37D0];
	v2 =	vadd.f32 v3, v2;
	v3 =	vmul.f32 v59, v58  }
0x280: {  	v13 =	vld [tilespmem:$0x2A10]  }
0x281: {  	v14 =	vld [tilespmem:$0x37E0];
	v2 =	vadd.f32 v3, v2;
	v3 =	vmul.f32 v61, v60  }
0x282: {  	v15 =	vld [tilespmem:$0x2A90]  }
0x283: {  	v16 =	vld [tilespmem:$0x37F0];
	v2 =	vadd.f32 v3, v2;
	v3 =	vmul.f32 v63, v62  }
0x284: {  	v17 =	vld [tilespmem:$0x2B10]  }
0x285: {  	v18 =	vld [tilespmem:$0x3800];
	v2 =	vadd.f32 v3, v2;
	v3 =	vmul.f32 v13, v12  }
0x286: {  	v19 =	vld [tilespmem:$0x2B90]  }
0x287: {  	v20 =	vld [tilespmem:$0x3810];
	v2 =	vadd.f32 v3, v2;
	v3 =	vmul.f32 v15, v14  }
0x288: {  	v21 =	vld [tilespmem:$0x2C10]  }
0x289: {  	v22 =	vld [tilespmem:$0x47A0];
	v2 =	vadd.f32 v3, v2;
	v3 =	vmul.f32 v17, v16  }
0x28a: {  	v23 =	vld [tilespmem:$0x2C90]  }
0x28b: {  	v24 =	vld [tilespmem:$0x47B0];
	v2 =	vadd.f32 v3, v2;
	v3 =	vmul.f32 v19, v18  }
0x28c: {  	v25 =	vld [tilespmem:$0x2D10]  }
0x28d: {  	v26 =	vld [tilespmem:$0x3830];
	v2 =	vadd.f32 v3, v2;
	v3 =	vmul.f32 v21, v20  }
0x28e: {  	v27 =	vld [tilespmem:$0x38A0]  }
0x28f: {  	v28 =	vld [tilespmem:$0x3840];
	v2 =	vadd.f32 v3, v2;
	v3 =	vmul.f32 v23, v22  }
0x290: {  	v29 =	vld [tilespmem:$0x3920]  }
0x291: {  	v30 =	vld [tilespmem:$0x3850];
	v2 =	vadd.f32 v3, v2;
	v3 =	vmul.f32 v25, v24  }
0x292: {  	v31 =	vld [tilespmem:$0x39A0]  }
0x293: {  	v32 =	vld [tilespmem:$0x3860];
	v2 =	vadd.f32 v3, v2;
	v3 =	vmul.f32 v27, v26  }
0x294: {  	v33 =	vld [tilespmem:$0x3A20]  }
0x295: {  	v34 =	vld [tilespmem:$0x3870];
	v2 =	vadd.f32 v3, v2;
	v3 =	vmul.f32 v29, v28  }
0x296: {  	v35 =	vld [tilespmem:$0x3AA0]  }
0x297: {  	v36 =	vld [tilespmem:$0x3880];
	v2 =	vadd.f32 v3, v2;
	v3 =	vmul.f32 v31, v30  }
0x298: {  	v37 =	vld [tilespmem:$0x3B20]  }
0x299: {  	v38 =	vld [tilespmem:$0x3890];
	v2 =	vadd.f32 v3, v2;
	v3 =	vmul.f32 v33, v32  }
0x29a: {  	v39 =	vld [tilespmem:$0x3BA0]  }
0x29b: {  	v40 =	vld [tilespmem:$0x4820];
	v2 =	vadd.f32 v3, v2;
	v3 =	vmul.f32 v35, v34  }
0x29c: {  	v41 =	vld [tilespmem:$0x3C20]  }
0x29d: {  	v42 =	vld [tilespmem:$0x4830];
	v2 =	vadd.f32 v3, v2;
	v3 =	vmul.f32 v37, v36  }
0x29e: {  	v43 =	vld [tilespmem:$0x3CA0]  }
0x29f: {  	v44 =	vld [tilespmem:$0x38C0];
	v2 =	vadd.f32 v3, v2;
	v3 =	vmul.f32 v39, v38  }
0x2a0: {  	v45 =	vld [tilespmem:$0x3930]  }
0x2a1: {  	v46 =	vld [tilespmem:$0x38D0];
	v2 =	vadd.f32 v3, v2;
	v3 =	vmul.f32 v41, v40  }
0x2a2: {  	v47 =	vld [tilespmem:$0x39B0]  }
0x2a3: {  	v48 =	vld [tilespmem:$0x38E0];
	v2 =	vadd.f32 v3, v2;
	v3 =	vmul.f32 v43, v42  }
0x2a4: {  	v49 =	vld [tilespmem:$0x3A30]  }
0x2a5: {  	v50 =	vld [tilespmem:$0x38F0];
	v2 =	vadd.f32 v3, v2;
	v3 =	vmul.f32 v45, v44  }
0x2a6: {  	v51 =	vld [tilespmem:$0x3AB0]  }
0x2a7: {  	v52 =	vld [tilespmem:$0x3900];
	v2 =	vadd.f32 v3, v2;
	v3 =	vmul.f32 v47, v46  }
0x2a8: {  	v53 =	vld [tilespmem:$0x3B30]  }
0x2a9: {  	v54 =	vld [tilespmem:$0x3910];
	v2 =	vadd.f32 v3, v2;
	v3 =	vmul.f32 v49, v48  }
0x2aa: {  	v55 =	vld [tilespmem:$0x3BB0]  }
0x2ab: {  	v56 =	vld [tilespmem:$0x48A0];
	v2 =	vadd.f32 v3, v2;
	v3 =	vmul.f32 v51, v50  }
0x2ac: {  	v57 =	vld [tilespmem:$0x3C30]  }
0x2ad: {  	v58 =	vld [tilespmem:$0x48B0];
	v2 =	vadd.f32 v3, v2;
	v3 =	vmul.f32 v53, v52  }
0x2ae: {  	v59 =	vld [tilespmem:$0x3CB0]  }
0x2af: {  	v60 =	vld [tilespmem:$0x3950];
	v2 =	vadd.f32 v3, v2;
	v3 =	vmul.f32 v55, v54  }
0x2b0: {  	v61 =	vld [tilespmem:$0x39C0]  }
0x2b1: {  	v62 =	vld [tilespmem:$0x3960];
	v2 =	vadd.f32 v3, v2;
	v3 =	vmul.f32 v57, v56  }
0x2b2: {  	v63 =	vld [tilespmem:$0x3A40]  }
0x2b3: {  	v12 =	vld [tilespmem:$0x3970];
	v2 =	vadd.f32 v3, v2;
	v3 =	vmul.f32 v59, v58  }
0x2b4: {  	v13 =	vld [tilespmem:$0x3AC0]  }
0x2b5: {  	v14 =	vld [tilespmem:$0x3980];
	v2 =	vadd.f32 v3, v2;
	v3 =	vmul.f32 v61, v60  }
0x2b6: {  	v15 =	vld [tilespmem:$0x3B40]  }
0x2b7: {  	v16 =	vld [tilespmem:$0x3990];
	v2 =	vadd.f32 v3, v2;
	v3 =	vmul.f32 v63, v62  }
0x2b8: {  	v17 =	vld [tilespmem:$0x3BC0]  }
0x2b9: {  	v18 =	vld [tilespmem:$0x4920];
	v2 =	vadd.f32 v3, v2;
	v3 =	vmul.f32 v13, v12  }
0x2ba: {  	v19 =	vld [tilespmem:$0x3C40]  }
0x2bb: {  	v20 =	vld [tilespmem:$0x4930];
	v2 =	vadd.f32 v3, v2;
	v3 =	vmul.f32 v15, v14  }
0x2bc: {  	v21 =	vld [tilespmem:$0x3CC0]  }
0x2bd: {  	v22 =	vld [tilespmem:$0x39E0];
	v2 =	vadd.f32 v3, v2;
	v3 =	vmul.f32 v17, v16  }
0x2be: {  	v23 =	vld [tilespmem:$0x3A50]  }
0x2bf: {  	v24 =	vld [tilespmem:$0x39F0];
	v2 =	vadd.f32 v3, v2;
	v3 =	vmul.f32 v19, v18  }
0x2c0: {  	v25 =	vld [tilespmem:$0x3AD0]  }
0x2c1: {  	v26 =	vld [tilespmem:$0x3A00];
	v2 =	vadd.f32 v3, v2;
	v3 =	vmul.f32 v21, v20  }
0x2c2: {  	v27 =	vld [tilespmem:$0x3B50]  }
0x2c3: {  	v28 =	vld [tilespmem:$0x3A10];
	v2 =	vadd.f32 v3, v2;
	v3 =	vmul.f32 v23, v22  }
0x2c4: {  	v29 =	vld [tilespmem:$0x3BD0]  }
0x2c5: {  	v30 =	vld [tilespmem:$0x49A0];
	v2 =	vadd.f32 v3, v2;
	v3 =	vmul.f32 v25, v24  }
0x2c6: {  	v31 =	vld [tilespmem:$0x3C50]  }
0x2c7: {  	v32 =	vld [tilespmem:$0x49B0];
	v2 =	vadd.f32 v3, v2;
	v3 =	vmul.f32 v27, v26  }
0x2c8: {  	v33 =	vld [tilespmem:$0x3CD0]  }
0x2c9: {  	v34 =	vld [tilespmem:$0x3A70];
	v2 =	vadd.f32 v3, v2;
	v3 =	vmul.f32 v29, v28  }
0x2ca: {  	v35 =	vld [tilespmem:$0x3AE0]  }
0x2cb: {  	v36 =	vld [tilespmem:$0x3A80];
	v2 =	vadd.f32 v3, v2;
	v3 =	vmul.f32 v31, v30  }
0x2cc: {  	v37 =	vld [tilespmem:$0x3B60]  }
0x2cd: {  	v38 =	vld [tilespmem:$0x3A90];
	v2 =	vadd.f32 v3, v2;
	v3 =	vmul.f32 v33, v32  }
0x2ce: {  	v39 =	vld [tilespmem:$0x3BE0]  }
0x2cf: {  	v40 =	vld [tilespmem:$0x4A20];
	v2 =	vadd.f32 v3, v2;
	v3 =	vmul.f32 v35, v34  }
0x2d0: {  	v41 =	vld [tilespmem:$0x3C60]  }
0x2d1: {  	v42 =	vld [tilespmem:$0x4A30];
	v2 =	vadd.f32 v3, v2;
	v3 =	vmul.f32 v37, v36  }
0x2d2: {  	v43 =	vld [tilespmem:$0x3CE0]  }
0x2d3: {  	v44 =	vld [tilespmem:$0x3B00];
	v2 =	vadd.f32 v3, v2;
	v3 =	vmul.f32 v39, v38  }
0x2d4: {  	v45 =	vld [tilespmem:$0x3B70]  }
0x2d5: {  	v46 =	vld [tilespmem:$0x3B10];
	v2 =	vadd.f32 v3, v2;
	v3 =	vmul.f32 v41, v40  }
0x2d6: {  	v47 =	vld [tilespmem:$0x3BF0]  }
0x2d7: {  	v48 =	vld [tilespmem:$0x4AA0];
	v2 =	vadd.f32 v3, v2;
	v3 =	vmul.f32 v43, v42  }
0x2d8: {  	v49 =	vld [tilespmem:$0x3C70]  }
0x2d9: {  	v50 =	vld [tilespmem:$0x4AB0];
	v2 =	vadd.f32 v3, v2;
	v3 =	vmul.f32 v45, v44  }
0x2da: {  	v51 =	vld [tilespmem:$0x3CF0]  }
0x2db: {  	v52 =	vld [tilespmem:$0x3B90];
	v2 =	vadd.f32 v3, v2;
	v3 =	vmul.f32 v47, v46  }
0x2dc: {  	v53 =	vld [tilespmem:$0x3C00]  }
0x2dd: {  	v54 =	vld [tilespmem:$0x4B20];
	v2 =	vadd.f32 v3, v2;
	v3 =	vmul.f32 v49, v48  }
0x2de: {  	v55 =	vld [tilespmem:$0x3C80]  }
0x2df: {  	v56 =	vld [tilespmem:$0x4B30];
	v2 =	vadd.f32 v3, v2;
	v3 =	vmul.f32 v51, v50  }
0x2e0: {  	v57 =	vld [tilespmem:$0x3D00]  }
0x2e1: {  	v58 =	vld [tilespmem:$0x4BA0];
	v2 =	vadd.f32 v3, v2;
	v3 =	vmul.f32 v53, v52  }
0x2e2: {  	v59 =	vld [tilespmem:$0x3C90]  }
0x2e3: {  	v60 =	vld [tilespmem:$0x4BB0];
	v2 =	vadd.f32 v3, v2;
	v3 =	vmul.f32 v55, v54  }
0x2e4: {  	v61 =	vld [tilespmem:$0x3D10]  }
0x2e5: {  	v62 =	vld [tilespmem:$0x4C30];
	v2 =	vadd.f32 v3, v2;
	v3 =	vmul.f32 v57, v56  }
0x2e6: {  	v63 =	vld [tilespmem:$0x4CA0]  }
0x2e7: {  	v2 =	vadd.f32 v3, v2;
	v3 =	vmul.f32 v59, v58;
	_ =	sdelay $0x1  }
0x2e8: {  	v2 =	vadd.f32 v3, v2;
	v3 =	vmul.f32 v61, v60  }
0x2e9: {  	p0 =	sne.s32 s22, $0x7F  }
.Ltmp0:
0x2ea: {  	v2 =	vadd.f32 v3, v2;
	v3 =	vmul.f32 v63, v62;
	(pc) =	sbr.rel @p0 .LBB2_2-.Ltmp0, $3  }
0x2eb: {  	_ = 	snop  }
0x2ec: {  	v2 =	vadd.f32 v3, v2;
	_ =	sdelay $0x1  }
0x2ed: {  	s22 =	sadd.s32 $0x1, s22;
	[tilespmem:s21+$0x0] =	vst v2;
	s21 =	sadd.s32 $0x10, s21  }
0x2ee: {  	s20 =	sadd.s32 $0x1, s20  }
0x2ef: {  	p0 =	sne.s32 s20, s9  }
.Ltmp1:
0x2f0: {  	_ = 	snop;
	(pc) =	sbr.rel @p0 .LBB2_1-.Ltmp1, $4  }
0x2f1: {  	[hbm4b:s8+s1] =	stream.linear.scatter [tilespmem:s19], [sflag:$0x2], $0x800, $0x38;
	[tilespmem:$0x5820] =	vst v63  }
0x2f2: {  	_ =	swait.ge [sflag:s12], $0x800  }
0x2f3: {  	[sflag:s12] =	ssyncset.done $0x0  }
0x2f4: {  	[sflag:s12] =	ssyncadd.s32 $0xFFFFF800  }
0x2f5: {  	_ =	sfence.sel $0x180000  }
0x2f6: {  	[bflag:$0x0] =	sbarrier.arrive $0xFFFF  }
0x2f7: {  	p0 =	sne.s32 s2, $0x0;
	_ =	strace $0x90000050  }
0x2f8: {  	s0 =	sadd.s32 @!p0 $0x100000, s0;
	[bflag:$0x2] =	sbarrier.arrive $0xFFFF  }
0x2f9: {  	[sflag:s0] =	ssyncadd.tile.s32 @!p0 $0x1;
	_ =	shalt  }
.Lfunc_end2:
_tile_overlayer_lowered:
.L_overlay_start_2:
0x2fa: {  	(tag) =	ssettag $0x2  }
0x2fb: {  	s0 =	rddreg [dreg:$0x0];
	s2 =	stileid.u32  }
0x2fc: {  	s1 =	rddreg [dreg:$0x1];
	p0 =	sne.s32 s2, $0x0  }
0x2fd: {  	s3 =	rddreg [dreg:$0x2];
	[bflag:$0x3] =	sbarrier.arrive $0xFFFF;
	s2 =	simm.s32 @!p0 $0x1C02  }
0x2fe: {  	[timem:s3], [sflag:s2] =	dma.local @!p0 [hbm:s0], s1  }
0x2ff: {  	s0 =	simm.s32 @!p0 $0x2  }
0x300: {  	_ =	swait.ge @!p0 [sflag:s0], s1  }
0x301: {  	s1 =	ssub.s32 @!p0 $0x0, s1;
	[sflag:s0] =	ssyncset.done @!p0 $0x0  }
0x302: {  	[sflag:s0] =	ssyncadd.s32 @!p0 s1  }
0x303: {  	[bflag:$0x3] =	sbarrier.arrive $0xFFFF  }
0x304: {  	_ =	shalt  }

// kernel: sparse-core-data-format-call.1.cloned.1.call-start
scs
called_computation.1_lowered:
.L_overlay_start_0:
0x0: {  	s2 =	sld [smem:$0x3FD9]  }
0x1: {  	s3 =	sld [smem:$0x3FFE];
	_ =	sdelay $0x1  }
0x2: {  	s1 =	srdreg.scid  }
0x3: {  	s0 =	sand.u32 $0x1, s1  }
0x4: {  	s18 =	sshll.u32 s0, $0xA;
	s2 =	sadd.s32 s3, s2  }
0x5: {  	s2 =	sadd.s32 s2, s18  }
0x6: {  	[smem:$0x3FC4] =	sst s2  }
0x7: {  	_ = 	snop  }
0x8: {  	(tm) =	ssettm $0x1  }
0x9: {  	s19 =	sld [smem:$0x3FFB];
	_ =	sdelay $0x3  }
0xa: {  	_ =	strace s19  }
0xb: {  	s2 =	sld [smem:$0x3FFC];
	_ =	sdelay $0x3  }
0xc: {  	_ =	strace s2  }
0xd: {  	s2 =	sld [smem:$0x3FFD];
	_ =	sdelay $0x3  }
0xe: {  	_ =	strace s2  }
0xf: {  	_ =	strace $0x8FFFFFFF  }
0x10: {  	s20 =	sld [smem:$0x3FDB];
	_ =	sdelay $0x1  }
0x11: {  	s21 =	simm.s32 $_scs_section_size  }
0x12: {  	s4 =	simm.s32 $_size__tile_overlayer_lowered;
	s5 =	simm.s32 $_tile_overlayer_lowered  }
0x13: {  	s6 =	simm.s32 $0x1BFF;
	s22 =	sshll.u32 s5, $0x1;
	s3 =	sadd.s32 s21, s20  }
0x14: {  	s23 =	simm.s32 $0x0;
	s4 =	sshll.u32 s4, $0x1;
	s5 =	sadd.s32 s22, s3  }
0x15: {  	[timem:s23], [sflag:s6] =	dma.local [hbm:s5], s4  }
0x16: {  	_ =	swait.ge [sflag:s6], s4  }
0x17: {  	s4 =	ssub.s32 $0x0, s4;
	[sflag:s6] =	ssyncset.done $0x0  }
0x18: {  	[sflag:s6] =	ssyncadd.s32 s4;
	_ =	sdelay $0x1  }
0x19: {  	s24 =	simm.s32 $0x1B8B  }
0x1a: {  	_ =	swait.ge [sflag:s24], $0x1  }
0x1b: {  	[sflag:s24] =	ssyncset.done $0x0  }
0x1c: {  	[sflag:s24] =	ssyncadd.s32 $0xFFFFFFFF  }
0x1d: {  	s4 =	sld [smem:$0x0]  }
0x1e: {  	s5 =	sand.u32 $0xFFFFFFFE, s1  }
0x1f: {  	p0 =	sne.s32 s1, s5  }
0x20: {  	s5 =	sshll.u32 @p0 s5, $0xE  }
0x21: {  	s5 =	sadd.s32 @p0 $0x11B8D, s5;
	s6 =	sshll.u32 @p0 s4, $0x11  }
0x22: {  	s5 =	sor.u32 @p0 s6, s5  }
0x23: {  	[sflag:s5] =	ssyncadd.remote.s32 @p0 $0x1;
	_ =	sdelay $0x1  }
0x24: {  	s5 =	simm.s32 @p0 $0x1B8D  }
0x25: {  	_ =	swait.eq @p0 [sflag:s5], $0x1  }
0x26: {  	[sflag:s5] =	ssyncadd.s32 @p0 $0xFFFFFFFF  }
0x27: {  	s6 =	sshll.u32 @!p0 s1, $0xE  }
0x28: {  	s6 =	sor.u32 @!p0 $0x4000, s6;
	s5 =	simm.s32 @!p0 $0x1B8D  }
0x29: {  	s4 =	sshll.u32 @!p0 s4, $0x11;
	s6 =	sadd.s32 @!p0 $0x11B8D, s6;
	_ =	swait.eq @!p0 [sflag:s5], $0x1  }
0x2a: {  	s4 =	sor.u32 @!p0 s4, s6;
	[sflag:s5] =	ssyncadd.s32 @!p0 $0xFFFFFFFF  }
0x2b: {  	s26 =	simm.s32 $0x1B8E;
	s25 =	sld [smem:$0x3FFE];
	[sflag:s4] =	ssyncadd.remote.s32 @!p0 $0x1  }
0x2c: {  	s27 =	simm.s32 $execute0_lowered;
	[smem:$0x3FD2] =	sst s26  }
0x2d: {  	s5 =	sshll.u32 s27, $0x1;
	_ =	strace $0x80000049;
	[dreg:$0x1] =	wrdreg $0xFFFFFFFF  }
0x2e: {  	s28 =	simm.s32 $_size_execute0_lowered;
	s3 =	sadd.s32 s3, s5;
	[dreg:$0x0] =	wrdreg $0x0  }
0x2f: {  	s5 =	sshll.u32 s28, $0x1;
	[dreg:$0x2] =	wrdreg s3  }
0x30: {  	[dreg:$0x3] =	wrdreg s5  }
0x31: {  	[dreg:$0x4] =	wrdreg $0xC0  }
0x32: {  	_ =	task [dreg:s23], $0x5FFFF  }
0x33: {  	[dreg:$0x1] =	wrdreg $0xFFFFFFFF  }
0x34: {  	[dreg:$0x0] =	wrdreg $0x60  }
0x35: {  	[dreg:$0x2] =	wrdreg s25  }
0x36: {  	[dreg:$0x3] =	wrdreg $0xA  }
0x37: {  	_ =	task.clear_ibuf [dreg:s23], $0x4FFFF;
	_ =	strace $0x90000049  }
0x38: {  	s29 =	simm.s32 $0xA;
	_ =	strace $0x8000004B  }
0x39: {  	_ =	swait.ge [sflag:s29], $0x1  }
0x3a: {  	[sflag:s29] =	ssyncadd.s32 $0xFFFFFFFF  }
0x3b: {  	_ =	strace $0x9000004B  }
0x3c: {  	_ =	sfence  }
0x3d: {  	s30 =	sld [smem:$0x0];
	_ =	sdelay $0x2  }
0x3e: {  	s31 =	sshll.u32 s1, $0xD;
	s1 =	sshrl.u32 s1, $0x2  }
0x3f: {  	s4 =	sand.u32 $0x4000, s31;
	s1 =	sadd.s32 s1, s30  }
0x40: {  	s0 =	sor.u32 s4, s0;
	s1 =	sshll.u32 s1, $0x11  }
0x41: {  	s0 =	sor.u32 s1, s0  }
0x42: {  	s0 =	sadd.s32 $0x8F2B, s0  }
0x43: {  	[sflag:s0] =	ssyncadd.remote.s32 $0x1  }
0x44: {  	_ =	sfence.sel $0xFFFF  }
0x45: {  	[dreg:$0x0] =	wrdreg $0xFFFFFFFF;
	(pc) =	sbr.abs _section_cstart, $3  }
0x46: {  	[dreg:$0x1] =	wrdreg $0xFFFFFFFF  }
0x47: {  	_ =	task.clear_ibuf [dreg:s23], $0x2FFFF;
	_ =	strace $0x9FFFFFFF  }
0x48: {  	(tm) =	ssettm $0x7FFFFFFF  }
0x49: {  	_ =	shalt  }
tec
execute0_lowered:
.L_overlay_start_1:
0x0: {  	(tag) =	ssettag $0x1  }
0x1: {  	s0 =	srdreg.scid  }
0x2: {  	s4 =	rddreg [dreg:$0x0];
	s1 =	stileid.u32  }
0x3: {  	s5 =	simm.s32 $0x1;
	s7 =	simm.s32 $0x2;
	s14 =	simm.s32 $0x0  }
0x4: {  	p0 =	por $0x0, $0x0;
	s13 =	simm.s32 $0x0;
	s0 =	sshll.u32 s0, $0x4  }
0x5: {  	s8 =	simm.s32 $0x0;
	s9 =	simm.s32 $0x0;
	s2 =	sand.u32 $0x10, s0  }
.Ltmp0:
0x6: {  	s11 =	simm.s32 $0x0;
	s3 =	sor.u32 s1, s2;
	(pc) =	sbr.rel .LBB1_1-.Ltmp0, $4  }
0x7: {  	s0 =	rddreg [dreg:$0x1];
	_ =	strace $0x8000004A;
	s3 =	sshll.u32 s3, $0x7  }
0x8: {  	s12 =	simm.s32 $0x0;
	s2 =	sadd.s32 $0x188A00, s4;
	s6 =	ssub.s32 $0x18680, s3  }
0x9: {  	s4 =	sadd.s32 $0x61D400, s4;
	[sflag:s5] =	ssyncpa.u1 $0x0;
	s6 =	sshrl.u32 s6, $0xC  }
0xa: {  	[sflag:s7] =	ssyncpa.u1 $0x0;
	s10 =	smov.u32 s3;
	s7 =	sadd.s32 $0x2, s6  }
.LBB1_5:
0xb: {  	p1 =	slt.u32 s12, $0x2  }
0xc: {  	p2 =	sgt.s32 @!p1 s14, $0x18620  }
0xd: {  	s15 =	smov.u32 s14;
	s16 =	sshra.s32 @!p1 s14, $0x1F;
	p2 =	por !p2, p1  }
0xe: {  	s14 =	sand.u32 @!p1 s16, s14;
	s15 =	simm.s32 @p2 $0x18620  }
0xf: {  	s14 =	ssub.s32 @!p1 s15, s14;
	s15 =	ssub.s32 @!p1 $0x0, s13  }
0x10: {  	s17 =	smov.u32 s11;
	s16 =	sadd.s32 @!p1 $0xFFFE79E0, s14;
	s13 =	smin.u32 @!p1 s13, s15  }
0x11: {  	s14 =	ssub.s32 @!p1 $0x186A0, s14;
	p2 =	sgt.s32 @!p1 s16, $0x7F;
	p3 =	sgt.s32 @!p1 s13, $0x7F  }
0x12: {  	s13 =	ssub.s32 @!p1 $0x80, s13;
	p2 =	por !p2, p1;
	p3 =	por !p3, p1  }
0x13: {  	s15 =	sadd.s32 $0x1000, s10;
	s14 =	simm.s32 @!p2 $0x0;
	s13 =	simm.s32 @!p3 $0x0  }
0x14: {  	p2 =	sgt.s32 s15, $0x1869B;
	s13 =	smul.u32 @!p1 s13, s14;
	s14 =	sadd.s32 $0x80, s11  }
0x15: {  	s17 =	smov.u32 @p2 s14  }
0x16: {  	s15 =	smov.u32 @p2 s3;
	p2 =	sgt.s32 s17, $0x7F  }
0x17: {  	s17 =	simm.s32 @p2 $0x0;
	p2 =	sne.s32 s12, s7  }
.Ltmp1:
0x18: {  	p0 =	por !p0, !p0;
	s16 =	simm.s32 @!p1 $0x2;
	(pc) =	sbr.rel @!p2 .LBB1_6-.Ltmp1, $4  }
0x19: {  	s14 =	smov.u32 s8;
	s8 =	smov.u32 s10;
	s13 =	sand.u32 @!p1 $0x3FFFFFFF, s13  }
0x1a: {  	s10 =	smov.u32 s15;
	_ =	swait.ge @!p1 [sflag:s16], s13;
	s18 =	ssub.s32 @!p1 $0x0, s13  }
0x1b: {  	s13 =	smov.u32 s9;
	s12 =	sadd.s32 $0x1, s12;
	[sflag:s16] =	ssyncset.done @!p1 $0x0  }
0x1c: {  	s9 =	smov.u32 s11;
	s11 =	smov.u32 s17;
	[sflag:s16] =	ssyncadd.s32 @!p1 s18  }
.LBB1_1:
0x1d: {  	p1 =	sgt.u32 s12, s6  }
0x1e: {  	s15 =	sshrl.u32 @!p1 s11, $0x3  }
0x1f: {  	s16 =	sshll.u32 @!p1 s10, $0x3;
	s15 =	smul.u32 @!p1 $0xC3800, s15  }
0x20: {  	s17 =	sshll.u32 @!p1 s11, $0x7;
	s16 =	sand.u32 @!p1 $0xFFFFFC00, s16  }
0x21: {  	s15 =	sadd.s32 @!p1 s15, s16;
	s16 =	sand.u32 @!p1 $0x380, s17  }
0x22: {  	s17 =	sand.u32 @!p1 $0x7F, s10;
	s15 =	sor.u32 @!p1 s16, s15  }
0x23: {  	s16 =	sor.u32 @!p1 s17, s15  }
0x24: {  	s17 =	smulhi.u32 @!p1 $0xA79C7B17, s16;
	_ =	sdelay $0x1  }
0x25: {  	s15 =	smulhi.u32 @!p1 $0xA79C7B17, s15;
	s17 =	sshrl.u32 @!p1 s17, $0x10  }
0x26: {  	s17 =	smul.u32 @!p1 $0x18700, s17  }
0x27: {  	s18 =	sxor.u32 @!p1 $0xFFFFFFFF, s12;
	s15 =	sshrl.u32 @!p1 s15, $0x10  }
0x28: {  	s18 =	sshll.u32 @!p1 s18, $0xE;
	s15 =	sand.u32 @!p1 $0x7F, s15;
	s16 =	ssub.s32 @!p1 s16, s17  }
0x29: {  	s15 =	smul.u32 @!p1 $0x30E0, s15;
	s17 =	sshrl.u32 @!p1 s16, $0x3;
	s16 =	sand.u32 @!p1 $0x7, s16  }
0x2a: {  	s18 =	sand.u32 @!p1 $0x4000, s18;
	s17 =	sadd.s32 @!p1 s2, s17;
	s16 =	sshll.u32 @!p1 s16, $0x12  }
0x2b: {  	s15 =	sadd.s32 @!p1 s15, s17;
	s16 =	sor.u32 @!p1 $0x400, s16;
	s17 =	simm.s32 @!p1 $0xC3800  }
0x2c: {  	[tilespmem:s18], [sflag:$0x1] =	stream.strided.gather @!p1 [hbm4b:s15+s16], $0x4000, s17, s16, $0x38;
	[tilespmem:$0x10100] =	vst v63  }
0x2d: {  	p1 =	seq.s32 s12, $0x0  }
0x2e: {  	p2 =	sge.u32 @!p1 s12, s7  }
0x2f: {  	p1 =	por p1, p2  }
.Ltmp2:
0x30: {  	_ = 	snop;
	(pc) =	sbr.rel @p1 .LBB1_5-.Ltmp2, $1  }
0x31: {  	_ =	sdelay $0x3  }
0x32: {  	s15 =	simm.s32 $0x1  }
0x33: {  	_ =	swait.ge [sflag:s5], $0x4000;
	s15 =	simm.s32 @!p0 $0x0  }
0x34: {  	[sflag:s5] =	ssyncset.done $0x0;
	s16 =	sshll.u32 s15, $0xE  }
0x35: {  	[sflag:s5] =	ssyncadd.s32 $0xFFFFC000;
	s16 =	sor.u32 $0x40, s16  }
0x36: {  	s15 =	smul.u32 $0x10200, s15;
	v0 =	vld [tilespmem:s16+$0x30]  }
0x37: {  	v1 =	vld [tilespmem:s16+$0xFFFFFFD0]  }
0x38: {  	s15 =	sshrl.u32 s15, $0x2;
	v5 =	vld [tilespmem:s16+$0xFFFFFFE0]  }
0x39: {  	v6 =	vld [tilespmem:s16+$0xFFFFFFF0];
	s18 =	sor.u32 $0x8000, s15  }
0x3a: {  	s31 =	sand.u32 $0x1, s12;
	v4 =	vld [tilespmem:s16+$0x0];
	s17 =	sadd.s32 $0x0, s18  }
0x3b: {  	v3 =	vld [tilespmem:s16+$0x10];
	s15 =	smul.u32 $0x10200, s31;
	[tilespmem:s17+$0x3870 ss:$0x81] =	vst.msk $0xffff, v0  }
0x3c: {  	v2 =	vld [tilespmem:s16+$0x20];
	[tilespmem:s17+$0x810 ss:$0x81] =	vst.msk $0xffff, v1  }
0x3d: {  	s15 =	sshrl.u32 s15, $0x2;
	v0 =	vld [tilespmem:s16+$0xFFFFFFC0];
	[tilespmem:s17+$0x1020 ss:$0x81] =	vst.msk $0xffff, v5;
	s16 =	sadd.s32 $0x80, s16  }
0x3e: {  	s19 =	simm.s32 $0x4;
	s20 =	simm.s32 $0x8;
	s15 =	sor.u32 $0x8000, s15;
	[tilespmem:s17+$0x1830 ss:$0x81] =	vst.msk $0xffff, v6;
	v1 =	vld [tilespmem:s16+$0x30]  }
.LBB1_3:
0x3f: {  	p1 =	sne.s32 s20, $0x1FC;
	v5 =	vld [tilespmem:s16+$0xFFFFFFD0];
	[tilespmem:s17+$0x2040 ss:$0x81] =	vst.msk $0xffff, v4  }
0x40: {  	v6 =	vld [tilespmem:s16+$0xFFFFFFE0];
	[tilespmem:s17+$0x2850 ss:$0x81] =	vst.msk $0xffff, v3  }
0x41: {  	s21 =	sshra.s32 s19, $0x2;
	s19 =	smov.u32 s20;
	v7 =	vld [tilespmem:s16+$0xFFFFFFF0];
	[tilespmem:s17+$0x3060 ss:$0x81] =	vst.msk $0xffff, v2  }
.Ltmp3:
0x42: {  	v4 =	vld [tilespmem:s16+$0x0];
	[tilespmem:s17+$0x0 ss:$0x81] =	vst.msk $0xffff, v0;
	s17 =	sadd.s32 s21, s18;
	(pc) =	sbr.rel @p1 .LBB1_3-.Ltmp3, $4  }
0x43: {  	v3 =	vld [tilespmem:s16+$0x10];
	[tilespmem:s17+$0x3870 ss:$0x81] =	vst.msk $0xffff, v1  }
0x44: {  	[tilespmem:s17+$0x810 ss:$0x81] =	vst.msk $0xffff, v5;
	v2 =	vld [tilespmem:s16+$0x20]  }
0x45: {  	v0 =	vld [tilespmem:s16+$0xFFFFFFC0];
	[tilespmem:s17+$0x1020 ss:$0x81] =	vst.msk $0xffff, v6;
	s16 =	sadd.s32 $0x80, s16  }
0x46: {  	s20 =	sadd.s32 $0x4, s20;
	v1 =	vld [tilespmem:s16+$0x30];
	[tilespmem:s17+$0x1830 ss:$0x81] =	vst.msk $0xffff, v7  }
0x47: {  	s20 =	sshll.u32 s8, $0x7;
	s21 =	sshll.u32 s9, $0x3;
	s19 =	sshra.s32 s19, $0x2  }
0x48: {  	v5 =	vld [tilespmem:s16+$0xFFFFFFD0];
	[tilespmem:s17+$0x2040 ss:$0x81] =	vst.msk $0xffff, v4;
	p1 =	sgt.s32 s8, $0x18620;
	s22 =	sand.u32 $0xFFFFFC00, s20;
	s21 =	sand.u32 $0xFFFFFC00, s21  }
0x49: {  	v58 =	vld [tilespmem:s16+$0xFFFFFFE0];
	s24 =	sshra.s32 s8, $0x1F;
	s20 =	sand.u32 $0x380, s20;
	[tilespmem:s17+$0x2850 ss:$0x81] =	vst.msk $0xffff, v3;
	s21 =	sadd.s32 s21, s22  }
0x4a: {  	v59 =	vld [tilespmem:s16+$0xFFFFFFF0];
	s26 =	ssub.s32 $0x0, s9;
	s18 =	sadd.s32 s19, s18;
	[tilespmem:s17+$0x3060 ss:$0x81] =	vst.msk $0xffff, v2;
	s23 =	sor.u32 s20, s21  }
0x4b: {  	v60 =	vld [tilespmem:s16+$0x0];
	s28 =	smin.u32 s9, s26;
	s20 =	smov.u32 s8;
	[tilespmem:s17+$0x0 ss:$0x81] =	vst.msk $0xffff, v0;
	s19 =	sshrl.u32 s23, $0x7  }
0x4c: {  	v61 =	vld [tilespmem:s16+$0x10];
	s21 =	sand.u32 s24, s8;
	s20 =	simm.s32 @!p1 $0x18620;
	[tilespmem:s18+$0x3870 ss:$0x81] =	vst.msk $0xffff, v1;
	s25 =	smulhi.u32 $0x14F8B59, s19  }
0x4d: {  	v62 =	vld [tilespmem:s16+$0x20];
	s29 =	sshrl.u32 s9, $0x3;
	p2 =	sgt.s32 s28, $0x7F;
	s20 =	ssub.s32 s20, s21;
	[tilespmem:s18+$0x810 ss:$0x81] =	vst.msk $0xffff, v5  }
0x4e: {  	v63 =	vld [tilespmem:s16+$0xFFFFFFC0];
	[tilespmem:s18+$0x1020 ss:$0x81] =	vst.msk $0xffff, v58;
	s21 =	sadd.s32 $0xFFFE79E0, s20;
	s20 =	ssub.s32 $0x186A0, s20;
	s17 =	sshrl.u32 s25, $0x9  }
0x4f: {  	[tilespmem:s18+$0x1830 ss:$0x81] =	vst.msk $0xffff, v59;
	p1 =	sgt.s32 s21, $0x7F;
	s27 =	smul.u32 $0x186A0, s17;
	s17 =	ssub.s32 $0x80, s28  }
.Ltmp4:
0x50: {  	[tilespmem:s18+$0x2040 ss:$0x81] =	vst.msk $0xffff, v60;
	s20 =	simm.s32 @p1 $0x0;
	s17 =	simm.s32 @p2 $0x0;
	(pc) =	sbr.rel .LBB1_5-.Ltmp4, $4  }
0x51: {  	s30 =	sand.u32 $0xF, s29;
	[tilespmem:s18+$0x2850 ss:$0x81] =	vst.msk $0xffff, v61;
	s16 =	ssub.s32 s19, s27;
	s17 =	smul.u32 s17, s20  }
0x52: {  	[tilespmem:s18+$0x3060 ss:$0x81] =	vst.msk $0xffff, v62;
	s19 =	sadd.s32 s4, s30;
	s16 =	sshll.u32 s16, $0x4  }
0x53: {  	s31 =	sand.u32 $0x7, s9;
	[tilespmem:s18+$0x0 ss:$0x81] =	vst.msk $0xffff, v63;
	s17 =	sand.u32 $0x3FFFFFFF, s17;
	s16 =	sadd.s32 s16, s19  }
0x54: {  	[hbm4b:s16+s31] =	stream.linear.scatter [tilespmem:s15], [sflag:$0x2], s17, $0x20;
	[tilespmem:$0x10100] =	vst v63  }
.LBB1_6:
0x55: {  	_ =	sfence.sel $0x180000  }
0x56: {  	s2 =	simm.s32 $0x1;
	[bflag:$0x0] =	sbarrier.arrive $0xFFFF  }
0x57: {  	s31 =	simm.s32 $0x2;
	[sflag:s2] =	ssyncpa.u1 $0x1  }
0x58: {  	[sflag:s31] =	ssyncpa.u1 $0x1  }
0x59: {  	p0 =	sne.s32 s1, $0x0;
	_ =	strace $0x9000004A  }
0x5a: {  	s0 =	sadd.s32 @!p0 $0x100000, s0;
	[bflag:$0x2] =	sbarrier.arrive $0xFFFF  }
0x5b: {  	[sflag:s0] =	ssyncadd.tile.s32 @!p0 $0x1;
	_ =	shalt  }
.Lfunc_end1:
_tile_overlayer_lowered:
.L_overlay_start_2:
0x5c: {  	(tag) =	ssettag $0x2  }
0x5d: {  	s0 =	rddreg [dreg:$0x0];
	s2 =	stileid.u32  }
0x5e: {  	s1 =	rddreg [dreg:$0x1];
	p0 =	sne.s32 s2, $0x0  }
0x5f: {  	s3 =	rddreg [dreg:$0x2];
	[bflag:$0x3] =	sbarrier.arrive $0xFFFF;
	s2 =	simm.s32 @!p0 $0x1C01  }
0x60: {  	[timem:s3], [sflag:s2] =	dma.local @!p0 [hbm:s0], s1  }
0x61: {  	s0 =	simm.s32 @!p0 $0x1  }
0x62: {  	_ =	swait.ge @!p0 [sflag:s0], s1  }
0x63: {  	s1 =	ssub.s32 @!p0 $0x0, s1;
	[sflag:s0] =	ssyncset.done @!p0 $0x0  }
0x64: {  	[sflag:s0] =	ssyncadd.s32 @!p0 s1  }
0x65: {  	[bflag:$0x3] =	sbarrier.arrive $0xFFFF  }
0x66: {  	_ =	shalt  }

// kernel: sparse-core-data-format-call.2.cloned.1.call-start
scs
called_computation.2_lowered:
.L_overlay_start_0:
0x0: {  	s2 =	sld [smem:$0x3FD9]  }
0x1: {  	s3 =	sld [smem:$0x3FFE];
	_ =	sdelay $0x1  }
0x2: {  	s1 =	srdreg.scid  }
0x3: {  	s0 =	sand.u32 $0x1, s1  }
0x4: {  	s18 =	sshll.u32 s0, $0xA;
	s2 =	sadd.s32 s3, s2  }
0x5: {  	s2 =	sadd.s32 s2, s18  }
0x6: {  	[smem:$0x3FC4] =	sst s2  }
0x7: {  	_ = 	snop  }
0x8: {  	(tm) =	ssettm $0x1  }
0x9: {  	s19 =	sld [smem:$0x3FFB];
	_ =	sdelay $0x3  }
0xa: {  	_ =	strace s19  }
0xb: {  	s2 =	sld [smem:$0x3FFC];
	_ =	sdelay $0x3  }
0xc: {  	_ =	strace s2  }
0xd: {  	s2 =	sld [smem:$0x3FFD];
	_ =	sdelay $0x3  }
0xe: {  	_ =	strace s2  }
0xf: {  	_ =	strace $0x8FFFFFFF  }
0x10: {  	s20 =	sld [smem:$0x3FDB];
	_ =	sdelay $0x1  }
0x11: {  	s21 =	simm.s32 $_scs_section_size  }
0x12: {  	s4 =	simm.s32 $_size__tile_overlayer_lowered;
	s5 =	simm.s32 $_tile_overlayer_lowered  }
0x13: {  	s6 =	simm.s32 $0x1BFF;
	s22 =	sshll.u32 s5, $0x1;
	s3 =	sadd.s32 s21, s20  }
0x14: {  	s23 =	simm.s32 $0x0;
	s4 =	sshll.u32 s4, $0x1;
	s5 =	sadd.s32 s22, s3  }
0x15: {  	[timem:s23], [sflag:s6] =	dma.local [hbm:s5], s4  }
0x16: {  	_ =	swait.ge [sflag:s6], s4  }
0x17: {  	s4 =	ssub.s32 $0x0, s4;
	[sflag:s6] =	ssyncset.done $0x0  }
0x18: {  	[sflag:s6] =	ssyncadd.s32 s4;
	_ =	sdelay $0x1  }
0x19: {  	s24 =	simm.s32 $0x1B8B  }
0x1a: {  	_ =	swait.ge [sflag:s24], $0x1  }
0x1b: {  	[sflag:s24] =	ssyncset.done $0x0  }
0x1c: {  	[sflag:s24] =	ssyncadd.s32 $0xFFFFFFFF  }
0x1d: {  	s4 =	sld [smem:$0x0]  }
0x1e: {  	s5 =	sand.u32 $0xFFFFFFFE, s1  }
0x1f: {  	p0 =	sne.s32 s1, s5  }
0x20: {  	s5 =	sshll.u32 @p0 s5, $0xE  }
0x21: {  	s5 =	sadd.s32 @p0 $0x11B8D, s5;
	s6 =	sshll.u32 @p0 s4, $0x11  }
0x22: {  	s5 =	sor.u32 @p0 s6, s5  }
0x23: {  	[sflag:s5] =	ssyncadd.remote.s32 @p0 $0x1;
	_ =	sdelay $0x1  }
0x24: {  	s5 =	simm.s32 @p0 $0x1B8D  }
0x25: {  	_ =	swait.eq @p0 [sflag:s5], $0x1  }
0x26: {  	[sflag:s5] =	ssyncadd.s32 @p0 $0xFFFFFFFF  }
0x27: {  	s6 =	sshll.u32 @!p0 s1, $0xE  }
0x28: {  	s6 =	sor.u32 @!p0 $0x4000, s6;
	s5 =	simm.s32 @!p0 $0x1B8D  }
0x29: {  	s4 =	sshll.u32 @!p0 s4, $0x11;
	s6 =	sadd.s32 @!p0 $0x11B8D, s6;
	_ =	swait.eq @!p0 [sflag:s5], $0x1  }
0x2a: {  	s4 =	sor.u32 @!p0 s4, s6;
	[sflag:s5] =	ssyncadd.s32 @!p0 $0xFFFFFFFF  }
0x2b: {  	s26 =	simm.s32 $0x1B8E;
	s25 =	sld [smem:$0x3FFE];
	[sflag:s4] =	ssyncadd.remote.s32 @!p0 $0x1  }
0x2c: {  	s27 =	simm.s32 $execute0_lowered;
	[smem:$0x3FD2] =	sst s26  }
0x2d: {  	s5 =	sshll.u32 s27, $0x1;
	_ =	strace $0x8000004C;
	[dreg:$0x1] =	wrdreg $0xFFFFFFFF  }
0x2e: {  	s28 =	simm.s32 $_size_execute0_lowered;
	s3 =	sadd.s32 s3, s5;
	[dreg:$0x0] =	wrdreg $0x0  }
0x2f: {  	s5 =	sshll.u32 s28, $0x1;
	[dreg:$0x2] =	wrdreg s3  }
0x30: {  	[dreg:$0x3] =	wrdreg s5  }
0x31: {  	[dreg:$0x4] =	wrdreg $0xC0  }
0x32: {  	_ =	task [dreg:s23], $0x5FFFF  }
0x33: {  	[dreg:$0x1] =	wrdreg $0xFFFFFFFF  }
0x34: {  	[dreg:$0x0] =	wrdreg $0x60  }
0x35: {  	[dreg:$0x2] =	wrdreg s25  }
0x36: {  	[dreg:$0x3] =	wrdreg $0xB  }
0x37: {  	_ =	task.clear_ibuf [dreg:s23], $0x4FFFF;
	_ =	strace $0x9000004C  }
0x38: {  	s29 =	simm.s32 $0xB;
	_ =	strace $0x8000004E  }
0x39: {  	_ =	swait.ge [sflag:s29], $0x1  }
0x3a: {  	[sflag:s29] =	ssyncadd.s32 $0xFFFFFFFF  }
0x3b: {  	_ =	strace $0x9000004E  }
0x3c: {  	_ =	sfence  }
0x3d: {  	s30 =	sld [smem:$0x0];
	_ =	sdelay $0x2  }
0x3e: {  	s31 =	sshll.u32 s1, $0xD;
	s1 =	sshrl.u32 s1, $0x2  }
0x3f: {  	s4 =	sand.u32 $0x4000, s31;
	s1 =	sadd.s32 s1, s30  }
0x40: {  	s0 =	sor.u32 s4, s0;
	s1 =	sshll.u32 s1, $0x11  }
0x41: {  	s0 =	sor.u32 s1, s0  }
0x42: {  	s0 =	sadd.s32 $0x8F2B, s0  }
0x43: {  	[sflag:s0] =	ssyncadd.remote.s32 $0x1  }
0x44: {  	_ =	sfence.sel $0xFFFF  }
0x45: {  	[dreg:$0x0] =	wrdreg $0xFFFFFFFF;
	(pc) =	sbr.abs _section_cstart, $3  }
0x46: {  	[dreg:$0x1] =	wrdreg $0xFFFFFFFF  }
0x47: {  	_ =	task.clear_ibuf [dreg:s23], $0x2FFFF;
	_ =	strace $0x9FFFFFFF  }
0x48: {  	(tm) =	ssettm $0x7FFFFFFF  }
0x49: {  	_ =	shalt  }
tec
execute0_lowered:
.L_overlay_start_1:
0x0: {  	(tag) =	ssettag $0x1  }
0x1: {  	s0 =	srdreg.scid  }
0x2: {  	s4 =	rddreg [dreg:$0x0];
	s1 =	stileid.u32  }
0x3: {  	s5 =	simm.s32 $0x1;
	s7 =	simm.s32 $0x2;
	s14 =	simm.s32 $0x0  }
0x4: {  	p0 =	por $0x0, $0x0;
	s13 =	simm.s32 $0x0;
	s0 =	sshll.u32 s0, $0x4  }
0x5: {  	s8 =	simm.s32 $0x0;
	s9 =	simm.s32 $0x0;
	s2 =	sand.u32 $0x10, s0  }
.Ltmp0:
0x6: {  	s11 =	simm.s32 $0x0;
	s3 =	sor.u32 s1, s2;
	(pc) =	sbr.rel .LBB1_1-.Ltmp0, $4  }
0x7: {  	s0 =	rddreg [dreg:$0x1];
	_ =	strace $0x8000004D;
	s3 =	sshll.u32 s3, $0x7  }
0x8: {  	s12 =	simm.s32 $0x0;
	s2 =	sadd.s32 $0x30FA00, s4;
	s6 =	ssub.s32 $0x18680, s3  }
0x9: {  	s4 =	sadd.s32 $0x7A3E00, s4;
	[sflag:s5] =	ssyncpa.u1 $0x0;
	s6 =	sshrl.u32 s6, $0xC  }
0xa: {  	[sflag:s7] =	ssyncpa.u1 $0x0;
	s10 =	smov.u32 s3;
	s7 =	sadd.s32 $0x2, s6  }
.LBB1_5:
0xb: {  	p1 =	slt.u32 s12, $0x2  }
0xc: {  	p2 =	sgt.s32 @!p1 s14, $0x18620  }
0xd: {  	s15 =	smov.u32 s14;
	s16 =	sshra.s32 @!p1 s14, $0x1F;
	p2 =	por !p2, p1  }
0xe: {  	s14 =	sand.u32 @!p1 s16, s14;
	s15 =	simm.s32 @p2 $0x18620  }
0xf: {  	s14 =	ssub.s32 @!p1 s15, s14;
	s15 =	ssub.s32 @!p1 $0x0, s13  }
0x10: {  	s17 =	smov.u32 s11;
	s16 =	sadd.s32 @!p1 $0xFFFE79E0, s14;
	s13 =	smin.u32 @!p1 s13, s15  }
0x11: {  	s14 =	ssub.s32 @!p1 $0x186A0, s14;
	p2 =	sgt.s32 @!p1 s16, $0x7F;
	p3 =	sgt.s32 @!p1 s13, $0x7F  }
0x12: {  	s13 =	ssub.s32 @!p1 $0x80, s13;
	p2 =	por !p2, p1;
	p3 =	por !p3, p1  }
0x13: {  	s15 =	sadd.s32 $0x1000, s10;
	s14 =	simm.s32 @!p2 $0x0;
	s13 =	simm.s32 @!p3 $0x0  }
0x14: {  	p2 =	sgt.s32 s15, $0x1869B;
	s13 =	smul.u32 @!p1 s13, s14;
	s14 =	sadd.s32 $0x80, s11  }
0x15: {  	s17 =	smov.u32 @p2 s14  }
0x16: {  	s15 =	smov.u32 @p2 s3;
	p2 =	sgt.s32 s17, $0x7F  }
0x17: {  	s17 =	simm.s32 @p2 $0x0;
	p2 =	sne.s32 s12, s7  }
.Ltmp1:
0x18: {  	p0 =	por !p0, !p0;
	s16 =	simm.s32 @!p1 $0x2;
	(pc) =	sbr.rel @!p2 .LBB1_6-.Ltmp1, $4  }
0x19: {  	s14 =	smov.u32 s8;
	s8 =	smov.u32 s10;
	s13 =	sand.u32 @!p1 $0x3FFFFFFF, s13  }
0x1a: {  	s10 =	smov.u32 s15;
	_ =	swait.ge @!p1 [sflag:s16], s13;
	s18 =	ssub.s32 @!p1 $0x0, s13  }
0x1b: {  	s13 =	smov.u32 s9;
	s12 =	sadd.s32 $0x1, s12;
	[sflag:s16] =	ssyncset.done @!p1 $0x0  }
0x1c: {  	s9 =	smov.u32 s11;
	s11 =	smov.u32 s17;
	[sflag:s16] =	ssyncadd.s32 @!p1 s18  }
.LBB1_1:
0x1d: {  	p1 =	sgt.u32 s12, s6  }
0x1e: {  	s15 =	sshrl.u32 @!p1 s11, $0x3  }
0x1f: {  	s16 =	sshll.u32 @!p1 s10, $0x3;
	s15 =	smul.u32 @!p1 $0xC3800, s15  }
0x20: {  	s17 =	sshll.u32 @!p1 s11, $0x7;
	s16 =	sand.u32 @!p1 $0xFFFFFC00, s16  }
0x21: {  	s15 =	sadd.s32 @!p1 s15, s16;
	s16 =	sand.u32 @!p1 $0x380, s17  }
0x22: {  	s17 =	sand.u32 @!p1 $0x7F, s10;
	s15 =	sor.u32 @!p1 s16, s15  }
0x23: {  	s16 =	sor.u32 @!p1 s17, s15  }
0x24: {  	s17 =	smulhi.u32 @!p1 $0xA79C7B17, s16;
	_ =	sdelay $0x1  }
0x25: {  	s15 =	smulhi.u32 @!p1 $0xA79C7B17, s15;
	s17 =	sshrl.u32 @!p1 s17, $0x10  }
0x26: {  	s17 =	smul.u32 @!p1 $0x18700, s17  }
0x27: {  	s18 =	sxor.u32 @!p1 $0xFFFFFFFF, s12;
	s15 =	sshrl.u32 @!p1 s15, $0x10  }
0x28: {  	s18 =	sshll.u32 @!p1 s18, $0xE;
	s15 =	sand.u32 @!p1 $0x7F, s15;
	s16 =	ssub.s32 @!p1 s16, s17  }
0x29: {  	s15 =	smul.u32 @!p1 $0x30E0, s15;
	s17 =	sshrl.u32 @!p1 s16, $0x3;
	s16 =	sand.u32 @!p1 $0x7, s16  }
0x2a: {  	s18 =	sand.u32 @!p1 $0x4000, s18;
	s17 =	sadd.s32 @!p1 s2, s17;
	s16 =	sshll.u32 @!p1 s16, $0x12  }
0x2b: {  	s15 =	sadd.s32 @!p1 s15, s17;
	s16 =	sor.u32 @!p1 $0x400, s16;
	s17 =	simm.s32 @!p1 $0xC3800  }
0x2c: {  	[tilespmem:s18], [sflag:$0x1] =	stream.strided.gather @!p1 [hbm4b:s15+s16], $0x4000, s17, s16, $0x38;
	[tilespmem:$0x10100] =	vst v63  }
0x2d: {  	p1 =	seq.s32 s12, $0x0  }
0x2e: {  	p2 =	sge.u32 @!p1 s12, s7  }
0x2f: {  	p1 =	por p1, p2  }
.Ltmp2:
0x30: {  	_ = 	snop;
	(pc) =	sbr.rel @p1 .LBB1_5-.Ltmp2, $1  }
0x31: {  	_ =	sdelay $0x3  }
0x32: {  	s15 =	simm.s32 $0x1  }
0x33: {  	_ =	swait.ge [sflag:s5], $0x4000;
	s15 =	simm.s32 @!p0 $0x0  }
0x34: {  	[sflag:s5] =	ssyncset.done $0x0;
	s16 =	sshll.u32 s15, $0xE  }
0x35: {  	[sflag:s5] =	ssyncadd.s32 $0xFFFFC000;
	s16 =	sor.u32 $0x40, s16  }
0x36: {  	s15 =	smul.u32 $0x10200, s15;
	v0 =	vld [tilespmem:s16+$0x30]  }
0x37: {  	v1 =	vld [tilespmem:s16+$0xFFFFFFD0]  }
0x38: {  	s15 =	sshrl.u32 s15, $0x2;
	v5 =	vld [tilespmem:s16+$0xFFFFFFE0]  }
0x39: {  	v6 =	vld [tilespmem:s16+$0xFFFFFFF0];
	s18 =	sor.u32 $0x8000, s15  }
0x3a: {  	s31 =	sand.u32 $0x1, s12;
	v4 =	vld [tilespmem:s16+$0x0];
	s17 =	sadd.s32 $0x0, s18  }
0x3b: {  	v3 =	vld [tilespmem:s16+$0x10];
	s15 =	smul.u32 $0x10200, s31;
	[tilespmem:s17+$0x3870 ss:$0x81] =	vst.msk $0xffff, v0  }
0x3c: {  	v2 =	vld [tilespmem:s16+$0x20];
	[tilespmem:s17+$0x810 ss:$0x81] =	vst.msk $0xffff, v1  }
0x3d: {  	s15 =	sshrl.u32 s15, $0x2;
	v0 =	vld [tilespmem:s16+$0xFFFFFFC0];
	[tilespmem:s17+$0x1020 ss:$0x81] =	vst.msk $0xffff, v5;
	s16 =	sadd.s32 $0x80, s16  }
0x3e: {  	s19 =	simm.s32 $0x4;
	s20 =	simm.s32 $0x8;
	s15 =	sor.u32 $0x8000, s15;
	[tilespmem:s17+$0x1830 ss:$0x81] =	vst.msk $0xffff, v6;
	v1 =	vld [tilespmem:s16+$0x30]  }
.LBB1_3:
0x3f: {  	p1 =	sne.s32 s20, $0x1FC;
	v5 =	vld [tilespmem:s16+$0xFFFFFFD0];
	[tilespmem:s17+$0x2040 ss:$0x81] =	vst.msk $0xffff, v4  }
0x40: {  	v6 =	vld [tilespmem:s16+$0xFFFFFFE0];
	[tilespmem:s17+$0x2850 ss:$0x81] =	vst.msk $0xffff, v3  }
0x41: {  	s21 =	sshra.s32 s19, $0x2;
	s19 =	smov.u32 s20;
	v7 =	vld [tilespmem:s16+$0xFFFFFFF0];
	[tilespmem:s17+$0x3060 ss:$0x81] =	vst.msk $0xffff, v2  }
.Ltmp3:
0x42: {  	v4 =	vld [tilespmem:s16+$0x0];
	[tilespmem:s17+$0x0 ss:$0x81] =	vst.msk $0xffff, v0;
	s17 =	sadd.s32 s21, s18;
	(pc) =	sbr.rel @p1 .LBB1_3-.Ltmp3, $4  }
0x43: {  	v3 =	vld [tilespmem:s16+$0x10];
	[tilespmem:s17+$0x3870 ss:$0x81] =	vst.msk $0xffff, v1  }
0x44: {  	[tilespmem:s17+$0x810 ss:$0x81] =	vst.msk $0xffff, v5;
	v2 =	vld [tilespmem:s16+$0x20]  }
0x45: {  	v0 =	vld [tilespmem:s16+$0xFFFFFFC0];
	[tilespmem:s17+$0x1020 ss:$0x81] =	vst.msk $0xffff, v6;
	s16 =	sadd.s32 $0x80, s16  }
0x46: {  	s20 =	sadd.s32 $0x4, s20;
	v1 =	vld [tilespmem:s16+$0x30];
	[tilespmem:s17+$0x1830 ss:$0x81] =	vst.msk $0xffff, v7  }
0x47: {  	s20 =	sshll.u32 s8, $0x7;
	s21 =	sshll.u32 s9, $0x3;
	s19 =	sshra.s32 s19, $0x2  }
0x48: {  	v5 =	vld [tilespmem:s16+$0xFFFFFFD0];
	[tilespmem:s17+$0x2040 ss:$0x81] =	vst.msk $0xffff, v4;
	p1 =	sgt.s32 s8, $0x18620;
	s22 =	sand.u32 $0xFFFFFC00, s20;
	s21 =	sand.u32 $0xFFFFFC00, s21  }
0x49: {  	v58 =	vld [tilespmem:s16+$0xFFFFFFE0];
	s24 =	sshra.s32 s8, $0x1F;
	s20 =	sand.u32 $0x380, s20;
	[tilespmem:s17+$0x2850 ss:$0x81] =	vst.msk $0xffff, v3;
	s21 =	sadd.s32 s21, s22  }
0x4a: {  	v59 =	vld [tilespmem:s16+$0xFFFFFFF0];
	s26 =	ssub.s32 $0x0, s9;
	s18 =	sadd.s32 s19, s18;
	[tilespmem:s17+$0x3060 ss:$0x81] =	vst.msk $0xffff, v2;
	s23 =	sor.u32 s20, s21  }
0x4b: {  	v60 =	vld [tilespmem:s16+$0x0];
	s28 =	smin.u32 s9, s26;
	s20 =	smov.u32 s8;
	[tilespmem:s17+$0x0 ss:$0x81] =	vst.msk $0xffff, v0;
	s19 =	sshrl.u32 s23, $0x7  }
0x4c: {  	v61 =	vld [tilespmem:s16+$0x10];
	s21 =	sand.u32 s24, s8;
	s20 =	simm.s32 @!p1 $0x18620;
	[tilespmem:s18+$0x3870 ss:$0x81] =	vst.msk $0xffff, v1;
	s25 =	smulhi.u32 $0x14F8B59, s19  }
0x4d: {  	v62 =	vld [tilespmem:s16+$0x20];
	s29 =	sshrl.u32 s9, $0x3;
	p2 =	sgt.s32 s28, $0x7F;
	s20 =	ssub.s32 s20, s21;
	[tilespmem:s18+$0x810 ss:$0x81] =	vst.msk $0xffff, v5  }
0x4e: {  	v63 =	vld [tilespmem:s16+$0xFFFFFFC0];
	[tilespmem:s18+$0x1020 ss:$0x81] =	vst.msk $0xffff, v58;
	s21 =	sadd.s32 $0xFFFE79E0, s20;
	s20 =	ssub.s32 $0x186A0, s20;
	s17 =	sshrl.u32 s25, $0x9  }
0x4f: {  	[tilespmem:s18+$0x1830 ss:$0x81] =	vst.msk $0xffff, v59;
	p1 =	sgt.s32 s21, $0x7F;
	s27 =	smul.u32 $0x186A0, s17;
	s17 =	ssub.s32 $0x80, s28  }
.Ltmp4:
0x50: {  	[tilespmem:s18+$0x2040 ss:$0x81] =	vst.msk $0xffff, v60;
	s20 =	simm.s32 @p1 $0x0;
	s17 =	simm.s32 @p2 $0x0;
	(pc) =	sbr.rel .LBB1_5-.Ltmp4, $4  }
0x51: {  	s30 =	sand.u32 $0xF, s29;
	[tilespmem:s18+$0x2850 ss:$0x81] =	vst.msk $0xffff, v61;
	s16 =	ssub.s32 s19, s27;
	s17 =	smul.u32 s17, s20  }
0x52: {  	[tilespmem:s18+$0x3060 ss:$0x81] =	vst.msk $0xffff, v62;
	s19 =	sadd.s32 s4, s30;
	s16 =	sshll.u32 s16, $0x4  }
0x53: {  	s31 =	sand.u32 $0x7, s9;
	[tilespmem:s18+$0x0 ss:$0x81] =	vst.msk $0xffff, v63;
	s17 =	sand.u32 $0x3FFFFFFF, s17;
	s16 =	sadd.s32 s16, s19  }
0x54: {  	[hbm4b:s16+s31] =	stream.linear.scatter [tilespmem:s15], [sflag:$0x2], s17, $0x20;
	[tilespmem:$0x10100] =	vst v63  }
.LBB1_6:
0x55: {  	_ =	sfence.sel $0x180000  }
0x56: {  	s2 =	simm.s32 $0x1;
	[bflag:$0x0] =	sbarrier.arrive $0xFFFF  }
0x57: {  	s31 =	simm.s32 $0x2;
	[sflag:s2] =	ssyncpa.u1 $0x1  }
0x58: {  	[sflag:s31] =	ssyncpa.u1 $0x1  }
0x59: {  	p0 =	sne.s32 s1, $0x0;
	_ =	strace $0x9000004D  }
0x5a: {  	s0 =	sadd.s32 @!p0 $0x100000, s0;
	[bflag:$0x2] =	sbarrier.arrive $0xFFFF  }
0x5b: {  	[sflag:s0] =	ssyncadd.tile.s32 @!p0 $0x1;
	_ =	shalt  }
.Lfunc_end1:
_tile_overlayer_lowered:
.L_overlay_start_2:
0x5c: {  	(tag) =	ssettag $0x2  }
0x5d: {  	s0 =	rddreg [dreg:$0x0];
	s2 =	stileid.u32  }
0x5e: {  	s1 =	rddreg [dreg:$0x1];
	p0 =	sne.s32 s2, $0x0  }
0x5f: {  	s3 =	rddreg [dreg:$0x2];
	[bflag:$0x3] =	sbarrier.arrive $0xFFFF;
	s2 =	simm.s32 @!p0 $0x1C01  }
0x60: {  	[timem:s3], [sflag:s2] =	dma.local @!p0 [hbm:s0], s1  }
0x61: {  	s0 =	simm.s32 @!p0 $0x1  }
0x62: {  	_ =	swait.ge @!p0 [sflag:s0], s1  }
0x63: {  	s1 =	ssub.s32 @!p0 $0x0, s1;
	[sflag:s0] =	ssyncset.done @!p0 $0x0  }
0x64: {  	[sflag:s0] =	ssyncadd.s32 @!p0 s1  }
0x65: {  	[bflag:$0x3] =	sbarrier.arrive $0xFFFF  }
0x66: {  	_ =	shalt  }

// kernel: sparse-core-data-format-call.cloned.1.call-start
scs
called_computation_lowered:
.L_overlay_start_0:
0x0: {  	s1 =	sld [smem:$0x3FD9]  }
0x1: {  	s2 =	sld [smem:$0x3FFE];
	_ =	sdelay $0x1  }
0x2: {  	s3 =	srdreg.scid  }
0x3: {  	s0 =	sand.u32 $0x1, s3  }
0x4: {  	s17 =	sshll.u32 s0, $0xA;
	s1 =	sadd.s32 s2, s1  }
0x5: {  	s1 =	sadd.s32 s1, s17  }
0x6: {  	[smem:$0x3FC4] =	sst s1  }
0x7: {  	_ = 	snop  }
0x8: {  	(tm) =	ssettm $0x1  }
0x9: {  	s18 =	sld [smem:$0x3FFB];
	_ =	sdelay $0x3  }
0xa: {  	_ =	strace s18  }
0xb: {  	s1 =	sld [smem:$0x3FFC];
	_ =	sdelay $0x3  }
0xc: {  	_ =	strace s1  }
0xd: {  	s1 =	sld [smem:$0x3FFD];
	_ =	sdelay $0x3  }
0xe: {  	_ =	strace s1  }
0xf: {  	_ =	strace $0x8FFFFFFF  }
0x10: {  	s19 =	sld [smem:$0x3FDB];
	_ =	sdelay $0x1  }
0x11: {  	s20 =	simm.s32 $_scs_section_size  }
0x12: {  	s4 =	simm.s32 $_size__tile_overlayer_lowered;
	s5 =	simm.s32 $_tile_overlayer_lowered  }
0x13: {  	s23 =	simm.s32 $0x1BFF;
	s22 =	sshll.u32 s5, $0x1;
	s1 =	sadd.s32 s20, s19  }
0x14: {  	s6 =	simm.s32 $0x0;
	s21 =	sshll.u32 s4, $0x1;
	s4 =	sadd.s32 s22, s1  }
0x15: {  	[timem:s6], [sflag:s23] =	dma.local [hbm:s4], s21  }
0x16: {  	_ =	swait.ge [sflag:s23], s21  }
0x17: {  	s2 =	ssub.s32 $0x0, s21;
	[sflag:s23] =	ssyncset.done $0x0  }
0x18: {  	[sflag:s23] =	ssyncadd.s32 s2;
	_ =	sdelay $0x1  }
0x19: {  	s24 =	simm.s32 $0x1B8B  }
0x1a: {  	_ =	swait.ge [sflag:s24], $0x1  }
0x1b: {  	[sflag:s24] =	ssyncset.done $0x0  }
0x1c: {  	s26 =	simm.s32 $0x1B8E;
	s25 =	sld [smem:$0x3FFE];
	[sflag:s24] =	ssyncadd.s32 $0xFFFFFFFF  }
0x1d: {  	s27 =	simm.s32 $execute0_lowered;
	[smem:$0x3FD2] =	sst s26  }
0x1e: {  	s4 =	sshll.u32 s27, $0x1;
	_ =	strace $0x80000046;
	[dreg:$0x1] =	wrdreg $0xFFFFFFFF  }
0x1f: {  	s28 =	simm.s32 $_size_execute0_lowered;
	s1 =	sadd.s32 s1, s4;
	[dreg:$0x0] =	wrdreg $0x0  }
0x20: {  	s4 =	sshll.u32 s28, $0x1;
	[dreg:$0x2] =	wrdreg s1  }
0x21: {  	[dreg:$0x3] =	wrdreg s4  }
0x22: {  	[dreg:$0x4] =	wrdreg $0xC0  }
0x23: {  	_ =	task [dreg:s6], $0x5FFFF  }
0x24: {  	[dreg:$0x1] =	wrdreg $0xFFFFFFFF  }
0x25: {  	[dreg:$0x0] =	wrdreg $0x60  }
0x26: {  	[dreg:$0x2] =	wrdreg s25  }
0x27: {  	[dreg:$0x3] =	wrdreg $0x9  }
0x28: {  	_ =	task.clear_ibuf [dreg:s6], $0x4FFFF;
	_ =	strace $0x90000046  }
0x29: {  	s29 =	simm.s32 $0x9;
	_ =	strace $0x80000048  }
0x2a: {  	_ =	swait.ge [sflag:s29], $0x1  }
0x2b: {  	[sflag:s29] =	ssyncadd.s32 $0xFFFFFFFF  }
0x2c: {  	_ =	strace $0x90000048  }
0x2d: {  	_ =	sfence  }
0x2e: {  	s30 =	sld [smem:$0x0];
	_ =	sdelay $0x2  }
0x2f: {  	s31 =	sshll.u32 s3, $0xD;
	s3 =	sshrl.u32 s3, $0x2  }
0x30: {  	s2 =	sand.u32 $0x4000, s31;
	s1 =	sadd.s32 s3, s30  }
0x31: {  	s0 =	sor.u32 s2, s0;
	s1 =	sshll.u32 s1, $0x11  }
0x32: {  	s0 =	sor.u32 s1, s0  }
0x33: {  	s0 =	sadd.s32 $0x8F2B, s0  }
0x34: {  	[sflag:s0] =	ssyncadd.remote.s32 $0x1  }
0x35: {  	_ =	sfence.sel $0xFFFF  }
0x36: {  	[dreg:$0x0] =	wrdreg $0xFFFFFFFF;
	(pc) =	sbr.abs _section_cstart, $3  }
0x37: {  	[dreg:$0x1] =	wrdreg $0xFFFFFFFF  }
0x38: {  	_ =	task.clear_ibuf [dreg:s6], $0x2FFFF;
	_ =	strace $0x9FFFFFFF  }
0x39: {  	(tm) =	ssettm $0x7FFFFFFF  }
tec
execute0_lowered:
.L_overlay_start_1:
0x0: {  	(tag) =	ssettag $0x1  }
0x1: {  	s0 =	srdreg.scid  }
0x2: {  	s4 =	rddreg [dreg:$0x0];
	s1 =	stileid.u32  }
0x3: {  	s5 =	simm.s32 $0x1;
	s7 =	simm.s32 $0x2;
	s14 =	simm.s32 $0x0  }
0x4: {  	p0 =	por $0x0, $0x0;
	s13 =	simm.s32 $0x0;
	s0 =	sshll.u32 s0, $0x4  }
0x5: {  	s8 =	simm.s32 $0x0;
	s9 =	simm.s32 $0x0;
	s2 =	sand.u32 $0x10, s0  }
.Ltmp0:
0x6: {  	s11 =	simm.s32 $0x0;
	s3 =	sor.u32 s1, s2;
	(pc) =	sbr.rel .LBB1_1-.Ltmp0, $4  }
0x7: {  	s12 =	simm.s32 $0x0;
	s0 =	rddreg [dreg:$0x1];
	s3 =	sshll.u32 s3, $0x7  }
0x8: {  	_ =	strace $0x80000047;
	s2 =	sadd.s32 $0x1A00, s4;
	s6 =	ssub.s32 $0x18680, s3  }
0x9: {  	s4 =	sadd.s32 $0x496A00, s4;
	[sflag:s5] =	ssyncpa.u1 $0x0;
	s6 =	sshrl.u32 s6, $0xC  }
0xa: {  	[sflag:s7] =	ssyncpa.u1 $0x0;
	s10 =	smov.u32 s3;
	s7 =	sadd.s32 $0x2, s6  }
.LBB1_5:
0xb: {  	p1 =	slt.u32 s12, $0x2  }
0xc: {  	p2 =	sgt.s32 @!p1 s14, $0x18620  }
0xd: {  	s15 =	smov.u32 s14;
	s16 =	sshra.s32 @!p1 s14, $0x1F;
	p2 =	por !p2, p1  }
0xe: {  	s14 =	sand.u32 @!p1 s16, s14;
	s15 =	simm.s32 @p2 $0x18620  }
0xf: {  	s14 =	ssub.s32 @!p1 s15, s14;
	s15 =	ssub.s32 @!p1 $0x0, s13  }
0x10: {  	s17 =	smov.u32 s11;
	s16 =	sadd.s32 @!p1 $0xFFFE79E0, s14;
	s13 =	smin.u32 @!p1 s13, s15  }
0x11: {  	s14 =	ssub.s32 @!p1 $0x186A0, s14;
	p2 =	sgt.s32 @!p1 s16, $0x7F;
	p3 =	sgt.s32 @!p1 s13, $0x7F  }
0x12: {  	s13 =	ssub.s32 @!p1 $0x80, s13;
	p2 =	por !p2, p1;
	p3 =	por !p3, p1  }
0x13: {  	s15 =	sadd.s32 $0x1000, s10;
	s14 =	simm.s32 @!p2 $0x0;
	s13 =	simm.s32 @!p3 $0x0  }
0x14: {  	p2 =	sgt.s32 s15, $0x1869B;
	s13 =	smul.u32 @!p1 s13, s14;
	s14 =	sadd.s32 $0x80, s11  }
0x15: {  	s17 =	smov.u32 @p2 s14  }
0x16: {  	s15 =	smov.u32 @p2 s3;
	p2 =	sgt.s32 s17, $0x7F  }
0x17: {  	s17 =	simm.s32 @p2 $0x0;
	p2 =	sne.s32 s12, s7  }
.Ltmp1:
0x18: {  	p0 =	por !p0, !p0;
	s16 =	simm.s32 @!p1 $0x2;
	(pc) =	sbr.rel @!p2 .LBB1_6-.Ltmp1, $4  }
0x19: {  	s14 =	smov.u32 s8;
	s8 =	smov.u32 s10;
	s13 =	sand.u32 @!p1 $0x3FFFFFFF, s13  }
0x1a: {  	s10 =	smov.u32 s15;
	_ =	swait.ge @!p1 [sflag:s16], s13;
	s18 =	ssub.s32 @!p1 $0x0, s13  }
0x1b: {  	s13 =	smov.u32 s9;
	s12 =	sadd.s32 $0x1, s12;
	[sflag:s16] =	ssyncset.done @!p1 $0x0  }
0x1c: {  	s9 =	smov.u32 s11;
	s11 =	smov.u32 s17;
	[sflag:s16] =	ssyncadd.s32 @!p1 s18  }
.LBB1_1:
0x1d: {  	p1 =	sgt.u32 s12, s6  }
0x1e: {  	s15 =	sshrl.u32 @!p1 s11, $0x3  }
0x1f: {  	s16 =	sshll.u32 @!p1 s10, $0x3;
	s15 =	smul.u32 @!p1 $0xC3800, s15  }
0x20: {  	s17 =	sshll.u32 @!p1 s11, $0x7;
	s16 =	sand.u32 @!p1 $0xFFFFFC00, s16  }
0x21: {  	s15 =	sadd.s32 @!p1 s15, s16;
	s16 =	sand.u32 @!p1 $0x380, s17  }
0x22: {  	s17 =	sand.u32 @!p1 $0x7F, s10;
	s15 =	sor.u32 @!p1 s16, s15  }
0x23: {  	s16 =	sor.u32 @!p1 s17, s15  }
0x24: {  	s17 =	smulhi.u32 @!p1 $0xA79C7B17, s16;
	_ =	sdelay $0x1  }
0x25: {  	s15 =	smulhi.u32 @!p1 $0xA79C7B17, s15;
	s17 =	sshrl.u32 @!p1 s17, $0x10  }
0x26: {  	s17 =	smul.u32 @!p1 $0x18700, s17  }
0x27: {  	s18 =	sxor.u32 @!p1 $0xFFFFFFFF, s12;
	s15 =	sshrl.u32 @!p1 s15, $0x10  }
0x28: {  	s18 =	sshll.u32 @!p1 s18, $0xE;
	s15 =	sand.u32 @!p1 $0x7F, s15;
	s16 =	ssub.s32 @!p1 s16, s17  }
0x29: {  	s15 =	smul.u32 @!p1 $0x30E0, s15;
	s17 =	sshrl.u32 @!p1 s16, $0x3;
	s16 =	sand.u32 @!p1 $0x7, s16  }
0x2a: {  	s18 =	sand.u32 @!p1 $0x4000, s18;
	s17 =	sadd.s32 @!p1 s2, s17;
	s16 =	sshll.u32 @!p1 s16, $0x12  }
0x2b: {  	s15 =	sadd.s32 @!p1 s15, s17;
	s16 =	sor.u32 @!p1 $0x400, s16;
	s17 =	simm.s32 @!p1 $0xC3800  }
0x2c: {  	[tilespmem:s18], [sflag:$0x1] =	stream.strided.gather @!p1 [hbm4b:s15+s16], $0x4000, s17, s16, $0x38;
	[tilespmem:$0x10100] =	vst v63  }
0x2d: {  	p1 =	seq.s32 s12, $0x0  }
0x2e: {  	p2 =	sge.u32 @!p1 s12, s7  }
0x2f: {  	p1 =	por p1, p2  }
.Ltmp2:
0x30: {  	_ = 	snop;
	(pc) =	sbr.rel @p1 .LBB1_5-.Ltmp2, $1  }
0x31: {  	_ =	sdelay $0x3  }
0x32: {  	s15 =	simm.s32 $0x1  }
0x33: {  	_ =	swait.ge [sflag:s5], $0x4000;
	s15 =	simm.s32 @!p0 $0x0  }
0x34: {  	[sflag:s5] =	ssyncset.done $0x0;
	s16 =	sshll.u32 s15, $0xE  }
0x35: {  	[sflag:s5] =	ssyncadd.s32 $0xFFFFC000;
	s16 =	sor.u32 $0x40, s16  }
0x36: {  	s15 =	smul.u32 $0x10200, s15;
	v0 =	vld [tilespmem:s16+$0x30]  }
0x37: {  	v1 =	vld [tilespmem:s16+$0xFFFFFFD0]  }
0x38: {  	s15 =	sshrl.u32 s15, $0x2;
	v5 =	vld [tilespmem:s16+$0xFFFFFFE0]  }
0x39: {  	v6 =	vld [tilespmem:s16+$0xFFFFFFF0];
	s18 =	sor.u32 $0x8000, s15  }
0x3a: {  	s31 =	sand.u32 $0x1, s12;
	v4 =	vld [tilespmem:s16+$0x0];
	s17 =	sadd.s32 $0x0, s18  }
0x3b: {  	v3 =	vld [tilespmem:s16+$0x10];
	s15 =	smul.u32 $0x10200, s31;
	[tilespmem:s17+$0x3870 ss:$0x81] =	vst.msk $0xffff, v0  }
0x3c: {  	v2 =	vld [tilespmem:s16+$0x20];
	[tilespmem:s17+$0x810 ss:$0x81] =	vst.msk $0xffff, v1  }
0x3d: {  	s15 =	sshrl.u32 s15, $0x2;
	v0 =	vld [tilespmem:s16+$0xFFFFFFC0];
	[tilespmem:s17+$0x1020 ss:$0x81] =	vst.msk $0xffff, v5;
	s16 =	sadd.s32 $0x80, s16  }
0x3e: {  	s19 =	simm.s32 $0x4;
	s20 =	simm.s32 $0x8;
	s15 =	sor.u32 $0x8000, s15;
	[tilespmem:s17+$0x1830 ss:$0x81] =	vst.msk $0xffff, v6;
	v1 =	vld [tilespmem:s16+$0x30]  }
.LBB1_3:
0x3f: {  	p1 =	sne.s32 s20, $0x1FC;
	v5 =	vld [tilespmem:s16+$0xFFFFFFD0];
	[tilespmem:s17+$0x2040 ss:$0x81] =	vst.msk $0xffff, v4  }
0x40: {  	v6 =	vld [tilespmem:s16+$0xFFFFFFE0];
	[tilespmem:s17+$0x2850 ss:$0x81] =	vst.msk $0xffff, v3  }
0x41: {  	s21 =	sshra.s32 s19, $0x2;
	s19 =	smov.u32 s20;
	v7 =	vld [tilespmem:s16+$0xFFFFFFF0];
	[tilespmem:s17+$0x3060 ss:$0x81] =	vst.msk $0xffff, v2  }
.Ltmp3:
0x42: {  	v4 =	vld [tilespmem:s16+$0x0];
	[tilespmem:s17+$0x0 ss:$0x81] =	vst.msk $0xffff, v0;
	s17 =	sadd.s32 s21, s18;
	(pc) =	sbr.rel @p1 .LBB1_3-.Ltmp3, $4  }
0x43: {  	v3 =	vld [tilespmem:s16+$0x10];
	[tilespmem:s17+$0x3870 ss:$0x81] =	vst.msk $0xffff, v1  }
0x44: {  	[tilespmem:s17+$0x810 ss:$0x81] =	vst.msk $0xffff, v5;
	v2 =	vld [tilespmem:s16+$0x20]  }
0x45: {  	v0 =	vld [tilespmem:s16+$0xFFFFFFC0];
	[tilespmem:s17+$0x1020 ss:$0x81] =	vst.msk $0xffff, v6;
	s16 =	sadd.s32 $0x80, s16  }
0x46: {  	s20 =	sadd.s32 $0x4, s20;
	v1 =	vld [tilespmem:s16+$0x30];
	[tilespmem:s17+$0x1830 ss:$0x81] =	vst.msk $0xffff, v7  }
0x47: {  	s20 =	sshll.u32 s8, $0x7;
	s21 =	sshll.u32 s9, $0x3;
	s19 =	sshra.s32 s19, $0x2  }
0x48: {  	v5 =	vld [tilespmem:s16+$0xFFFFFFD0];
	[tilespmem:s17+$0x2040 ss:$0x81] =	vst.msk $0xffff, v4;
	p1 =	sgt.s32 s8, $0x18620;
	s22 =	sand.u32 $0xFFFFFC00, s20;
	s21 =	sand.u32 $0xFFFFFC00, s21  }
0x49: {  	v58 =	vld [tilespmem:s16+$0xFFFFFFE0];
	s24 =	sshra.s32 s8, $0x1F;
	s20 =	sand.u32 $0x380, s20;
	[tilespmem:s17+$0x2850 ss:$0x81] =	vst.msk $0xffff, v3;
	s21 =	sadd.s32 s21, s22  }
0x4a: {  	v59 =	vld [tilespmem:s16+$0xFFFFFFF0];
	s26 =	ssub.s32 $0x0, s9;
	s18 =	sadd.s32 s19, s18;
	[tilespmem:s17+$0x3060 ss:$0x81] =	vst.msk $0xffff, v2;
	s23 =	sor.u32 s20, s21  }
0x4b: {  	v60 =	vld [tilespmem:s16+$0x0];
	s28 =	smin.u32 s9, s26;
	s20 =	smov.u32 s8;
	[tilespmem:s17+$0x0 ss:$0x81] =	vst.msk $0xffff, v0;
	s19 =	sshrl.u32 s23, $0x7  }
0x4c: {  	v61 =	vld [tilespmem:s16+$0x10];
	s21 =	sand.u32 s24, s8;
	s20 =	simm.s32 @!p1 $0x18620;
	[tilespmem:s18+$0x3870 ss:$0x81] =	vst.msk $0xffff, v1;
	s25 =	smulhi.u32 $0x14F8B59, s19  }
0x4d: {  	v62 =	vld [tilespmem:s16+$0x20];
	s29 =	sshrl.u32 s9, $0x3;
	p2 =	sgt.s32 s28, $0x7F;
	s20 =	ssub.s32 s20, s21;
	[tilespmem:s18+$0x810 ss:$0x81] =	vst.msk $0xffff, v5  }
0x4e: {  	v63 =	vld [tilespmem:s16+$0xFFFFFFC0];
	[tilespmem:s18+$0x1020 ss:$0x81] =	vst.msk $0xffff, v58;
	s21 =	sadd.s32 $0xFFFE79E0, s20;
	s20 =	ssub.s32 $0x186A0, s20;
	s17 =	sshrl.u32 s25, $0x9  }
0x4f: {  	[tilespmem:s18+$0x1830 ss:$0x81] =	vst.msk $0xffff, v59;
	p1 =	sgt.s32 s21, $0x7F;
	s27 =	smul.u32 $0x186A0, s17;
	s17 =	ssub.s32 $0x80, s28  }
.Ltmp4:
0x50: {  	[tilespmem:s18+$0x2040 ss:$0x81] =	vst.msk $0xffff, v60;
	s20 =	simm.s32 @p1 $0x0;
	s17 =	simm.s32 @p2 $0x0;
	(pc) =	sbr.rel .LBB1_5-.Ltmp4, $4  }
0x51: {  	s30 =	sand.u32 $0xF, s29;
	[tilespmem:s18+$0x2850 ss:$0x81] =	vst.msk $0xffff, v61;
	s16 =	ssub.s32 s19, s27;
	s17 =	smul.u32 s17, s20  }
0x52: {  	[tilespmem:s18+$0x3060 ss:$0x81] =	vst.msk $0xffff, v62;
	s19 =	sadd.s32 s4, s30;
	s16 =	sshll.u32 s16, $0x4  }
0x53: {  	s31 =	sand.u32 $0x7, s9;
	[tilespmem:s18+$0x0 ss:$0x81] =	vst.msk $0xffff, v63;
	s17 =	sand.u32 $0x3FFFFFFF, s17;
	s16 =	sadd.s32 s16, s19  }
0x54: {  	[hbm4b:s16+s31] =	stream.linear.scatter [tilespmem:s15], [sflag:$0x2], s17, $0x20;
	[tilespmem:$0x10100] =	vst v63  }
.LBB1_6:
0x55: {  	_ =	sfence.sel $0x180000  }
0x56: {  	s2 =	simm.s32 $0x1;
	[bflag:$0x0] =	sbarrier.arrive $0xFFFF  }
0x57: {  	s31 =	simm.s32 $0x2;
	[sflag:s2] =	ssyncpa.u1 $0x1  }
0x58: {  	[sflag:s31] =	ssyncpa.u1 $0x1  }
0x59: {  	p0 =	sne.s32 s1, $0x0;
	_ =	strace $0x90000047  }
0x5a: {  	s0 =	sadd.s32 @!p0 $0x100000, s0;
	[bflag:$0x2] =	sbarrier.arrive $0xFFFF  }
0x5b: {  	[sflag:s0] =	ssyncadd.tile.s32 @!p0 $0x1;
	_ =	shalt  }
.Lfunc_end1:
_tile_overlayer_lowered:
.L_overlay_start_2:
0x5c: {  	(tag) =	ssettag $0x2  }
0x5d: {  	s0 =	rddreg [dreg:$0x0];
	s2 =	stileid.u32  }
0x5e: {  	s1 =	rddreg [dreg:$0x1];
	p0 =	sne.s32 s2, $0x0  }
0x5f: {  	s3 =	rddreg [dreg:$0x2];
	[bflag:$0x3] =	sbarrier.arrive $0xFFFF;
	s2 =	simm.s32 @!p0 $0x1C01  }
0x60: {  	[timem:s3], [sflag:s2] =	dma.local @!p0 [hbm:s0], s1  }
0x61: {  	s0 =	simm.s32 @!p0 $0x1  }
0x62: {  	_ =	swait.ge @!p0 [sflag:s0], s1  }
0x63: {  	s1 =	ssub.s32 @!p0 $0x0, s1;
	[sflag:s0] =	ssyncset.done @!p0 $0x0  }
0x64: {  	[sflag:s0] =	ssyncadd.s32 @!p0 s1  }
0x65: {  	[bflag:$0x3] =	sbarrier.arrive $0xFFFF  }
0x66: {  	_ =	shalt  }

</sc_bundles>
